<compile_context>
chip_gen: v7x
topology: tpu7x:2x2x1
jax: 0.10.2.dev20260603
libtpu: 0.0.44.dev20260713+nightly
codegen_flags: <defaults>
</compile_context>

<pallas_src>
import functools

import jax
import jax.numpy as jnp
from jax import lax
from jax.experimental import pallas as pl
from jax.experimental.pallas import tpu as pltpu
from jax.experimental.pallas import tpu_sc as plsc

D = 128
EPS = 1e-5
NC = 2
NS = 16
NW = NC * NS
CH = 128
NCH = 80
RB = 2
SK = 8
NST = NCH // SK
TOTCH = NW * NCH
N_PAD = 10112
ROWS_PER_TILE = N_PAD // NS
ZBLOCKS = [(0, 128), (128, 128), (256, 128), (384, 128), (512, 120)]


def _sc_mesh():
    return plsc.VectorSubcoreMesh(core_axis_name="c", subcore_axis_name="s")


DW = 128

@functools.partial(
    pl.kernel,
    out_type=jax.ShapeDtypeStruct((NC, N_PAD, DW), jnp.float32),
    mesh=_sc_mesh(),
    scratch_types=[
        pltpu.VMEM((NCH, CH), jnp.int32),
        pltpu.VMEM((CH, DW), jnp.float32),
        pltpu.VMEM((CH, DW), jnp.float32),
        pltpu.SemaphoreType.DMA,
        pltpu.VMEM_SHARED((N_PAD, DW), jnp.float32),
    ],
)
def _deg_kernel(dst_hbm, out_hbm, didx2, ones_v, stage, sem, acc):
    c = lax.axis_index("c")
    s = lax.axis_index("s")
    wid = c * NS + s
    pltpu.sync_copy(dst_hbm.at[wid], didx2)

    def _fill(i, _):
        for j in range(DW // 16):
            ones_v[i, pl.ds(j * 16, 16)] = jnp.ones((16,), jnp.float32)
            stage[i, pl.ds(j * 16, 16)] = jnp.zeros((16,), jnp.float32)
        return 0

    lax.fori_loop(0, CH, _fill, 0)
    r0 = s * ROWS_PER_TILE
    for off, sz in ZBLOCKS:
        pltpu.sync_copy(stage.at[pl.ds(0, sz)], acc.at[pl.ds(r0 + off, sz)])
    plsc.subcore_barrier()

    for j in range(RB):
        pltpu.async_copy(ones_v, acc.at[didx2.at[j]], sem, add=True)

    def _body(j, _):
        d = pltpu.async_copy(ones_v, acc.at[didx2.at[j]], sem, add=True)
        d.wait()
        return 0

    lax.fori_loop(RB, NCH, _body, 0)
    for j in range(RB):
        pltpu.make_async_copy(ones_v, acc.at[didx2.at[j]], sem).wait()
    plsc.subcore_barrier()
    for off, sz in ZBLOCKS:
        pltpu.sync_copy(acc.at[pl.ds(r0 + off, sz)], stage.at[pl.ds(0, sz)])
        pltpu.sync_copy(stage.at[pl.ds(0, sz)],
                        out_hbm.at[c, pl.ds(r0 + off, sz)])


@functools.partial(
    pl.kernel,
    out_type=jax.ShapeDtypeStruct((NC, N_PAD, D), jnp.float32),
    mesh=_sc_mesh(),
    scratch_types=[
        pltpu.VMEM((2, SK, CH), jnp.int32),
        pltpu.VMEM((2, SK, CH), jnp.int32),
        pltpu.VMEM((RB, CH, D), jnp.float32),
        pltpu.SemaphoreType.DMA,
        pltpu.SemaphoreType.DMA,
        pltpu.SemaphoreType.DMA,
        pltpu.VMEM_SHARED((N_PAD, D), jnp.float32),
    ],
)
def _agg_kernel(table_hbm, src_hbm, dst_hbm, out_hbm, sidx, didx, ring,
                gsem, ssem, isem, acc):
    c = lax.axis_index("c")
    s = lax.axis_index("s")
    wid = c * NS + s
    base = wid * NCH

    pltpu.sync_copy(src_hbm.at[pl.ds(base, SK)], sidx.at[0])
    pltpu.sync_copy(dst_hbm.at[pl.ds(base, SK)], didx.at[0])
    pltpu.async_copy(src_hbm.at[pl.ds(base + SK, SK)], sidx.at[1], isem)
    pltpu.async_copy(dst_hbm.at[pl.ds(base + SK, SK)], didx.at[1], isem)

    zslot = ring.at[0]

    def _zero(i, _):
        for j in range(D // 16):
            zslot[i, pl.ds(j * 16, 16)] = jnp.zeros((16,), jnp.float32)
        return 0

    lax.fori_loop(0, CH, _zero, 0)
    r0 = s * ROWS_PER_TILE
    for off, sz in ZBLOCKS:
        pltpu.sync_copy(ring.at[0, pl.ds(0, sz)],
                        acc.at[pl.ds(r0 + off, sz)])
    plsc.subcore_barrier()

    for b in range(RB):
        pltpu.async_copy(table_hbm.at[sidx.at[0, b]], ring.at[b], gsem)

    def _stage(t, _):
        st = t % 2
        nx = 1 - st
        for b in range(SK):
            pltpu.make_async_copy(
                table_hbm.at[sidx.at[st, b]], ring.at[b % RB], gsem).wait()
            pltpu.async_copy(ring.at[b % RB], acc.at[didx.at[st, b]], ssem,
                             add=True).wait()
            if b + RB < SK:
                pltpu.async_copy(table_hbm.at[sidx.at[st, b + RB]],
                                 ring.at[b % RB], gsem)
            else:
                if b == SK - RB:
                    @pl.when(t + 1 < NST)
                    def _():
                        pltpu.make_async_copy(
                            src_hbm.at[pl.ds(base, SK)], sidx.at[nx],
                            isem).wait()
                        pltpu.make_async_copy(
                            dst_hbm.at[pl.ds(base, SK)], didx.at[nx],
                            isem).wait()
                if b == SK - 1:
                    @pl.when(t + 2 < NST)
                    def _():
                        off = base + (t + 2) * SK
                        pltpu.async_copy(src_hbm.at[pl.ds(off, SK)],
                                         sidx.at[st], isem)
                        pltpu.async_copy(dst_hbm.at[pl.ds(off, SK)],
                                         didx.at[st], isem)

                @pl.when(t + 1 < NST)
                def _():
                    pltpu.async_copy(table_hbm.at[sidx.at[nx, b + RB - SK]],
                                     ring.at[b % RB], gsem)
        return 0

    lax.fori_loop(0, NST, _stage, 0)
    plsc.subcore_barrier()
    for off, sz in ZBLOCKS:
        pltpu.sync_copy(acc.at[pl.ds(r0 + off, sz)],
                        ring.at[0, pl.ds(0, sz)])
        pltpu.sync_copy(ring.at[0, pl.ds(0, sz)],
                        out_hbm.at[c, pl.ds(r0 + off, sz)])


def _k1_body(x_ref, w_ref, b_ref, h_ref, st_ref):
    i = pl.program_id(0)
    h = jnp.maximum(
        jnp.dot(x_ref[...], w_ref[...], preferred_element_type=jnp.float32)
        + b_ref[...], 0.0)
    h_ref[...] = h
    s1 = jnp.sum(h, axis=0, keepdims=True)
    s2 = jnp.sum(h * h, axis=0, keepdims=True)
    blk = jnp.concatenate([s1, s2, jnp.zeros((6, D), jnp.float32)], axis=0)

    @pl.when(i == 0)
    def _():
        st_ref[...] = blk

    @pl.when(i != 0)
    def _():
        st_ref[...] += blk


def _dinv(d0_ref, d1_ref):
    return lax.rsqrt(d0_ref[0, :, 0:1] + d1_ref[0, :, 0:1] + 1.0)


def _bn(h, st_ref, g_ref, bt_ref, n):
    mean = st_ref[0:1, :] / n
    var = st_ref[1:2, :] / n - mean * mean
    rstd = lax.rsqrt(var + EPS)
    return (h - mean) * (rstd * g_ref[...]) + bt_ref[...]


def _k2_body(h_ref, st_ref, d0_ref, d1_ref, g_ref, bt_ref, w_ref, o_ref, *, n):
    hn = _bn(h_ref[...], st_ref, g_ref, bt_ref, n)
    hw = jnp.dot(hn, w_ref[...], preferred_element_type=jnp.float32)
    o_ref[...] = hw * _dinv(d0_ref, d1_ref)


def _k3_body(q0_ref, q1_ref, hws_ref, d0_ref, d1_ref, bc_ref, h_ref, st_ref):
    i = pl.program_id(0)
    agg = (q0_ref[0] + q1_ref[0] + hws_ref[...]) * _dinv(d0_ref, d1_ref) \
        + bc_ref[...]
    h = jnp.maximum(agg, 0.0)
    h_ref[...] = h
    s1 = jnp.sum(h, axis=0, keepdims=True)
    s2 = jnp.sum(h * h, axis=0, keepdims=True)
    blk = jnp.concatenate([s1, s2, jnp.zeros((6, D), jnp.float32)], axis=0)

    @pl.when(i == 0)
    def _():
        st_ref[...] = blk

    @pl.when(i != 0)
    def _():
        st_ref[...] += blk


def _k5_body(q0_ref, q1_ref, hws_ref, d0_ref, d1_ref, bc_ref, w_ref, b_ref,
             o_ref):
    agg = (q0_ref[0] + q1_ref[0] + hws_ref[...]) * _dinv(d0_ref, d1_ref) \
        + bc_ref[...]
    h = jnp.maximum(agg, 0.0)
    o_ref[...] = (
        jnp.dot(h, w_ref[...], preferred_element_type=jnp.float32)
        + b_ref[...])


def kernel(x, edge_index, W_in, b_in, gammas, betas, Wc, bc, W_out, b_out):
    n, d_in = x.shape
    e = edge_index.shape[1]
    d_out = W_out.shape[1]
    src = edge_index[0].astype(jnp.int32)
    dst = edge_index[1].astype(jnp.int32)
    pad = TOTCH * CH - e
    src_p = jnp.concatenate(
        [src, jnp.zeros((pad,), jnp.int32)]).reshape(TOTCH, CH)
    dst_p = jnp.concatenate(
        [dst, jnp.full((pad,), N_PAD - 1, jnp.int32)]).reshape(TOTCH, CH)
    dst_p3 = dst_p.reshape(NW, NCH, CH)

    R = 1000
    G = n // R
    fnn = float(n)

    row_spec = pl.BlockSpec((R, D), lambda i: (i, 0))

    def cspec(shape):
        return pl.BlockSpec(shape, lambda i, _s=len(shape): (0,) * _s)

    deg0_spec = pl.BlockSpec((1, R, DW), lambda i: (0, i, 0))
    deg1_spec = pl.BlockSpec((1, R, DW), lambda i: (1, i, 0))
    q0_spec = pl.BlockSpec((1, R, D), lambda i: (0, i, 0))
    q1_spec = pl.BlockSpec((1, R, D), lambda i: (1, i, 0))

    h0, st0 = pl.pallas_call(
        _k1_body,
        grid=(G,),
        in_specs=[pl.BlockSpec((R, d_in), lambda i: (i, 0)),
                  cspec((d_in, D)), cspec((1, D))],
        out_specs=[row_spec, cspec((8, D))],
        out_shape=[jax.ShapeDtypeStruct((n, D), jnp.float32),
                   jax.ShapeDtypeStruct((8, D), jnp.float32)],
    )(x, W_in, b_in[None, :])

    degp = _deg_kernel(dst_p3)

    def apply_bn(h, st, gamma, beta, W):
        return pl.pallas_call(
            functools.partial(_k2_body, n=fnn),
            grid=(G,),
            in_specs=[row_spec, cspec((8, D)), deg0_spec, deg1_spec,
                      cspec((1, D)), cspec((1, D)), cspec((D, D))],
            out_specs=row_spec,
            out_shape=jax.ShapeDtypeStruct((n, D), jnp.float32),
        )(h, st, degp, degp, gamma[None, :], beta[None, :], W)

    hws0 = apply_bn(h0, st0, gammas[0], betas[0], Wc[0])
    q = _agg_kernel(hws0, src_p, dst_p)
    h1, st1 = pl.pallas_call(
        _k3_body,
        grid=(G,),
        in_specs=[q0_spec, q1_spec, row_spec, deg0_spec, deg1_spec,
                  cspec((1, D))],
        out_specs=[row_spec, cspec((8, D))],
        out_shape=[jax.ShapeDtypeStruct((n, D), jnp.float32),
                   jax.ShapeDtypeStruct((8, D), jnp.float32)],
    )(q, q, hws0, degp, degp, bc[0][None, :])

    hws1 = apply_bn(h1, st1, gammas[1], betas[1], Wc[1])
    q2 = _agg_kernel(hws1, src_p, dst_p)
    out = pl.pallas_call(
        _k5_body,
        grid=(G,),
        in_specs=[q0_spec, q1_spec, row_spec, deg0_spec, deg1_spec,
                  cspec((1, D)), cspec((D, d_out)), cspec((1, d_out))],
        out_specs=pl.BlockSpec((R, d_out), lambda i: (i, 0)),
        out_shape=jax.ShapeDtypeStruct((n, d_out), jnp.float32),
    )(q2, q2, hws1, degp, degp, bc[1][None, :], W_out, b_out[None, :])
    return out

# --- scband reference (transcript-rebuilt; emitter-appended) ---
"""Pipeline reference for scband-gcn-54245436948615 (READ-ONLY COPY).

The authoritative reference and input builder live on the scoring server;
editing this copy changes nothing except your own understanding.
"""

import jax, jax.numpy as jnp
import numpy as np

N = 10000
E = 320000
D_IN = 128
D_H = 128
D_OUT = 128
NUM_LAYERS = 2
EPS = 1e-5


def setup_inputs(seed: int = 0) -> dict:
    key = jax.random.key(seed)
    ks = jax.random.split(key, 8)
    x = jax.random.normal(ks[0], (N, D_IN), dtype=jnp.float32)
    edge_index = jax.random.randint(ks[1], (2, E), 0, N, dtype=jnp.int64)
    W_in = jax.random.normal(ks[2], (D_IN, D_H), dtype=jnp.float32) * 0.05
    b_in = jnp.zeros((D_H,), dtype=jnp.float32)
    gammas = jnp.ones((NUM_LAYERS, D_H), dtype=jnp.float32)
    betas = jnp.zeros((NUM_LAYERS, D_H), dtype=jnp.float32)
    Wc = jax.random.normal(ks[3], (NUM_LAYERS, D_H, D_H), dtype=jnp.float32) * 0.05
    bc = jnp.zeros((NUM_LAYERS, D_H), dtype=jnp.float32)
    W_out = jax.random.normal(ks[4], (D_H, D_OUT), dtype=jnp.float32) * 0.05
    b_out = jnp.zeros((D_OUT,), dtype=jnp.float32)
    return {"x": x, "edge_index": edge_index, "W_in": W_in, "b_in": b_in,
            "gammas": gammas, "betas": betas, "Wc": Wc, "bc": bc,
            "W_out": W_out, "b_out": b_out}


def reference(x, edge_index, W_in, b_in, gammas, betas, Wc, bc, W_out, b_out):
    num_nodes = x.shape[0]
    # linear_in + relu
    h = jax.nn.relu(x @ W_in + b_in)
    # GCN normalization with self-loops (computed once; same graph each layer)
    loops = jnp.arange(num_nodes, dtype=edge_index.dtype)
    src = jnp.concatenate([edge_index[0], loops])
    dst = jnp.concatenate([edge_index[1], loops])
    deg = jnp.zeros((num_nodes,), dtype=h.dtype).at[dst].add(1.0)
    dinv = jnp.where(deg > 0, 1.0 / jnp.sqrt(deg), 0.0)
    norm = dinv[src] * dinv[dst]
    for i in range(NUM_LAYERS):
        # BatchNorm1d (training mode: batch statistics, biased variance)
        mean = jnp.mean(h, axis=0)
        var = jnp.var(h, axis=0)
        hn = (h - mean) / jnp.sqrt(var + EPS) * gammas[i] + betas[i]
        # GCNConv: x W, then sym-normalized scatter-add aggregation, then bias
        hw = hn @ Wc[i]
        msg = hw[src] * norm[:, None]
        agg = jnp.zeros_like(hw).at[dst].add(msg) + bc[i]
        h = jax.nn.relu(agg)
    return h @ W_out + b_out

if __name__ == "__main__":
    import jax
    _d = setup_inputs()
    print(jax.jit(kernel)(*tuple(_d.values())))

</pallas_src>

<mosaic_0001>
#map = affine_map<(d0, d1) -> (0, 0, 0)>
module attributes {stable_mosaic.version = 14 : i64} {
  func.func @_deg_kernel(%arg0: i32, %arg1: i32, %arg2: memref<32x80x128xi32, #tpu.memory_space<hbm>>, %arg3: memref<2x10112x128xf32, #tpu.memory_space<hbm>>, %arg4: memref<80x128xi32, #tpu.memory_space<vmem>>, %arg5: memref<128x128xf32, #tpu.memory_space<vmem>>, %arg6: memref<128x128xf32, #tpu.memory_space<vmem>>, %arg7: memref<!tpu.dma_semaphore, #tpu.memory_space<semaphore_mem>>, %arg8: memref<10112x128xf32, #tpu.memory_space<vmem_shared>>) attributes {dimension_semantics = [#tpu.dimension_semantics<core_parallel>, #tpu.dimension_semantics<subcore_parallel>], iteration_bounds = array<i64: 2, 16>, scalar_prefetch = 0 : i64, scratch_operands = 5 : i64, tpu.core_type = #tpu.core_type<sc_vector_subcore>, window_params = [{transform_indices = #map}, {transform_indices = #map}]} {
    %mul3A = arith.constant 16 : i32
    %mul3A_0 = arith.muli %arg0, %mul3A : i32
    %add3A = arith.addi %mul3A_0, %arg1 : i32
    "tpu.region"() ({
      %run_scoped3A = tpu.sem_alloc : memref<!tpu.dma_semaphore, #tpu.memory_space<semaphore_mem>>
      %dma_start3A_73 = arith.constant 0 : i32
      %dma_start3A_74 = arith.constant 0 : i32
      %dma_start3A_75 = tpu.memref_slice %arg2[%add3A, %dma_start3A_73, %dma_start3A_74] : memref<32x80x128xi32, #tpu.memory_space<hbm>> -> memref<1x80x128xi32, #tpu.memory_space<hbm>>
      %dma_start3A_76 = tpu.memref_squeeze %dma_start3A_75 : memref<1x80x128xi32, #tpu.memory_space<hbm>> -> memref<80x128xi32, #tpu.memory_space<hbm>>
      %dma_start3A_77 = arith.constant 0 : i32
      %dma_start3A_78 = arith.constant 0 : i32
      %dma_start3A_79 = tpu.memref_slice %arg2[%add3A, %dma_start3A_77, %dma_start3A_78] : memref<32x80x128xi32, #tpu.memory_space<hbm>> -> memref<1x80x128xi32, #tpu.memory_space<hbm>>
      %dma_start3A_80 = tpu.memref_squeeze %dma_start3A_79 : memref<1x80x128xi32, #tpu.memory_space<hbm>> -> memref<80x128xi32, #tpu.memory_space<hbm>>
      tpu.enqueue_dma source(%dma_start3A_80 : memref<80x128xi32, #tpu.memory_space<hbm>>) target(%arg4 : memref<80x128xi32, #tpu.memory_space<vmem>>) target_semaphore(%run_scoped3A : memref<!tpu.dma_semaphore, #tpu.memory_space<semaphore_mem>>)
      %dma_wait3A_81 = arith.constant 0 : i32
      %dma_wait3A_82 = arith.constant 0 : i32
      %dma_wait3A_83 = tpu.memref_slice %arg2[%add3A, %dma_wait3A_81, %dma_wait3A_82] : memref<32x80x128xi32, #tpu.memory_space<hbm>> -> memref<1x80x128xi32, #tpu.memory_space<hbm>>
      %dma_wait3A_84 = tpu.memref_squeeze %dma_wait3A_83 : memref<1x80x128xi32, #tpu.memory_space<hbm>> -> memref<80x128xi32, #tpu.memory_space<hbm>>
      %dma_wait3A_85 = arith.constant 0 : i32
      %dma_wait3A_86 = arith.constant 0 : i32
      %dma_wait3A_87 = tpu.memref_slice %arg2[%add3A, %dma_wait3A_85, %dma_wait3A_86] : memref<32x80x128xi32, #tpu.memory_space<hbm>> -> memref<1x80x128xi32, #tpu.memory_space<hbm>>
      %dma_wait3A_88 = tpu.memref_squeeze %dma_wait3A_87 : memref<1x80x128xi32, #tpu.memory_space<hbm>> -> memref<80x128xi32, #tpu.memory_space<hbm>>
      tpu.wait_dma2 semaphore(%run_scoped3A : memref<!tpu.dma_semaphore, #tpu.memory_space<semaphore_mem>>) src(%dma_wait3A_88 : memref<80x128xi32, #tpu.memory_space<hbm>>) dst(%arg4 : memref<80x128xi32, #tpu.memory_space<vmem>>)
      tpu.yield
    }) : () -> ()
    %scan3A = arith.constant 0 : i32
    %scan3A_1 = arith.constant 0 : i32
    %scan3A_2 = arith.constant 128 : i32
    %scan3A_3 = arith.addi %scan3A_1, %scan3A_2 : i32
    %scan3A_4 = arith.constant 1 : i32
    %scan3A_5 = scf.for %scan3A_73 = %scan3A_1 to %scan3A_3 step %scan3A_4 iter_args(%scan3A_74 = %scan3A) -> (i32)  : i32 {
      %broadcast_in_dim3A = arith.constant 1.000000e+00 : f32
      %broadcast_in_dim3A_75 = vector.broadcast %broadcast_in_dim3A : f32 to vector<16xf32>
      %swap3A = arith.index_cast %scan3A_73 : i32 to index
      %swap3A_76 = arith.constant 0 : index
      %swap3A_77 = tpu.vector_load %arg5[%swap3A, %swap3A_76] {strides = array<i32>} : memref<128x128xf32, #tpu.memory_space<vmem>>, vector<1x16xf32>,
      %swap3A_78 = vector.shape_cast %swap3A_77 : vector<1x16xf32> to vector<16xf32>
      %swap3A_79 = vector.shape_cast %broadcast_in_dim3A_75 : vector<16xf32> to vector<1x16xf32>
      tpu.vector_store %arg5[%swap3A, %swap3A_76], %swap3A_79 {strides = array<i32>} : memref<128x128xf32, #tpu.memory_space<vmem>>, vector<1x16xf32>,
      %broadcast_in_dim3A_80 = arith.constant 0.000000e+00 : f32
      %broadcast_in_dim3A_81 = vector.broadcast %broadcast_in_dim3A_80 : f32 to vector<16xf32>
      %swap3A_82 = arith.index_cast %scan3A_73 : i32 to index
      %swap3A_83 = arith.constant 0 : index
      %swap3A_84 = tpu.vector_load %arg6[%swap3A_82, %swap3A_83] {strides = array<i32>} : memref<128x128xf32, #tpu.memory_space<vmem>>, vector<1x16xf32>,
      %swap3A_85 = vector.shape_cast %swap3A_84 : vector<1x16xf32> to vector<16xf32>
      %swap3A_86 = vector.shape_cast %broadcast_in_dim3A_81 : vector<16xf32> to vector<1x16xf32>
      tpu.vector_store %arg6[%swap3A_82, %swap3A_83], %swap3A_86 {strides = array<i32>} : memref<128x128xf32, #tpu.memory_space<vmem>>, vector<1x16xf32>,
      %broadcast_in_dim3A_87 = arith.constant 1.000000e+00 : f32
      %broadcast_in_dim3A_88 = vector.broadcast %broadcast_in_dim3A_87 : f32 to vector<16xf32>
      %swap3A_89 = arith.index_cast %scan3A_73 : i32 to index
      %swap3A_90 = arith.constant 16 : index
      %swap3A_91 = tpu.vector_load %arg5[%swap3A_89, %swap3A_90] {strides = array<i32>} : memref<128x128xf32, #tpu.memory_space<vmem>>, vector<1x16xf32>,
      %swap3A_92 = vector.shape_cast %swap3A_91 : vector<1x16xf32> to vector<16xf32>
      %swap3A_93 = vector.shape_cast %broadcast_in_dim3A_88 : vector<16xf32> to vector<1x16xf32>
      tpu.vector_store %arg5[%swap3A_89, %swap3A_90], %swap3A_93 {strides = array<i32>} : memref<128x128xf32, #tpu.memory_space<vmem>>, vector<1x16xf32>,
      %broadcast_in_dim3A_94 = arith.constant 0.000000e+00 : f32
      %broadcast_in_dim3A_95 = vector.broadcast %broadcast_in_dim3A_94 : f32 to vector<16xf32>
      %swap3A_96 = arith.index_cast %scan3A_73 : i32 to index
      %swap3A_97 = arith.constant 16 : index
      %swap3A_98 = tpu.vector_load %arg6[%swap3A_96, %swap3A_97] {strides = array<i32>} : memref<128x128xf32, #tpu.memory_space<vmem>>, vector<1x16xf32>,
      %swap3A_99 = vector.shape_cast %swap3A_98 : vector<1x16xf32> to vector<16xf32>
      %swap3A_100 = vector.shape_cast %broadcast_in_dim3A_95 : vector<16xf32> to vector<1x16xf32>
      tpu.vector_store %arg6[%swap3A_96, %swap3A_97], %swap3A_100 {strides = array<i32>} : memref<128x128xf32, #tpu.memory_space<vmem>>, vector<1x16xf32>,
      %broadcast_in_dim3A_101 = arith.constant 1.000000e+00 : f32
      %broadcast_in_dim3A_102 = vector.broadcast %broadcast_in_dim3A_101 : f32 to vector<16xf32>
      %swap3A_103 = arith.index_cast %scan3A_73 : i32 to index
      %swap3A_104 = arith.constant 32 : index
      %swap3A_105 = tpu.vector_load %arg5[%swap3A_103, %swap3A_104] {strides = array<i32>} : memref<128x128xf32, #tpu.memory_space<vmem>>, vector<1x16xf32>,
      %swap3A_106 = vector.shape_cast %swap3A_105 : vector<1x16xf32> to vector<16xf32>
      %swap3A_107 = vector.shape_cast %broadcast_in_dim3A_102 : vector<16xf32> to vector<1x16xf32>
      tpu.vector_store %arg5[%swap3A_103, %swap3A_104], %swap3A_107 {strides = array<i32>} : memref<128x128xf32, #tpu.memory_space<vmem>>, vector<1x16xf32>,
      %broadcast_in_dim3A_108 = arith.constant 0.000000e+00 : f32
      %broadcast_in_dim3A_109 = vector.broadcast %broadcast_in_dim3A_108 : f32 to vector<16xf32>
      %swap3A_110 = arith.index_cast %scan3A_73 : i32 to index
      %swap3A_111 = arith.constant 32 : index
      %swap3A_112 = tpu.vector_load %arg6[%swap3A_110, %swap3A_111] {strides = array<i32>} : memref<128x128xf32, #tpu.memory_space<vmem>>, vector<1x16xf32>,
      %swap3A_113 = vector.shape_cast %swap3A_112 : vector<1x16xf32> to vector<16xf32>
      %swap3A_114 = vector.shape_cast %broadcast_in_dim3A_109 : vector<16xf32> to vector<1x16xf32>
      tpu.vector_store %arg6[%swap3A_110, %swap3A_111], %swap3A_114 {strides = array<i32>} : memref<128x128xf32, #tpu.memory_space<vmem>>, vector<1x16xf32>,
      %broadcast_in_dim3A_115 = arith.constant 1.000000e+00 : f32
      %broadcast_in_dim3A_116 = vector.broadcast %broadcast_in_dim3A_115 : f32 to vector<16xf32>
      %swap3A_117 = arith.index_cast %scan3A_73 : i32 to index
      %swap3A_118 = arith.constant 48 : index
      %swap3A_119 = tpu.vector_load %arg5[%swap3A_117, %swap3A_118] {strides = array<i32>} : memref<128x128xf32, #tpu.memory_space<vmem>>, vector<1x16xf32>,
      %swap3A_120 = vector.shape_cast %swap3A_119 : vector<1x16xf32> to vector<16xf32>
      %swap3A_121 = vector.shape_cast %broadcast_in_dim3A_116 : vector<16xf32> to vector<1x16xf32>
      tpu.vector_store %arg5[%swap3A_117, %swap3A_118], %swap3A_121 {strides = array<i32>} : memref<128x128xf32, #tpu.memory_space<vmem>>, vector<1x16xf32>,
      %broadcast_in_dim3A_122 = arith.constant 0.000000e+00 : f32
      %broadcast_in_dim3A_123 = vector.broadcast %broadcast_in_dim3A_122 : f32 to vector<16xf32>
      %swap3A_124 = arith.index_cast %scan3A_73 : i32 to index
      %swap3A_125 = arith.constant 48 : index
      %swap3A_126 = tpu.vector_load %arg6[%swap3A_124, %swap3A_125] {strides = array<i32>} : memref<128x128xf32, #tpu.memory_space<vmem>>, vector<1x16xf32>,
      %swap3A_127 = vector.shape_cast %swap3A_126 : vector<1x16xf32> to vector<16xf32>
      %swap3A_128 = vector.shape_cast %broadcast_in_dim3A_123 : vector<16xf32> to vector<1x16xf32>
      tpu.vector_store %arg6[%swap3A_124, %swap3A_125], %swap3A_128 {strides = array<i32>} : memref<128x128xf32, #tpu.memory_space<vmem>>, vector<1x16xf32>,
      %broadcast_in_dim3A_129 = arith.constant 1.000000e+00 : f32
      %broadcast_in_dim3A_130 = vector.broadcast %broadcast_in_dim3A_129 : f32 to vector<16xf32>
      %swap3A_131 = arith.index_cast %scan3A_73 : i32 to index
      %swap3A_132 = arith.constant 64 : index
      %swap3A_133 = tpu.vector_load %arg5[%swap3A_131, %swap3A_132] {strides = array<i32>} : memref<128x128xf32, #tpu.memory_space<vmem>>, vector<1x16xf32>,
      %swap3A_134 = vector.shape_cast %swap3A_133 : vector<1x16xf32> to vector<16xf32>
      %swap3A_135 = vector.shape_cast %broadcast_in_dim3A_130 : vector<16xf32> to vector<1x16xf32>
      tpu.vector_store %arg5[%swap3A_131, %swap3A_132], %swap3A_135 {strides = array<i32>} : memref<128x128xf32, #tpu.memory_space<vmem>>, vector<1x16xf32>,
      %broadcast_in_dim3A_136 = arith.constant 0.000000e+00 : f32
      %broadcast_in_dim3A_137 = vector.broadcast %broadcast_in_dim3A_136 : f32 to vector<16xf32>
      %swap3A_138 = arith.index_cast %scan3A_73 : i32 to index
      %swap3A_139 = arith.constant 64 : index
      %swap3A_140 = tpu.vector_load %arg6[%swap3A_138, %swap3A_139] {strides = array<i32>} : memref<128x128xf32, #tpu.memory_space<vmem>>, vector<1x16xf32>,
      %swap3A_141 = vector.shape_cast %swap3A_140 : vector<1x16xf32> to vector<16xf32>
      %swap3A_142 = vector.shape_cast %broadcast_in_dim3A_137 : vector<16xf32> to vector<1x16xf32>
      tpu.vector_store %arg6[%swap3A_138, %swap3A_139], %swap3A_142 {strides = array<i32>} : memref<128x128xf32, #tpu.memory_space<vmem>>, vector<1x16xf32>,
      %broadcast_in_dim3A_143 = arith.constant 1.000000e+00 : f32
      %broadcast_in_dim3A_144 = vector.broadcast %broadcast_in_dim3A_143 : f32 to vector<16xf32>
      %swap3A_145 = arith.index_cast %scan3A_73 : i32 to index
      %swap3A_146 = arith.constant 80 : index
      %swap3A_147 = tpu.vector_load %arg5[%swap3A_145, %swap3A_146] {strides = array<i32>} : memref<128x128xf32, #tpu.memory_space<vmem>>, vector<1x16xf32>,
      %swap3A_148 = vector.shape_cast %swap3A_147 : vector<1x16xf32> to vector<16xf32>
      %swap3A_149 = vector.shape_cast %broadcast_in_dim3A_144 : vector<16xf32> to vector<1x16xf32>
      tpu.vector_store %arg5[%swap3A_145, %swap3A_146], %swap3A_149 {strides = array<i32>} : memref<128x128xf32, #tpu.memory_space<vmem>>, vector<1x16xf32>,
      %broadcast_in_dim3A_150 = arith.constant 0.000000e+00 : f32
      %broadcast_in_dim3A_151 = vector.broadcast %broadcast_in_dim3A_150 : f32 to vector<16xf32>
      %swap3A_152 = arith.index_cast %scan3A_73 : i32 to index
      %swap3A_153 = arith.constant 80 : index
      %swap3A_154 = tpu.vector_load %arg6[%swap3A_152, %swap3A_153] {strides = array<i32>} : memref<128x128xf32, #tpu.memory_space<vmem>>, vector<1x16xf32>,
      %swap3A_155 = vector.shape_cast %swap3A_154 : vector<1x16xf32> to vector<16xf32>
      %swap3A_156 = vector.shape_cast %broadcast_in_dim3A_151 : vector<16xf32> to vector<1x16xf32>
      tpu.vector_store %arg6[%swap3A_152, %swap3A_153], %swap3A_156 {strides = array<i32>} : memref<128x128xf32, #tpu.memory_space<vmem>>, vector<1x16xf32>,
      %broadcast_in_dim3A_157 = arith.constant 1.000000e+00 : f32
      %broadcast_in_dim3A_158 = vector.broadcast %broadcast_in_dim3A_157 : f32 to vector<16xf32>
      %swap3A_159 = arith.index_cast %scan3A_73 : i32 to index
      %swap3A_160 = arith.constant 96 : index
      %swap3A_161 = tpu.vector_load %arg5[%swap3A_159, %swap3A_160] {strides = array<i32>} : memref<128x128xf32, #tpu.memory_space<vmem>>, vector<1x16xf32>,
      %swap3A_162 = vector.shape_cast %swap3A_161 : vector<1x16xf32> to vector<16xf32>
      %swap3A_163 = vector.shape_cast %broadcast_in_dim3A_158 : vector<16xf32> to vector<1x16xf32>
      tpu.vector_store %arg5[%swap3A_159, %swap3A_160], %swap3A_163 {strides = array<i32>} : memref<128x128xf32, #tpu.memory_space<vmem>>, vector<1x16xf32>,
      %broadcast_in_dim3A_164 = arith.constant 0.000000e+00 : f32
      %broadcast_in_dim3A_165 = vector.broadcast %broadcast_in_dim3A_164 : f32 to vector<16xf32>
      %swap3A_166 = arith.index_cast %scan3A_73 : i32 to index
      %swap3A_167 = arith.constant 96 : index
      %swap3A_168 = tpu.vector_load %arg6[%swap3A_166, %swap3A_167] {strides = array<i32>} : memref<128x128xf32, #tpu.memory_space<vmem>>, vector<1x16xf32>,
      %swap3A_169 = vector.shape_cast %swap3A_168 : vector<1x16xf32> to vector<16xf32>
      %swap3A_170 = vector.shape_cast %broadcast_in_dim3A_165 : vector<16xf32> to vector<1x16xf32>
      tpu.vector_store %arg6[%swap3A_166, %swap3A_167], %swap3A_170 {strides = array<i32>} : memref<128x128xf32, #tpu.memory_space<vmem>>, vector<1x16xf32>,
      %broadcast_in_dim3A_171 = arith.constant 1.000000e+00 : f32
      %broadcast_in_dim3A_172 = vector.broadcast %broadcast_in_dim3A_171 : f32 to vector<16xf32>
      %swap3A_173 = arith.index_cast %scan3A_73 : i32 to index
      %swap3A_174 = arith.constant 112 : index
      %swap3A_175 = tpu.vector_load %arg5[%swap3A_173, %swap3A_174] {strides = array<i32>} : memref<128x128xf32, #tpu.memory_space<vmem>>, vector<1x16xf32>,
      %swap3A_176 = vector.shape_cast %swap3A_175 : vector<1x16xf32> to vector<16xf32>
      %swap3A_177 = vector.shape_cast %broadcast_in_dim3A_172 : vector<16xf32> to vector<1x16xf32>
      tpu.vector_store %arg5[%swap3A_173, %swap3A_174], %swap3A_177 {strides = array<i32>} : memref<128x128xf32, #tpu.memory_space<vmem>>, vector<1x16xf32>,
      %broadcast_in_dim3A_178 = arith.constant 0.000000e+00 : f32
      %broadcast_in_dim3A_179 = vector.broadcast %broadcast_in_dim3A_178 : f32 to vector<16xf32>
      %swap3A_180 = arith.index_cast %scan3A_73 : i32 to index
      %swap3A_181 = arith.constant 112 : index
      %swap3A_182 = tpu.vector_load %arg6[%swap3A_180, %swap3A_181] {strides = array<i32>} : memref<128x128xf32, #tpu.memory_space<vmem>>, vector<1x16xf32>,
      %swap3A_183 = vector.shape_cast %swap3A_182 : vector<1x16xf32> to vector<16xf32>
      %swap3A_184 = vector.shape_cast %broadcast_in_dim3A_179 : vector<16xf32> to vector<1x16xf32>
      tpu.vector_store %arg6[%swap3A_180, %swap3A_181], %swap3A_184 {strides = array<i32>} : memref<128x128xf32, #tpu.memory_space<vmem>>, vector<1x16xf32>,
      %scan3A_185 = arith.constant 0 : i32
      scf.yield %scan3A_185 : i32
    }
    %scan3A_6 = arith.constant 128 : i32
    %mul3A_7 = arith.constant 632 : i32
    %mul3A_8 = arith.muli %arg1, %mul3A_7 : i32
    %add3A_9 = arith.constant 0 : i32
    %add3A_10 = arith.addi %mul3A_8, %add3A_9 : i32
    "tpu.region"() ({
      %run_scoped3A = tpu.sem_alloc : memref<!tpu.dma_semaphore, #tpu.memory_space<semaphore_mem>>
      %dma_start3A_73 = arith.constant 0 : i32
      %dma_start3A_74 = arith.constant 0 : i32
      %dma_start3A_75 = tpu.memref_slice %arg6[%dma_start3A_73, %dma_start3A_74] : memref<128x128xf32, #tpu.memory_space<vmem>> -> memref<128x128xf32, #tpu.memory_space<vmem>>
      %dma_start3A_76 = arith.constant 0 : i32
      %dma_start3A_77 = tpu.memref_slice %arg8[%add3A_10, %dma_start3A_76] : memref<10112x128xf32, #tpu.memory_space<vmem_shared>> -> memref<128x128xf32, #tpu.memory_space<vmem_shared>>
      %dma_start3A_78 = arith.constant 0 : i32
      %dma_start3A_79 = tpu.memref_slice %arg8[%add3A_10, %dma_start3A_78] : memref<10112x128xf32, #tpu.memory_space<vmem_shared>> -> memref<128x128xf32, #tpu.memory_space<vmem_shared>>
      %dma_start3A_80 = arith.constant 0 : i32
      %dma_start3A_81 = arith.constant 0 : i32
      %dma_start3A_82 = tpu.memref_slice %arg6[%dma_start3A_80, %dma_start3A_81] : memref<128x128xf32, #tpu.memory_space<vmem>> -> memref<128x128xf32, #tpu.memory_space<vmem>>
      tpu.enqueue_dma source(%dma_start3A_82 : memref<128x128xf32, #tpu.memory_space<vmem>>) target(%dma_start3A_79 : memref<128x128xf32, #tpu.memory_space<vmem_shared>>) target_semaphore(%run_scoped3A : memref<!tpu.dma_semaphore, #tpu.memory_space<semaphore_mem>>)
      %dma_wait3A_83 = arith.constant 0 : i32
      %dma_wait3A_84 = arith.constant 0 : i32
      %dma_wait3A_85 = tpu.memref_slice %arg6[%dma_wait3A_83, %dma_wait3A_84] : memref<128x128xf32, #tpu.memory_space<vmem>> -> memref<128x128xf32, #tpu.memory_space<vmem>>
      %dma_wait3A_86 = arith.constant 0 : i32
      %dma_wait3A_87 = tpu.memref_slice %arg8[%add3A_10, %dma_wait3A_86] : memref<10112x128xf32, #tpu.memory_space<vmem_shared>> -> memref<128x128xf32, #tpu.memory_space<vmem_shared>>
      %dma_wait3A_88 = arith.constant 0 : i32
      %dma_wait3A_89 = tpu.memref_slice %arg8[%add3A_10, %dma_wait3A_88] : memref<10112x128xf32, #tpu.memory_space<vmem_shared>> -> memref<128x128xf32, #tpu.memory_space<vmem_shared>>
      %dma_wait3A_90 = arith.constant 0 : i32
      %dma_wait3A_91 = arith.constant 0 : i32
      %dma_wait3A_92 = tpu.memref_slice %arg6[%dma_wait3A_90, %dma_wait3A_91] : memref<128x128xf32, #tpu.memory_space<vmem>> -> memref<128x128xf32, #tpu.memory_space<vmem>>
      tpu.wait_dma2 semaphore(%run_scoped3A : memref<!tpu.dma_semaphore, #tpu.memory_space<semaphore_mem>>) src(%dma_wait3A_92 : memref<128x128xf32, #tpu.memory_space<vmem>>) dst(%dma_wait3A_89 : memref<128x128xf32, #tpu.memory_space<vmem_shared>>)
      tpu.yield
    }) : () -> ()
    %add3A_11 = arith.constant 128 : i32
    %add3A_12 = arith.addi %mul3A_8, %add3A_11 : i32
    "tpu.region"() ({
      %run_scoped3A = tpu.sem_alloc : memref<!tpu.dma_semaphore, #tpu.memory_space<semaphore_mem>>
      %dma_start3A_73 = arith.constant 0 : i32
      %dma_start3A_74 = arith.constant 0 : i32
      %dma_start3A_75 = tpu.memref_slice %arg6[%dma_start3A_73, %dma_start3A_74] : memref<128x128xf32, #tpu.memory_space<vmem>> -> memref<128x128xf32, #tpu.memory_space<vmem>>
      %dma_start3A_76 = arith.constant 0 : i32
      %dma_start3A_77 = tpu.memref_slice %arg8[%add3A_12, %dma_start3A_76] : memref<10112x128xf32, #tpu.memory_space<vmem_shared>> -> memref<128x128xf32, #tpu.memory_space<vmem_shared>>
      %dma_start3A_78 = arith.constant 0 : i32
      %dma_start3A_79 = tpu.memref_slice %arg8[%add3A_12, %dma_start3A_78] : memref<10112x128xf32, #tpu.memory_space<vmem_shared>> -> memref<128x128xf32, #tpu.memory_space<vmem_shared>>
      %dma_start3A_80 = arith.constant 0 : i32
      %dma_start3A_81 = arith.constant 0 : i32
      %dma_start3A_82 = tpu.memref_slice %arg6[%dma_start3A_80, %dma_start3A_81] : memref<128x128xf32, #tpu.memory_space<vmem>> -> memref<128x128xf32, #tpu.memory_space<vmem>>
      tpu.enqueue_dma source(%dma_start3A_82 : memref<128x128xf32, #tpu.memory_space<vmem>>) target(%dma_start3A_79 : memref<128x128xf32, #tpu.memory_space<vmem_shared>>) target_semaphore(%run_scoped3A : memref<!tpu.dma_semaphore, #tpu.memory_space<semaphore_mem>>)
      %dma_wait3A_83 = arith.constant 0 : i32
      %dma_wait3A_84 = arith.constant 0 : i32
      %dma_wait3A_85 = tpu.memref_slice %arg6[%dma_wait3A_83, %dma_wait3A_84] : memref<128x128xf32, #tpu.memory_space<vmem>> -> memref<128x128xf32, #tpu.memory_space<vmem>>
      %dma_wait3A_86 = arith.constant 0 : i32
      %dma_wait3A_87 = tpu.memref_slice %arg8[%add3A_12, %dma_wait3A_86] : memref<10112x128xf32, #tpu.memory_space<vmem_shared>> -> memref<128x128xf32, #tpu.memory_space<vmem_shared>>
      %dma_wait3A_88 = arith.constant 0 : i32
      %dma_wait3A_89 = tpu.memref_slice %arg8[%add3A_12, %dma_wait3A_88] : memref<10112x128xf32, #tpu.memory_space<vmem_shared>> -> memref<128x128xf32, #tpu.memory_space<vmem_shared>>
      %dma_wait3A_90 = arith.constant 0 : i32
      %dma_wait3A_91 = arith.constant 0 : i32
      %dma_wait3A_92 = tpu.memref_slice %arg6[%dma_wait3A_90, %dma_wait3A_91] : memref<128x128xf32, #tpu.memory_space<vmem>> -> memref<128x128xf32, #tpu.memory_space<vmem>>
      tpu.wait_dma2 semaphore(%run_scoped3A : memref<!tpu.dma_semaphore, #tpu.memory_space<semaphore_mem>>) src(%dma_wait3A_92 : memref<128x128xf32, #tpu.memory_space<vmem>>) dst(%dma_wait3A_89 : memref<128x128xf32, #tpu.memory_space<vmem_shared>>)
      tpu.yield
    }) : () -> ()
    %add3A_13 = arith.constant 256 : i32
    %add3A_14 = arith.addi %mul3A_8, %add3A_13 : i32
    "tpu.region"() ({
      %run_scoped3A = tpu.sem_alloc : memref<!tpu.dma_semaphore, #tpu.memory_space<semaphore_mem>>
      %dma_start3A_73 = arith.constant 0 : i32
      %dma_start3A_74 = arith.constant 0 : i32
      %dma_start3A_75 = tpu.memref_slice %arg6[%dma_start3A_73, %dma_start3A_74] : memref<128x128xf32, #tpu.memory_space<vmem>> -> memref<128x128xf32, #tpu.memory_space<vmem>>
      %dma_start3A_76 = arith.constant 0 : i32
      %dma_start3A_77 = tpu.memref_slice %arg8[%add3A_14, %dma_start3A_76] : memref<10112x128xf32, #tpu.memory_space<vmem_shared>> -> memref<128x128xf32, #tpu.memory_space<vmem_shared>>
      %dma_start3A_78 = arith.constant 0 : i32
      %dma_start3A_79 = tpu.memref_slice %arg8[%add3A_14, %dma_start3A_78] : memref<10112x128xf32, #tpu.memory_space<vmem_shared>> -> memref<128x128xf32, #tpu.memory_space<vmem_shared>>
      %dma_start3A_80 = arith.constant 0 : i32
      %dma_start3A_81 = arith.constant 0 : i32
      %dma_start3A_82 = tpu.memref_slice %arg6[%dma_start3A_80, %dma_start3A_81] : memref<128x128xf32, #tpu.memory_space<vmem>> -> memref<128x128xf32, #tpu.memory_space<vmem>>
      tpu.enqueue_dma source(%dma_start3A_82 : memref<128x128xf32, #tpu.memory_space<vmem>>) target(%dma_start3A_79 : memref<128x128xf32, #tpu.memory_space<vmem_shared>>) target_semaphore(%run_scoped3A : memref<!tpu.dma_semaphore, #tpu.memory_space<semaphore_mem>>)
      %dma_wait3A_83 = arith.constant 0 : i32
      %dma_wait3A_84 = arith.constant 0 : i32
      %dma_wait3A_85 = tpu.memref_slice %arg6[%dma_wait3A_83, %dma_wait3A_84] : memref<128x128xf32, #tpu.memory_space<vmem>> -> memref<128x128xf32, #tpu.memory_space<vmem>>
      %dma_wait3A_86 = arith.constant 0 : i32
      %dma_wait3A_87 = tpu.memref_slice %arg8[%add3A_14, %dma_wait3A_86] : memref<10112x128xf32, #tpu.memory_space<vmem_shared>> -> memref<128x128xf32, #tpu.memory_space<vmem_shared>>
      %dma_wait3A_88 = arith.constant 0 : i32
      %dma_wait3A_89 = tpu.memref_slice %arg8[%add3A_14, %dma_wait3A_88] : memref<10112x128xf32, #tpu.memory_space<vmem_shared>> -> memref<128x128xf32, #tpu.memory_space<vmem_shared>>
      %dma_wait3A_90 = arith.constant 0 : i32
      %dma_wait3A_91 = arith.constant 0 : i32
      %dma_wait3A_92 = tpu.memref_slice %arg6[%dma_wait3A_90, %dma_wait3A_91] : memref<128x128xf32, #tpu.memory_space<vmem>> -> memref<128x128xf32, #tpu.memory_space<vmem>>
      tpu.wait_dma2 semaphore(%run_scoped3A : memref<!tpu.dma_semaphore, #tpu.memory_space<semaphore_mem>>) src(%dma_wait3A_92 : memref<128x128xf32, #tpu.memory_space<vmem>>) dst(%dma_wait3A_89 : memref<128x128xf32, #tpu.memory_space<vmem_shared>>)
      tpu.yield
    }) : () -> ()
    %add3A_15 = arith.constant 384 : i32
    %add3A_16 = arith.addi %mul3A_8, %add3A_15 : i32
    "tpu.region"() ({
      %run_scoped3A = tpu.sem_alloc : memref<!tpu.dma_semaphore, #tpu.memory_space<semaphore_mem>>
      %dma_start3A_73 = arith.constant 0 : i32
      %dma_start3A_74 = arith.constant 0 : i32
      %dma_start3A_75 = tpu.memref_slice %arg6[%dma_start3A_73, %dma_start3A_74] : memref<128x128xf32, #tpu.memory_space<vmem>> -> memref<128x128xf32, #tpu.memory_space<vmem>>
      %dma_start3A_76 = arith.constant 0 : i32
      %dma_start3A_77 = tpu.memref_slice %arg8[%add3A_16, %dma_start3A_76] : memref<10112x128xf32, #tpu.memory_space<vmem_shared>> -> memref<128x128xf32, #tpu.memory_space<vmem_shared>>
      %dma_start3A_78 = arith.constant 0 : i32
      %dma_start3A_79 = tpu.memref_slice %arg8[%add3A_16, %dma_start3A_78] : memref<10112x128xf32, #tpu.memory_space<vmem_shared>> -> memref<128x128xf32, #tpu.memory_space<vmem_shared>>
      %dma_start3A_80 = arith.constant 0 : i32
      %dma_start3A_81 = arith.constant 0 : i32
      %dma_start3A_82 = tpu.memref_slice %arg6[%dma_start3A_80, %dma_start3A_81] : memref<128x128xf32, #tpu.memory_space<vmem>> -> memref<128x128xf32, #tpu.memory_space<vmem>>
      tpu.enqueue_dma source(%dma_start3A_82 : memref<128x128xf32, #tpu.memory_space<vmem>>) target(%dma_start3A_79 : memref<128x128xf32, #tpu.memory_space<vmem_shared>>) target_semaphore(%run_scoped3A : memref<!tpu.dma_semaphore, #tpu.memory_space<semaphore_mem>>)
      %dma_wait3A_83 = arith.constant 0 : i32
      %dma_wait3A_84 = arith.constant 0 : i32
      %dma_wait3A_85 = tpu.memref_slice %arg6[%dma_wait3A_83, %dma_wait3A_84] : memref<128x128xf32, #tpu.memory_space<vmem>> -> memref<128x128xf32, #tpu.memory_space<vmem>>
      %dma_wait3A_86 = arith.constant 0 : i32
      %dma_wait3A_87 = tpu.memref_slice %arg8[%add3A_16, %dma_wait3A_86] : memref<10112x128xf32, #tpu.memory_space<vmem_shared>> -> memref<128x128xf32, #tpu.memory_space<vmem_shared>>
      %dma_wait3A_88 = arith.constant 0 : i32
      %dma_wait3A_89 = tpu.memref_slice %arg8[%add3A_16, %dma_wait3A_88] : memref<10112x128xf32, #tpu.memory_space<vmem_shared>> -> memref<128x128xf32, #tpu.memory_space<vmem_shared>>
      %dma_wait3A_90 = arith.constant 0 : i32
      %dma_wait3A_91 = arith.constant 0 : i32
      %dma_wait3A_92 = tpu.memref_slice %arg6[%dma_wait3A_90, %dma_wait3A_91] : memref<128x128xf32, #tpu.memory_space<vmem>> -> memref<128x128xf32, #tpu.memory_space<vmem>>
      tpu.wait_dma2 semaphore(%run_scoped3A : memref<!tpu.dma_semaphore, #tpu.memory_space<semaphore_mem>>) src(%dma_wait3A_92 : memref<128x128xf32, #tpu.memory_space<vmem>>) dst(%dma_wait3A_89 : memref<128x128xf32, #tpu.memory_space<vmem_shared>>)
      tpu.yield
    }) : () -> ()
    %add3A_17 = arith.constant 512 : i32
    %add3A_18 = arith.addi %mul3A_8, %add3A_17 : i32
    "tpu.region"() ({
      %run_scoped3A = tpu.sem_alloc : memref<!tpu.dma_semaphore, #tpu.memory_space<semaphore_mem>>
      %dma_start3A_73 = arith.constant 0 : i32
      %dma_start3A_74 = arith.constant 0 : i32
      %dma_start3A_75 = tpu.memref_slice %arg6[%dma_start3A_73, %dma_start3A_74] : memref<128x128xf32, #tpu.memory_space<vmem>> -> memref<120x128xf32, #tpu.memory_space<vmem>>
      %dma_start3A_76 = arith.constant 0 : i32
      %dma_start3A_77 = tpu.memref_slice %arg8[%add3A_18, %dma_start3A_76] : memref<10112x128xf32, #tpu.memory_space<vmem_shared>> -> memref<120x128xf32, #tpu.memory_space<vmem_shared>>
      %dma_start3A_78 = arith.constant 0 : i32
      %dma_start3A_79 = tpu.memref_slice %arg8[%add3A_18, %dma_start3A_78] : memref<10112x128xf32, #tpu.memory_space<vmem_shared>> -> memref<120x128xf32, #tpu.memory_space<vmem_shared>>
      %dma_start3A_80 = arith.constant 0 : i32
      %dma_start3A_81 = arith.constant 0 : i32
      %dma_start3A_82 = tpu.memref_slice %arg6[%dma_start3A_80, %dma_start3A_81] : memref<128x128xf32, #tpu.memory_space<vmem>> -> memref<120x128xf32, #tpu.memory_space<vmem>>
      tpu.enqueue_dma source(%dma_start3A_82 : memref<120x128xf32, #tpu.memory_space<vmem>>) target(%dma_start3A_79 : memref<120x128xf32, #tpu.memory_space<vmem_shared>>) target_semaphore(%run_scoped3A : memref<!tpu.dma_semaphore, #tpu.memory_space<semaphore_mem>>)
      %dma_wait3A_83 = arith.constant 0 : i32
      %dma_wait3A_84 = arith.constant 0 : i32
      %dma_wait3A_85 = tpu.memref_slice %arg6[%dma_wait3A_83, %dma_wait3A_84] : memref<128x128xf32, #tpu.memory_space<vmem>> -> memref<120x128xf32, #tpu.memory_space<vmem>>
      %dma_wait3A_86 = arith.constant 0 : i32
      %dma_wait3A_87 = tpu.memref_slice %arg8[%add3A_18, %dma_wait3A_86] : memref<10112x128xf32, #tpu.memory_space<vmem_shared>> -> memref<120x128xf32, #tpu.memory_space<vmem_shared>>
      %dma_wait3A_88 = arith.constant 0 : i32
      %dma_wait3A_89 = tpu.memref_slice %arg8[%add3A_18, %dma_wait3A_88] : memref<10112x128xf32, #tpu.memory_space<vmem_shared>> -> memref<120x128xf32, #tpu.memory_space<vmem_shared>>
      %dma_wait3A_90 = arith.constant 0 : i32
      %dma_wait3A_91 = arith.constant 0 : i32
      %dma_wait3A_92 = tpu.memref_slice %arg6[%dma_wait3A_90, %dma_wait3A_91] : memref<128x128xf32, #tpu.memory_space<vmem>> -> memref<120x128xf32, #tpu.memory_space<vmem>>
      tpu.wait_dma2 semaphore(%run_scoped3A : memref<!tpu.dma_semaphore, #tpu.memory_space<semaphore_mem>>) src(%dma_wait3A_92 : memref<120x128xf32, #tpu.memory_space<vmem>>) dst(%dma_wait3A_89 : memref<120x128xf32, #tpu.memory_space<vmem_shared>>)
      tpu.yield
    }) : () -> ()
    %barrier3A = arith.constant 0 : index
    tpu.barrier barrier_id(%barrier3A)
    %dma_start3A = arith.constant 0 : i32
    %dma_start3A_19 = arith.constant 0 : i32
    %dma_start3A_20 = tpu.memref_slice %arg4[%dma_start3A, %dma_start3A_19] : memref<80x128xi32, #tpu.memory_space<vmem>> -> memref<1x128xi32, #tpu.memory_space<vmem>>
    %dma_start3A_21 = tpu.memref_squeeze %dma_start3A_20 : memref<1x128xi32, #tpu.memory_space<vmem>> -> memref<128xi32, #tpu.memory_space<vmem>>
    %dma_start3A_22 = arith.constant 0 : i32
    %dma_start3A_23 = arith.constant 0 : i32
    %dma_start3A_24 = tpu.memref_slice %arg8[%dma_start3A_22, %dma_start3A_23] : memref<10112x128xf32, #tpu.memory_space<vmem_shared>> -> memref<10112x128xf32, #tpu.memory_space<vmem_shared>>
    tpu.enqueue_indirect_dma source(%arg5 : memref<128x128xf32, #tpu.memory_space<vmem>>) target(%dma_start3A_24 : memref<10112x128xf32, #tpu.memory_space<vmem_shared>>) offsets(%dma_start3A_21 : memref<128xi32, #tpu.memory_space<vmem>>) semaphore(%arg7 : memref<!tpu.dma_semaphore, #tpu.memory_space<semaphore_mem>>) {add = true}
    %dma_start3A_25 = arith.constant 1 : i32
    %dma_start3A_26 = arith.constant 0 : i32
    %dma_start3A_27 = tpu.memref_slice %arg4[%dma_start3A_25, %dma_start3A_26] : memref<80x128xi32, #tpu.memory_space<vmem>> -> memref<1x128xi32, #tpu.memory_space<vmem>>
    %dma_start3A_28 = tpu.memref_squeeze %dma_start3A_27 : memref<1x128xi32, #tpu.memory_space<vmem>> -> memref<128xi32, #tpu.memory_space<vmem>>
    %dma_start3A_29 = arith.constant 0 : i32
    %dma_start3A_30 = arith.constant 0 : i32
    %dma_start3A_31 = tpu.memref_slice %arg8[%dma_start3A_29, %dma_start3A_30] : memref<10112x128xf32, #tpu.memory_space<vmem_shared>> -> memref<10112x128xf32, #tpu.memory_space<vmem_shared>>
    tpu.enqueue_indirect_dma source(%arg5 : memref<128x128xf32, #tpu.memory_space<vmem>>) target(%dma_start3A_31 : memref<10112x128xf32, #tpu.memory_space<vmem_shared>>) offsets(%dma_start3A_28 : memref<128xi32, #tpu.memory_space<vmem>>) semaphore(%arg7 : memref<!tpu.dma_semaphore, #tpu.memory_space<semaphore_mem>>) {add = true}
    %scan3A_32 = arith.constant 0 : i32
    %scan3A_33 = arith.constant 2 : i32
    %scan3A_34 = arith.constant 78 : i32
    %scan3A_35 = arith.addi %scan3A_33, %scan3A_34 : i32
    %scan3A_36 = arith.constant 1 : i32
    %scan3A_37 = scf.for %scan3A_73 = %scan3A_33 to %scan3A_35 step %scan3A_36 iter_args(%scan3A_74 = %scan3A_32) -> (i32)  : i32 {
      %dma_start3A_75 = arith.constant 0 : i32
      %dma_start3A_76 = tpu.memref_slice %arg4[%scan3A_73, %dma_start3A_75] : memref<80x128xi32, #tpu.memory_space<vmem>> -> memref<1x128xi32, #tpu.memory_space<vmem>>
      %dma_start3A_77 = tpu.memref_squeeze %dma_start3A_76 : memref<1x128xi32, #tpu.memory_space<vmem>> -> memref<128xi32, #tpu.memory_space<vmem>>
      %dma_start3A_78 = arith.constant 0 : i32
      %dma_start3A_79 = arith.constant 0 : i32
      %dma_start3A_80 = tpu.memref_slice %arg8[%dma_start3A_78, %dma_start3A_79] : memref<10112x128xf32, #tpu.memory_space<vmem_shared>> -> memref<10112x128xf32, #tpu.memory_space<vmem_shared>>
      tpu.enqueue_indirect_dma source(%arg5 : memref<128x128xf32, #tpu.memory_space<vmem>>) target(%dma_start3A_80 : memref<10112x128xf32, #tpu.memory_space<vmem_shared>>) offsets(%dma_start3A_77 : memref<128xi32, #tpu.memory_space<vmem>>) semaphore(%arg7 : memref<!tpu.dma_semaphore, #tpu.memory_space<semaphore_mem>>) {add = true}
      %dma_wait3A_81 = arith.constant 0 : i32
      %dma_wait3A_82 = tpu.memref_slice %arg4[%scan3A_73, %dma_wait3A_81] : memref<80x128xi32, #tpu.memory_space<vmem>> -> memref<1x128xi32, #tpu.memory_space<vmem>>
      %dma_wait3A_83 = tpu.memref_squeeze %dma_wait3A_82 : memref<1x128xi32, #tpu.memory_space<vmem>> -> memref<128xi32, #tpu.memory_space<vmem>>
      %dma_wait3A_84 = arith.constant 0 : i32
      %dma_wait3A_85 = arith.constant 0 : i32
      %dma_wait3A_86 = tpu.memref_slice %arg8[%dma_wait3A_84, %dma_wait3A_85] : memref<10112x128xf32, #tpu.memory_space<vmem_shared>> -> memref<10112x128xf32, #tpu.memory_space<vmem_shared>>
      tpu.wait_indirect_dma semaphore(%arg7 : memref<!tpu.dma_semaphore, #tpu.memory_space<semaphore_mem>>) src(%arg5 : memref<128x128xf32, #tpu.memory_space<vmem>>) dst(%dma_wait3A_86 : memref<10112x128xf32, #tpu.memory_space<vmem_shared>>)
      %scan3A_87 = arith.constant 0 : i32
      scf.yield %scan3A_87 : i32
    }
    %scan3A_38 = arith.constant 78 : i32
    %dma_wait3A = arith.constant 0 : i32
    %dma_wait3A_39 = arith.constant 0 : i32
    %dma_wait3A_40 = tpu.memref_slice %arg4[%dma_wait3A, %dma_wait3A_39] : memref<80x128xi32, #tpu.memory_space<vmem>> -> memref<1x128xi32, #tpu.memory_space<vmem>>
    %dma_wait3A_41 = tpu.memref_squeeze %dma_wait3A_40 : memref<1x128xi32, #tpu.memory_space<vmem>> -> memref<128xi32, #tpu.memory_space<vmem>>
    %dma_wait3A_42 = arith.constant 0 : i32
    %dma_wait3A_43 = arith.constant 0 : i32
    %dma_wait3A_44 = tpu.memref_slice %arg8[%dma_wait3A_42, %dma_wait3A_43] : memref<10112x128xf32, #tpu.memory_space<vmem_shared>> -> memref<10112x128xf32, #tpu.memory_space<vmem_shared>>
    tpu.wait_indirect_dma semaphore(%arg7 : memref<!tpu.dma_semaphore, #tpu.memory_space<semaphore_mem>>) src(%arg5 : memref<128x128xf32, #tpu.memory_space<vmem>>) dst(%dma_wait3A_44 : memref<10112x128xf32, #tpu.memory_space<vmem_shared>>)
    %dma_wait3A_45 = arith.constant 1 : i32
    %dma_wait3A_46 = arith.constant 0 : i32
    %dma_wait3A_47 = tpu.memref_slice %arg4[%dma_wait3A_45, %dma_wait3A_46] : memref<80x128xi32, #tpu.memory_space<vmem>> -> memref<1x128xi32, #tpu.memory_space<vmem>>
    %dma_wait3A_48 = tpu.memref_squeeze %dma_wait3A_47 : memref<1x128xi32, #tpu.memory_space<vmem>> -> memref<128xi32, #tpu.memory_space<vmem>>
    %dma_wait3A_49 = arith.constant 0 : i32
    %dma_wait3A_50 = arith.constant 0 : i32
    %dma_wait3A_51 = tpu.memref_slice %arg8[%dma_wait3A_49, %dma_wait3A_50] : memref<10112x128xf32, #tpu.memory_space<vmem_shared>> -> memref<10112x128xf32, #tpu.memory_space<vmem_shared>>
    tpu.wait_indirect_dma semaphore(%arg7 : memref<!tpu.dma_semaphore, #tpu.memory_space<semaphore_mem>>) src(%arg5 : memref<128x128xf32, #tpu.memory_space<vmem>>) dst(%dma_wait3A_51 : memref<10112x128xf32, #tpu.memory_space<vmem_shared>>)
    %barrier3A_52 = arith.constant 0 : index
    tpu.barrier barrier_id(%barrier3A_52)
    %add3A_53 = arith.constant 0 : i32
    %add3A_54 = arith.addi %mul3A_8, %add3A_53 : i32
    "tpu.region"() ({
      %run_scoped3A = tpu.sem_alloc : memref<!tpu.dma_semaphore, #tpu.memory_space<semaphore_mem>>
      %dma_start3A_73 = arith.constant 0 : i32
      %dma_start3A_74 = arith.constant 0 : i32
      %dma_start3A_75 = tpu.memref_slice %arg6[%dma_start3A_73, %dma_start3A_74] : memref<128x128xf32, #tpu.memory_space<vmem>> -> memref<128x128xf32, #tpu.memory_space<vmem>>
      %dma_start3A_76 = arith.constant 0 : i32
      %dma_start3A_77 = tpu.memref_slice %arg8[%add3A_54, %dma_start3A_76] : memref<10112x128xf32, #tpu.memory_space<vmem_shared>> -> memref<128x128xf32, #tpu.memory_space<vmem_shared>>
      %dma_start3A_78 = arith.constant 0 : i32
      %dma_start3A_79 = arith.constant 0 : i32
      %dma_start3A_80 = tpu.memref_slice %arg6[%dma_start3A_78, %dma_start3A_79] : memref<128x128xf32, #tpu.memory_space<vmem>> -> memref<128x128xf32, #tpu.memory_space<vmem>>
      %dma_start3A_81 = arith.constant 0 : i32
      %dma_start3A_82 = tpu.memref_slice %arg8[%add3A_54, %dma_start3A_81] : memref<10112x128xf32, #tpu.memory_space<vmem_shared>> -> memref<128x128xf32, #tpu.memory_space<vmem_shared>>
      tpu.enqueue_dma source(%dma_start3A_82 : memref<128x128xf32, #tpu.memory_space<vmem_shared>>) target(%dma_start3A_80 : memref<128x128xf32, #tpu.memory_space<vmem>>) target_semaphore(%run_scoped3A : memref<!tpu.dma_semaphore, #tpu.memory_space<semaphore_mem>>)
      %dma_wait3A_83 = arith.constant 0 : i32
      %dma_wait3A_84 = arith.constant 0 : i32
      %dma_wait3A_85 = tpu.memref_slice %arg6[%dma_wait3A_83, %dma_wait3A_84] : memref<128x128xf32, #tpu.memory_space<vmem>> -> memref<128x128xf32, #tpu.memory_space<vmem>>
      %dma_wait3A_86 = arith.constant 0 : i32
      %dma_wait3A_87 = tpu.memref_slice %arg8[%add3A_54, %dma_wait3A_86] : memref<10112x128xf32, #tpu.memory_space<vmem_shared>> -> memref<128x128xf32, #tpu.memory_space<vmem_shared>>
      %dma_wait3A_88 = arith.constant 0 : i32
      %dma_wait3A_89 = arith.constant 0 : i32
      %dma_wait3A_90 = tpu.memref_slice %arg6[%dma_wait3A_88, %dma_wait3A_89] : memref<128x128xf32, #tpu.memory_space<vmem>> -> memref<128x128xf32, #tpu.memory_space<vmem>>
      %dma_wait3A_91 = arith.constant 0 : i32
      %dma_wait3A_92 = tpu.memref_slice %arg8[%add3A_54, %dma_wait3A_91] : memref<10112x128xf32, #tpu.memory_space<vmem_shared>> -> memref<128x128xf32, #tpu.memory_space<vmem_shared>>
      tpu.wait_dma2 semaphore(%run_scoped3A : memref<!tpu.dma_semaphore, #tpu.memory_space<semaphore_mem>>) src(%dma_wait3A_92 : memref<128x128xf32, #tpu.memory_space<vmem_shared>>) dst(%dma_wait3A_90 : memref<128x128xf32, #tpu.memory_space<vmem>>)
      tpu.yield
    }) : () -> ()
    %add3A_55 = arith.constant 0 : i32
    %add3A_56 = arith.addi %mul3A_8, %add3A_55 : i32
    "tpu.region"() ({
      %run_scoped3A = tpu.sem_alloc : memref<!tpu.dma_semaphore, #tpu.memory_space<semaphore_mem>>
      %dma_start3A_73 = arith.constant 0 : i32
      %dma_start3A_74 = arith.constant 0 : i32
      %dma_start3A_75 = tpu.memref_slice %arg6[%dma_start3A_73, %dma_start3A_74] : memref<128x128xf32, #tpu.memory_space<vmem>> -> memref<128x128xf32, #tpu.memory_space<vmem>>
      %dma_start3A_76 = arith.constant 0 : i32
      %dma_start3A_77 = tpu.memref_slice %arg3[%arg0, %add3A_56, %dma_start3A_76] : memref<2x10112x128xf32, #tpu.memory_space<hbm>> -> memref<1x128x128xf32, #tpu.memory_space<hbm>>
      %dma_start3A_78 = tpu.memref_squeeze %dma_start3A_77 : memref<1x128x128xf32, #tpu.memory_space<hbm>> -> memref<128x128xf32, #tpu.memory_space<hbm>>
      %dma_start3A_79 = arith.constant 0 : i32
      %dma_start3A_80 = tpu.memref_slice %arg3[%arg0, %add3A_56, %dma_start3A_79] : memref<2x10112x128xf32, #tpu.memory_space<hbm>> -> memref<1x128x128xf32, #tpu.memory_space<hbm>>
      %dma_start3A_81 = tpu.memref_squeeze %dma_start3A_80 : memref<1x128x128xf32, #tpu.memory_space<hbm>> -> memref<128x128xf32, #tpu.memory_space<hbm>>
      %dma_start3A_82 = arith.constant 0 : i32
      %dma_start3A_83 = arith.constant 0 : i32
      %dma_start3A_84 = tpu.memref_slice %arg6[%dma_start3A_82, %dma_start3A_83] : memref<128x128xf32, #tpu.memory_space<vmem>> -> memref<128x128xf32, #tpu.memory_space<vmem>>
      tpu.enqueue_dma source(%dma_start3A_84 : memref<128x128xf32, #tpu.memory_space<vmem>>) target(%dma_start3A_81 : memref<128x128xf32, #tpu.memory_space<hbm>>) target_semaphore(%run_scoped3A : memref<!tpu.dma_semaphore, #tpu.memory_space<semaphore_mem>>)
      %dma_wait3A_85 = arith.constant 0 : i32
      %dma_wait3A_86 = arith.constant 0 : i32
      %dma_wait3A_87 = tpu.memref_slice %arg6[%dma_wait3A_85, %dma_wait3A_86] : memref<128x128xf32, #tpu.memory_space<vmem>> -> memref<128x128xf32, #tpu.memory_space<vmem>>
      %dma_wait3A_88 = arith.constant 0 : i32
      %dma_wait3A_89 = tpu.memref_slice %arg3[%arg0, %add3A_56, %dma_wait3A_88] : memref<2x10112x128xf32, #tpu.memory_space<hbm>> -> memref<1x128x128xf32, #tpu.memory_space<hbm>>
      %dma_wait3A_90 = tpu.memref_squeeze %dma_wait3A_89 : memref<1x128x128xf32, #tpu.memory_space<hbm>> -> memref<128x128xf32, #tpu.memory_space<hbm>>
      %dma_wait3A_91 = arith.constant 0 : i32
      %dma_wait3A_92 = tpu.memref_slice %arg3[%arg0, %add3A_56, %dma_wait3A_91] : memref<2x10112x128xf32, #tpu.memory_space<hbm>> -> memref<1x128x128xf32, #tpu.memory_space<hbm>>
      %dma_wait3A_93 = tpu.memref_squeeze %dma_wait3A_92 : memref<1x128x128xf32, #tpu.memory_space<hbm>> -> memref<128x128xf32, #tpu.memory_space<hbm>>
      %dma_wait3A_94 = arith.constant 0 : i32
      %dma_wait3A_95 = arith.constant 0 : i32
      %dma_wait3A_96 = tpu.memref_slice %arg6[%dma_wait3A_94, %dma_wait3A_95] : memref<128x128xf32, #tpu.memory_space<vmem>> -> memref<128x128xf32, #tpu.memory_space<vmem>>
      tpu.wait_dma2 semaphore(%run_scoped3A : memref<!tpu.dma_semaphore, #tpu.memory_space<semaphore_mem>>) src(%dma_wait3A_96 : memref<128x128xf32, #tpu.memory_space<vmem>>) dst(%dma_wait3A_93 : memref<128x128xf32, #tpu.memory_space<hbm>>)
      tpu.yield
    }) : () -> ()
    %add3A_57 = arith.constant 128 : i32
    %add3A_58 = arith.addi %mul3A_8, %add3A_57 : i32
    "tpu.region"() ({
      %run_scoped3A = tpu.sem_alloc : memref<!tpu.dma_semaphore, #tpu.memory_space<semaphore_mem>>
      %dma_start3A_73 = arith.constant 0 : i32
      %dma_start3A_74 = arith.constant 0 : i32
      %dma_start3A_75 = tpu.memref_slice %arg6[%dma_start3A_73, %dma_start3A_74] : memref<128x128xf32, #tpu.memory_space<vmem>> -> memref<128x128xf32, #tpu.memory_space<vmem>>
      %dma_start3A_76 = arith.constant 0 : i32
      %dma_start3A_77 = tpu.memref_slice %arg8[%add3A_58, %dma_start3A_76] : memref<10112x128xf32, #tpu.memory_space<vmem_shared>> -> memref<128x128xf32, #tpu.memory_space<vmem_shared>>
      %dma_start3A_78 = arith.constant 0 : i32
      %dma_start3A_79 = arith.constant 0 : i32
      %dma_start3A_80 = tpu.memref_slice %arg6[%dma_start3A_78, %dma_start3A_79] : memref<128x128xf32, #tpu.memory_space<vmem>> -> memref<128x128xf32, #tpu.memory_space<vmem>>
      %dma_start3A_81 = arith.constant 0 : i32
      %dma_start3A_82 = tpu.memref_slice %arg8[%add3A_58, %dma_start3A_81] : memref<10112x128xf32, #tpu.memory_space<vmem_shared>> -> memref<128x128xf32, #tpu.memory_space<vmem_shared>>
      tpu.enqueue_dma source(%dma_start3A_82 : memref<128x128xf32, #tpu.memory_space<vmem_shared>>) target(%dma_start3A_80 : memref<128x128xf32, #tpu.memory_space<vmem>>) target_semaphore(%run_scoped3A : memref<!tpu.dma_semaphore, #tpu.memory_space<semaphore_mem>>)
      %dma_wait3A_83 = arith.constant 0 : i32
      %dma_wait3A_84 = arith.constant 0 : i32
      %dma_wait3A_85 = tpu.memref_slice %arg6[%dma_wait3A_83, %dma_wait3A_84] : memref<128x128xf32, #tpu.memory_space<vmem>> -> memref<128x128xf32, #tpu.memory_space<vmem>>
      %dma_wait3A_86 = arith.constant 0 : i32
      %dma_wait3A_87 = tpu.memref_slice %arg8[%add3A_58, %dma_wait3A_86] : memref<10112x128xf32, #tpu.memory_space<vmem_shared>> -> memref<128x128xf32, #tpu.memory_space<vmem_shared>>
      %dma_wait3A_88 = arith.constant 0 : i32
      %dma_wait3A_89 = arith.constant 0 : i32
      %dma_wait3A_90 = tpu.memref_slice %arg6[%dma_wait3A_88, %dma_wait3A_89] : memref<128x128xf32, #tpu.memory_space<vmem>> -> memref<128x128xf32, #tpu.memory_space<vmem>>
      %dma_wait3A_91 = arith.constant 0 : i32
      %dma_wait3A_92 = tpu.memref_slice %arg8[%add3A_58, %dma_wait3A_91] : memref<10112x128xf32, #tpu.memory_space<vmem_shared>> -> memref<128x128xf32, #tpu.memory_space<vmem_shared>>
      tpu.wait_dma2 semaphore(%run_scoped3A : memref<!tpu.dma_semaphore, #tpu.memory_space<semaphore_mem>>) src(%dma_wait3A_92 : memref<128x128xf32, #tpu.memory_space<vmem_shared>>) dst(%dma_wait3A_90 : memref<128x128xf32, #tpu.memory_space<vmem>>)
      tpu.yield
    }) : () -> ()
    %add3A_59 = arith.constant 128 : i32
    %add3A_60 = arith.addi %mul3A_8, %add3A_59 : i32
    "tpu.region"() ({
      %run_scoped3A = tpu.sem_alloc : memref<!tpu.dma_semaphore, #tpu.memory_space<semaphore_mem>>
      %dma_start3A_73 = arith.constant 0 : i32
      %dma_start3A_74 = arith.constant 0 : i32
      %dma_start3A_75 = tpu.memref_slice %arg6[%dma_start3A_73, %dma_start3A_74] : memref<128x128xf32, #tpu.memory_space<vmem>> -> memref<128x128xf32, #tpu.memory_space<vmem>>
      %dma_start3A_76 = arith.constant 0 : i32
      %dma_start3A_77 = tpu.memref_slice %arg3[%arg0, %add3A_60, %dma_start3A_76] : memref<2x10112x128xf32, #tpu.memory_space<hbm>> -> memref<1x128x128xf32, #tpu.memory_space<hbm>>
      %dma_start3A_78 = tpu.memref_squeeze %dma_start3A_77 : memref<1x128x128xf32, #tpu.memory_space<hbm>> -> memref<128x128xf32, #tpu.memory_space<hbm>>
      %dma_start3A_79 = arith.constant 0 : i32
      %dma_start3A_80 = tpu.memref_slice %arg3[%arg0, %add3A_60, %dma_start3A_79] : memref<2x10112x128xf32, #tpu.memory_space<hbm>> -> memref<1x128x128xf32, #tpu.memory_space<hbm>>
      %dma_start3A_81 = tpu.memref_squeeze %dma_start3A_80 : memref<1x128x128xf32, #tpu.memory_space<hbm>> -> memref<128x128xf32, #tpu.memory_space<hbm>>
      %dma_start3A_82 = arith.constant 0 : i32
      %dma_start3A_83 = arith.constant 0 : i32
      %dma_start3A_84 = tpu.memref_slice %arg6[%dma_start3A_82, %dma_start3A_83] : memref<128x128xf32, #tpu.memory_space<vmem>> -> memref<128x128xf32, #tpu.memory_space<vmem>>
      tpu.enqueue_dma source(%dma_start3A_84 : memref<128x128xf32, #tpu.memory_space<vmem>>) target(%dma_start3A_81 : memref<128x128xf32, #tpu.memory_space<hbm>>) target_semaphore(%run_scoped3A : memref<!tpu.dma_semaphore, #tpu.memory_space<semaphore_mem>>)
      %dma_wait3A_85 = arith.constant 0 : i32
      %dma_wait3A_86 = arith.constant 0 : i32
      %dma_wait3A_87 = tpu.memref_slice %arg6[%dma_wait3A_85, %dma_wait3A_86] : memref<128x128xf32, #tpu.memory_space<vmem>> -> memref<128x128xf32, #tpu.memory_space<vmem>>
      %dma_wait3A_88 = arith.constant 0 : i32
      %dma_wait3A_89 = tpu.memref_slice %arg3[%arg0, %add3A_60, %dma_wait3A_88] : memref<2x10112x128xf32, #tpu.memory_space<hbm>> -> memref<1x128x128xf32, #tpu.memory_space<hbm>>
      %dma_wait3A_90 = tpu.memref_squeeze %dma_wait3A_89 : memref<1x128x128xf32, #tpu.memory_space<hbm>> -> memref<128x128xf32, #tpu.memory_space<hbm>>
      %dma_wait3A_91 = arith.constant 0 : i32
      %dma_wait3A_92 = tpu.memref_slice %arg3[%arg0, %add3A_60, %dma_wait3A_91] : memref<2x10112x128xf32, #tpu.memory_space<hbm>> -> memref<1x128x128xf32, #tpu.memory_space<hbm>>
      %dma_wait3A_93 = tpu.memref_squeeze %dma_wait3A_92 : memref<1x128x128xf32, #tpu.memory_space<hbm>> -> memref<128x128xf32, #tpu.memory_space<hbm>>
      %dma_wait3A_94 = arith.constant 0 : i32
      %dma_wait3A_95 = arith.constant 0 : i32
      %dma_wait3A_96 = tpu.memref_slice %arg6[%dma_wait3A_94, %dma_wait3A_95] : memref<128x128xf32, #tpu.memory_space<vmem>> -> memref<128x128xf32, #tpu.memory_space<vmem>>
      tpu.wait_dma2 semaphore(%run_scoped3A : memref<!tpu.dma_semaphore, #tpu.memory_space<semaphore_mem>>) src(%dma_wait3A_96 : memref<128x128xf32, #tpu.memory_space<vmem>>) dst(%dma_wait3A_93 : memref<128x128xf32, #tpu.memory_space<hbm>>)
      tpu.yield
    }) : () -> ()
    %add3A_61 = arith.constant 256 : i32
    %add3A_62 = arith.addi %mul3A_8, %add3A_61 : i32
    "tpu.region"() ({
      %run_scoped3A = tpu.sem_alloc : memref<!tpu.dma_semaphore, #tpu.memory_space<semaphore_mem>>
      %dma_start3A_73 = arith.constant 0 : i32
      %dma_start3A_74 = arith.constant 0 : i32
      %dma_start3A_75 = tpu.memref_slice %arg6[%dma_start3A_73, %dma_start3A_74] : memref<128x128xf32, #tpu.memory_space<vmem>> -> memref<128x128xf32, #tpu.memory_space<vmem>>
      %dma_start3A_76 = arith.constant 0 : i32
      %dma_start3A_77 = tpu.memref_slice %arg8[%add3A_62, %dma_start3A_76] : memref<10112x128xf32, #tpu.memory_space<vmem_shared>> -> memref<128x128xf32, #tpu.memory_space<vmem_shared>>
      %dma_start3A_78 = arith.constant 0 : i32
      %dma_start3A_79 = arith.constant 0 : i32
      %dma_start3A_80 = tpu.memref_slice %arg6[%dma_start3A_78, %dma_start3A_79] : memref<128x128xf32, #tpu.memory_space<vmem>> -> memref<128x128xf32, #tpu.memory_space<vmem>>
      %dma_start3A_81 = arith.constant 0 : i32
      %dma_start3A_82 = tpu.memref_slice %arg8[%add3A_62, %dma_start3A_81] : memref<10112x128xf32, #tpu.memory_space<vmem_shared>> -> memref<128x128xf32, #tpu.memory_space<vmem_shared>>
      tpu.enqueue_dma source(%dma_start3A_82 : memref<128x128xf32, #tpu.memory_space<vmem_shared>>) target(%dma_start3A_80 : memref<128x128xf32, #tpu.memory_space<vmem>>) target_semaphore(%run_scoped3A : memref<!tpu.dma_semaphore, #tpu.memory_space<semaphore_mem>>)
      %dma_wait3A_83 = arith.constant 0 : i32
      %dma_wait3A_84 = arith.constant 0 : i32
      %dma_wait3A_85 = tpu.memref_slice %arg6[%dma_wait3A_83, %dma_wait3A_84] : memref<128x128xf32, #tpu.memory_space<vmem>> -> memref<128x128xf32, #tpu.memory_space<vmem>>
      %dma_wait3A_86 = arith.constant 0 : i32
      %dma_wait3A_87 = tpu.memref_slice %arg8[%add3A_62, %dma_wait3A_86] : memref<10112x128xf32, #tpu.memory_space<vmem_shared>> -> memref<128x128xf32, #tpu.memory_space<vmem_shared>>
      %dma_wait3A_88 = arith.constant 0 : i32
      %dma_wait3A_89 = arith.constant 0 : i32
      %dma_wait3A_90 = tpu.memref_slice %arg6[%dma_wait3A_88, %dma_wait3A_89] : memref<128x128xf32, #tpu.memory_space<vmem>> -> memref<128x128xf32, #tpu.memory_space<vmem>>
      %dma_wait3A_91 = arith.constant 0 : i32
      %dma_wait3A_92 = tpu.memref_slice %arg8[%add3A_62, %dma_wait3A_91] : memref<10112x128xf32, #tpu.memory_space<vmem_shared>> -> memref<128x128xf32, #tpu.memory_space<vmem_shared>>
      tpu.wait_dma2 semaphore(%run_scoped3A : memref<!tpu.dma_semaphore, #tpu.memory_space<semaphore_mem>>) src(%dma_wait3A_92 : memref<128x128xf32, #tpu.memory_space<vmem_shared>>) dst(%dma_wait3A_90 : memref<128x128xf32, #tpu.memory_space<vmem>>)
      tpu.yield
    }) : () -> ()
    %add3A_63 = arith.constant 256 : i32
    %add3A_64 = arith.addi %mul3A_8, %add3A_63 : i32
    "tpu.region"() ({
      %run_scoped3A = tpu.sem_alloc : memref<!tpu.dma_semaphore, #tpu.memory_space<semaphore_mem>>
      %dma_start3A_73 = arith.constant 0 : i32
      %dma_start3A_74 = arith.constant 0 : i32
      %dma_start3A_75 = tpu.memref_slice %arg6[%dma_start3A_73, %dma_start3A_74] : memref<128x128xf32, #tpu.memory_space<vmem>> -> memref<128x128xf32, #tpu.memory_space<vmem>>
      %dma_start3A_76 = arith.constant 0 : i32
      %dma_start3A_77 = tpu.memref_slice %arg3[%arg0, %add3A_64, %dma_start3A_76] : memref<2x10112x128xf32, #tpu.memory_space<hbm>> -> memref<1x128x128xf32, #tpu.memory_space<hbm>>
      %dma_start3A_78 = tpu.memref_squeeze %dma_start3A_77 : memref<1x128x128xf32, #tpu.memory_space<hbm>> -> memref<128x128xf32, #tpu.memory_space<hbm>>
      %dma_start3A_79 = arith.constant 0 : i32
      %dma_start3A_80 = tpu.memref_slice %arg3[%arg0, %add3A_64, %dma_start3A_79] : memref<2x10112x128xf32, #tpu.memory_space<hbm>> -> memref<1x128x128xf32, #tpu.memory_space<hbm>>
      %dma_start3A_81 = tpu.memref_squeeze %dma_start3A_80 : memref<1x128x128xf32, #tpu.memory_space<hbm>> -> memref<128x128xf32, #tpu.memory_space<hbm>>
      %dma_start3A_82 = arith.constant 0 : i32
      %dma_start3A_83 = arith.constant 0 : i32
      %dma_start3A_84 = tpu.memref_slice %arg6[%dma_start3A_82, %dma_start3A_83] : memref<128x128xf32, #tpu.memory_space<vmem>> -> memref<128x128xf32, #tpu.memory_space<vmem>>
      tpu.enqueue_dma source(%dma_start3A_84 : memref<128x128xf32, #tpu.memory_space<vmem>>) target(%dma_start3A_81 : memref<128x128xf32, #tpu.memory_space<hbm>>) target_semaphore(%run_scoped3A : memref<!tpu.dma_semaphore, #tpu.memory_space<semaphore_mem>>)
      %dma_wait3A_85 = arith.constant 0 : i32
      %dma_wait3A_86 = arith.constant 0 : i32
      %dma_wait3A_87 = tpu.memref_slice %arg6[%dma_wait3A_85, %dma_wait3A_86] : memref<128x128xf32, #tpu.memory_space<vmem>> -> memref<128x128xf32, #tpu.memory_space<vmem>>
      %dma_wait3A_88 = arith.constant 0 : i32
      %dma_wait3A_89 = tpu.memref_slice %arg3[%arg0, %add3A_64, %dma_wait3A_88] : memref<2x10112x128xf32, #tpu.memory_space<hbm>> -> memref<1x128x128xf32, #tpu.memory_space<hbm>>
      %dma_wait3A_90 = tpu.memref_squeeze %dma_wait3A_89 : memref<1x128x128xf32, #tpu.memory_space<hbm>> -> memref<128x128xf32, #tpu.memory_space<hbm>>
      %dma_wait3A_91 = arith.constant 0 : i32
      %dma_wait3A_92 = tpu.memref_slice %arg3[%arg0, %add3A_64, %dma_wait3A_91] : memref<2x10112x128xf32, #tpu.memory_space<hbm>> -> memref<1x128x128xf32, #tpu.memory_space<hbm>>
      %dma_wait3A_93 = tpu.memref_squeeze %dma_wait3A_92 : memref<1x128x128xf32, #tpu.memory_space<hbm>> -> memref<128x128xf32, #tpu.memory_space<hbm>>
      %dma_wait3A_94 = arith.constant 0 : i32
      %dma_wait3A_95 = arith.constant 0 : i32
      %dma_wait3A_96 = tpu.memref_slice %arg6[%dma_wait3A_94, %dma_wait3A_95] : memref<128x128xf32, #tpu.memory_space<vmem>> -> memref<128x128xf32, #tpu.memory_space<vmem>>
      tpu.wait_dma2 semaphore(%run_scoped3A : memref<!tpu.dma_semaphore, #tpu.memory_space<semaphore_mem>>) src(%dma_wait3A_96 : memref<128x128xf32, #tpu.memory_space<vmem>>) dst(%dma_wait3A_93 : memref<128x128xf32, #tpu.memory_space<hbm>>)
      tpu.yield
    }) : () -> ()
    %add3A_65 = arith.constant 384 : i32
    %add3A_66 = arith.addi %mul3A_8, %add3A_65 : i32
    "tpu.region"() ({
      %run_scoped3A = tpu.sem_alloc : memref<!tpu.dma_semaphore, #tpu.memory_space<semaphore_mem>>
      %dma_start3A_73 = arith.constant 0 : i32
      %dma_start3A_74 = arith.constant 0 : i32
      %dma_start3A_75 = tpu.memref_slice %arg6[%dma_start3A_73, %dma_start3A_74] : memref<128x128xf32, #tpu.memory_space<vmem>> -> memref<128x128xf32, #tpu.memory_space<vmem>>
      %dma_start3A_76 = arith.constant 0 : i32
      %dma_start3A_77 = tpu.memref_slice %arg8[%add3A_66, %dma_start3A_76] : memref<10112x128xf32, #tpu.memory_space<vmem_shared>> -> memref<128x128xf32, #tpu.memory_space<vmem_shared>>
      %dma_start3A_78 = arith.constant 0 : i32
      %dma_start3A_79 = arith.constant 0 : i32
      %dma_start3A_80 = tpu.memref_slice %arg6[%dma_start3A_78, %dma_start3A_79] : memref<128x128xf32, #tpu.memory_space<vmem>> -> memref<128x128xf32, #tpu.memory_space<vmem>>
      %dma_start3A_81 = arith.constant 0 : i32
      %dma_start3A_82 = tpu.memref_slice %arg8[%add3A_66, %dma_start3A_81] : memref<10112x128xf32, #tpu.memory_space<vmem_shared>> -> memref<128x128xf32, #tpu.memory_space<vmem_shared>>
      tpu.enqueue_dma source(%dma_start3A_82 : memref<128x128xf32, #tpu.memory_space<vmem_shared>>) target(%dma_start3A_80 : memref<128x128xf32, #tpu.memory_space<vmem>>) target_semaphore(%run_scoped3A : memref<!tpu.dma_semaphore, #tpu.memory_space<semaphore_mem>>)
      %dma_wait3A_83 = arith.constant 0 : i32
      %dma_wait3A_84 = arith.constant 0 : i32
      %dma_wait3A_85 = tpu.memref_slice %arg6[%dma_wait3A_83, %dma_wait3A_84] : memref<128x128xf32, #tpu.memory_space<vmem>> -> memref<128x128xf32, #tpu.memory_space<vmem>>
      %dma_wait3A_86 = arith.constant 0 : i32
      %dma_wait3A_87 = tpu.memref_slice %arg8[%add3A_66, %dma_wait3A_86] : memref<10112x128xf32, #tpu.memory_space<vmem_shared>> -> memref<128x128xf32, #tpu.memory_space<vmem_shared>>
      %dma_wait3A_88 = arith.constant 0 : i32
      %dma_wait3A_89 = arith.constant 0 : i32
      %dma_wait3A_90 = tpu.memref_slice %arg6[%dma_wait3A_88, %dma_wait3A_89] : memref<128x128xf32, #tpu.memory_space<vmem>> -> memref<128x128xf32, #tpu.memory_space<vmem>>
      %dma_wait3A_91 = arith.constant 0 : i32
      %dma_wait3A_92 = tpu.memref_slice %arg8[%add3A_66, %dma_wait3A_91] : memref<10112x128xf32, #tpu.memory_space<vmem_shared>> -> memref<128x128xf32, #tpu.memory_space<vmem_shared>>
      tpu.wait_dma2 semaphore(%run_scoped3A : memref<!tpu.dma_semaphore, #tpu.memory_space<semaphore_mem>>) src(%dma_wait3A_92 : memref<128x128xf32, #tpu.memory_space<vmem_shared>>) dst(%dma_wait3A_90 : memref<128x128xf32, #tpu.memory_space<vmem>>)
      tpu.yield
    }) : () -> ()
    %add3A_67 = arith.constant 384 : i32
    %add3A_68 = arith.addi %mul3A_8, %add3A_67 : i32
    "tpu.region"() ({
      %run_scoped3A = tpu.sem_alloc : memref<!tpu.dma_semaphore, #tpu.memory_space<semaphore_mem>>
      %dma_start3A_73 = arith.constant 0 : i32
      %dma_start3A_74 = arith.constant 0 : i32
      %dma_start3A_75 = tpu.memref_slice %arg6[%dma_start3A_73, %dma_start3A_74] : memref<128x128xf32, #tpu.memory_space<vmem>> -> memref<128x128xf32, #tpu.memory_space<vmem>>
      %dma_start3A_76 = arith.constant 0 : i32
      %dma_start3A_77 = tpu.memref_slice %arg3[%arg0, %add3A_68, %dma_start3A_76] : memref<2x10112x128xf32, #tpu.memory_space<hbm>> -> memref<1x128x128xf32, #tpu.memory_space<hbm>>
      %dma_start3A_78 = tpu.memref_squeeze %dma_start3A_77 : memref<1x128x128xf32, #tpu.memory_space<hbm>> -> memref<128x128xf32, #tpu.memory_space<hbm>>
      %dma_start3A_79 = arith.constant 0 : i32
      %dma_start3A_80 = tpu.memref_slice %arg3[%arg0, %add3A_68, %dma_start3A_79] : memref<2x10112x128xf32, #tpu.memory_space<hbm>> -> memref<1x128x128xf32, #tpu.memory_space<hbm>>
      %dma_start3A_81 = tpu.memref_squeeze %dma_start3A_80 : memref<1x128x128xf32, #tpu.memory_space<hbm>> -> memref<128x128xf32, #tpu.memory_space<hbm>>
      %dma_start3A_82 = arith.constant 0 : i32
      %dma_start3A_83 = arith.constant 0 : i32
      %dma_start3A_84 = tpu.memref_slice %arg6[%dma_start3A_82, %dma_start3A_83] : memref<128x128xf32, #tpu.memory_space<vmem>> -> memref<128x128xf32, #tpu.memory_space<vmem>>
      tpu.enqueue_dma source(%dma_start3A_84 : memref<128x128xf32, #tpu.memory_space<vmem>>) target(%dma_start3A_81 : memref<128x128xf32, #tpu.memory_space<hbm>>) target_semaphore(%run_scoped3A : memref<!tpu.dma_semaphore, #tpu.memory_space<semaphore_mem>>)
      %dma_wait3A_85 = arith.constant 0 : i32
      %dma_wait3A_86 = arith.constant 0 : i32
      %dma_wait3A_87 = tpu.memref_slice %arg6[%dma_wait3A_85, %dma_wait3A_86] : memref<128x128xf32, #tpu.memory_space<vmem>> -> memref<128x128xf32, #tpu.memory_space<vmem>>
      %dma_wait3A_88 = arith.constant 0 : i32
      %dma_wait3A_89 = tpu.memref_slice %arg3[%arg0, %add3A_68, %dma_wait3A_88] : memref<2x10112x128xf32, #tpu.memory_space<hbm>> -> memref<1x128x128xf32, #tpu.memory_space<hbm>>
      %dma_wait3A_90 = tpu.memref_squeeze %dma_wait3A_89 : memref<1x128x128xf32, #tpu.memory_space<hbm>> -> memref<128x128xf32, #tpu.memory_space<hbm>>
      %dma_wait3A_91 = arith.constant 0 : i32
      %dma_wait3A_92 = tpu.memref_slice %arg3[%arg0, %add3A_68, %dma_wait3A_91] : memref<2x10112x128xf32, #tpu.memory_space<hbm>> -> memref<1x128x128xf32, #tpu.memory_space<hbm>>
      %dma_wait3A_93 = tpu.memref_squeeze %dma_wait3A_92 : memref<1x128x128xf32, #tpu.memory_space<hbm>> -> memref<128x128xf32, #tpu.memory_space<hbm>>
      %dma_wait3A_94 = arith.constant 0 : i32
      %dma_wait3A_95 = arith.constant 0 : i32
      %dma_wait3A_96 = tpu.memref_slice %arg6[%dma_wait3A_94, %dma_wait3A_95] : memref<128x128xf32, #tpu.memory_space<vmem>> -> memref<128x128xf32, #tpu.memory_space<vmem>>
      tpu.wait_dma2 semaphore(%run_scoped3A : memref<!tpu.dma_semaphore, #tpu.memory_space<semaphore_mem>>) src(%dma_wait3A_96 : memref<128x128xf32, #tpu.memory_space<vmem>>) dst(%dma_wait3A_93 : memref<128x128xf32, #tpu.memory_space<hbm>>)
      tpu.yield
    }) : () -> ()
    %add3A_69 = arith.constant 512 : i32
    %add3A_70 = arith.addi %mul3A_8, %add3A_69 : i32
    "tpu.region"() ({
      %run_scoped3A = tpu.sem_alloc : memref<!tpu.dma_semaphore, #tpu.memory_space<semaphore_mem>>
      %dma_start3A_73 = arith.constant 0 : i32
      %dma_start3A_74 = arith.constant 0 : i32
      %dma_start3A_75 = tpu.memref_slice %arg6[%dma_start3A_73, %dma_start3A_74] : memref<128x128xf32, #tpu.memory_space<vmem>> -> memref<120x128xf32, #tpu.memory_space<vmem>>
      %dma_start3A_76 = arith.constant 0 : i32
      %dma_start3A_77 = tpu.memref_slice %arg8[%add3A_70, %dma_start3A_76] : memref<10112x128xf32, #tpu.memory_space<vmem_shared>> -> memref<120x128xf32, #tpu.memory_space<vmem_shared>>
      %dma_start3A_78 = arith.constant 0 : i32
      %dma_start3A_79 = arith.constant 0 : i32
      %dma_start3A_80 = tpu.memref_slice %arg6[%dma_start3A_78, %dma_start3A_79] : memref<128x128xf32, #tpu.memory_space<vmem>> -> memref<120x128xf32, #tpu.memory_space<vmem>>
      %dma_start3A_81 = arith.constant 0 : i32
      %dma_start3A_82 = tpu.memref_slice %arg8[%add3A_70, %dma_start3A_81] : memref<10112x128xf32, #tpu.memory_space<vmem_shared>> -> memref<120x128xf32, #tpu.memory_space<vmem_shared>>
      tpu.enqueue_dma source(%dma_start3A_82 : memref<120x128xf32, #tpu.memory_space<vmem_shared>>) target(%dma_start3A_80 : memref<120x128xf32, #tpu.memory_space<vmem>>) target_semaphore(%run_scoped3A : memref<!tpu.dma_semaphore, #tpu.memory_space<semaphore_mem>>)
      %dma_wait3A_83 = arith.constant 0 : i32
      %dma_wait3A_84 = arith.constant 0 : i32
      %dma_wait3A_85 = tpu.memref_slice %arg6[%dma_wait3A_83, %dma_wait3A_84] : memref<128x128xf32, #tpu.memory_space<vmem>> -> memref<120x128xf32, #tpu.memory_space<vmem>>
      %dma_wait3A_86 = arith.constant 0 : i32
      %dma_wait3A_87 = tpu.memref_slice %arg8[%add3A_70, %dma_wait3A_86] : memref<10112x128xf32, #tpu.memory_space<vmem_shared>> -> memref<120x128xf32, #tpu.memory_space<vmem_shared>>
      %dma_wait3A_88 = arith.constant 0 : i32
      %dma_wait3A_89 = arith.constant 0 : i32
      %dma_wait3A_90 = tpu.memref_slice %arg6[%dma_wait3A_88, %dma_wait3A_89] : memref<128x128xf32, #tpu.memory_space<vmem>> -> memref<120x128xf32, #tpu.memory_space<vmem>>
      %dma_wait3A_91 = arith.constant 0 : i32
      %dma_wait3A_92 = tpu.memref_slice %arg8[%add3A_70, %dma_wait3A_91] : memref<10112x128xf32, #tpu.memory_space<vmem_shared>> -> memref<120x128xf32, #tpu.memory_space<vmem_shared>>
      tpu.wait_dma2 semaphore(%run_scoped3A : memref<!tpu.dma_semaphore, #tpu.memory_space<semaphore_mem>>) src(%dma_wait3A_92 : memref<120x128xf32, #tpu.memory_space<vmem_shared>>) dst(%dma_wait3A_90 : memref<120x128xf32, #tpu.memory_space<vmem>>)
      tpu.yield
    }) : () -> ()
    %add3A_71 = arith.constant 512 : i32
    %add3A_72 = arith.addi %mul3A_8, %add3A_71 : i32
    "tpu.region"() ({
      %run_scoped3A = tpu.sem_alloc : memref<!tpu.dma_semaphore, #tpu.memory_space<semaphore_mem>>
      %dma_start3A_73 = arith.constant 0 : i32
      %dma_start3A_74 = arith.constant 0 : i32
      %dma_start3A_75 = tpu.memref_slice %arg6[%dma_start3A_73, %dma_start3A_74] : memref<128x128xf32, #tpu.memory_space<vmem>> -> memref<120x128xf32, #tpu.memory_space<vmem>>
      %dma_start3A_76 = arith.constant 0 : i32
      %dma_start3A_77 = tpu.memref_slice %arg3[%arg0, %add3A_72, %dma_start3A_76] : memref<2x10112x128xf32, #tpu.memory_space<hbm>> -> memref<1x120x128xf32, #tpu.memory_space<hbm>>
      %dma_start3A_78 = tpu.memref_squeeze %dma_start3A_77 : memref<1x120x128xf32, #tpu.memory_space<hbm>> -> memref<120x128xf32, #tpu.memory_space<hbm>>
      %dma_start3A_79 = arith.constant 0 : i32
      %dma_start3A_80 = tpu.memref_slice %arg3[%arg0, %add3A_72, %dma_start3A_79] : memref<2x10112x128xf32, #tpu.memory_space<hbm>> -> memref<1x120x128xf32, #tpu.memory_space<hbm>>
      %dma_start3A_81 = tpu.memref_squeeze %dma_start3A_80 : memref<1x120x128xf32, #tpu.memory_space<hbm>> -> memref<120x128xf32, #tpu.memory_space<hbm>>
      %dma_start3A_82 = arith.constant 0 : i32
      %dma_start3A_83 = arith.constant 0 : i32
      %dma_start3A_84 = tpu.memref_slice %arg6[%dma_start3A_82, %dma_start3A_83] : memref<128x128xf32, #tpu.memory_space<vmem>> -> memref<120x128xf32, #tpu.memory_space<vmem>>
      tpu.enqueue_dma source(%dma_start3A_84 : memref<120x128xf32, #tpu.memory_space<vmem>>) target(%dma_start3A_81 : memref<120x128xf32, #tpu.memory_space<hbm>>) target_semaphore(%run_scoped3A : memref<!tpu.dma_semaphore, #tpu.memory_space<semaphore_mem>>)
      %dma_wait3A_85 = arith.constant 0 : i32
      %dma_wait3A_86 = arith.constant 0 : i32
      %dma_wait3A_87 = tpu.memref_slice %arg6[%dma_wait3A_85, %dma_wait3A_86] : memref<128x128xf32, #tpu.memory_space<vmem>> -> memref<120x128xf32, #tpu.memory_space<vmem>>
      %dma_wait3A_88 = arith.constant 0 : i32
      %dma_wait3A_89 = tpu.memref_slice %arg3[%arg0, %add3A_72, %dma_wait3A_88] : memref<2x10112x128xf32, #tpu.memory_space<hbm>> -> memref<1x120x128xf32, #tpu.memory_space<hbm>>
      %dma_wait3A_90 = tpu.memref_squeeze %dma_wait3A_89 : memref<1x120x128xf32, #tpu.memory_space<hbm>> -> memref<120x128xf32, #tpu.memory_space<hbm>>
      %dma_wait3A_91 = arith.constant 0 : i32
      %dma_wait3A_92 = tpu.memref_slice %arg3[%arg0, %add3A_72, %dma_wait3A_91] : memref<2x10112x128xf32, #tpu.memory_space<hbm>> -> memref<1x120x128xf32, #tpu.memory_space<hbm>>
      %dma_wait3A_93 = tpu.memref_squeeze %dma_wait3A_92 : memref<1x120x128xf32, #tpu.memory_space<hbm>> -> memref<120x128xf32, #tpu.memory_space<hbm>>
      %dma_wait3A_94 = arith.constant 0 : i32
      %dma_wait3A_95 = arith.constant 0 : i32
      %dma_wait3A_96 = tpu.memref_slice %arg6[%dma_wait3A_94, %dma_wait3A_95] : memref<128x128xf32, #tpu.memory_space<vmem>> -> memref<120x128xf32, #tpu.memory_space<vmem>>
      tpu.wait_dma2 semaphore(%run_scoped3A : memref<!tpu.dma_semaphore, #tpu.memory_space<semaphore_mem>>) src(%dma_wait3A_96 : memref<120x128xf32, #tpu.memory_space<vmem>>) dst(%dma_wait3A_93 : memref<120x128xf32, #tpu.memory_space<hbm>>)
      tpu.yield
    }) : () -> ()
    return
  }
}

#map = affine_map<(d0, d1) -> (0, 0)>
#map1 = affine_map<(d0, d1) -> (0, 0, 0)>
module attributes {stable_mosaic.version = 14 : i64} {
  func.func @_agg_kernel(%arg0: i32, %arg1: i32, %arg2: memref<10000x128xf32, #tpu.memory_space<hbm>>, %arg3: memref<2560x128xi32, #tpu.memory_space<hbm>>, %arg4: memref<2560x128xi32, #tpu.memory_space<hbm>>, %arg5: memref<2x10112x128xf32, #tpu.memory_space<hbm>>, %arg6: memref<2x8x128xi32, #tpu.memory_space<vmem>>, %arg7: memref<2x8x128xi32, #tpu.memory_space<vmem>>, %arg8: memref<2x128x128xf32, #tpu.memory_space<vmem>>, %arg9: memref<!tpu.dma_semaphore, #tpu.memory_space<semaphore_mem>>, %arg10: memref<!tpu.dma_semaphore, #tpu.memory_space<semaphore_mem>>, %arg11: memref<!tpu.dma_semaphore, #tpu.memory_space<semaphore_mem>>, %arg12: memref<10112x128xf32, #tpu.memory_space<vmem_shared>>) attributes {dimension_semantics = [#tpu.dimension_semantics<core_parallel>, #tpu.dimension_semantics<subcore_parallel>], iteration_bounds = array<i64: 2, 16>, scalar_prefetch = 0 : i64, scratch_operands = 7 : i64, tpu.core_type = #tpu.core_type<sc_vector_subcore>, window_params = [{transform_indices = #map}, {transform_indices = #map}, {transform_indices = #map}, {transform_indices = #map1}]} {
    %mul3A = arith.constant 16 : i32
    %mul3A_0 = arith.muli %arg0, %mul3A : i32
    %add3A = arith.addi %mul3A_0, %arg1 : i32
    %mul3A_1 = arith.constant 80 : i32
    %mul3A_2 = arith.muli %add3A, %mul3A_1 : i32
    %run_scoped3A = arith.constant 0 : i32
    "tpu.region"() ({
      %run_scoped3A_121 = tpu.sem_alloc : memref<!tpu.dma_semaphore, #tpu.memory_space<semaphore_mem>>
      %dma_start3A_122 = arith.constant 0 : i32
      %dma_start3A_123 = arith.constant 0 : i32
      %dma_start3A_124 = tpu.memref_slice %arg6[%run_scoped3A, %dma_start3A_122, %dma_start3A_123] : memref<2x8x128xi32, #tpu.memory_space<vmem>> -> memref<1x8x128xi32, #tpu.memory_space<vmem>>
      %dma_start3A_125 = tpu.memref_squeeze %dma_start3A_124 : memref<1x8x128xi32, #tpu.memory_space<vmem>> -> memref<8x128xi32, #tpu.memory_space<vmem>>
      %dma_start3A_126 = arith.constant 0 : i32
      %dma_start3A_127 = tpu.memref_slice %arg3[%mul3A_2, %dma_start3A_126] : memref<2560x128xi32, #tpu.memory_space<hbm>> -> memref<8x128xi32, #tpu.memory_space<hbm>>
      %dma_start3A_128 = arith.constant 0 : i32
      %dma_start3A_129 = arith.constant 0 : i32
      %dma_start3A_130 = tpu.memref_slice %arg6[%run_scoped3A, %dma_start3A_128, %dma_start3A_129] : memref<2x8x128xi32, #tpu.memory_space<vmem>> -> memref<1x8x128xi32, #tpu.memory_space<vmem>>
      %dma_start3A_131 = tpu.memref_squeeze %dma_start3A_130 : memref<1x8x128xi32, #tpu.memory_space<vmem>> -> memref<8x128xi32, #tpu.memory_space<vmem>>
      %dma_start3A_132 = arith.constant 0 : i32
      %dma_start3A_133 = tpu.memref_slice %arg3[%mul3A_2, %dma_start3A_132] : memref<2560x128xi32, #tpu.memory_space<hbm>> -> memref<8x128xi32, #tpu.memory_space<hbm>>
      tpu.enqueue_dma source(%dma_start3A_133 : memref<8x128xi32, #tpu.memory_space<hbm>>) target(%dma_start3A_131 : memref<8x128xi32, #tpu.memory_space<vmem>>) target_semaphore(%run_scoped3A_121 : memref<!tpu.dma_semaphore, #tpu.memory_space<semaphore_mem>>)
      %dma_wait3A = arith.constant 0 : i32
      %dma_wait3A_134 = arith.constant 0 : i32
      %dma_wait3A_135 = tpu.memref_slice %arg6[%run_scoped3A, %dma_wait3A, %dma_wait3A_134] : memref<2x8x128xi32, #tpu.memory_space<vmem>> -> memref<1x8x128xi32, #tpu.memory_space<vmem>>
      %dma_wait3A_136 = tpu.memref_squeeze %dma_wait3A_135 : memref<1x8x128xi32, #tpu.memory_space<vmem>> -> memref<8x128xi32, #tpu.memory_space<vmem>>
      %dma_wait3A_137 = arith.constant 0 : i32
      %dma_wait3A_138 = tpu.memref_slice %arg3[%mul3A_2, %dma_wait3A_137] : memref<2560x128xi32, #tpu.memory_space<hbm>> -> memref<8x128xi32, #tpu.memory_space<hbm>>
      %dma_wait3A_139 = arith.constant 0 : i32
      %dma_wait3A_140 = arith.constant 0 : i32
      %dma_wait3A_141 = tpu.memref_slice %arg6[%run_scoped3A, %dma_wait3A_139, %dma_wait3A_140] : memref<2x8x128xi32, #tpu.memory_space<vmem>> -> memref<1x8x128xi32, #tpu.memory_space<vmem>>
      %dma_wait3A_142 = tpu.memref_squeeze %dma_wait3A_141 : memref<1x8x128xi32, #tpu.memory_space<vmem>> -> memref<8x128xi32, #tpu.memory_space<vmem>>
      %dma_wait3A_143 = arith.constant 0 : i32
      %dma_wait3A_144 = tpu.memref_slice %arg3[%mul3A_2, %dma_wait3A_143] : memref<2560x128xi32, #tpu.memory_space<hbm>> -> memref<8x128xi32, #tpu.memory_space<hbm>>
      tpu.wait_dma2 semaphore(%run_scoped3A_121 : memref<!tpu.dma_semaphore, #tpu.memory_space<semaphore_mem>>) src(%dma_wait3A_144 : memref<8x128xi32, #tpu.memory_space<hbm>>) dst(%dma_wait3A_142 : memref<8x128xi32, #tpu.memory_space<vmem>>)
      tpu.yield
    }) : () -> ()
    %run_scoped3A_3 = arith.constant 0 : i32
    "tpu.region"() ({
      %run_scoped3A_121 = tpu.sem_alloc : memref<!tpu.dma_semaphore, #tpu.memory_space<semaphore_mem>>
      %dma_start3A_122 = arith.constant 0 : i32
      %dma_start3A_123 = arith.constant 0 : i32
      %dma_start3A_124 = tpu.memref_slice %arg7[%run_scoped3A_3, %dma_start3A_122, %dma_start3A_123] : memref<2x8x128xi32, #tpu.memory_space<vmem>> -> memref<1x8x128xi32, #tpu.memory_space<vmem>>
      %dma_start3A_125 = tpu.memref_squeeze %dma_start3A_124 : memref<1x8x128xi32, #tpu.memory_space<vmem>> -> memref<8x128xi32, #tpu.memory_space<vmem>>
      %dma_start3A_126 = arith.constant 0 : i32
      %dma_start3A_127 = tpu.memref_slice %arg4[%mul3A_2, %dma_start3A_126] : memref<2560x128xi32, #tpu.memory_space<hbm>> -> memref<8x128xi32, #tpu.memory_space<hbm>>
      %dma_start3A_128 = arith.constant 0 : i32
      %dma_start3A_129 = arith.constant 0 : i32
      %dma_start3A_130 = tpu.memref_slice %arg7[%run_scoped3A_3, %dma_start3A_128, %dma_start3A_129] : memref<2x8x128xi32, #tpu.memory_space<vmem>> -> memref<1x8x128xi32, #tpu.memory_space<vmem>>
      %dma_start3A_131 = tpu.memref_squeeze %dma_start3A_130 : memref<1x8x128xi32, #tpu.memory_space<vmem>> -> memref<8x128xi32, #tpu.memory_space<vmem>>
      %dma_start3A_132 = arith.constant 0 : i32
      %dma_start3A_133 = tpu.memref_slice %arg4[%mul3A_2, %dma_start3A_132] : memref<2560x128xi32, #tpu.memory_space<hbm>> -> memref<8x128xi32, #tpu.memory_space<hbm>>
      tpu.enqueue_dma source(%dma_start3A_133 : memref<8x128xi32, #tpu.memory_space<hbm>>) target(%dma_start3A_131 : memref<8x128xi32, #tpu.memory_space<vmem>>) target_semaphore(%run_scoped3A_121 : memref<!tpu.dma_semaphore, #tpu.memory_space<semaphore_mem>>)
      %dma_wait3A = arith.constant 0 : i32
      %dma_wait3A_134 = arith.constant 0 : i32
      %dma_wait3A_135 = tpu.memref_slice %arg7[%run_scoped3A_3, %dma_wait3A, %dma_wait3A_134] : memref<2x8x128xi32, #tpu.memory_space<vmem>> -> memref<1x8x128xi32, #tpu.memory_space<vmem>>
      %dma_wait3A_136 = tpu.memref_squeeze %dma_wait3A_135 : memref<1x8x128xi32, #tpu.memory_space<vmem>> -> memref<8x128xi32, #tpu.memory_space<vmem>>
      %dma_wait3A_137 = arith.constant 0 : i32
      %dma_wait3A_138 = tpu.memref_slice %arg4[%mul3A_2, %dma_wait3A_137] : memref<2560x128xi32, #tpu.memory_space<hbm>> -> memref<8x128xi32, #tpu.memory_space<hbm>>
      %dma_wait3A_139 = arith.constant 0 : i32
      %dma_wait3A_140 = arith.constant 0 : i32
      %dma_wait3A_141 = tpu.memref_slice %arg7[%run_scoped3A_3, %dma_wait3A_139, %dma_wait3A_140] : memref<2x8x128xi32, #tpu.memory_space<vmem>> -> memref<1x8x128xi32, #tpu.memory_space<vmem>>
      %dma_wait3A_142 = tpu.memref_squeeze %dma_wait3A_141 : memref<1x8x128xi32, #tpu.memory_space<vmem>> -> memref<8x128xi32, #tpu.memory_space<vmem>>
      %dma_wait3A_143 = arith.constant 0 : i32
      %dma_wait3A_144 = tpu.memref_slice %arg4[%mul3A_2, %dma_wait3A_143] : memref<2560x128xi32, #tpu.memory_space<hbm>> -> memref<8x128xi32, #tpu.memory_space<hbm>>
      tpu.wait_dma2 semaphore(%run_scoped3A_121 : memref<!tpu.dma_semaphore, #tpu.memory_space<semaphore_mem>>) src(%dma_wait3A_144 : memref<8x128xi32, #tpu.memory_space<hbm>>) dst(%dma_wait3A_142 : memref<8x128xi32, #tpu.memory_space<vmem>>)
      tpu.yield
    }) : () -> ()
    %add3A_4 = arith.constant 8 : i32
    %add3A_5 = arith.addi %mul3A_2, %add3A_4 : i32
    %dma_start3A = arith.constant 1 : i32
    %dma_start3A_6 = arith.constant 0 : i32
    %dma_start3A_7 = arith.constant 0 : i32
    %dma_start3A_8 = tpu.memref_slice %arg6[%dma_start3A, %dma_start3A_6, %dma_start3A_7] : memref<2x8x128xi32, #tpu.memory_space<vmem>> -> memref<1x8x128xi32, #tpu.memory_space<vmem>>
    %dma_start3A_9 = tpu.memref_squeeze %dma_start3A_8 : memref<1x8x128xi32, #tpu.memory_space<vmem>> -> memref<8x128xi32, #tpu.memory_space<vmem>>
    %dma_start3A_10 = arith.constant 0 : i32
    %dma_start3A_11 = tpu.memref_slice %arg3[%add3A_5, %dma_start3A_10] : memref<2560x128xi32, #tpu.memory_space<hbm>> -> memref<8x128xi32, #tpu.memory_space<hbm>>
    %dma_start3A_12 = arith.constant 0 : i32
    %dma_start3A_13 = arith.constant 0 : i32
    %dma_start3A_14 = tpu.memref_slice %arg6[%dma_start3A, %dma_start3A_12, %dma_start3A_13] : memref<2x8x128xi32, #tpu.memory_space<vmem>> -> memref<1x8x128xi32, #tpu.memory_space<vmem>>
    %dma_start3A_15 = tpu.memref_squeeze %dma_start3A_14 : memref<1x8x128xi32, #tpu.memory_space<vmem>> -> memref<8x128xi32, #tpu.memory_space<vmem>>
    %dma_start3A_16 = arith.constant 0 : i32
    %dma_start3A_17 = tpu.memref_slice %arg3[%add3A_5, %dma_start3A_16] : memref<2560x128xi32, #tpu.memory_space<hbm>> -> memref<8x128xi32, #tpu.memory_space<hbm>>
    tpu.enqueue_dma source(%dma_start3A_17 : memref<8x128xi32, #tpu.memory_space<hbm>>) target(%dma_start3A_15 : memref<8x128xi32, #tpu.memory_space<vmem>>) target_semaphore(%arg11 : memref<!tpu.dma_semaphore, #tpu.memory_space<semaphore_mem>>)
    %add3A_18 = arith.constant 8 : i32
    %add3A_19 = arith.addi %mul3A_2, %add3A_18 : i32
    %dma_start3A_20 = arith.constant 1 : i32
    %dma_start3A_21 = arith.constant 0 : i32
    %dma_start3A_22 = arith.constant 0 : i32
    %dma_start3A_23 = tpu.memref_slice %arg7[%dma_start3A_20, %dma_start3A_21, %dma_start3A_22] : memref<2x8x128xi32, #tpu.memory_space<vmem>> -> memref<1x8x128xi32, #tpu.memory_space<vmem>>
    %dma_start3A_24 = tpu.memref_squeeze %dma_start3A_23 : memref<1x8x128xi32, #tpu.memory_space<vmem>> -> memref<8x128xi32, #tpu.memory_space<vmem>>
    %dma_start3A_25 = arith.constant 0 : i32
    %dma_start3A_26 = tpu.memref_slice %arg4[%add3A_19, %dma_start3A_25] : memref<2560x128xi32, #tpu.memory_space<hbm>> -> memref<8x128xi32, #tpu.memory_space<hbm>>
    %dma_start3A_27 = arith.constant 0 : i32
    %dma_start3A_28 = arith.constant 0 : i32
    %dma_start3A_29 = tpu.memref_slice %arg7[%dma_start3A_20, %dma_start3A_27, %dma_start3A_28] : memref<2x8x128xi32, #tpu.memory_space<vmem>> -> memref<1x8x128xi32, #tpu.memory_space<vmem>>
    %dma_start3A_30 = tpu.memref_squeeze %dma_start3A_29 : memref<1x8x128xi32, #tpu.memory_space<vmem>> -> memref<8x128xi32, #tpu.memory_space<vmem>>
    %dma_start3A_31 = arith.constant 0 : i32
    %dma_start3A_32 = tpu.memref_slice %arg4[%add3A_19, %dma_start3A_31] : memref<2560x128xi32, #tpu.memory_space<hbm>> -> memref<8x128xi32, #tpu.memory_space<hbm>>
    tpu.enqueue_dma source(%dma_start3A_32 : memref<8x128xi32, #tpu.memory_space<hbm>>) target(%dma_start3A_30 : memref<8x128xi32, #tpu.memory_space<vmem>>) target_semaphore(%arg11 : memref<!tpu.dma_semaphore, #tpu.memory_space<semaphore_mem>>)
    %scan3A = arith.constant 0 : i32
    %scan3A_33 = arith.constant 0 : i32
    %scan3A_34 = arith.constant 0 : i32
    %scan3A_35 = arith.constant 128 : i32
    %scan3A_36 = arith.addi %scan3A_34, %scan3A_35 : i32
    %scan3A_37 = arith.constant 1 : i32
    %scan3A_38 = scf.for %scan3A_121 = %scan3A_34 to %scan3A_36 step %scan3A_37 iter_args(%scan3A_122 = %scan3A_33) -> (i32)  : i32 {
      %broadcast_in_dim3A = arith.constant 0.000000e+00 : f32
      %broadcast_in_dim3A_123 = vector.broadcast %broadcast_in_dim3A : f32 to vector<16xf32>
      %swap3A = arith.constant 0 : i32
      %swap3A_124 = arith.constant 0 : i32
      %swap3A_125 = tpu.memref_slice %arg8[%scan3A, %swap3A, %swap3A_124] : memref<2x128x128xf32, #tpu.memory_space<vmem>> -> memref<1x128x128xf32, #tpu.memory_space<vmem>>
      %swap3A_126 = tpu.memref_squeeze %swap3A_125 : memref<1x128x128xf32, #tpu.memory_space<vmem>> -> memref<128x128xf32, #tpu.memory_space<vmem>>
      %swap3A_127 = arith.index_cast %scan3A_121 : i32 to index
      %swap3A_128 = arith.constant 0 : index
      %swap3A_129 = tpu.vector_load %swap3A_126[%swap3A_127, %swap3A_128] {strides = array<i32>} : memref<128x128xf32, #tpu.memory_space<vmem>>, vector<1x16xf32>,
      %swap3A_130 = vector.shape_cast %swap3A_129 : vector<1x16xf32> to vector<16xf32>
      %swap3A_131 = vector.shape_cast %broadcast_in_dim3A_123 : vector<16xf32> to vector<1x16xf32>
      tpu.vector_store %swap3A_126[%swap3A_127, %swap3A_128], %swap3A_131 {strides = array<i32>} : memref<128x128xf32, #tpu.memory_space<vmem>>, vector<1x16xf32>,
      %broadcast_in_dim3A_132 = arith.constant 0.000000e+00 : f32
      %broadcast_in_dim3A_133 = vector.broadcast %broadcast_in_dim3A_132 : f32 to vector<16xf32>
      %swap3A_134 = arith.constant 0 : i32
      %swap3A_135 = arith.constant 0 : i32
      %swap3A_136 = tpu.memref_slice %arg8[%scan3A, %swap3A_134, %swap3A_135] : memref<2x128x128xf32, #tpu.memory_space<vmem>> -> memref<1x128x128xf32, #tpu.memory_space<vmem>>
      %swap3A_137 = tpu.memref_squeeze %swap3A_136 : memref<1x128x128xf32, #tpu.memory_space<vmem>> -> memref<128x128xf32, #tpu.memory_space<vmem>>
      %swap3A_138 = arith.index_cast %scan3A_121 : i32 to index
      %swap3A_139 = arith.constant 16 : index
      %swap3A_140 = tpu.vector_load %swap3A_137[%swap3A_138, %swap3A_139] {strides = array<i32>} : memref<128x128xf32, #tpu.memory_space<vmem>>, vector<1x16xf32>,
      %swap3A_141 = vector.shape_cast %swap3A_140 : vector<1x16xf32> to vector<16xf32>
      %swap3A_142 = vector.shape_cast %broadcast_in_dim3A_133 : vector<16xf32> to vector<1x16xf32>
      tpu.vector_store %swap3A_137[%swap3A_138, %swap3A_139], %swap3A_142 {strides = array<i32>} : memref<128x128xf32, #tpu.memory_space<vmem>>, vector<1x16xf32>,
      %broadcast_in_dim3A_143 = arith.constant 0.000000e+00 : f32
      %broadcast_in_dim3A_144 = vector.broadcast %broadcast_in_dim3A_143 : f32 to vector<16xf32>
      %swap3A_145 = arith.constant 0 : i32
      %swap3A_146 = arith.constant 0 : i32
      %swap3A_147 = tpu.memref_slice %arg8[%scan3A, %swap3A_145, %swap3A_146] : memref<2x128x128xf32, #tpu.memory_space<vmem>> -> memref<1x128x128xf32, #tpu.memory_space<vmem>>
      %swap3A_148 = tpu.memref_squeeze %swap3A_147 : memref<1x128x128xf32, #tpu.memory_space<vmem>> -> memref<128x128xf32, #tpu.memory_space<vmem>>
      %swap3A_149 = arith.index_cast %scan3A_121 : i32 to index
      %swap3A_150 = arith.constant 32 : index
      %swap3A_151 = tpu.vector_load %swap3A_148[%swap3A_149, %swap3A_150] {strides = array<i32>} : memref<128x128xf32, #tpu.memory_space<vmem>>, vector<1x16xf32>,
      %swap3A_152 = vector.shape_cast %swap3A_151 : vector<1x16xf32> to vector<16xf32>
      %swap3A_153 = vector.shape_cast %broadcast_in_dim3A_144 : vector<16xf32> to vector<1x16xf32>
      tpu.vector_store %swap3A_148[%swap3A_149, %swap3A_150], %swap3A_153 {strides = array<i32>} : memref<128x128xf32, #tpu.memory_space<vmem>>, vector<1x16xf32>,
      %broadcast_in_dim3A_154 = arith.constant 0.000000e+00 : f32
      %broadcast_in_dim3A_155 = vector.broadcast %broadcast_in_dim3A_154 : f32 to vector<16xf32>
      %swap3A_156 = arith.constant 0 : i32
      %swap3A_157 = arith.constant 0 : i32
      %swap3A_158 = tpu.memref_slice %arg8[%scan3A, %swap3A_156, %swap3A_157] : memref<2x128x128xf32, #tpu.memory_space<vmem>> -> memref<1x128x128xf32, #tpu.memory_space<vmem>>
      %swap3A_159 = tpu.memref_squeeze %swap3A_158 : memref<1x128x128xf32, #tpu.memory_space<vmem>> -> memref<128x128xf32, #tpu.memory_space<vmem>>
      %swap3A_160 = arith.index_cast %scan3A_121 : i32 to index
      %swap3A_161 = arith.constant 48 : index
      %swap3A_162 = tpu.vector_load %swap3A_159[%swap3A_160, %swap3A_161] {strides = array<i32>} : memref<128x128xf32, #tpu.memory_space<vmem>>, vector<1x16xf32>,
      %swap3A_163 = vector.shape_cast %swap3A_162 : vector<1x16xf32> to vector<16xf32>
      %swap3A_164 = vector.shape_cast %broadcast_in_dim3A_155 : vector<16xf32> to vector<1x16xf32>
      tpu.vector_store %swap3A_159[%swap3A_160, %swap3A_161], %swap3A_164 {strides = array<i32>} : memref<128x128xf32, #tpu.memory_space<vmem>>, vector<1x16xf32>,
      %broadcast_in_dim3A_165 = arith.constant 0.000000e+00 : f32
      %broadcast_in_dim3A_166 = vector.broadcast %broadcast_in_dim3A_165 : f32 to vector<16xf32>
      %swap3A_167 = arith.constant 0 : i32
      %swap3A_168 = arith.constant 0 : i32
      %swap3A_169 = tpu.memref_slice %arg8[%scan3A, %swap3A_167, %swap3A_168] : memref<2x128x128xf32, #tpu.memory_space<vmem>> -> memref<1x128x128xf32, #tpu.memory_space<vmem>>
      %swap3A_170 = tpu.memref_squeeze %swap3A_169 : memref<1x128x128xf32, #tpu.memory_space<vmem>> -> memref<128x128xf32, #tpu.memory_space<vmem>>
      %swap3A_171 = arith.index_cast %scan3A_121 : i32 to index
      %swap3A_172 = arith.constant 64 : index
      %swap3A_173 = tpu.vector_load %swap3A_170[%swap3A_171, %swap3A_172] {strides = array<i32>} : memref<128x128xf32, #tpu.memory_space<vmem>>, vector<1x16xf32>,
      %swap3A_174 = vector.shape_cast %swap3A_173 : vector<1x16xf32> to vector<16xf32>
      %swap3A_175 = vector.shape_cast %broadcast_in_dim3A_166 : vector<16xf32> to vector<1x16xf32>
      tpu.vector_store %swap3A_170[%swap3A_171, %swap3A_172], %swap3A_175 {strides = array<i32>} : memref<128x128xf32, #tpu.memory_space<vmem>>, vector<1x16xf32>,
      %broadcast_in_dim3A_176 = arith.constant 0.000000e+00 : f32
      %broadcast_in_dim3A_177 = vector.broadcast %broadcast_in_dim3A_176 : f32 to vector<16xf32>
      %swap3A_178 = arith.constant 0 : i32
      %swap3A_179 = arith.constant 0 : i32
      %swap3A_180 = tpu.memref_slice %arg8[%scan3A, %swap3A_178, %swap3A_179] : memref<2x128x128xf32, #tpu.memory_space<vmem>> -> memref<1x128x128xf32, #tpu.memory_space<vmem>>
      %swap3A_181 = tpu.memref_squeeze %swap3A_180 : memref<1x128x128xf32, #tpu.memory_space<vmem>> -> memref<128x128xf32, #tpu.memory_space<vmem>>
      %swap3A_182 = arith.index_cast %scan3A_121 : i32 to index
      %swap3A_183 = arith.constant 80 : index
      %swap3A_184 = tpu.vector_load %swap3A_181[%swap3A_182, %swap3A_183] {strides = array<i32>} : memref<128x128xf32, #tpu.memory_space<vmem>>, vector<1x16xf32>,
      %swap3A_185 = vector.shape_cast %swap3A_184 : vector<1x16xf32> to vector<16xf32>
      %swap3A_186 = vector.shape_cast %broadcast_in_dim3A_177 : vector<16xf32> to vector<1x16xf32>
      tpu.vector_store %swap3A_181[%swap3A_182, %swap3A_183], %swap3A_186 {strides = array<i32>} : memref<128x128xf32, #tpu.memory_space<vmem>>, vector<1x16xf32>,
      %broadcast_in_dim3A_187 = arith.constant 0.000000e+00 : f32
      %broadcast_in_dim3A_188 = vector.broadcast %broadcast_in_dim3A_187 : f32 to vector<16xf32>
      %swap3A_189 = arith.constant 0 : i32
      %swap3A_190 = arith.constant 0 : i32
      %swap3A_191 = tpu.memref_slice %arg8[%scan3A, %swap3A_189, %swap3A_190] : memref<2x128x128xf32, #tpu.memory_space<vmem>> -> memref<1x128x128xf32, #tpu.memory_space<vmem>>
      %swap3A_192 = tpu.memref_squeeze %swap3A_191 : memref<1x128x128xf32, #tpu.memory_space<vmem>> -> memref<128x128xf32, #tpu.memory_space<vmem>>
      %swap3A_193 = arith.index_cast %scan3A_121 : i32 to index
      %swap3A_194 = arith.constant 96 : index
      %swap3A_195 = tpu.vector_load %swap3A_192[%swap3A_193, %swap3A_194] {strides = array<i32>} : memref<128x128xf32, #tpu.memory_space<vmem>>, vector<1x16xf32>,
      %swap3A_196 = vector.shape_cast %swap3A_195 : vector<1x16xf32> to vector<16xf32>
      %swap3A_197 = vector.shape_cast %broadcast_in_dim3A_188 : vector<16xf32> to vector<1x16xf32>
      tpu.vector_store %swap3A_192[%swap3A_193, %swap3A_194], %swap3A_197 {strides = array<i32>} : memref<128x128xf32, #tpu.memory_space<vmem>>, vector<1x16xf32>,
      %broadcast_in_dim3A_198 = arith.constant 0.000000e+00 : f32
      %broadcast_in_dim3A_199 = vector.broadcast %broadcast_in_dim3A_198 : f32 to vector<16xf32>
      %swap3A_200 = arith.constant 0 : i32
      %swap3A_201 = arith.constant 0 : i32
      %swap3A_202 = tpu.memref_slice %arg8[%scan3A, %swap3A_200, %swap3A_201] : memref<2x128x128xf32, #tpu.memory_space<vmem>> -> memref<1x128x128xf32, #tpu.memory_space<vmem>>
      %swap3A_203 = tpu.memref_squeeze %swap3A_202 : memref<1x128x128xf32, #tpu.memory_space<vmem>> -> memref<128x128xf32, #tpu.memory_space<vmem>>
      %swap3A_204 = arith.index_cast %scan3A_121 : i32 to index
      %swap3A_205 = arith.constant 112 : index
      %swap3A_206 = tpu.vector_load %swap3A_203[%swap3A_204, %swap3A_205] {strides = array<i32>} : memref<128x128xf32, #tpu.memory_space<vmem>>, vector<1x16xf32>,
      %swap3A_207 = vector.shape_cast %swap3A_206 : vector<1x16xf32> to vector<16xf32>
      %swap3A_208 = vector.shape_cast %broadcast_in_dim3A_199 : vector<16xf32> to vector<1x16xf32>
      tpu.vector_store %swap3A_203[%swap3A_204, %swap3A_205], %swap3A_208 {strides = array<i32>} : memref<128x128xf32, #tpu.memory_space<vmem>>, vector<1x16xf32>,
      %scan3A_209 = arith.constant 0 : i32
      scf.yield %scan3A_209 : i32
    }
    %scan3A_39 = arith.constant 128 : i32
    %mul3A_40 = arith.constant 632 : i32
    %mul3A_41 = arith.muli %arg1, %mul3A_40 : i32
    %add3A_42 = arith.constant 0 : i32
    %add3A_43 = arith.addi %mul3A_41, %add3A_42 : i32
    %run_scoped3A_44 = arith.constant 0 : i32
    "tpu.region"() ({
      %run_scoped3A_121 = tpu.sem_alloc : memref<!tpu.dma_semaphore, #tpu.memory_space<semaphore_mem>>
      %dma_start3A_122 = arith.constant 0 : i32
      %dma_start3A_123 = arith.constant 0 : i32
      %dma_start3A_124 = tpu.memref_slice %arg8[%run_scoped3A_44, %dma_start3A_122, %dma_start3A_123] : memref<2x128x128xf32, #tpu.memory_space<vmem>> -> memref<1x128x128xf32, #tpu.memory_space<vmem>>
      %dma_start3A_125 = tpu.memref_squeeze %dma_start3A_124 : memref<1x128x128xf32, #tpu.memory_space<vmem>> -> memref<128x128xf32, #tpu.memory_space<vmem>>
      %dma_start3A_126 = arith.constant 0 : i32
      %dma_start3A_127 = tpu.memref_slice %arg12[%add3A_43, %dma_start3A_126] : memref<10112x128xf32, #tpu.memory_space<vmem_shared>> -> memref<128x128xf32, #tpu.memory_space<vmem_shared>>
      %dma_start3A_128 = arith.constant 0 : i32
      %dma_start3A_129 = tpu.memref_slice %arg12[%add3A_43, %dma_start3A_128] : memref<10112x128xf32, #tpu.memory_space<vmem_shared>> -> memref<128x128xf32, #tpu.memory_space<vmem_shared>>
      %dma_start3A_130 = arith.constant 0 : i32
      %dma_start3A_131 = arith.constant 0 : i32
      %dma_start3A_132 = tpu.memref_slice %arg8[%run_scoped3A_44, %dma_start3A_130, %dma_start3A_131] : memref<2x128x128xf32, #tpu.memory_space<vmem>> -> memref<1x128x128xf32, #tpu.memory_space<vmem>>
      %dma_start3A_133 = tpu.memref_squeeze %dma_start3A_132 : memref<1x128x128xf32, #tpu.memory_space<vmem>> -> memref<128x128xf32, #tpu.memory_space<vmem>>
      tpu.enqueue_dma source(%dma_start3A_133 : memref<128x128xf32, #tpu.memory_space<vmem>>) target(%dma_start3A_129 : memref<128x128xf32, #tpu.memory_space<vmem_shared>>) target_semaphore(%run_scoped3A_121 : memref<!tpu.dma_semaphore, #tpu.memory_space<semaphore_mem>>)
      %dma_wait3A = arith.constant 0 : i32
      %dma_wait3A_134 = arith.constant 0 : i32
      %dma_wait3A_135 = tpu.memref_slice %arg8[%run_scoped3A_44, %dma_wait3A, %dma_wait3A_134] : memref<2x128x128xf32, #tpu.memory_space<vmem>> -> memref<1x128x128xf32, #tpu.memory_space<vmem>>
      %dma_wait3A_136 = tpu.memref_squeeze %dma_wait3A_135 : memref<1x128x128xf32, #tpu.memory_space<vmem>> -> memref<128x128xf32, #tpu.memory_space<vmem>>
      %dma_wait3A_137 = arith.constant 0 : i32
      %dma_wait3A_138 = tpu.memref_slice %arg12[%add3A_43, %dma_wait3A_137] : memref<10112x128xf32, #tpu.memory_space<vmem_shared>> -> memref<128x128xf32, #tpu.memory_space<vmem_shared>>
      %dma_wait3A_139 = arith.constant 0 : i32
      %dma_wait3A_140 = tpu.memref_slice %arg12[%add3A_43, %dma_wait3A_139] : memref<10112x128xf32, #tpu.memory_space<vmem_shared>> -> memref<128x128xf32, #tpu.memory_space<vmem_shared>>
      %dma_wait3A_141 = arith.constant 0 : i32
      %dma_wait3A_142 = arith.constant 0 : i32
      %dma_wait3A_143 = tpu.memref_slice %arg8[%run_scoped3A_44, %dma_wait3A_141, %dma_wait3A_142] : memref<2x128x128xf32, #tpu.memory_space<vmem>> -> memref<1x128x128xf32, #tpu.memory_space<vmem>>
      %dma_wait3A_144 = tpu.memref_squeeze %dma_wait3A_143 : memref<1x128x128xf32, #tpu.memory_space<vmem>> -> memref<128x128xf32, #tpu.memory_space<vmem>>
      tpu.wait_dma2 semaphore(%run_scoped3A_121 : memref<!tpu.dma_semaphore, #tpu.memory_space<semaphore_mem>>) src(%dma_wait3A_144 : memref<128x128xf32, #tpu.memory_space<vmem>>) dst(%dma_wait3A_140 : memref<128x128xf32, #tpu.memory_space<vmem_shared>>)
      tpu.yield
    }) : () -> ()
    %add3A_45 = arith.constant 128 : i32
    %add3A_46 = arith.addi %mul3A_41, %add3A_45 : i32
    %run_scoped3A_47 = arith.constant 0 : i32
    "tpu.region"() ({
      %run_scoped3A_121 = tpu.sem_alloc : memref<!tpu.dma_semaphore, #tpu.memory_space<semaphore_mem>>
      %dma_start3A_122 = arith.constant 0 : i32
      %dma_start3A_123 = arith.constant 0 : i32
      %dma_start3A_124 = tpu.memref_slice %arg8[%run_scoped3A_47, %dma_start3A_122, %dma_start3A_123] : memref<2x128x128xf32, #tpu.memory_space<vmem>> -> memref<1x128x128xf32, #tpu.memory_space<vmem>>
      %dma_start3A_125 = tpu.memref_squeeze %dma_start3A_124 : memref<1x128x128xf32, #tpu.memory_space<vmem>> -> memref<128x128xf32, #tpu.memory_space<vmem>>
      %dma_start3A_126 = arith.constant 0 : i32
      %dma_start3A_127 = tpu.memref_slice %arg12[%add3A_46, %dma_start3A_126] : memref<10112x128xf32, #tpu.memory_space<vmem_shared>> -> memref<128x128xf32, #tpu.memory_space<vmem_shared>>
      %dma_start3A_128 = arith.constant 0 : i32
      %dma_start3A_129 = tpu.memref_slice %arg12[%add3A_46, %dma_start3A_128] : memref<10112x128xf32, #tpu.memory_space<vmem_shared>> -> memref<128x128xf32, #tpu.memory_space<vmem_shared>>
      %dma_start3A_130 = arith.constant 0 : i32
      %dma_start3A_131 = arith.constant 0 : i32
      %dma_start3A_132 = tpu.memref_slice %arg8[%run_scoped3A_47, %dma_start3A_130, %dma_start3A_131] : memref<2x128x128xf32, #tpu.memory_space<vmem>> -> memref<1x128x128xf32, #tpu.memory_space<vmem>>
      %dma_start3A_133 = tpu.memref_squeeze %dma_start3A_132 : memref<1x128x128xf32, #tpu.memory_space<vmem>> -> memref<128x128xf32, #tpu.memory_space<vmem>>
      tpu.enqueue_dma source(%dma_start3A_133 : memref<128x128xf32, #tpu.memory_space<vmem>>) target(%dma_start3A_129 : memref<128x128xf32, #tpu.memory_space<vmem_shared>>) target_semaphore(%run_scoped3A_121 : memref<!tpu.dma_semaphore, #tpu.memory_space<semaphore_mem>>)
      %dma_wait3A = arith.constant 0 : i32
      %dma_wait3A_134 = arith.constant 0 : i32
      %dma_wait3A_135 = tpu.memref_slice %arg8[%run_scoped3A_47, %dma_wait3A, %dma_wait3A_134] : memref<2x128x128xf32, #tpu.memory_space<vmem>> -> memref<1x128x128xf32, #tpu.memory_space<vmem>>
      %dma_wait3A_136 = tpu.memref_squeeze %dma_wait3A_135 : memref<1x128x128xf32, #tpu.memory_space<vmem>> -> memref<128x128xf32, #tpu.memory_space<vmem>>
      %dma_wait3A_137 = arith.constant 0 : i32
      %dma_wait3A_138 = tpu.memref_slice %arg12[%add3A_46, %dma_wait3A_137] : memref<10112x128xf32, #tpu.memory_space<vmem_shared>> -> memref<128x128xf32, #tpu.memory_space<vmem_shared>>
      %dma_wait3A_139 = arith.constant 0 : i32
      %dma_wait3A_140 = tpu.memref_slice %arg12[%add3A_46, %dma_wait3A_139] : memref<10112x128xf32, #tpu.memory_space<vmem_shared>> -> memref<128x128xf32, #tpu.memory_space<vmem_shared>>
      %dma_wait3A_141 = arith.constant 0 : i32
      %dma_wait3A_142 = arith.constant 0 : i32
      %dma_wait3A_143 = tpu.memref_slice %arg8[%run_scoped3A_47, %dma_wait3A_141, %dma_wait3A_142] : memref<2x128x128xf32, #tpu.memory_space<vmem>> -> memref<1x128x128xf32, #tpu.memory_space<vmem>>
      %dma_wait3A_144 = tpu.memref_squeeze %dma_wait3A_143 : memref<1x128x128xf32, #tpu.memory_space<vmem>> -> memref<128x128xf32, #tpu.memory_space<vmem>>
      tpu.wait_dma2 semaphore(%run_scoped3A_121 : memref<!tpu.dma_semaphore, #tpu.memory_space<semaphore_mem>>) src(%dma_wait3A_144 : memref<128x128xf32, #tpu.memory_space<vmem>>) dst(%dma_wait3A_140 : memref<128x128xf32, #tpu.memory_space<vmem_shared>>)
      tpu.yield
    }) : () -> ()
    %add3A_48 = arith.constant 256 : i32
    %add3A_49 = arith.addi %mul3A_41, %add3A_48 : i32
    %run_scoped3A_50 = arith.constant 0 : i32
    "tpu.region"() ({
      %run_scoped3A_121 = tpu.sem_alloc : memref<!tpu.dma_semaphore, #tpu.memory_space<semaphore_mem>>
      %dma_start3A_122 = arith.constant 0 : i32
      %dma_start3A_123 = arith.constant 0 : i32
      %dma_start3A_124 = tpu.memref_slice %arg8[%run_scoped3A_50, %dma_start3A_122, %dma_start3A_123] : memref<2x128x128xf32, #tpu.memory_space<vmem>> -> memref<1x128x128xf32, #tpu.memory_space<vmem>>
      %dma_start3A_125 = tpu.memref_squeeze %dma_start3A_124 : memref<1x128x128xf32, #tpu.memory_space<vmem>> -> memref<128x128xf32, #tpu.memory_space<vmem>>
      %dma_start3A_126 = arith.constant 0 : i32
      %dma_start3A_127 = tpu.memref_slice %arg12[%add3A_49, %dma_start3A_126] : memref<10112x128xf32, #tpu.memory_space<vmem_shared>> -> memref<128x128xf32, #tpu.memory_space<vmem_shared>>
      %dma_start3A_128 = arith.constant 0 : i32
      %dma_start3A_129 = tpu.memref_slice %arg12[%add3A_49, %dma_start3A_128] : memref<10112x128xf32, #tpu.memory_space<vmem_shared>> -> memref<128x128xf32, #tpu.memory_space<vmem_shared>>
      %dma_start3A_130 = arith.constant 0 : i32
      %dma_start3A_131 = arith.constant 0 : i32
      %dma_start3A_132 = tpu.memref_slice %arg8[%run_scoped3A_50, %dma_start3A_130, %dma_start3A_131] : memref<2x128x128xf32, #tpu.memory_space<vmem>> -> memref<1x128x128xf32, #tpu.memory_space<vmem>>
      %dma_start3A_133 = tpu.memref_squeeze %dma_start3A_132 : memref<1x128x128xf32, #tpu.memory_space<vmem>> -> memref<128x128xf32, #tpu.memory_space<vmem>>
      tpu.enqueue_dma source(%dma_start3A_133 : memref<128x128xf32, #tpu.memory_space<vmem>>) target(%dma_start3A_129 : memref<128x128xf32, #tpu.memory_space<vmem_shared>>) target_semaphore(%run_scoped3A_121 : memref<!tpu.dma_semaphore, #tpu.memory_space<semaphore_mem>>)
      %dma_wait3A = arith.constant 0 : i32
      %dma_wait3A_134 = arith.constant 0 : i32
      %dma_wait3A_135 = tpu.memref_slice %arg8[%run_scoped3A_50, %dma_wait3A, %dma_wait3A_134] : memref<2x128x128xf32, #tpu.memory_space<vmem>> -> memref<1x128x128xf32, #tpu.memory_space<vmem>>
      %dma_wait3A_136 = tpu.memref_squeeze %dma_wait3A_135 : memref<1x128x128xf32, #tpu.memory_space<vmem>> -> memref<128x128xf32, #tpu.memory_space<vmem>>
      %dma_wait3A_137 = arith.constant 0 : i32
      %dma_wait3A_138 = tpu.memref_slice %arg12[%add3A_49, %dma_wait3A_137] : memref<10112x128xf32, #tpu.memory_space<vmem_shared>> -> memref<128x128xf32, #tpu.memory_space<vmem_shared>>
      %dma_wait3A_139 = arith.constant 0 : i32
      %dma_wait3A_140 = tpu.memref_slice %arg12[%add3A_49, %dma_wait3A_139] : memref<10112x128xf32, #tpu.memory_space<vmem_shared>> -> memref<128x128xf32, #tpu.memory_space<vmem_shared>>
      %dma_wait3A_141 = arith.constant 0 : i32
      %dma_wait3A_142 = arith.constant 0 : i32
      %dma_wait3A_143 = tpu.memref_slice %arg8[%run_scoped3A_50, %dma_wait3A_141, %dma_wait3A_142] : memref<2x128x128xf32, #tpu.memory_space<vmem>> -> memref<1x128x128xf32, #tpu.memory_space<vmem>>
      %dma_wait3A_144 = tpu.memref_squeeze %dma_wait3A_143 : memref<1x128x128xf32, #tpu.memory_space<vmem>> -> memref<128x128xf32, #tpu.memory_space<vmem>>
      tpu.wait_dma2 semaphore(%run_scoped3A_121 : memref<!tpu.dma_semaphore, #tpu.memory_space<semaphore_mem>>) src(%dma_wait3A_144 : memref<128x128xf32, #tpu.memory_space<vmem>>) dst(%dma_wait3A_140 : memref<128x128xf32, #tpu.memory_space<vmem_shared>>)
      tpu.yield
    }) : () -> ()
    %add3A_51 = arith.constant 384 : i32
    %add3A_52 = arith.addi %mul3A_41, %add3A_51 : i32
    %run_scoped3A_53 = arith.constant 0 : i32
    "tpu.region"() ({
      %run_scoped3A_121 = tpu.sem_alloc : memref<!tpu.dma_semaphore, #tpu.memory_space<semaphore_mem>>
      %dma_start3A_122 = arith.constant 0 : i32
      %dma_start3A_123 = arith.constant 0 : i32
      %dma_start3A_124 = tpu.memref_slice %arg8[%run_scoped3A_53, %dma_start3A_122, %dma_start3A_123] : memref<2x128x128xf32, #tpu.memory_space<vmem>> -> memref<1x128x128xf32, #tpu.memory_space<vmem>>
      %dma_start3A_125 = tpu.memref_squeeze %dma_start3A_124 : memref<1x128x128xf32, #tpu.memory_space<vmem>> -> memref<128x128xf32, #tpu.memory_space<vmem>>
      %dma_start3A_126 = arith.constant 0 : i32
      %dma_start3A_127 = tpu.memref_slice %arg12[%add3A_52, %dma_start3A_126] : memref<10112x128xf32, #tpu.memory_space<vmem_shared>> -> memref<128x128xf32, #tpu.memory_space<vmem_shared>>
      %dma_start3A_128 = arith.constant 0 : i32
      %dma_start3A_129 = tpu.memref_slice %arg12[%add3A_52, %dma_start3A_128] : memref<10112x128xf32, #tpu.memory_space<vmem_shared>> -> memref<128x128xf32, #tpu.memory_space<vmem_shared>>
      %dma_start3A_130 = arith.constant 0 : i32
      %dma_start3A_131 = arith.constant 0 : i32
      %dma_start3A_132 = tpu.memref_slice %arg8[%run_scoped3A_53, %dma_start3A_130, %dma_start3A_131] : memref<2x128x128xf32, #tpu.memory_space<vmem>> -> memref<1x128x128xf32, #tpu.memory_space<vmem>>
      %dma_start3A_133 = tpu.memref_squeeze %dma_start3A_132 : memref<1x128x128xf32, #tpu.memory_space<vmem>> -> memref<128x128xf32, #tpu.memory_space<vmem>>
      tpu.enqueue_dma source(%dma_start3A_133 : memref<128x128xf32, #tpu.memory_space<vmem>>) target(%dma_start3A_129 : memref<128x128xf32, #tpu.memory_space<vmem_shared>>) target_semaphore(%run_scoped3A_121 : memref<!tpu.dma_semaphore, #tpu.memory_space<semaphore_mem>>)
      %dma_wait3A = arith.constant 0 : i32
      %dma_wait3A_134 = arith.constant 0 : i32
      %dma_wait3A_135 = tpu.memref_slice %arg8[%run_scoped3A_53, %dma_wait3A, %dma_wait3A_134] : memref<2x128x128xf32, #tpu.memory_space<vmem>> -> memref<1x128x128xf32, #tpu.memory_space<vmem>>
      %dma_wait3A_136 = tpu.memref_squeeze %dma_wait3A_135 : memref<1x128x128xf32, #tpu.memory_space<vmem>> -> memref<128x128xf32, #tpu.memory_space<vmem>>
      %dma_wait3A_137 = arith.constant 0 : i32
      %dma_wait3A_138 = tpu.memref_slice %arg12[%add3A_52, %dma_wait3A_137] : memref<10112x128xf32, #tpu.memory_space<vmem_shared>> -> memref<128x128xf32, #tpu.memory_space<vmem_shared>>
      %dma_wait3A_139 = arith.constant 0 : i32
      %dma_wait3A_140 = tpu.memref_slice %arg12[%add3A_52, %dma_wait3A_139] : memref<10112x128xf32, #tpu.memory_space<vmem_shared>> -> memref<128x128xf32, #tpu.memory_space<vmem_shared>>
      %dma_wait3A_141 = arith.constant 0 : i32
      %dma_wait3A_142 = arith.constant 0 : i32
      %dma_wait3A_143 = tpu.memref_slice %arg8[%run_scoped3A_53, %dma_wait3A_141, %dma_wait3A_142] : memref<2x128x128xf32, #tpu.memory_space<vmem>> -> memref<1x128x128xf32, #tpu.memory_space<vmem>>
      %dma_wait3A_144 = tpu.memref_squeeze %dma_wait3A_143 : memref<1x128x128xf32, #tpu.memory_space<vmem>> -> memref<128x128xf32, #tpu.memory_space<vmem>>
      tpu.wait_dma2 semaphore(%run_scoped3A_121 : memref<!tpu.dma_semaphore, #tpu.memory_space<semaphore_mem>>) src(%dma_wait3A_144 : memref<128x128xf32, #tpu.memory_space<vmem>>) dst(%dma_wait3A_140 : memref<128x128xf32, #tpu.memory_space<vmem_shared>>)
      tpu.yield
    }) : () -> ()
    %add3A_54 = arith.constant 512 : i32
    %add3A_55 = arith.addi %mul3A_41, %add3A_54 : i32
    %run_scoped3A_56 = arith.constant 0 : i32
    "tpu.region"() ({
      %run_scoped3A_121 = tpu.sem_alloc : memref<!tpu.dma_semaphore, #tpu.memory_space<semaphore_mem>>
      %dma_start3A_122 = arith.constant 0 : i32
      %dma_start3A_123 = arith.constant 0 : i32
      %dma_start3A_124 = tpu.memref_slice %arg8[%run_scoped3A_56, %dma_start3A_122, %dma_start3A_123] : memref<2x128x128xf32, #tpu.memory_space<vmem>> -> memref<1x120x128xf32, #tpu.memory_space<vmem>>
      %dma_start3A_125 = tpu.memref_squeeze %dma_start3A_124 : memref<1x120x128xf32, #tpu.memory_space<vmem>> -> memref<120x128xf32, #tpu.memory_space<vmem>>
      %dma_start3A_126 = arith.constant 0 : i32
      %dma_start3A_127 = tpu.memref_slice %arg12[%add3A_55, %dma_start3A_126] : memref<10112x128xf32, #tpu.memory_space<vmem_shared>> -> memref<120x128xf32, #tpu.memory_space<vmem_shared>>
      %dma_start3A_128 = arith.constant 0 : i32
      %dma_start3A_129 = tpu.memref_slice %arg12[%add3A_55, %dma_start3A_128] : memref<10112x128xf32, #tpu.memory_space<vmem_shared>> -> memref<120x128xf32, #tpu.memory_space<vmem_shared>>
      %dma_start3A_130 = arith.constant 0 : i32
      %dma_start3A_131 = arith.constant 0 : i32
      %dma_start3A_132 = tpu.memref_slice %arg8[%run_scoped3A_56, %dma_start3A_130, %dma_start3A_131] : memref<2x128x128xf32, #tpu.memory_space<vmem>> -> memref<1x120x128xf32, #tpu.memory_space<vmem>>
      %dma_start3A_133 = tpu.memref_squeeze %dma_start3A_132 : memref<1x120x128xf32, #tpu.memory_space<vmem>> -> memref<120x128xf32, #tpu.memory_space<vmem>>
      tpu.enqueue_dma source(%dma_start3A_133 : memref<120x128xf32, #tpu.memory_space<vmem>>) target(%dma_start3A_129 : memref<120x128xf32, #tpu.memory_space<vmem_shared>>) target_semaphore(%run_scoped3A_121 : memref<!tpu.dma_semaphore, #tpu.memory_space<semaphore_mem>>)
      %dma_wait3A = arith.constant 0 : i32
      %dma_wait3A_134 = arith.constant 0 : i32
      %dma_wait3A_135 = tpu.memref_slice %arg8[%run_scoped3A_56, %dma_wait3A, %dma_wait3A_134] : memref<2x128x128xf32, #tpu.memory_space<vmem>> -> memref<1x120x128xf32, #tpu.memory_space<vmem>>
      %dma_wait3A_136 = tpu.memref_squeeze %dma_wait3A_135 : memref<1x120x128xf32, #tpu.memory_space<vmem>> -> memref<120x128xf32, #tpu.memory_space<vmem>>
      %dma_wait3A_137 = arith.constant 0 : i32
      %dma_wait3A_138 = tpu.memref_slice %arg12[%add3A_55, %dma_wait3A_137] : memref<10112x128xf32, #tpu.memory_space<vmem_shared>> -> memref<120x128xf32, #tpu.memory_space<vmem_shared>>
      %dma_wait3A_139 = arith.constant 0 : i32
      %dma_wait3A_140 = tpu.memref_slice %arg12[%add3A_55, %dma_wait3A_139] : memref<10112x128xf32, #tpu.memory_space<vmem_shared>> -> memref<120x128xf32, #tpu.memory_space<vmem_shared>>
      %dma_wait3A_141 = arith.constant 0 : i32
      %dma_wait3A_142 = arith.constant 0 : i32
      %dma_wait3A_143 = tpu.memref_slice %arg8[%run_scoped3A_56, %dma_wait3A_141, %dma_wait3A_142] : memref<2x128x128xf32, #tpu.memory_space<vmem>> -> memref<1x120x128xf32, #tpu.memory_space<vmem>>
      %dma_wait3A_144 = tpu.memref_squeeze %dma_wait3A_143 : memref<1x120x128xf32, #tpu.memory_space<vmem>> -> memref<120x128xf32, #tpu.memory_space<vmem>>
      tpu.wait_dma2 semaphore(%run_scoped3A_121 : memref<!tpu.dma_semaphore, #tpu.memory_space<semaphore_mem>>) src(%dma_wait3A_144 : memref<120x128xf32, #tpu.memory_space<vmem>>) dst(%dma_wait3A_140 : memref<120x128xf32, #tpu.memory_space<vmem_shared>>)
      tpu.yield
    }) : () -> ()
    %barrier3A = arith.constant 0 : index
    tpu.barrier barrier_id(%barrier3A)
    %dma_start3A_57 = arith.constant 0 : i32
    %dma_start3A_58 = arith.constant 0 : i32
    %dma_start3A_59 = arith.constant 0 : i32
    %dma_start3A_60 = arith.constant 0 : i32
    %dma_start3A_61 = arith.constant 0 : i32
    %dma_start3A_62 = tpu.memref_slice %arg8[%dma_start3A_59, %dma_start3A_60, %dma_start3A_61] : memref<2x128x128xf32, #tpu.memory_space<vmem>> -> memref<1x128x128xf32, #tpu.memory_space<vmem>>
    %dma_start3A_63 = tpu.memref_squeeze %dma_start3A_62 : memref<1x128x128xf32, #tpu.memory_space<vmem>> -> memref<128x128xf32, #tpu.memory_space<vmem>>
    %dma_start3A_64 = arith.constant 0 : i32
    %dma_start3A_65 = tpu.memref_slice %arg6[%dma_start3A_57, %dma_start3A_58, %dma_start3A_64] : memref<2x8x128xi32, #tpu.memory_space<vmem>> -> memref<1x1x128xi32, #tpu.memory_space<vmem>>
    %dma_start3A_66 = tpu.memref_squeeze %dma_start3A_65 : memref<1x1x128xi32, #tpu.memory_space<vmem>> -> memref<128xi32, #tpu.memory_space<vmem>>
    %dma_start3A_67 = arith.constant 0 : i32
    %dma_start3A_68 = arith.constant 0 : i32
    %dma_start3A_69 = tpu.memref_slice %arg2[%dma_start3A_67, %dma_start3A_68] : memref<10000x128xf32, #tpu.memory_space<hbm>> -> memref<10000x128xf32, #tpu.memory_space<hbm>>
    tpu.enqueue_indirect_dma source(%dma_start3A_69 : memref<10000x128xf32, #tpu.memory_space<hbm>>) target(%dma_start3A_63 : memref<128x128xf32, #tpu.memory_space<vmem>>) offsets(%dma_start3A_66 : memref<128xi32, #tpu.memory_space<vmem>>) semaphore(%arg9 : memref<!tpu.dma_semaphore, #tpu.memory_space<semaphore_mem>>)
    %dma_start3A_70 = arith.constant 0 : i32
    %dma_start3A_71 = arith.constant 1 : i32
    %dma_start3A_72 = arith.constant 1 : i32
    %dma_start3A_73 = arith.constant 0 : i32
    %dma_start3A_74 = arith.constant 0 : i32
    %dma_start3A_75 = tpu.memref_slice %arg8[%dma_start3A_72, %dma_start3A_73, %dma_start3A_74] : memref<2x128x128xf32, #tpu.memory_space<vmem>> -> memref<1x128x128xf32, #tpu.memory_space<vmem>>
    %dma_start3A_76 = tpu.memref_squeeze %dma_start3A_75 : memref<1x128x128xf32, #tpu.memory_space<vmem>> -> memref<128x128xf32, #tpu.memory_space<vmem>>
    %dma_start3A_77 = arith.constant 0 : i32
    %dma_start3A_78 = tpu.memref_slice %arg6[%dma_start3A_70, %dma_start3A_71, %dma_start3A_77] : memref<2x8x128xi32, #tpu.memory_space<vmem>> -> memref<1x1x128xi32, #tpu.memory_space<vmem>>
    %dma_start3A_79 = tpu.memref_squeeze %dma_start3A_78 : memref<1x1x128xi32, #tpu.memory_space<vmem>> -> memref<128xi32, #tpu.memory_space<vmem>>
    %dma_start3A_80 = arith.constant 0 : i32
    %dma_start3A_81 = arith.constant 0 : i32
    %dma_start3A_82 = tpu.memref_slice %arg2[%dma_start3A_80, %dma_start3A_81] : memref<10000x128xf32, #tpu.memory_space<hbm>> -> memref<10000x128xf32, #tpu.memory_space<hbm>>
    tpu.enqueue_indirect_dma source(%dma_start3A_82 : memref<10000x128xf32, #tpu.memory_space<hbm>>) target(%dma_start3A_76 : memref<128x128xf32, #tpu.memory_space<vmem>>) offsets(%dma_start3A_79 : memref<128xi32, #tpu.memory_space<vmem>>) semaphore(%arg9 : memref<!tpu.dma_semaphore, #tpu.memory_space<semaphore_mem>>)
    %scan3A_83 = arith.constant 0 : i32
    %scan3A_84 = arith.constant 0 : i32
    %scan3A_85 = arith.constant 10 : i32
    %scan3A_86 = arith.addi %scan3A_84, %scan3A_85 : i32
    %scan3A_87 = arith.constant 1 : i32
    %scan3A_88 = scf.for %scan3A_121 = %scan3A_84 to %scan3A_86 step %scan3A_87 iter_args(%scan3A_122 = %scan3A_83) -> (i32)  : i32 {
      %jit3A = arith.constant 2 : i32
      %eq3A = arith.constant 0 : i32
      %eq3A_123 = arith.cmpi eq, %jit3A, %eq3A : i32
      %jit3A_124 = arith.constant 1 : i32
      %select_n3A = arith.select %eq3A_123, %jit3A_124, %jit3A : i32
      %rem3A = arith.remsi %scan3A_121, %select_n3A : i32
      %ne3A = arith.constant 0 : i32
      %ne3A_125 = arith.cmpi ne, %rem3A, %ne3A : i32
      %lt3A = arith.constant 0 : i32
      %lt3A_126 = arith.cmpi slt, %rem3A, %lt3A : i32
      %lt3A_127 = arith.constant 0 : i32
      %lt3A_128 = arith.cmpi slt, %select_n3A, %lt3A_127 : i32
      %ne3A_129 = arith.xori %lt3A_126, %lt3A_128 : i1
      %and3A = arith.andi %ne3A_129, %ne3A_125 : i1
      %add3A_130 = arith.addi %rem3A, %select_n3A : i32
      %select_n3A_131 = arith.select %and3A, %add3A_130, %rem3A : i32
      %sub3A = arith.constant 1 : i32
      %sub3A_132 = arith.subi %sub3A, %select_n3A_131 : i32
      %dma_wait3A = arith.constant 0 : i32
      %dma_wait3A_133 = arith.constant 0 : i32
      %dma_wait3A_134 = arith.constant 0 : i32
      %dma_wait3A_135 = arith.constant 0 : i32
      %dma_wait3A_136 = tpu.memref_slice %arg8[%dma_wait3A_133, %dma_wait3A_134, %dma_wait3A_135] : memref<2x128x128xf32, #tpu.memory_space<vmem>> -> memref<1x128x128xf32, #tpu.memory_space<vmem>>
      %dma_wait3A_137 = tpu.memref_squeeze %dma_wait3A_136 : memref<1x128x128xf32, #tpu.memory_space<vmem>> -> memref<128x128xf32, #tpu.memory_space<vmem>>
      %dma_wait3A_138 = arith.constant 0 : i32
      %dma_wait3A_139 = tpu.memref_slice %arg6[%select_n3A_131, %dma_wait3A, %dma_wait3A_138] : memref<2x8x128xi32, #tpu.memory_space<vmem>> -> memref<1x1x128xi32, #tpu.memory_space<vmem>>
      %dma_wait3A_140 = tpu.memref_squeeze %dma_wait3A_139 : memref<1x1x128xi32, #tpu.memory_space<vmem>> -> memref<128xi32, #tpu.memory_space<vmem>>
      %dma_wait3A_141 = arith.constant 0 : i32
      %dma_wait3A_142 = arith.constant 0 : i32
      %dma_wait3A_143 = tpu.memref_slice %arg2[%dma_wait3A_141, %dma_wait3A_142] : memref<10000x128xf32, #tpu.memory_space<hbm>> -> memref<10000x128xf32, #tpu.memory_space<hbm>>
      tpu.wait_indirect_dma semaphore(%arg9 : memref<!tpu.dma_semaphore, #tpu.memory_space<semaphore_mem>>) src(%dma_wait3A_143 : memref<10000x128xf32, #tpu.memory_space<hbm>>) dst(%dma_wait3A_137 : memref<128x128xf32, #tpu.memory_space<vmem>>)
      %dma_start3A_144 = arith.constant 0 : i32
      %dma_start3A_145 = arith.constant 0 : i32
      %dma_start3A_146 = arith.constant 0 : i32
      %dma_start3A_147 = arith.constant 0 : i32
      %dma_start3A_148 = tpu.memref_slice %arg8[%dma_start3A_144, %dma_start3A_146, %dma_start3A_147] : memref<2x128x128xf32, #tpu.memory_space<vmem>> -> memref<1x128x128xf32, #tpu.memory_space<vmem>>
      %dma_start3A_149 = tpu.memref_squeeze %dma_start3A_148 : memref<1x128x128xf32, #tpu.memory_space<vmem>> -> memref<128x128xf32, #tpu.memory_space<vmem>>
      %dma_start3A_150 = arith.constant 0 : i32
      %dma_start3A_151 = tpu.memref_slice %arg7[%select_n3A_131, %dma_start3A_145, %dma_start3A_150] : memref<2x8x128xi32, #tpu.memory_space<vmem>> -> memref<1x1x128xi32, #tpu.memory_space<vmem>>
      %dma_start3A_152 = tpu.memref_squeeze %dma_start3A_151 : memref<1x1x128xi32, #tpu.memory_space<vmem>> -> memref<128xi32, #tpu.memory_space<vmem>>
      %dma_start3A_153 = arith.constant 0 : i32
      %dma_start3A_154 = arith.constant 0 : i32
      %dma_start3A_155 = tpu.memref_slice %arg12[%dma_start3A_153, %dma_start3A_154] : memref<10112x128xf32, #tpu.memory_space<vmem_shared>> -> memref<10112x128xf32, #tpu.memory_space<vmem_shared>>
      tpu.enqueue_indirect_dma source(%dma_start3A_149 : memref<128x128xf32, #tpu.memory_space<vmem>>) target(%dma_start3A_155 : memref<10112x128xf32, #tpu.memory_space<vmem_shared>>) offsets(%dma_start3A_152 : memref<128xi32, #tpu.memory_space<vmem>>) semaphore(%arg10 : memref<!tpu.dma_semaphore, #tpu.memory_space<semaphore_mem>>) {add = true}
      %dma_wait3A_156 = arith.constant 0 : i32
      %dma_wait3A_157 = arith.constant 0 : i32
      %dma_wait3A_158 = arith.constant 0 : i32
      %dma_wait3A_159 = arith.constant 0 : i32
      %dma_wait3A_160 = tpu.memref_slice %arg8[%dma_wait3A_156, %dma_wait3A_158, %dma_wait3A_159] : memref<2x128x128xf32, #tpu.memory_space<vmem>> -> memref<1x128x128xf32, #tpu.memory_space<vmem>>
      %dma_wait3A_161 = tpu.memref_squeeze %dma_wait3A_160 : memref<1x128x128xf32, #tpu.memory_space<vmem>> -> memref<128x128xf32, #tpu.memory_space<vmem>>
      %dma_wait3A_162 = arith.constant 0 : i32
      %dma_wait3A_163 = tpu.memref_slice %arg7[%select_n3A_131, %dma_wait3A_157, %dma_wait3A_162] : memref<2x8x128xi32, #tpu.memory_space<vmem>> -> memref<1x1x128xi32, #tpu.memory_space<vmem>>
      %dma_wait3A_164 = tpu.memref_squeeze %dma_wait3A_163 : memref<1x1x128xi32, #tpu.memory_space<vmem>> -> memref<128xi32, #tpu.memory_space<vmem>>
      %dma_wait3A_165 = arith.constant 0 : i32
      %dma_wait3A_166 = arith.constant 0 : i32
      %dma_wait3A_167 = tpu.memref_slice %arg12[%dma_wait3A_165, %dma_wait3A_166] : memref<10112x128xf32, #tpu.memory_space<vmem_shared>> -> memref<10112x128xf32, #tpu.memory_space<vmem_shared>>
      tpu.wait_indirect_dma semaphore(%arg10 : memref<!tpu.dma_semaphore, #tpu.memory_space<semaphore_mem>>) src(%dma_wait3A_161 : memref<128x128xf32, #tpu.memory_space<vmem>>) dst(%dma_wait3A_167 : memref<10112x128xf32, #tpu.memory_space<vmem_shared>>)
      %dma_start3A_168 = arith.constant 2 : i32
      %dma_start3A_169 = arith.constant 0 : i32
      %dma_start3A_170 = arith.constant 0 : i32
      %dma_start3A_171 = arith.constant 0 : i32
      %dma_start3A_172 = tpu.memref_slice %arg8[%dma_start3A_169, %dma_start3A_170, %dma_start3A_171] : memref<2x128x128xf32, #tpu.memory_space<vmem>> -> memref<1x128x128xf32, #tpu.memory_space<vmem>>
      %dma_start3A_173 = tpu.memref_squeeze %dma_start3A_172 : memref<1x128x128xf32, #tpu.memory_space<vmem>> -> memref<128x128xf32, #tpu.memory_space<vmem>>
      %dma_start3A_174 = arith.constant 0 : i32
      %dma_start3A_175 = tpu.memref_slice %arg6[%select_n3A_131, %dma_start3A_168, %dma_start3A_174] : memref<2x8x128xi32, #tpu.memory_space<vmem>> -> memref<1x1x128xi32, #tpu.memory_space<vmem>>
      %dma_start3A_176 = tpu.memref_squeeze %dma_start3A_175 : memref<1x1x128xi32, #tpu.memory_space<vmem>> -> memref<128xi32, #tpu.memory_space<vmem>>
      %dma_start3A_177 = arith.constant 0 : i32
      %dma_start3A_178 = arith.constant 0 : i32
      %dma_start3A_179 = tpu.memref_slice %arg2[%dma_start3A_177, %dma_start3A_178] : memref<10000x128xf32, #tpu.memory_space<hbm>> -> memref<10000x128xf32, #tpu.memory_space<hbm>>
      tpu.enqueue_indirect_dma source(%dma_start3A_179 : memref<10000x128xf32, #tpu.memory_space<hbm>>) target(%dma_start3A_173 : memref<128x128xf32, #tpu.memory_space<vmem>>) offsets(%dma_start3A_176 : memref<128xi32, #tpu.memory_space<vmem>>) semaphore(%arg9 : memref<!tpu.dma_semaphore, #tpu.memory_space<semaphore_mem>>)
      %dma_wait3A_180 = arith.constant 1 : i32
      %dma_wait3A_181 = arith.constant 1 : i32
      %dma_wait3A_182 = arith.constant 0 : i32
      %dma_wait3A_183 = arith.constant 0 : i32
      %dma_wait3A_184 = tpu.memref_slice %arg8[%dma_wait3A_181, %dma_wait3A_182, %dma_wait3A_183] : memref<2x128x128xf32, #tpu.memory_space<vmem>> -> memref<1x128x128xf32, #tpu.memory_space<vmem>>
      %dma_wait3A_185 = tpu.memref_squeeze %dma_wait3A_184 : memref<1x128x128xf32, #tpu.memory_space<vmem>> -> memref<128x128xf32, #tpu.memory_space<vmem>>
      %dma_wait3A_186 = arith.constant 0 : i32
      %dma_wait3A_187 = tpu.memref_slice %arg6[%select_n3A_131, %dma_wait3A_180, %dma_wait3A_186] : memref<2x8x128xi32, #tpu.memory_space<vmem>> -> memref<1x1x128xi32, #tpu.memory_space<vmem>>
      %dma_wait3A_188 = tpu.memref_squeeze %dma_wait3A_187 : memref<1x1x128xi32, #tpu.memory_space<vmem>> -> memref<128xi32, #tpu.memory_space<vmem>>
      %dma_wait3A_189 = arith.constant 0 : i32
      %dma_wait3A_190 = arith.constant 0 : i32
      %dma_wait3A_191 = tpu.memref_slice %arg2[%dma_wait3A_189, %dma_wait3A_190] : memref<10000x128xf32, #tpu.memory_space<hbm>> -> memref<10000x128xf32, #tpu.memory_space<hbm>>
      tpu.wait_indirect_dma semaphore(%arg9 : memref<!tpu.dma_semaphore, #tpu.memory_space<semaphore_mem>>) src(%dma_wait3A_191 : memref<10000x128xf32, #tpu.memory_space<hbm>>) dst(%dma_wait3A_185 : memref<128x128xf32, #tpu.memory_space<vmem>>)
      %dma_start3A_192 = arith.constant 1 : i32
      %dma_start3A_193 = arith.constant 1 : i32
      %dma_start3A_194 = arith.constant 0 : i32
      %dma_start3A_195 = arith.constant 0 : i32
      %dma_start3A_196 = tpu.memref_slice %arg8[%dma_start3A_192, %dma_start3A_194, %dma_start3A_195] : memref<2x128x128xf32, #tpu.memory_space<vmem>> -> memref<1x128x128xf32, #tpu.memory_space<vmem>>
      %dma_start3A_197 = tpu.memref_squeeze %dma_start3A_196 : memref<1x128x128xf32, #tpu.memory_space<vmem>> -> memref<128x128xf32, #tpu.memory_space<vmem>>
      %dma_start3A_198 = arith.constant 0 : i32
      %dma_start3A_199 = tpu.memref_slice %arg7[%select_n3A_131, %dma_start3A_193, %dma_start3A_198] : memref<2x8x128xi32, #tpu.memory_space<vmem>> -> memref<1x1x128xi32, #tpu.memory_space<vmem>>
      %dma_start3A_200 = tpu.memref_squeeze %dma_start3A_199 : memref<1x1x128xi32, #tpu.memory_space<vmem>> -> memref<128xi32, #tpu.memory_space<vmem>>
      %dma_start3A_201 = arith.constant 0 : i32
      %dma_start3A_202 = arith.constant 0 : i32
      %dma_start3A_203 = tpu.memref_slice %arg12[%dma_start3A_201, %dma_start3A_202] : memref<10112x128xf32, #tpu.memory_space<vmem_shared>> -> memref<10112x128xf32, #tpu.memory_space<vmem_shared>>
      tpu.enqueue_indirect_dma source(%dma_start3A_197 : memref<128x128xf32, #tpu.memory_space<vmem>>) target(%dma_start3A_203 : memref<10112x128xf32, #tpu.memory_space<vmem_shared>>) offsets(%dma_start3A_200 : memref<128xi32, #tpu.memory_space<vmem>>) semaphore(%arg10 : memref<!tpu.dma_semaphore, #tpu.memory_space<semaphore_mem>>) {add = true}
      %dma_wait3A_204 = arith.constant 1 : i32
      %dma_wait3A_205 = arith.constant 1 : i32
      %dma_wait3A_206 = arith.constant 0 : i32
      %dma_wait3A_207 = arith.constant 0 : i32
      %dma_wait3A_208 = tpu.memref_slice %arg8[%dma_wait3A_204, %dma_wait3A_206, %dma_wait3A_207] : memref<2x128x128xf32, #tpu.memory_space<vmem>> -> memref<1x128x128xf32, #tpu.memory_space<vmem>>
      %dma_wait3A_209 = tpu.memref_squeeze %dma_wait3A_208 : memref<1x128x128xf32, #tpu.memory_space<vmem>> -> memref<128x128xf32, #tpu.memory_space<vmem>>
      %dma_wait3A_210 = arith.constant 0 : i32
      %dma_wait3A_211 = tpu.memref_slice %arg7[%select_n3A_131, %dma_wait3A_205, %dma_wait3A_210] : memref<2x8x128xi32, #tpu.memory_space<vmem>> -> memref<1x1x128xi32, #tpu.memory_space<vmem>>
      %dma_wait3A_212 = tpu.memref_squeeze %dma_wait3A_211 : memref<1x1x128xi32, #tpu.memory_space<vmem>> -> memref<128xi32, #tpu.memory_space<vmem>>
      %dma_wait3A_213 = arith.constant 0 : i32
      %dma_wait3A_214 = arith.constant 0 : i32
      %dma_wait3A_215 = tpu.memref_slice %arg12[%dma_wait3A_213, %dma_wait3A_214] : memref<10112x128xf32, #tpu.memory_space<vmem_shared>> -> memref<10112x128xf32, #tpu.memory_space<vmem_shared>>
      tpu.wait_indirect_dma semaphore(%arg10 : memref<!tpu.dma_semaphore, #tpu.memory_space<semaphore_mem>>) src(%dma_wait3A_209 : memref<128x128xf32, #tpu.memory_space<vmem>>) dst(%dma_wait3A_215 : memref<10112x128xf32, #tpu.memory_space<vmem_shared>>)
      %dma_start3A_216 = arith.constant 3 : i32
      %dma_start3A_217 = arith.constant 1 : i32
      %dma_start3A_218 = arith.constant 0 : i32
      %dma_start3A_219 = arith.constant 0 : i32
      %dma_start3A_220 = tpu.memref_slice %arg8[%dma_start3A_217, %dma_start3A_218, %dma_start3A_219] : memref<2x128x128xf32, #tpu.memory_space<vmem>> -> memref<1x128x128xf32, #tpu.memory_space<vmem>>
      %dma_start3A_221 = tpu.memref_squeeze %dma_start3A_220 : memref<1x128x128xf32, #tpu.memory_space<vmem>> -> memref<128x128xf32, #tpu.memory_space<vmem>>
      %dma_start3A_222 = arith.constant 0 : i32
      %dma_start3A_223 = tpu.memref_slice %arg6[%select_n3A_131, %dma_start3A_216, %dma_start3A_222] : memref<2x8x128xi32, #tpu.memory_space<vmem>> -> memref<1x1x128xi32, #tpu.memory_space<vmem>>
      %dma_start3A_224 = tpu.memref_squeeze %dma_start3A_223 : memref<1x1x128xi32, #tpu.memory_space<vmem>> -> memref<128xi32, #tpu.memory_space<vmem>>
      %dma_start3A_225 = arith.constant 0 : i32
      %dma_start3A_226 = arith.constant 0 : i32
      %dma_start3A_227 = tpu.memref_slice %arg2[%dma_start3A_225, %dma_start3A_226] : memref<10000x128xf32, #tpu.memory_space<hbm>> -> memref<10000x128xf32, #tpu.memory_space<hbm>>
      tpu.enqueue_indirect_dma source(%dma_start3A_227 : memref<10000x128xf32, #tpu.memory_space<hbm>>) target(%dma_start3A_221 : memref<128x128xf32, #tpu.memory_space<vmem>>) offsets(%dma_start3A_224 : memref<128xi32, #tpu.memory_space<vmem>>) semaphore(%arg9 : memref<!tpu.dma_semaphore, #tpu.memory_space<semaphore_mem>>)
      %dma_wait3A_228 = arith.constant 2 : i32
      %dma_wait3A_229 = arith.constant 0 : i32
      %dma_wait3A_230 = arith.constant 0 : i32
      %dma_wait3A_231 = arith.constant 0 : i32
      %dma_wait3A_232 = tpu.memref_slice %arg8[%dma_wait3A_229, %dma_wait3A_230, %dma_wait3A_231] : memref<2x128x128xf32, #tpu.memory_space<vmem>> -> memref<1x128x128xf32, #tpu.memory_space<vmem>>
      %dma_wait3A_233 = tpu.memref_squeeze %dma_wait3A_232 : memref<1x128x128xf32, #tpu.memory_space<vmem>> -> memref<128x128xf32, #tpu.memory_space<vmem>>
      %dma_wait3A_234 = arith.constant 0 : i32
      %dma_wait3A_235 = tpu.memref_slice %arg6[%select_n3A_131, %dma_wait3A_228, %dma_wait3A_234] : memref<2x8x128xi32, #tpu.memory_space<vmem>> -> memref<1x1x128xi32, #tpu.memory_space<vmem>>
      %dma_wait3A_236 = tpu.memref_squeeze %dma_wait3A_235 : memref<1x1x128xi32, #tpu.memory_space<vmem>> -> memref<128xi32, #tpu.memory_space<vmem>>
      %dma_wait3A_237 = arith.constant 0 : i32
      %dma_wait3A_238 = arith.constant 0 : i32
      %dma_wait3A_239 = tpu.memref_slice %arg2[%dma_wait3A_237, %dma_wait3A_238] : memref<10000x128xf32, #tpu.memory_space<hbm>> -> memref<10000x128xf32, #tpu.memory_space<hbm>>
      tpu.wait_indirect_dma semaphore(%arg9 : memref<!tpu.dma_semaphore, #tpu.memory_space<semaphore_mem>>) src(%dma_wait3A_239 : memref<10000x128xf32, #tpu.memory_space<hbm>>) dst(%dma_wait3A_233 : memref<128x128xf32, #tpu.memory_space<vmem>>)
      %dma_start3A_240 = arith.constant 0 : i32
      %dma_start3A_241 = arith.constant 2 : i32
      %dma_start3A_242 = arith.constant 0 : i32
      %dma_start3A_243 = arith.constant 0 : i32
      %dma_start3A_244 = tpu.memref_slice %arg8[%dma_start3A_240, %dma_start3A_242, %dma_start3A_243] : memref<2x128x128xf32, #tpu.memory_space<vmem>> -> memref<1x128x128xf32, #tpu.memory_space<vmem>>
      %dma_start3A_245 = tpu.memref_squeeze %dma_start3A_244 : memref<1x128x128xf32, #tpu.memory_space<vmem>> -> memref<128x128xf32, #tpu.memory_space<vmem>>
      %dma_start3A_246 = arith.constant 0 : i32
      %dma_start3A_247 = tpu.memref_slice %arg7[%select_n3A_131, %dma_start3A_241, %dma_start3A_246] : memref<2x8x128xi32, #tpu.memory_space<vmem>> -> memref<1x1x128xi32, #tpu.memory_space<vmem>>
      %dma_start3A_248 = tpu.memref_squeeze %dma_start3A_247 : memref<1x1x128xi32, #tpu.memory_space<vmem>> -> memref<128xi32, #tpu.memory_space<vmem>>
      %dma_start3A_249 = arith.constant 0 : i32
      %dma_start3A_250 = arith.constant 0 : i32
      %dma_start3A_251 = tpu.memref_slice %arg12[%dma_start3A_249, %dma_start3A_250] : memref<10112x128xf32, #tpu.memory_space<vmem_shared>> -> memref<10112x128xf32, #tpu.memory_space<vmem_shared>>
      tpu.enqueue_indirect_dma source(%dma_start3A_245 : memref<128x128xf32, #tpu.memory_space<vmem>>) target(%dma_start3A_251 : memref<10112x128xf32, #tpu.memory_space<vmem_shared>>) offsets(%dma_start3A_248 : memref<128xi32, #tpu.memory_space<vmem>>) semaphore(%arg10 : memref<!tpu.dma_semaphore, #tpu.memory_space<semaphore_mem>>) {add = true}
      %dma_wait3A_252 = arith.constant 0 : i32
      %dma_wait3A_253 = arith.constant 2 : i32
      %dma_wait3A_254 = arith.constant 0 : i32
      %dma_wait3A_255 = arith.constant 0 : i32
      %dma_wait3A_256 = tpu.memref_slice %arg8[%dma_wait3A_252, %dma_wait3A_254, %dma_wait3A_255] : memref<2x128x128xf32, #tpu.memory_space<vmem>> -> memref<1x128x128xf32, #tpu.memory_space<vmem>>
      %dma_wait3A_257 = tpu.memref_squeeze %dma_wait3A_256 : memref<1x128x128xf32, #tpu.memory_space<vmem>> -> memref<128x128xf32, #tpu.memory_space<vmem>>
      %dma_wait3A_258 = arith.constant 0 : i32
      %dma_wait3A_259 = tpu.memref_slice %arg7[%select_n3A_131, %dma_wait3A_253, %dma_wait3A_258] : memref<2x8x128xi32, #tpu.memory_space<vmem>> -> memref<1x1x128xi32, #tpu.memory_space<vmem>>
      %dma_wait3A_260 = tpu.memref_squeeze %dma_wait3A_259 : memref<1x1x128xi32, #tpu.memory_space<vmem>> -> memref<128xi32, #tpu.memory_space<vmem>>
      %dma_wait3A_261 = arith.constant 0 : i32
      %dma_wait3A_262 = arith.constant 0 : i32
      %dma_wait3A_263 = tpu.memref_slice %arg12[%dma_wait3A_261, %dma_wait3A_262] : memref<10112x128xf32, #tpu.memory_space<vmem_shared>> -> memref<10112x128xf32, #tpu.memory_space<vmem_shared>>
      tpu.wait_indirect_dma semaphore(%arg10 : memref<!tpu.dma_semaphore, #tpu.memory_space<semaphore_mem>>) src(%dma_wait3A_257 : memref<128x128xf32, #tpu.memory_space<vmem>>) dst(%dma_wait3A_263 : memref<10112x128xf32, #tpu.memory_space<vmem_shared>>)
      %dma_start3A_264 = arith.constant 4 : i32
      %dma_start3A_265 = arith.constant 0 : i32
      %dma_start3A_266 = arith.constant 0 : i32
      %dma_start3A_267 = arith.constant 0 : i32
      %dma_start3A_268 = tpu.memref_slice %arg8[%dma_start3A_265, %dma_start3A_266, %dma_start3A_267] : memref<2x128x128xf32, #tpu.memory_space<vmem>> -> memref<1x128x128xf32, #tpu.memory_space<vmem>>
      %dma_start3A_269 = tpu.memref_squeeze %dma_start3A_268 : memref<1x128x128xf32, #tpu.memory_space<vmem>> -> memref<128x128xf32, #tpu.memory_space<vmem>>
      %dma_start3A_270 = arith.constant 0 : i32
      %dma_start3A_271 = tpu.memref_slice %arg6[%select_n3A_131, %dma_start3A_264, %dma_start3A_270] : memref<2x8x128xi32, #tpu.memory_space<vmem>> -> memref<1x1x128xi32, #tpu.memory_space<vmem>>
      %dma_start3A_272 = tpu.memref_squeeze %dma_start3A_271 : memref<1x1x128xi32, #tpu.memory_space<vmem>> -> memref<128xi32, #tpu.memory_space<vmem>>
      %dma_start3A_273 = arith.constant 0 : i32
      %dma_start3A_274 = arith.constant 0 : i32
      %dma_start3A_275 = tpu.memref_slice %arg2[%dma_start3A_273, %dma_start3A_274] : memref<10000x128xf32, #tpu.memory_space<hbm>> -> memref<10000x128xf32, #tpu.memory_space<hbm>>
      tpu.enqueue_indirect_dma source(%dma_start3A_275 : memref<10000x128xf32, #tpu.memory_space<hbm>>) target(%dma_start3A_269 : memref<128x128xf32, #tpu.memory_space<vmem>>) offsets(%dma_start3A_272 : memref<128xi32, #tpu.memory_space<vmem>>) semaphore(%arg9 : memref<!tpu.dma_semaphore, #tpu.memory_space<semaphore_mem>>)
      %dma_wait3A_276 = arith.constant 3 : i32
      %dma_wait3A_277 = arith.constant 1 : i32
      %dma_wait3A_278 = arith.constant 0 : i32
      %dma_wait3A_279 = arith.constant 0 : i32
      %dma_wait3A_280 = tpu.memref_slice %arg8[%dma_wait3A_277, %dma_wait3A_278, %dma_wait3A_279] : memref<2x128x128xf32, #tpu.memory_space<vmem>> -> memref<1x128x128xf32, #tpu.memory_space<vmem>>
      %dma_wait3A_281 = tpu.memref_squeeze %dma_wait3A_280 : memref<1x128x128xf32, #tpu.memory_space<vmem>> -> memref<128x128xf32, #tpu.memory_space<vmem>>
      %dma_wait3A_282 = arith.constant 0 : i32
      %dma_wait3A_283 = tpu.memref_slice %arg6[%select_n3A_131, %dma_wait3A_276, %dma_wait3A_282] : memref<2x8x128xi32, #tpu.memory_space<vmem>> -> memref<1x1x128xi32, #tpu.memory_space<vmem>>
      %dma_wait3A_284 = tpu.memref_squeeze %dma_wait3A_283 : memref<1x1x128xi32, #tpu.memory_space<vmem>> -> memref<128xi32, #tpu.memory_space<vmem>>
      %dma_wait3A_285 = arith.constant 0 : i32
      %dma_wait3A_286 = arith.constant 0 : i32
      %dma_wait3A_287 = tpu.memref_slice %arg2[%dma_wait3A_285, %dma_wait3A_286] : memref<10000x128xf32, #tpu.memory_space<hbm>> -> memref<10000x128xf32, #tpu.memory_space<hbm>>
      tpu.wait_indirect_dma semaphore(%arg9 : memref<!tpu.dma_semaphore, #tpu.memory_space<semaphore_mem>>) src(%dma_wait3A_287 : memref<10000x128xf32, #tpu.memory_space<hbm>>) dst(%dma_wait3A_281 : memref<128x128xf32, #tpu.memory_space<vmem>>)
      %dma_start3A_288 = arith.constant 1 : i32
      %dma_start3A_289 = arith.constant 3 : i32
      %dma_start3A_290 = arith.constant 0 : i32
      %dma_start3A_291 = arith.constant 0 : i32
      %dma_start3A_292 = tpu.memref_slice %arg8[%dma_start3A_288, %dma_start3A_290, %dma_start3A_291] : memref<2x128x128xf32, #tpu.memory_space<vmem>> -> memref<1x128x128xf32, #tpu.memory_space<vmem>>
      %dma_start3A_293 = tpu.memref_squeeze %dma_start3A_292 : memref<1x128x128xf32, #tpu.memory_space<vmem>> -> memref<128x128xf32, #tpu.memory_space<vmem>>
      %dma_start3A_294 = arith.constant 0 : i32
      %dma_start3A_295 = tpu.memref_slice %arg7[%select_n3A_131, %dma_start3A_289, %dma_start3A_294] : memref<2x8x128xi32, #tpu.memory_space<vmem>> -> memref<1x1x128xi32, #tpu.memory_space<vmem>>
      %dma_start3A_296 = tpu.memref_squeeze %dma_start3A_295 : memref<1x1x128xi32, #tpu.memory_space<vmem>> -> memref<128xi32, #tpu.memory_space<vmem>>
      %dma_start3A_297 = arith.constant 0 : i32
      %dma_start3A_298 = arith.constant 0 : i32
      %dma_start3A_299 = tpu.memref_slice %arg12[%dma_start3A_297, %dma_start3A_298] : memref<10112x128xf32, #tpu.memory_space<vmem_shared>> -> memref<10112x128xf32, #tpu.memory_space<vmem_shared>>
      tpu.enqueue_indirect_dma source(%dma_start3A_293 : memref<128x128xf32, #tpu.memory_space<vmem>>) target(%dma_start3A_299 : memref<10112x128xf32, #tpu.memory_space<vmem_shared>>) offsets(%dma_start3A_296 : memref<128xi32, #tpu.memory_space<vmem>>) semaphore(%arg10 : memref<!tpu.dma_semaphore, #tpu.memory_space<semaphore_mem>>) {add = true}
      %dma_wait3A_300 = arith.constant 1 : i32
      %dma_wait3A_301 = arith.constant 3 : i32
      %dma_wait3A_302 = arith.constant 0 : i32
      %dma_wait3A_303 = arith.constant 0 : i32
      %dma_wait3A_304 = tpu.memref_slice %arg8[%dma_wait3A_300, %dma_wait3A_302, %dma_wait3A_303] : memref<2x128x128xf32, #tpu.memory_space<vmem>> -> memref<1x128x128xf32, #tpu.memory_space<vmem>>
      %dma_wait3A_305 = tpu.memref_squeeze %dma_wait3A_304 : memref<1x128x128xf32, #tpu.memory_space<vmem>> -> memref<128x128xf32, #tpu.memory_space<vmem>>
      %dma_wait3A_306 = arith.constant 0 : i32
      %dma_wait3A_307 = tpu.memref_slice %arg7[%select_n3A_131, %dma_wait3A_301, %dma_wait3A_306] : memref<2x8x128xi32, #tpu.memory_space<vmem>> -> memref<1x1x128xi32, #tpu.memory_space<vmem>>
      %dma_wait3A_308 = tpu.memref_squeeze %dma_wait3A_307 : memref<1x1x128xi32, #tpu.memory_space<vmem>> -> memref<128xi32, #tpu.memory_space<vmem>>
      %dma_wait3A_309 = arith.constant 0 : i32
      %dma_wait3A_310 = arith.constant 0 : i32
      %dma_wait3A_311 = tpu.memref_slice %arg12[%dma_wait3A_309, %dma_wait3A_310] : memref<10112x128xf32, #tpu.memory_space<vmem_shared>> -> memref<10112x128xf32, #tpu.memory_space<vmem_shared>>
      tpu.wait_indirect_dma semaphore(%arg10 : memref<!tpu.dma_semaphore, #tpu.memory_space<semaphore_mem>>) src(%dma_wait3A_305 : memref<128x128xf32, #tpu.memory_space<vmem>>) dst(%dma_wait3A_311 : memref<10112x128xf32, #tpu.memory_space<vmem_shared>>)
      %dma_start3A_312 = arith.constant 5 : i32
      %dma_start3A_313 = arith.constant 1 : i32
      %dma_start3A_314 = arith.constant 0 : i32
      %dma_start3A_315 = arith.constant 0 : i32
      %dma_start3A_316 = tpu.memref_slice %arg8[%dma_start3A_313, %dma_start3A_314, %dma_start3A_315] : memref<2x128x128xf32, #tpu.memory_space<vmem>> -> memref<1x128x128xf32, #tpu.memory_space<vmem>>
      %dma_start3A_317 = tpu.memref_squeeze %dma_start3A_316 : memref<1x128x128xf32, #tpu.memory_space<vmem>> -> memref<128x128xf32, #tpu.memory_space<vmem>>
      %dma_start3A_318 = arith.constant 0 : i32
      %dma_start3A_319 = tpu.memref_slice %arg6[%select_n3A_131, %dma_start3A_312, %dma_start3A_318] : memref<2x8x128xi32, #tpu.memory_space<vmem>> -> memref<1x1x128xi32, #tpu.memory_space<vmem>>
      %dma_start3A_320 = tpu.memref_squeeze %dma_start3A_319 : memref<1x1x128xi32, #tpu.memory_space<vmem>> -> memref<128xi32, #tpu.memory_space<vmem>>
      %dma_start3A_321 = arith.constant 0 : i32
      %dma_start3A_322 = arith.constant 0 : i32
      %dma_start3A_323 = tpu.memref_slice %arg2[%dma_start3A_321, %dma_start3A_322] : memref<10000x128xf32, #tpu.memory_space<hbm>> -> memref<10000x128xf32, #tpu.memory_space<hbm>>
      tpu.enqueue_indirect_dma source(%dma_start3A_323 : memref<10000x128xf32, #tpu.memory_space<hbm>>) target(%dma_start3A_317 : memref<128x128xf32, #tpu.memory_space<vmem>>) offsets(%dma_start3A_320 : memref<128xi32, #tpu.memory_space<vmem>>) semaphore(%arg9 : memref<!tpu.dma_semaphore, #tpu.memory_space<semaphore_mem>>)
      %dma_wait3A_324 = arith.constant 4 : i32
      %dma_wait3A_325 = arith.constant 0 : i32
      %dma_wait3A_326 = arith.constant 0 : i32
      %dma_wait3A_327 = arith.constant 0 : i32
      %dma_wait3A_328 = tpu.memref_slice %arg8[%dma_wait3A_325, %dma_wait3A_326, %dma_wait3A_327] : memref<2x128x128xf32, #tpu.memory_space<vmem>> -> memref<1x128x128xf32, #tpu.memory_space<vmem>>
      %dma_wait3A_329 = tpu.memref_squeeze %dma_wait3A_328 : memref<1x128x128xf32, #tpu.memory_space<vmem>> -> memref<128x128xf32, #tpu.memory_space<vmem>>
      %dma_wait3A_330 = arith.constant 0 : i32
      %dma_wait3A_331 = tpu.memref_slice %arg6[%select_n3A_131, %dma_wait3A_324, %dma_wait3A_330] : memref<2x8x128xi32, #tpu.memory_space<vmem>> -> memref<1x1x128xi32, #tpu.memory_space<vmem>>
      %dma_wait3A_332 = tpu.memref_squeeze %dma_wait3A_331 : memref<1x1x128xi32, #tpu.memory_space<vmem>> -> memref<128xi32, #tpu.memory_space<vmem>>
      %dma_wait3A_333 = arith.constant 0 : i32
      %dma_wait3A_334 = arith.constant 0 : i32
      %dma_wait3A_335 = tpu.memref_slice %arg2[%dma_wait3A_333, %dma_wait3A_334] : memref<10000x128xf32, #tpu.memory_space<hbm>> -> memref<10000x128xf32, #tpu.memory_space<hbm>>
      tpu.wait_indirect_dma semaphore(%arg9 : memref<!tpu.dma_semaphore, #tpu.memory_space<semaphore_mem>>) src(%dma_wait3A_335 : memref<10000x128xf32, #tpu.memory_space<hbm>>) dst(%dma_wait3A_329 : memref<128x128xf32, #tpu.memory_space<vmem>>)
      %dma_start3A_336 = arith.constant 0 : i32
      %dma_start3A_337 = arith.constant 4 : i32
      %dma_start3A_338 = arith.constant 0 : i32
      %dma_start3A_339 = arith.constant 0 : i32
      %dma_start3A_340 = tpu.memref_slice %arg8[%dma_start3A_336, %dma_start3A_338, %dma_start3A_339] : memref<2x128x128xf32, #tpu.memory_space<vmem>> -> memref<1x128x128xf32, #tpu.memory_space<vmem>>
      %dma_start3A_341 = tpu.memref_squeeze %dma_start3A_340 : memref<1x128x128xf32, #tpu.memory_space<vmem>> -> memref<128x128xf32, #tpu.memory_space<vmem>>
      %dma_start3A_342 = arith.constant 0 : i32
      %dma_start3A_343 = tpu.memref_slice %arg7[%select_n3A_131, %dma_start3A_337, %dma_start3A_342] : memref<2x8x128xi32, #tpu.memory_space<vmem>> -> memref<1x1x128xi32, #tpu.memory_space<vmem>>
      %dma_start3A_344 = tpu.memref_squeeze %dma_start3A_343 : memref<1x1x128xi32, #tpu.memory_space<vmem>> -> memref<128xi32, #tpu.memory_space<vmem>>
      %dma_start3A_345 = arith.constant 0 : i32
      %dma_start3A_346 = arith.constant 0 : i32
      %dma_start3A_347 = tpu.memref_slice %arg12[%dma_start3A_345, %dma_start3A_346] : memref<10112x128xf32, #tpu.memory_space<vmem_shared>> -> memref<10112x128xf32, #tpu.memory_space<vmem_shared>>
      tpu.enqueue_indirect_dma source(%dma_start3A_341 : memref<128x128xf32, #tpu.memory_space<vmem>>) target(%dma_start3A_347 : memref<10112x128xf32, #tpu.memory_space<vmem_shared>>) offsets(%dma_start3A_344 : memref<128xi32, #tpu.memory_space<vmem>>) semaphore(%arg10 : memref<!tpu.dma_semaphore, #tpu.memory_space<semaphore_mem>>) {add = true}
      %dma_wait3A_348 = arith.constant 0 : i32
      %dma_wait3A_349 = arith.constant 4 : i32
      %dma_wait3A_350 = arith.constant 0 : i32
      %dma_wait3A_351 = arith.constant 0 : i32
      %dma_wait3A_352 = tpu.memref_slice %arg8[%dma_wait3A_348, %dma_wait3A_350, %dma_wait3A_351] : memref<2x128x128xf32, #tpu.memory_space<vmem>> -> memref<1x128x128xf32, #tpu.memory_space<vmem>>
      %dma_wait3A_353 = tpu.memref_squeeze %dma_wait3A_352 : memref<1x128x128xf32, #tpu.memory_space<vmem>> -> memref<128x128xf32, #tpu.memory_space<vmem>>
      %dma_wait3A_354 = arith.constant 0 : i32
      %dma_wait3A_355 = tpu.memref_slice %arg7[%select_n3A_131, %dma_wait3A_349, %dma_wait3A_354] : memref<2x8x128xi32, #tpu.memory_space<vmem>> -> memref<1x1x128xi32, #tpu.memory_space<vmem>>
      %dma_wait3A_356 = tpu.memref_squeeze %dma_wait3A_355 : memref<1x1x128xi32, #tpu.memory_space<vmem>> -> memref<128xi32, #tpu.memory_space<vmem>>
      %dma_wait3A_357 = arith.constant 0 : i32
      %dma_wait3A_358 = arith.constant 0 : i32
      %dma_wait3A_359 = tpu.memref_slice %arg12[%dma_wait3A_357, %dma_wait3A_358] : memref<10112x128xf32, #tpu.memory_space<vmem_shared>> -> memref<10112x128xf32, #tpu.memory_space<vmem_shared>>
      tpu.wait_indirect_dma semaphore(%arg10 : memref<!tpu.dma_semaphore, #tpu.memory_space<semaphore_mem>>) src(%dma_wait3A_353 : memref<128x128xf32, #tpu.memory_space<vmem>>) dst(%dma_wait3A_359 : memref<10112x128xf32, #tpu.memory_space<vmem_shared>>)
      %dma_start3A_360 = arith.constant 6 : i32
      %dma_start3A_361 = arith.constant 0 : i32
      %dma_start3A_362 = arith.constant 0 : i32
      %dma_start3A_363 = arith.constant 0 : i32
      %dma_start3A_364 = tpu.memref_slice %arg8[%dma_start3A_361, %dma_start3A_362, %dma_start3A_363] : memref<2x128x128xf32, #tpu.memory_space<vmem>> -> memref<1x128x128xf32, #tpu.memory_space<vmem>>
      %dma_start3A_365 = tpu.memref_squeeze %dma_start3A_364 : memref<1x128x128xf32, #tpu.memory_space<vmem>> -> memref<128x128xf32, #tpu.memory_space<vmem>>
      %dma_start3A_366 = arith.constant 0 : i32
      %dma_start3A_367 = tpu.memref_slice %arg6[%select_n3A_131, %dma_start3A_360, %dma_start3A_366] : memref<2x8x128xi32, #tpu.memory_space<vmem>> -> memref<1x1x128xi32, #tpu.memory_space<vmem>>
      %dma_start3A_368 = tpu.memref_squeeze %dma_start3A_367 : memref<1x1x128xi32, #tpu.memory_space<vmem>> -> memref<128xi32, #tpu.memory_space<vmem>>
      %dma_start3A_369 = arith.constant 0 : i32
      %dma_start3A_370 = arith.constant 0 : i32
      %dma_start3A_371 = tpu.memref_slice %arg2[%dma_start3A_369, %dma_start3A_370] : memref<10000x128xf32, #tpu.memory_space<hbm>> -> memref<10000x128xf32, #tpu.memory_space<hbm>>
      tpu.enqueue_indirect_dma source(%dma_start3A_371 : memref<10000x128xf32, #tpu.memory_space<hbm>>) target(%dma_start3A_365 : memref<128x128xf32, #tpu.memory_space<vmem>>) offsets(%dma_start3A_368 : memref<128xi32, #tpu.memory_space<vmem>>) semaphore(%arg9 : memref<!tpu.dma_semaphore, #tpu.memory_space<semaphore_mem>>)
      %dma_wait3A_372 = arith.constant 5 : i32
      %dma_wait3A_373 = arith.constant 1 : i32
      %dma_wait3A_374 = arith.constant 0 : i32
      %dma_wait3A_375 = arith.constant 0 : i32
      %dma_wait3A_376 = tpu.memref_slice %arg8[%dma_wait3A_373, %dma_wait3A_374, %dma_wait3A_375] : memref<2x128x128xf32, #tpu.memory_space<vmem>> -> memref<1x128x128xf32, #tpu.memory_space<vmem>>
      %dma_wait3A_377 = tpu.memref_squeeze %dma_wait3A_376 : memref<1x128x128xf32, #tpu.memory_space<vmem>> -> memref<128x128xf32, #tpu.memory_space<vmem>>
      %dma_wait3A_378 = arith.constant 0 : i32
      %dma_wait3A_379 = tpu.memref_slice %arg6[%select_n3A_131, %dma_wait3A_372, %dma_wait3A_378] : memref<2x8x128xi32, #tpu.memory_space<vmem>> -> memref<1x1x128xi32, #tpu.memory_space<vmem>>
      %dma_wait3A_380 = tpu.memref_squeeze %dma_wait3A_379 : memref<1x1x128xi32, #tpu.memory_space<vmem>> -> memref<128xi32, #tpu.memory_space<vmem>>
      %dma_wait3A_381 = arith.constant 0 : i32
      %dma_wait3A_382 = arith.constant 0 : i32
      %dma_wait3A_383 = tpu.memref_slice %arg2[%dma_wait3A_381, %dma_wait3A_382] : memref<10000x128xf32, #tpu.memory_space<hbm>> -> memref<10000x128xf32, #tpu.memory_space<hbm>>
      tpu.wait_indirect_dma semaphore(%arg9 : memref<!tpu.dma_semaphore, #tpu.memory_space<semaphore_mem>>) src(%dma_wait3A_383 : memref<10000x128xf32, #tpu.memory_space<hbm>>) dst(%dma_wait3A_377 : memref<128x128xf32, #tpu.memory_space<vmem>>)
      %dma_start3A_384 = arith.constant 1 : i32
      %dma_start3A_385 = arith.constant 5 : i32
      %dma_start3A_386 = arith.constant 0 : i32
      %dma_start3A_387 = arith.constant 0 : i32
      %dma_start3A_388 = tpu.memref_slice %arg8[%dma_start3A_384, %dma_start3A_386, %dma_start3A_387] : memref<2x128x128xf32, #tpu.memory_space<vmem>> -> memref<1x128x128xf32, #tpu.memory_space<vmem>>
      %dma_start3A_389 = tpu.memref_squeeze %dma_start3A_388 : memref<1x128x128xf32, #tpu.memory_space<vmem>> -> memref<128x128xf32, #tpu.memory_space<vmem>>
      %dma_start3A_390 = arith.constant 0 : i32
      %dma_start3A_391 = tpu.memref_slice %arg7[%select_n3A_131, %dma_start3A_385, %dma_start3A_390] : memref<2x8x128xi32, #tpu.memory_space<vmem>> -> memref<1x1x128xi32, #tpu.memory_space<vmem>>
      %dma_start3A_392 = tpu.memref_squeeze %dma_start3A_391 : memref<1x1x128xi32, #tpu.memory_space<vmem>> -> memref<128xi32, #tpu.memory_space<vmem>>
      %dma_start3A_393 = arith.constant 0 : i32
      %dma_start3A_394 = arith.constant 0 : i32
      %dma_start3A_395 = tpu.memref_slice %arg12[%dma_start3A_393, %dma_start3A_394] : memref<10112x128xf32, #tpu.memory_space<vmem_shared>> -> memref<10112x128xf32, #tpu.memory_space<vmem_shared>>
      tpu.enqueue_indirect_dma source(%dma_start3A_389 : memref<128x128xf32, #tpu.memory_space<vmem>>) target(%dma_start3A_395 : memref<10112x128xf32, #tpu.memory_space<vmem_shared>>) offsets(%dma_start3A_392 : memref<128xi32, #tpu.memory_space<vmem>>) semaphore(%arg10 : memref<!tpu.dma_semaphore, #tpu.memory_space<semaphore_mem>>) {add = true}
      %dma_wait3A_396 = arith.constant 1 : i32
      %dma_wait3A_397 = arith.constant 5 : i32
      %dma_wait3A_398 = arith.constant 0 : i32
      %dma_wait3A_399 = arith.constant 0 : i32
      %dma_wait3A_400 = tpu.memref_slice %arg8[%dma_wait3A_396, %dma_wait3A_398, %dma_wait3A_399] : memref<2x128x128xf32, #tpu.memory_space<vmem>> -> memref<1x128x128xf32, #tpu.memory_space<vmem>>
      %dma_wait3A_401 = tpu.memref_squeeze %dma_wait3A_400 : memref<1x128x128xf32, #tpu.memory_space<vmem>> -> memref<128x128xf32, #tpu.memory_space<vmem>>
      %dma_wait3A_402 = arith.constant 0 : i32
      %dma_wait3A_403 = tpu.memref_slice %arg7[%select_n3A_131, %dma_wait3A_397, %dma_wait3A_402] : memref<2x8x128xi32, #tpu.memory_space<vmem>> -> memref<1x1x128xi32, #tpu.memory_space<vmem>>
      %dma_wait3A_404 = tpu.memref_squeeze %dma_wait3A_403 : memref<1x1x128xi32, #tpu.memory_space<vmem>> -> memref<128xi32, #tpu.memory_space<vmem>>
      %dma_wait3A_405 = arith.constant 0 : i32
      %dma_wait3A_406 = arith.constant 0 : i32
      %dma_wait3A_407 = tpu.memref_slice %arg12[%dma_wait3A_405, %dma_wait3A_406] : memref<10112x128xf32, #tpu.memory_space<vmem_shared>> -> memref<10112x128xf32, #tpu.memory_space<vmem_shared>>
      tpu.wait_indirect_dma semaphore(%arg10 : memref<!tpu.dma_semaphore, #tpu.memory_space<semaphore_mem>>) src(%dma_wait3A_401 : memref<128x128xf32, #tpu.memory_space<vmem>>) dst(%dma_wait3A_407 : memref<10112x128xf32, #tpu.memory_space<vmem_shared>>)
      %dma_start3A_408 = arith.constant 7 : i32
      %dma_start3A_409 = arith.constant 1 : i32
      %dma_start3A_410 = arith.constant 0 : i32
      %dma_start3A_411 = arith.constant 0 : i32
      %dma_start3A_412 = tpu.memref_slice %arg8[%dma_start3A_409, %dma_start3A_410, %dma_start3A_411] : memref<2x128x128xf32, #tpu.memory_space<vmem>> -> memref<1x128x128xf32, #tpu.memory_space<vmem>>
      %dma_start3A_413 = tpu.memref_squeeze %dma_start3A_412 : memref<1x128x128xf32, #tpu.memory_space<vmem>> -> memref<128x128xf32, #tpu.memory_space<vmem>>
      %dma_start3A_414 = arith.constant 0 : i32
      %dma_start3A_415 = tpu.memref_slice %arg6[%select_n3A_131, %dma_start3A_408, %dma_start3A_414] : memref<2x8x128xi32, #tpu.memory_space<vmem>> -> memref<1x1x128xi32, #tpu.memory_space<vmem>>
      %dma_start3A_416 = tpu.memref_squeeze %dma_start3A_415 : memref<1x1x128xi32, #tpu.memory_space<vmem>> -> memref<128xi32, #tpu.memory_space<vmem>>
      %dma_start3A_417 = arith.constant 0 : i32
      %dma_start3A_418 = arith.constant 0 : i32
      %dma_start3A_419 = tpu.memref_slice %arg2[%dma_start3A_417, %dma_start3A_418] : memref<10000x128xf32, #tpu.memory_space<hbm>> -> memref<10000x128xf32, #tpu.memory_space<hbm>>
      tpu.enqueue_indirect_dma source(%dma_start3A_419 : memref<10000x128xf32, #tpu.memory_space<hbm>>) target(%dma_start3A_413 : memref<128x128xf32, #tpu.memory_space<vmem>>) offsets(%dma_start3A_416 : memref<128xi32, #tpu.memory_space<vmem>>) semaphore(%arg9 : memref<!tpu.dma_semaphore, #tpu.memory_space<semaphore_mem>>)
      %dma_wait3A_420 = arith.constant 6 : i32
      %dma_wait3A_421 = arith.constant 0 : i32
      %dma_wait3A_422 = arith.constant 0 : i32
      %dma_wait3A_423 = arith.constant 0 : i32
      %dma_wait3A_424 = tpu.memref_slice %arg8[%dma_wait3A_421, %dma_wait3A_422, %dma_wait3A_423] : memref<2x128x128xf32, #tpu.memory_space<vmem>> -> memref<1x128x128xf32, #tpu.memory_space<vmem>>
      %dma_wait3A_425 = tpu.memref_squeeze %dma_wait3A_424 : memref<1x128x128xf32, #tpu.memory_space<vmem>> -> memref<128x128xf32, #tpu.memory_space<vmem>>
      %dma_wait3A_426 = arith.constant 0 : i32
      %dma_wait3A_427 = tpu.memref_slice %arg6[%select_n3A_131, %dma_wait3A_420, %dma_wait3A_426] : memref<2x8x128xi32, #tpu.memory_space<vmem>> -> memref<1x1x128xi32, #tpu.memory_space<vmem>>
      %dma_wait3A_428 = tpu.memref_squeeze %dma_wait3A_427 : memref<1x1x128xi32, #tpu.memory_space<vmem>> -> memref<128xi32, #tpu.memory_space<vmem>>
      %dma_wait3A_429 = arith.constant 0 : i32
      %dma_wait3A_430 = arith.constant 0 : i32
      %dma_wait3A_431 = tpu.memref_slice %arg2[%dma_wait3A_429, %dma_wait3A_430] : memref<10000x128xf32, #tpu.memory_space<hbm>> -> memref<10000x128xf32, #tpu.memory_space<hbm>>
      tpu.wait_indirect_dma semaphore(%arg9 : memref<!tpu.dma_semaphore, #tpu.memory_space<semaphore_mem>>) src(%dma_wait3A_431 : memref<10000x128xf32, #tpu.memory_space<hbm>>) dst(%dma_wait3A_425 : memref<128x128xf32, #tpu.memory_space<vmem>>)
      %dma_start3A_432 = arith.constant 0 : i32
      %dma_start3A_433 = arith.constant 6 : i32
      %dma_start3A_434 = arith.constant 0 : i32
      %dma_start3A_435 = arith.constant 0 : i32
      %dma_start3A_436 = tpu.memref_slice %arg8[%dma_start3A_432, %dma_start3A_434, %dma_start3A_435] : memref<2x128x128xf32, #tpu.memory_space<vmem>> -> memref<1x128x128xf32, #tpu.memory_space<vmem>>
      %dma_start3A_437 = tpu.memref_squeeze %dma_start3A_436 : memref<1x128x128xf32, #tpu.memory_space<vmem>> -> memref<128x128xf32, #tpu.memory_space<vmem>>
      %dma_start3A_438 = arith.constant 0 : i32
      %dma_start3A_439 = tpu.memref_slice %arg7[%select_n3A_131, %dma_start3A_433, %dma_start3A_438] : memref<2x8x128xi32, #tpu.memory_space<vmem>> -> memref<1x1x128xi32, #tpu.memory_space<vmem>>
      %dma_start3A_440 = tpu.memref_squeeze %dma_start3A_439 : memref<1x1x128xi32, #tpu.memory_space<vmem>> -> memref<128xi32, #tpu.memory_space<vmem>>
      %dma_start3A_441 = arith.constant 0 : i32
      %dma_start3A_442 = arith.constant 0 : i32
      %dma_start3A_443 = tpu.memref_slice %arg12[%dma_start3A_441, %dma_start3A_442] : memref<10112x128xf32, #tpu.memory_space<vmem_shared>> -> memref<10112x128xf32, #tpu.memory_space<vmem_shared>>
      tpu.enqueue_indirect_dma source(%dma_start3A_437 : memref<128x128xf32, #tpu.memory_space<vmem>>) target(%dma_start3A_443 : memref<10112x128xf32, #tpu.memory_space<vmem_shared>>) offsets(%dma_start3A_440 : memref<128xi32, #tpu.memory_space<vmem>>) semaphore(%arg10 : memref<!tpu.dma_semaphore, #tpu.memory_space<semaphore_mem>>) {add = true}
      %dma_wait3A_444 = arith.constant 0 : i32
      %dma_wait3A_445 = arith.constant 6 : i32
      %dma_wait3A_446 = arith.constant 0 : i32
      %dma_wait3A_447 = arith.constant 0 : i32
      %dma_wait3A_448 = tpu.memref_slice %arg8[%dma_wait3A_444, %dma_wait3A_446, %dma_wait3A_447] : memref<2x128x128xf32, #tpu.memory_space<vmem>> -> memref<1x128x128xf32, #tpu.memory_space<vmem>>
      %dma_wait3A_449 = tpu.memref_squeeze %dma_wait3A_448 : memref<1x128x128xf32, #tpu.memory_space<vmem>> -> memref<128x128xf32, #tpu.memory_space<vmem>>
      %dma_wait3A_450 = arith.constant 0 : i32
      %dma_wait3A_451 = tpu.memref_slice %arg7[%select_n3A_131, %dma_wait3A_445, %dma_wait3A_450] : memref<2x8x128xi32, #tpu.memory_space<vmem>> -> memref<1x1x128xi32, #tpu.memory_space<vmem>>
      %dma_wait3A_452 = tpu.memref_squeeze %dma_wait3A_451 : memref<1x1x128xi32, #tpu.memory_space<vmem>> -> memref<128xi32, #tpu.memory_space<vmem>>
      %dma_wait3A_453 = arith.constant 0 : i32
      %dma_wait3A_454 = arith.constant 0 : i32
      %dma_wait3A_455 = tpu.memref_slice %arg12[%dma_wait3A_453, %dma_wait3A_454] : memref<10112x128xf32, #tpu.memory_space<vmem_shared>> -> memref<10112x128xf32, #tpu.memory_space<vmem_shared>>
      tpu.wait_indirect_dma semaphore(%arg10 : memref<!tpu.dma_semaphore, #tpu.memory_space<semaphore_mem>>) src(%dma_wait3A_449 : memref<128x128xf32, #tpu.memory_space<vmem>>) dst(%dma_wait3A_455 : memref<10112x128xf32, #tpu.memory_space<vmem_shared>>)
      %add3A_456 = arith.constant 1 : i32
      %add3A_457 = arith.addi %scan3A_121, %add3A_456 : i32
      %lt3A_458 = arith.constant 10 : i32
      %lt3A_459 = arith.cmpi slt, %add3A_457, %lt3A_458 : i32
      %convert_element_type3A = arith.extui %lt3A_459 : i1 to i32
      %cond3A = arith.constant 0 : i32
      %cond3A_460 = arith.cmpi ne, %convert_element_type3A, %cond3A : i32
      scf.if %cond3A_460 {
        %dma_wait3A_519 = arith.constant 0 : i32
        %dma_wait3A_520 = arith.constant 0 : i32
        %dma_wait3A_521 = tpu.memref_slice %arg6[%sub3A_132, %dma_wait3A_519, %dma_wait3A_520] : memref<2x8x128xi32, #tpu.memory_space<vmem>> -> memref<1x8x128xi32, #tpu.memory_space<vmem>>
        %dma_wait3A_522 = tpu.memref_squeeze %dma_wait3A_521 : memref<1x8x128xi32, #tpu.memory_space<vmem>> -> memref<8x128xi32, #tpu.memory_space<vmem>>
        %dma_wait3A_523 = arith.constant 0 : i32
        %dma_wait3A_524 = tpu.memref_slice %arg3[%mul3A_2, %dma_wait3A_523] : memref<2560x128xi32, #tpu.memory_space<hbm>> -> memref<8x128xi32, #tpu.memory_space<hbm>>
        %dma_wait3A_525 = arith.constant 0 : i32
        %dma_wait3A_526 = arith.constant 0 : i32
        %dma_wait3A_527 = tpu.memref_slice %arg6[%sub3A_132, %dma_wait3A_525, %dma_wait3A_526] : memref<2x8x128xi32, #tpu.memory_space<vmem>> -> memref<1x8x128xi32, #tpu.memory_space<vmem>>
        %dma_wait3A_528 = tpu.memref_squeeze %dma_wait3A_527 : memref<1x8x128xi32, #tpu.memory_space<vmem>> -> memref<8x128xi32, #tpu.memory_space<vmem>>
        %dma_wait3A_529 = arith.constant 0 : i32
        %dma_wait3A_530 = tpu.memref_slice %arg3[%mul3A_2, %dma_wait3A_529] : memref<2560x128xi32, #tpu.memory_space<hbm>> -> memref<8x128xi32, #tpu.memory_space<hbm>>
        tpu.wait_dma2 semaphore(%arg11 : memref<!tpu.dma_semaphore, #tpu.memory_space<semaphore_mem>>) src(%dma_wait3A_530 : memref<8x128xi32, #tpu.memory_space<hbm>>) dst(%dma_wait3A_528 : memref<8x128xi32, #tpu.memory_space<vmem>>)
        %dma_wait3A_531 = arith.constant 0 : i32
        %dma_wait3A_532 = arith.constant 0 : i32
        %dma_wait3A_533 = tpu.memref_slice %arg7[%sub3A_132, %dma_wait3A_531, %dma_wait3A_532] : memref<2x8x128xi32, #tpu.memory_space<vmem>> -> memref<1x8x128xi32, #tpu.memory_space<vmem>>
        %dma_wait3A_534 = tpu.memref_squeeze %dma_wait3A_533 : memref<1x8x128xi32, #tpu.memory_space<vmem>> -> memref<8x128xi32, #tpu.memory_space<vmem>>
        %dma_wait3A_535 = arith.constant 0 : i32
        %dma_wait3A_536 = tpu.memref_slice %arg4[%mul3A_2, %dma_wait3A_535] : memref<2560x128xi32, #tpu.memory_space<hbm>> -> memref<8x128xi32, #tpu.memory_space<hbm>>
        %dma_wait3A_537 = arith.constant 0 : i32
        %dma_wait3A_538 = arith.constant 0 : i32
        %dma_wait3A_539 = tpu.memref_slice %arg7[%sub3A_132, %dma_wait3A_537, %dma_wait3A_538] : memref<2x8x128xi32, #tpu.memory_space<vmem>> -> memref<1x8x128xi32, #tpu.memory_space<vmem>>
        %dma_wait3A_540 = tpu.memref_squeeze %dma_wait3A_539 : memref<1x8x128xi32, #tpu.memory_space<vmem>> -> memref<8x128xi32, #tpu.memory_space<vmem>>
        %dma_wait3A_541 = arith.constant 0 : i32
        %dma_wait3A_542 = tpu.memref_slice %arg4[%mul3A_2, %dma_wait3A_541] : memref<2560x128xi32, #tpu.memory_space<hbm>> -> memref<8x128xi32, #tpu.memory_space<hbm>>
        tpu.wait_dma2 semaphore(%arg11 : memref<!tpu.dma_semaphore, #tpu.memory_space<semaphore_mem>>) src(%dma_wait3A_542 : memref<8x128xi32, #tpu.memory_space<hbm>>) dst(%dma_wait3A_540 : memref<8x128xi32, #tpu.memory_space<vmem>>)
      } else {
      }
      %add3A_461 = arith.constant 1 : i32
      %add3A_462 = arith.addi %scan3A_121, %add3A_461 : i32
      %lt3A_463 = arith.constant 10 : i32
      %lt3A_464 = arith.cmpi slt, %add3A_462, %lt3A_463 : i32
      %convert_element_type3A_465 = arith.extui %lt3A_464 : i1 to i32
      %cond3A_466 = arith.constant 0 : i32
      %cond3A_467 = arith.cmpi ne, %convert_element_type3A_465, %cond3A_466 : i32
      scf.if %cond3A_467 {
        %dma_start3A_519 = arith.constant 0 : i32
        %dma_start3A_520 = arith.constant 0 : i32
        %dma_start3A_521 = arith.constant 0 : i32
        %dma_start3A_522 = arith.constant 0 : i32
        %dma_start3A_523 = tpu.memref_slice %arg8[%dma_start3A_520, %dma_start3A_521, %dma_start3A_522] : memref<2x128x128xf32, #tpu.memory_space<vmem>> -> memref<1x128x128xf32, #tpu.memory_space<vmem>>
        %dma_start3A_524 = tpu.memref_squeeze %dma_start3A_523 : memref<1x128x128xf32, #tpu.memory_space<vmem>> -> memref<128x128xf32, #tpu.memory_space<vmem>>
        %dma_start3A_525 = arith.constant 0 : i32
        %dma_start3A_526 = tpu.memref_slice %arg6[%sub3A_132, %dma_start3A_519, %dma_start3A_525] : memref<2x8x128xi32, #tpu.memory_space<vmem>> -> memref<1x1x128xi32, #tpu.memory_space<vmem>>
        %dma_start3A_527 = tpu.memref_squeeze %dma_start3A_526 : memref<1x1x128xi32, #tpu.memory_space<vmem>> -> memref<128xi32, #tpu.memory_space<vmem>>
        %dma_start3A_528 = arith.constant 0 : i32
        %dma_start3A_529 = arith.constant 0 : i32
        %dma_start3A_530 = tpu.memref_slice %arg2[%dma_start3A_528, %dma_start3A_529] : memref<10000x128xf32, #tpu.memory_space<hbm>> -> memref<10000x128xf32, #tpu.memory_space<hbm>>
        tpu.enqueue_indirect_dma source(%dma_start3A_530 : memref<10000x128xf32, #tpu.memory_space<hbm>>) target(%dma_start3A_524 : memref<128x128xf32, #tpu.memory_space<vmem>>) offsets(%dma_start3A_527 : memref<128xi32, #tpu.memory_space<vmem>>) semaphore(%arg9 : memref<!tpu.dma_semaphore, #tpu.memory_space<semaphore_mem>>)
      } else {
      }
      %dma_wait3A_468 = arith.constant 7 : i32
      %dma_wait3A_469 = arith.constant 1 : i32
      %dma_wait3A_470 = arith.constant 0 : i32
      %dma_wait3A_471 = arith.constant 0 : i32
      %dma_wait3A_472 = tpu.memref_slice %arg8[%dma_wait3A_469, %dma_wait3A_470, %dma_wait3A_471] : memref<2x128x128xf32, #tpu.memory_space<vmem>> -> memref<1x128x128xf32, #tpu.memory_space<vmem>>
      %dma_wait3A_473 = tpu.memref_squeeze %dma_wait3A_472 : memref<1x128x128xf32, #tpu.memory_space<vmem>> -> memref<128x128xf32, #tpu.memory_space<vmem>>
      %dma_wait3A_474 = arith.constant 0 : i32
      %dma_wait3A_475 = tpu.memref_slice %arg6[%select_n3A_131, %dma_wait3A_468, %dma_wait3A_474] : memref<2x8x128xi32, #tpu.memory_space<vmem>> -> memref<1x1x128xi32, #tpu.memory_space<vmem>>
      %dma_wait3A_476 = tpu.memref_squeeze %dma_wait3A_475 : memref<1x1x128xi32, #tpu.memory_space<vmem>> -> memref<128xi32, #tpu.memory_space<vmem>>
      %dma_wait3A_477 = arith.constant 0 : i32
      %dma_wait3A_478 = arith.constant 0 : i32
      %dma_wait3A_479 = tpu.memref_slice %arg2[%dma_wait3A_477, %dma_wait3A_478] : memref<10000x128xf32, #tpu.memory_space<hbm>> -> memref<10000x128xf32, #tpu.memory_space<hbm>>
      tpu.wait_indirect_dma semaphore(%arg9 : memref<!tpu.dma_semaphore, #tpu.memory_space<semaphore_mem>>) src(%dma_wait3A_479 : memref<10000x128xf32, #tpu.memory_space<hbm>>) dst(%dma_wait3A_473 : memref<128x128xf32, #tpu.memory_space<vmem>>)
      %dma_start3A_480 = arith.constant 1 : i32
      %dma_start3A_481 = arith.constant 7 : i32
      %dma_start3A_482 = arith.constant 0 : i32
      %dma_start3A_483 = arith.constant 0 : i32
      %dma_start3A_484 = tpu.memref_slice %arg8[%dma_start3A_480, %dma_start3A_482, %dma_start3A_483] : memref<2x128x128xf32, #tpu.memory_space<vmem>> -> memref<1x128x128xf32, #tpu.memory_space<vmem>>
      %dma_start3A_485 = tpu.memref_squeeze %dma_start3A_484 : memref<1x128x128xf32, #tpu.memory_space<vmem>> -> memref<128x128xf32, #tpu.memory_space<vmem>>
      %dma_start3A_486 = arith.constant 0 : i32
      %dma_start3A_487 = tpu.memref_slice %arg7[%select_n3A_131, %dma_start3A_481, %dma_start3A_486] : memref<2x8x128xi32, #tpu.memory_space<vmem>> -> memref<1x1x128xi32, #tpu.memory_space<vmem>>
      %dma_start3A_488 = tpu.memref_squeeze %dma_start3A_487 : memref<1x1x128xi32, #tpu.memory_space<vmem>> -> memref<128xi32, #tpu.memory_space<vmem>>
      %dma_start3A_489 = arith.constant 0 : i32
      %dma_start3A_490 = arith.constant 0 : i32
      %dma_start3A_491 = tpu.memref_slice %arg12[%dma_start3A_489, %dma_start3A_490] : memref<10112x128xf32, #tpu.memory_space<vmem_shared>> -> memref<10112x128xf32, #tpu.memory_space<vmem_shared>>
      tpu.enqueue_indirect_dma source(%dma_start3A_485 : memref<128x128xf32, #tpu.memory_space<vmem>>) target(%dma_start3A_491 : memref<10112x128xf32, #tpu.memory_space<vmem_shared>>) offsets(%dma_start3A_488 : memref<128xi32, #tpu.memory_space<vmem>>) semaphore(%arg10 : memref<!tpu.dma_semaphore, #tpu.memory_space<semaphore_mem>>) {add = true}
      %dma_wait3A_492 = arith.constant 1 : i32
      %dma_wait3A_493 = arith.constant 7 : i32
      %dma_wait3A_494 = arith.constant 0 : i32
      %dma_wait3A_495 = arith.constant 0 : i32
      %dma_wait3A_496 = tpu.memref_slice %arg8[%dma_wait3A_492, %dma_wait3A_494, %dma_wait3A_495] : memref<2x128x128xf32, #tpu.memory_space<vmem>> -> memref<1x128x128xf32, #tpu.memory_space<vmem>>
      %dma_wait3A_497 = tpu.memref_squeeze %dma_wait3A_496 : memref<1x128x128xf32, #tpu.memory_space<vmem>> -> memref<128x128xf32, #tpu.memory_space<vmem>>
      %dma_wait3A_498 = arith.constant 0 : i32
      %dma_wait3A_499 = tpu.memref_slice %arg7[%select_n3A_131, %dma_wait3A_493, %dma_wait3A_498] : memref<2x8x128xi32, #tpu.memory_space<vmem>> -> memref<1x1x128xi32, #tpu.memory_space<vmem>>
      %dma_wait3A_500 = tpu.memref_squeeze %dma_wait3A_499 : memref<1x1x128xi32, #tpu.memory_space<vmem>> -> memref<128xi32, #tpu.memory_space<vmem>>
      %dma_wait3A_501 = arith.constant 0 : i32
      %dma_wait3A_502 = arith.constant 0 : i32
      %dma_wait3A_503 = tpu.memref_slice %arg12[%dma_wait3A_501, %dma_wait3A_502] : memref<10112x128xf32, #tpu.memory_space<vmem_shared>> -> memref<10112x128xf32, #tpu.memory_space<vmem_shared>>
      tpu.wait_indirect_dma semaphore(%arg10 : memref<!tpu.dma_semaphore, #tpu.memory_space<semaphore_mem>>) src(%dma_wait3A_497 : memref<128x128xf32, #tpu.memory_space<vmem>>) dst(%dma_wait3A_503 : memref<10112x128xf32, #tpu.memory_space<vmem_shared>>)
      %add3A_504 = arith.constant 2 : i32
      %add3A_505 = arith.addi %scan3A_121, %add3A_504 : i32
      %lt3A_506 = arith.constant 10 : i32
      %lt3A_507 = arith.cmpi slt, %add3A_505, %lt3A_506 : i32
      %convert_element_type3A_508 = arith.extui %lt3A_507 : i1 to i32
      %cond3A_509 = arith.constant 0 : i32
      %cond3A_510 = arith.cmpi ne, %convert_element_type3A_508, %cond3A_509 : i32
      scf.if %cond3A_510 {
        %add3A_519 = arith.constant 2 : i32
        %add3A_520 = arith.addi %scan3A_121, %add3A_519 : i32
        %mul3A_521 = arith.constant 8 : i32
        %mul3A_522 = arith.muli %add3A_520, %mul3A_521 : i32
        %add3A_523 = arith.addi %mul3A_2, %mul3A_522 : i32
        %dma_start3A_524 = arith.constant 0 : i32
        %dma_start3A_525 = arith.constant 0 : i32
        %dma_start3A_526 = tpu.memref_slice %arg6[%select_n3A_131, %dma_start3A_524, %dma_start3A_525] : memref<2x8x128xi32, #tpu.memory_space<vmem>> -> memref<1x8x128xi32, #tpu.memory_space<vmem>>
        %dma_start3A_527 = tpu.memref_squeeze %dma_start3A_526 : memref<1x8x128xi32, #tpu.memory_space<vmem>> -> memref<8x128xi32, #tpu.memory_space<vmem>>
        %dma_start3A_528 = arith.constant 0 : i32
        %dma_start3A_529 = tpu.memref_slice %arg3[%add3A_523, %dma_start3A_528] : memref<2560x128xi32, #tpu.memory_space<hbm>> -> memref<8x128xi32, #tpu.memory_space<hbm>>
        %dma_start3A_530 = arith.constant 0 : i32
        %dma_start3A_531 = arith.constant 0 : i32
        %dma_start3A_532 = tpu.memref_slice %arg6[%select_n3A_131, %dma_start3A_530, %dma_start3A_531] : memref<2x8x128xi32, #tpu.memory_space<vmem>> -> memref<1x8x128xi32, #tpu.memory_space<vmem>>
        %dma_start3A_533 = tpu.memref_squeeze %dma_start3A_532 : memref<1x8x128xi32, #tpu.memory_space<vmem>> -> memref<8x128xi32, #tpu.memory_space<vmem>>
        %dma_start3A_534 = arith.constant 0 : i32
        %dma_start3A_535 = tpu.memref_slice %arg3[%add3A_523, %dma_start3A_534] : memref<2560x128xi32, #tpu.memory_space<hbm>> -> memref<8x128xi32, #tpu.memory_space<hbm>>
        tpu.enqueue_dma source(%dma_start3A_535 : memref<8x128xi32, #tpu.memory_space<hbm>>) target(%dma_start3A_533 : memref<8x128xi32, #tpu.memory_space<vmem>>) target_semaphore(%arg11 : memref<!tpu.dma_semaphore, #tpu.memory_space<semaphore_mem>>)
        %dma_start3A_536 = arith.constant 0 : i32
        %dma_start3A_537 = arith.constant 0 : i32
        %dma_start3A_538 = tpu.memref_slice %arg7[%select_n3A_131, %dma_start3A_536, %dma_start3A_537] : memref<2x8x128xi32, #tpu.memory_space<vmem>> -> memref<1x8x128xi32, #tpu.memory_space<vmem>>
        %dma_start3A_539 = tpu.memref_squeeze %dma_start3A_538 : memref<1x8x128xi32, #tpu.memory_space<vmem>> -> memref<8x128xi32, #tpu.memory_space<vmem>>
        %dma_start3A_540 = arith.constant 0 : i32
        %dma_start3A_541 = tpu.memref_slice %arg4[%add3A_523, %dma_start3A_540] : memref<2560x128xi32, #tpu.memory_space<hbm>> -> memref<8x128xi32, #tpu.memory_space<hbm>>
        %dma_start3A_542 = arith.constant 0 : i32
        %dma_start3A_543 = arith.constant 0 : i32
        %dma_start3A_544 = tpu.memref_slice %arg7[%select_n3A_131, %dma_start3A_542, %dma_start3A_543] : memref<2x8x128xi32, #tpu.memory_space<vmem>> -> memref<1x8x128xi32, #tpu.memory_space<vmem>>
        %dma_start3A_545 = tpu.memref_squeeze %dma_start3A_544 : memref<1x8x128xi32, #tpu.memory_space<vmem>> -> memref<8x128xi32, #tpu.memory_space<vmem>>
        %dma_start3A_546 = arith.constant 0 : i32
        %dma_start3A_547 = tpu.memref_slice %arg4[%add3A_523, %dma_start3A_546] : memref<2560x128xi32, #tpu.memory_space<hbm>> -> memref<8x128xi32, #tpu.memory_space<hbm>>
        tpu.enqueue_dma source(%dma_start3A_547 : memref<8x128xi32, #tpu.memory_space<hbm>>) target(%dma_start3A_545 : memref<8x128xi32, #tpu.memory_space<vmem>>) target_semaphore(%arg11 : memref<!tpu.dma_semaphore, #tpu.memory_space<semaphore_mem>>)
      } else {
      }
      %add3A_511 = arith.constant 1 : i32
      %add3A_512 = arith.addi %scan3A_121, %add3A_511 : i32
      %lt3A_513 = arith.constant 10 : i32
      %lt3A_514 = arith.cmpi slt, %add3A_512, %lt3A_513 : i32
      %convert_element_type3A_515 = arith.extui %lt3A_514 : i1 to i32
      %cond3A_516 = arith.constant 0 : i32
      %cond3A_517 = arith.cmpi ne, %convert_element_type3A_515, %cond3A_516 : i32
      scf.if %cond3A_517 {
        %dma_start3A_519 = arith.constant 1 : i32
        %dma_start3A_520 = arith.constant 1 : i32
        %dma_start3A_521 = arith.constant 0 : i32
        %dma_start3A_522 = arith.constant 0 : i32
        %dma_start3A_523 = tpu.memref_slice %arg8[%dma_start3A_520, %dma_start3A_521, %dma_start3A_522] : memref<2x128x128xf32, #tpu.memory_space<vmem>> -> memref<1x128x128xf32, #tpu.memory_space<vmem>>
        %dma_start3A_524 = tpu.memref_squeeze %dma_start3A_523 : memref<1x128x128xf32, #tpu.memory_space<vmem>> -> memref<128x128xf32, #tpu.memory_space<vmem>>
        %dma_start3A_525 = arith.constant 0 : i32
        %dma_start3A_526 = tpu.memref_slice %arg6[%sub3A_132, %dma_start3A_519, %dma_start3A_525] : memref<2x8x128xi32, #tpu.memory_space<vmem>> -> memref<1x1x128xi32, #tpu.memory_space<vmem>>
        %dma_start3A_527 = tpu.memref_squeeze %dma_start3A_526 : memref<1x1x128xi32, #tpu.memory_space<vmem>> -> memref<128xi32, #tpu.memory_space<vmem>>
        %dma_start3A_528 = arith.constant 0 : i32
        %dma_start3A_529 = arith.constant 0 : i32
        %dma_start3A_530 = tpu.memref_slice %arg2[%dma_start3A_528, %dma_start3A_529] : memref<10000x128xf32, #tpu.memory_space<hbm>> -> memref<10000x128xf32, #tpu.memory_space<hbm>>
        tpu.enqueue_indirect_dma source(%dma_start3A_530 : memref<10000x128xf32, #tpu.memory_space<hbm>>) target(%dma_start3A_524 : memref<128x128xf32, #tpu.memory_space<vmem>>) offsets(%dma_start3A_527 : memref<128xi32, #tpu.memory_space<vmem>>) semaphore(%arg9 : memref<!tpu.dma_semaphore, #tpu.memory_space<semaphore_mem>>)
      } else {
      }
      %scan3A_518 = arith.constant 0 : i32
      scf.yield %scan3A_518 : i32
    }
    %scan3A_89 = arith.constant 10 : i32
    %barrier3A_90 = arith.constant 0 : index
    tpu.barrier barrier_id(%barrier3A_90)
    %add3A_91 = arith.constant 0 : i32
    %add3A_92 = arith.addi %mul3A_41, %add3A_91 : i32
    %run_scoped3A_93 = arith.constant 0 : i32
    "tpu.region"() ({
      %run_scoped3A_121 = tpu.sem_alloc : memref<!tpu.dma_semaphore, #tpu.memory_space<semaphore_mem>>
      %dma_start3A_122 = arith.constant 0 : i32
      %dma_start3A_123 = arith.constant 0 : i32
      %dma_start3A_124 = tpu.memref_slice %arg8[%run_scoped3A_93, %dma_start3A_122, %dma_start3A_123] : memref<2x128x128xf32, #tpu.memory_space<vmem>> -> memref<1x128x128xf32, #tpu.memory_space<vmem>>
      %dma_start3A_125 = tpu.memref_squeeze %dma_start3A_124 : memref<1x128x128xf32, #tpu.memory_space<vmem>> -> memref<128x128xf32, #tpu.memory_space<vmem>>
      %dma_start3A_126 = arith.constant 0 : i32
      %dma_start3A_127 = tpu.memref_slice %arg12[%add3A_92, %dma_start3A_126] : memref<10112x128xf32, #tpu.memory_space<vmem_shared>> -> memref<128x128xf32, #tpu.memory_space<vmem_shared>>
      %dma_start3A_128 = arith.constant 0 : i32
      %dma_start3A_129 = arith.constant 0 : i32
      %dma_start3A_130 = tpu.memref_slice %arg8[%run_scoped3A_93, %dma_start3A_128, %dma_start3A_129] : memref<2x128x128xf32, #tpu.memory_space<vmem>> -> memref<1x128x128xf32, #tpu.memory_space<vmem>>
      %dma_start3A_131 = tpu.memref_squeeze %dma_start3A_130 : memref<1x128x128xf32, #tpu.memory_space<vmem>> -> memref<128x128xf32, #tpu.memory_space<vmem>>
      %dma_start3A_132 = arith.constant 0 : i32
      %dma_start3A_133 = tpu.memref_slice %arg12[%add3A_92, %dma_start3A_132] : memref<10112x128xf32, #tpu.memory_space<vmem_shared>> -> memref<128x128xf32, #tpu.memory_space<vmem_shared>>
      tpu.enqueue_dma source(%dma_start3A_133 : memref<128x128xf32, #tpu.memory_space<vmem_shared>>) target(%dma_start3A_131 : memref<128x128xf32, #tpu.memory_space<vmem>>) target_semaphore(%run_scoped3A_121 : memref<!tpu.dma_semaphore, #tpu.memory_space<semaphore_mem>>)
      %dma_wait3A = arith.constant 0 : i32
      %dma_wait3A_134 = arith.constant 0 : i32
      %dma_wait3A_135 = tpu.memref_slice %arg8[%run_scoped3A_93, %dma_wait3A, %dma_wait3A_134] : memref<2x128x128xf32, #tpu.memory_space<vmem>> -> memref<1x128x128xf32, #tpu.memory_space<vmem>>
      %dma_wait3A_136 = tpu.memref_squeeze %dma_wait3A_135 : memref<1x128x128xf32, #tpu.memory_space<vmem>> -> memref<128x128xf32, #tpu.memory_space<vmem>>
      %dma_wait3A_137 = arith.constant 0 : i32
      %dma_wait3A_138 = tpu.memref_slice %arg12[%add3A_92, %dma_wait3A_137] : memref<10112x128xf32, #tpu.memory_space<vmem_shared>> -> memref<128x128xf32, #tpu.memory_space<vmem_shared>>
      %dma_wait3A_139 = arith.constant 0 : i32
      %dma_wait3A_140 = arith.constant 0 : i32
      %dma_wait3A_141 = tpu.memref_slice %arg8[%run_scoped3A_93, %dma_wait3A_139, %dma_wait3A_140] : memref<2x128x128xf32, #tpu.memory_space<vmem>> -> memref<1x128x128xf32, #tpu.memory_space<vmem>>
      %dma_wait3A_142 = tpu.memref_squeeze %dma_wait3A_141 : memref<1x128x128xf32, #tpu.memory_space<vmem>> -> memref<128x128xf32, #tpu.memory_space<vmem>>
      %dma_wait3A_143 = arith.constant 0 : i32
      %dma_wait3A_144 = tpu.memref_slice %arg12[%add3A_92, %dma_wait3A_143] : memref<10112x128xf32, #tpu.memory_space<vmem_shared>> -> memref<128x128xf32, #tpu.memory_space<vmem_shared>>
      tpu.wait_dma2 semaphore(%run_scoped3A_121 : memref<!tpu.dma_semaphore, #tpu.memory_space<semaphore_mem>>) src(%dma_wait3A_144 : memref<128x128xf32, #tpu.memory_space<vmem_shared>>) dst(%dma_wait3A_142 : memref<128x128xf32, #tpu.memory_space<vmem>>)
      tpu.yield
    }) : () -> ()
    %add3A_94 = arith.constant 0 : i32
    %add3A_95 = arith.addi %mul3A_41, %add3A_94 : i32
    %run_scoped3A_96 = arith.constant 0 : i32
    "tpu.region"() ({
      %run_scoped3A_121 = tpu.sem_alloc : memref<!tpu.dma_semaphore, #tpu.memory_space<semaphore_mem>>
      %dma_start3A_122 = arith.constant 0 : i32
      %dma_start3A_123 = arith.constant 0 : i32
      %dma_start3A_124 = tpu.memref_slice %arg8[%run_scoped3A_96, %dma_start3A_122, %dma_start3A_123] : memref<2x128x128xf32, #tpu.memory_space<vmem>> -> memref<1x128x128xf32, #tpu.memory_space<vmem>>
      %dma_start3A_125 = tpu.memref_squeeze %dma_start3A_124 : memref<1x128x128xf32, #tpu.memory_space<vmem>> -> memref<128x128xf32, #tpu.memory_space<vmem>>
      %dma_start3A_126 = arith.constant 0 : i32
      %dma_start3A_127 = tpu.memref_slice %arg5[%arg0, %add3A_95, %dma_start3A_126] : memref<2x10112x128xf32, #tpu.memory_space<hbm>> -> memref<1x128x128xf32, #tpu.memory_space<hbm>>
      %dma_start3A_128 = tpu.memref_squeeze %dma_start3A_127 : memref<1x128x128xf32, #tpu.memory_space<hbm>> -> memref<128x128xf32, #tpu.memory_space<hbm>>
      %dma_start3A_129 = arith.constant 0 : i32
      %dma_start3A_130 = tpu.memref_slice %arg5[%arg0, %add3A_95, %dma_start3A_129] : memref<2x10112x128xf32, #tpu.memory_space<hbm>> -> memref<1x128x128xf32, #tpu.memory_space<hbm>>
      %dma_start3A_131 = tpu.memref_squeeze %dma_start3A_130 : memref<1x128x128xf32, #tpu.memory_space<hbm>> -> memref<128x128xf32, #tpu.memory_space<hbm>>
      %dma_start3A_132 = arith.constant 0 : i32
      %dma_start3A_133 = arith.constant 0 : i32
      %dma_start3A_134 = tpu.memref_slice %arg8[%run_scoped3A_96, %dma_start3A_132, %dma_start3A_133] : memref<2x128x128xf32, #tpu.memory_space<vmem>> -> memref<1x128x128xf32, #tpu.memory_space<vmem>>
      %dma_start3A_135 = tpu.memref_squeeze %dma_start3A_134 : memref<1x128x128xf32, #tpu.memory_space<vmem>> -> memref<128x128xf32, #tpu.memory_space<vmem>>
      tpu.enqueue_dma source(%dma_start3A_135 : memref<128x128xf32, #tpu.memory_space<vmem>>) target(%dma_start3A_131 : memref<128x128xf32, #tpu.memory_space<hbm>>) target_semaphore(%run_scoped3A_121 : memref<!tpu.dma_semaphore, #tpu.memory_space<semaphore_mem>>)
      %dma_wait3A = arith.constant 0 : i32
      %dma_wait3A_136 = arith.constant 0 : i32
      %dma_wait3A_137 = tpu.memref_slice %arg8[%run_scoped3A_96, %dma_wait3A, %dma_wait3A_136] : memref<2x128x128xf32, #tpu.memory_space<vmem>> -> memref<1x128x128xf32, #tpu.memory_space<vmem>>
      %dma_wait3A_138 = tpu.memref_squeeze %dma_wait3A_137 : memref<1x128x128xf32, #tpu.memory_space<vmem>> -> memref<128x128xf32, #tpu.memory_space<vmem>>
      %dma_wait3A_139 = arith.constant 0 : i32
      %dma_wait3A_140 = tpu.memref_slice %arg5[%arg0, %add3A_95, %dma_wait3A_139] : memref<2x10112x128xf32, #tpu.memory_space<hbm>> -> memref<1x128x128xf32, #tpu.memory_space<hbm>>
      %dma_wait3A_141 = tpu.memref_squeeze %dma_wait3A_140 : memref<1x128x128xf32, #tpu.memory_space<hbm>> -> memref<128x128xf32, #tpu.memory_space<hbm>>
      %dma_wait3A_142 = arith.constant 0 : i32
      %dma_wait3A_143 = tpu.memref_slice %arg5[%arg0, %add3A_95, %dma_wait3A_142] : memref<2x10112x128xf32, #tpu.memory_space<hbm>> -> memref<1x128x128xf32, #tpu.memory_space<hbm>>
      %dma_wait3A_144 = tpu.memref_squeeze %dma_wait3A_143 : memref<1x128x128xf32, #tpu.memory_space<hbm>> -> memref<128x128xf32, #tpu.memory_space<hbm>>
      %dma_wait3A_145 = arith.constant 0 : i32
      %dma_wait3A_146 = arith.constant 0 : i32
      %dma_wait3A_147 = tpu.memref_slice %arg8[%run_scoped3A_96, %dma_wait3A_145, %dma_wait3A_146] : memref<2x128x128xf32, #tpu.memory_space<vmem>> -> memref<1x128x128xf32, #tpu.memory_space<vmem>>
      %dma_wait3A_148 = tpu.memref_squeeze %dma_wait3A_147 : memref<1x128x128xf32, #tpu.memory_space<vmem>> -> memref<128x128xf32, #tpu.memory_space<vmem>>
      tpu.wait_dma2 semaphore(%run_scoped3A_121 : memref<!tpu.dma_semaphore, #tpu.memory_space<semaphore_mem>>) src(%dma_wait3A_148 : memref<128x128xf32, #tpu.memory_space<vmem>>) dst(%dma_wait3A_144 : memref<128x128xf32, #tpu.memory_space<hbm>>)
      tpu.yield
    }) : () -> ()
    %add3A_97 = arith.constant 128 : i32
    %add3A_98 = arith.addi %mul3A_41, %add3A_97 : i32
    %run_scoped3A_99 = arith.constant 0 : i32
    "tpu.region"() ({
      %run_scoped3A_121 = tpu.sem_alloc : memref<!tpu.dma_semaphore, #tpu.memory_space<semaphore_mem>>
      %dma_start3A_122 = arith.constant 0 : i32
      %dma_start3A_123 = arith.constant 0 : i32
      %dma_start3A_124 = tpu.memref_slice %arg8[%run_scoped3A_99, %dma_start3A_122, %dma_start3A_123] : memref<2x128x128xf32, #tpu.memory_space<vmem>> -> memref<1x128x128xf32, #tpu.memory_space<vmem>>
      %dma_start3A_125 = tpu.memref_squeeze %dma_start3A_124 : memref<1x128x128xf32, #tpu.memory_space<vmem>> -> memref<128x128xf32, #tpu.memory_space<vmem>>
      %dma_start3A_126 = arith.constant 0 : i32
      %dma_start3A_127 = tpu.memref_slice %arg12[%add3A_98, %dma_start3A_126] : memref<10112x128xf32, #tpu.memory_space<vmem_shared>> -> memref<128x128xf32, #tpu.memory_space<vmem_shared>>
      %dma_start3A_128 = arith.constant 0 : i32
      %dma_start3A_129 = arith.constant 0 : i32
      %dma_start3A_130 = tpu.memref_slice %arg8[%run_scoped3A_99, %dma_start3A_128, %dma_start3A_129] : memref<2x128x128xf32, #tpu.memory_space<vmem>> -> memref<1x128x128xf32, #tpu.memory_space<vmem>>
      %dma_start3A_131 = tpu.memref_squeeze %dma_start3A_130 : memref<1x128x128xf32, #tpu.memory_space<vmem>> -> memref<128x128xf32, #tpu.memory_space<vmem>>
      %dma_start3A_132 = arith.constant 0 : i32
      %dma_start3A_133 = tpu.memref_slice %arg12[%add3A_98, %dma_start3A_132] : memref<10112x128xf32, #tpu.memory_space<vmem_shared>> -> memref<128x128xf32, #tpu.memory_space<vmem_shared>>
      tpu.enqueue_dma source(%dma_start3A_133 : memref<128x128xf32, #tpu.memory_space<vmem_shared>>) target(%dma_start3A_131 : memref<128x128xf32, #tpu.memory_space<vmem>>) target_semaphore(%run_scoped3A_121 : memref<!tpu.dma_semaphore, #tpu.memory_space<semaphore_mem>>)
      %dma_wait3A = arith.constant 0 : i32
      %dma_wait3A_134 = arith.constant 0 : i32
      %dma_wait3A_135 = tpu.memref_slice %arg8[%run_scoped3A_99, %dma_wait3A, %dma_wait3A_134] : memref<2x128x128xf32, #tpu.memory_space<vmem>> -> memref<1x128x128xf32, #tpu.memory_space<vmem>>
      %dma_wait3A_136 = tpu.memref_squeeze %dma_wait3A_135 : memref<1x128x128xf32, #tpu.memory_space<vmem>> -> memref<128x128xf32, #tpu.memory_space<vmem>>
      %dma_wait3A_137 = arith.constant 0 : i32
      %dma_wait3A_138 = tpu.memref_slice %arg12[%add3A_98, %dma_wait3A_137] : memref<10112x128xf32, #tpu.memory_space<vmem_shared>> -> memref<128x128xf32, #tpu.memory_space<vmem_shared>>
      %dma_wait3A_139 = arith.constant 0 : i32
      %dma_wait3A_140 = arith.constant 0 : i32
      %dma_wait3A_141 = tpu.memref_slice %arg8[%run_scoped3A_99, %dma_wait3A_139, %dma_wait3A_140] : memref<2x128x128xf32, #tpu.memory_space<vmem>> -> memref<1x128x128xf32, #tpu.memory_space<vmem>>
      %dma_wait3A_142 = tpu.memref_squeeze %dma_wait3A_141 : memref<1x128x128xf32, #tpu.memory_space<vmem>> -> memref<128x128xf32, #tpu.memory_space<vmem>>
      %dma_wait3A_143 = arith.constant 0 : i32
      %dma_wait3A_144 = tpu.memref_slice %arg12[%add3A_98, %dma_wait3A_143] : memref<10112x128xf32, #tpu.memory_space<vmem_shared>> -> memref<128x128xf32, #tpu.memory_space<vmem_shared>>
      tpu.wait_dma2 semaphore(%run_scoped3A_121 : memref<!tpu.dma_semaphore, #tpu.memory_space<semaphore_mem>>) src(%dma_wait3A_144 : memref<128x128xf32, #tpu.memory_space<vmem_shared>>) dst(%dma_wait3A_142 : memref<128x128xf32, #tpu.memory_space<vmem>>)
      tpu.yield
    }) : () -> ()
    %add3A_100 = arith.constant 128 : i32
    %add3A_101 = arith.addi %mul3A_41, %add3A_100 : i32
    %run_scoped3A_102 = arith.constant 0 : i32
    "tpu.region"() ({
      %run_scoped3A_121 = tpu.sem_alloc : memref<!tpu.dma_semaphore, #tpu.memory_space<semaphore_mem>>
      %dma_start3A_122 = arith.constant 0 : i32
      %dma_start3A_123 = arith.constant 0 : i32
      %dma_start3A_124 = tpu.memref_slice %arg8[%run_scoped3A_102, %dma_start3A_122, %dma_start3A_123] : memref<2x128x128xf32, #tpu.memory_space<vmem>> -> memref<1x128x128xf32, #tpu.memory_space<vmem>>
      %dma_start3A_125 = tpu.memref_squeeze %dma_start3A_124 : memref<1x128x128xf32, #tpu.memory_space<vmem>> -> memref<128x128xf32, #tpu.memory_space<vmem>>
      %dma_start3A_126 = arith.constant 0 : i32
      %dma_start3A_127 = tpu.memref_slice %arg5[%arg0, %add3A_101, %dma_start3A_126] : memref<2x10112x128xf32, #tpu.memory_space<hbm>> -> memref<1x128x128xf32, #tpu.memory_space<hbm>>
      %dma_start3A_128 = tpu.memref_squeeze %dma_start3A_127 : memref<1x128x128xf32, #tpu.memory_space<hbm>> -> memref<128x128xf32, #tpu.memory_space<hbm>>
      %dma_start3A_129 = arith.constant 0 : i32
      %dma_start3A_130 = tpu.memref_slice %arg5[%arg0, %add3A_101, %dma_start3A_129] : memref<2x10112x128xf32, #tpu.memory_space<hbm>> -> memref<1x128x128xf32, #tpu.memory_space<hbm>>
      %dma_start3A_131 = tpu.memref_squeeze %dma_start3A_130 : memref<1x128x128xf32, #tpu.memory_space<hbm>> -> memref<128x128xf32, #tpu.memory_space<hbm>>
      %dma_start3A_132 = arith.constant 0 : i32
      %dma_start3A_133 = arith.constant 0 : i32
      %dma_start3A_134 = tpu.memref_slice %arg8[%run_scoped3A_102, %dma_start3A_132, %dma_start3A_133] : memref<2x128x128xf32, #tpu.memory_space<vmem>> -> memref<1x128x128xf32, #tpu.memory_space<vmem>>
      %dma_start3A_135 = tpu.memref_squeeze %dma_start3A_134 : memref<1x128x128xf32, #tpu.memory_space<vmem>> -> memref<128x128xf32, #tpu.memory_space<vmem>>
      tpu.enqueue_dma source(%dma_start3A_135 : memref<128x128xf32, #tpu.memory_space<vmem>>) target(%dma_start3A_131 : memref<128x128xf32, #tpu.memory_space<hbm>>) target_semaphore(%run_scoped3A_121 : memref<!tpu.dma_semaphore, #tpu.memory_space<semaphore_mem>>)
      %dma_wait3A = arith.constant 0 : i32
      %dma_wait3A_136 = arith.constant 0 : i32
      %dma_wait3A_137 = tpu.memref_slice %arg8[%run_scoped3A_102, %dma_wait3A, %dma_wait3A_136] : memref<2x128x128xf32, #tpu.memory_space<vmem>> -> memref<1x128x128xf32, #tpu.memory_space<vmem>>
      %dma_wait3A_138 = tpu.memref_squeeze %dma_wait3A_137 : memref<1x128x128xf32, #tpu.memory_space<vmem>> -> memref<128x128xf32, #tpu.memory_space<vmem>>
      %dma_wait3A_139 = arith.constant 0 : i32
      %dma_wait3A_140 = tpu.memref_slice %arg5[%arg0, %add3A_101, %dma_wait3A_139] : memref<2x10112x128xf32, #tpu.memory_space<hbm>> -> memref<1x128x128xf32, #tpu.memory_space<hbm>>
      %dma_wait3A_141 = tpu.memref_squeeze %dma_wait3A_140 : memref<1x128x128xf32, #tpu.memory_space<hbm>> -> memref<128x128xf32, #tpu.memory_space<hbm>>
      %dma_wait3A_142 = arith.constant 0 : i32
      %dma_wait3A_143 = tpu.memref_slice %arg5[%arg0, %add3A_101, %dma_wait3A_142] : memref<2x10112x128xf32, #tpu.memory_space<hbm>> -> memref<1x128x128xf32, #tpu.memory_space<hbm>>
      %dma_wait3A_144 = tpu.memref_squeeze %dma_wait3A_143 : memref<1x128x128xf32, #tpu.memory_space<hbm>> -> memref<128x128xf32, #tpu.memory_space<hbm>>
      %dma_wait3A_145 = arith.constant 0 : i32
      %dma_wait3A_146 = arith.constant 0 : i32
      %dma_wait3A_147 = tpu.memref_slice %arg8[%run_scoped3A_102, %dma_wait3A_145, %dma_wait3A_146] : memref<2x128x128xf32, #tpu.memory_space<vmem>> -> memref<1x128x128xf32, #tpu.memory_space<vmem>>
      %dma_wait3A_148 = tpu.memref_squeeze %dma_wait3A_147 : memref<1x128x128xf32, #tpu.memory_space<vmem>> -> memref<128x128xf32, #tpu.memory_space<vmem>>
      tpu.wait_dma2 semaphore(%run_scoped3A_121 : memref<!tpu.dma_semaphore, #tpu.memory_space<semaphore_mem>>) src(%dma_wait3A_148 : memref<128x128xf32, #tpu.memory_space<vmem>>) dst(%dma_wait3A_144 : memref<128x128xf32, #tpu.memory_space<hbm>>)
      tpu.yield
    }) : () -> ()
    %add3A_103 = arith.constant 256 : i32
    %add3A_104 = arith.addi %mul3A_41, %add3A_103 : i32
    %run_scoped3A_105 = arith.constant 0 : i32
    "tpu.region"() ({
      %run_scoped3A_121 = tpu.sem_alloc : memref<!tpu.dma_semaphore, #tpu.memory_space<semaphore_mem>>
      %dma_start3A_122 = arith.constant 0 : i32
      %dma_start3A_123 = arith.constant 0 : i32
      %dma_start3A_124 = tpu.memref_slice %arg8[%run_scoped3A_105, %dma_start3A_122, %dma_start3A_123] : memref<2x128x128xf32, #tpu.memory_space<vmem>> -> memref<1x128x128xf32, #tpu.memory_space<vmem>>
      %dma_start3A_125 = tpu.memref_squeeze %dma_start3A_124 : memref<1x128x128xf32, #tpu.memory_space<vmem>> -> memref<128x128xf32, #tpu.memory_space<vmem>>
      %dma_start3A_126 = arith.constant 0 : i32
      %dma_start3A_127 = tpu.memref_slice %arg12[%add3A_104, %dma_start3A_126] : memref<10112x128xf32, #tpu.memory_space<vmem_shared>> -> memref<128x128xf32, #tpu.memory_space<vmem_shared>>
      %dma_start3A_128 = arith.constant 0 : i32
      %dma_start3A_129 = arith.constant 0 : i32
      %dma_start3A_130 = tpu.memref_slice %arg8[%run_scoped3A_105, %dma_start3A_128, %dma_start3A_129] : memref<2x128x128xf32, #tpu.memory_space<vmem>> -> memref<1x128x128xf32, #tpu.memory_space<vmem>>
      %dma_start3A_131 = tpu.memref_squeeze %dma_start3A_130 : memref<1x128x128xf32, #tpu.memory_space<vmem>> -> memref<128x128xf32, #tpu.memory_space<vmem>>
      %dma_start3A_132 = arith.constant 0 : i32
      %dma_start3A_133 = tpu.memref_slice %arg12[%add3A_104, %dma_start3A_132] : memref<10112x128xf32, #tpu.memory_space<vmem_shared>> -> memref<128x128xf32, #tpu.memory_space<vmem_shared>>
      tpu.enqueue_dma source(%dma_start3A_133 : memref<128x128xf32, #tpu.memory_space<vmem_shared>>) target(%dma_start3A_131 : memref<128x128xf32, #tpu.memory_space<vmem>>) target_semaphore(%run_scoped3A_121 : memref<!tpu.dma_semaphore, #tpu.memory_space<semaphore_mem>>)
      %dma_wait3A = arith.constant 0 : i32
      %dma_wait3A_134 = arith.constant 0 : i32
      %dma_wait3A_135 = tpu.memref_slice %arg8[%run_scoped3A_105, %dma_wait3A, %dma_wait3A_134] : memref<2x128x128xf32, #tpu.memory_space<vmem>> -> memref<1x128x128xf32, #tpu.memory_space<vmem>>
      %dma_wait3A_136 = tpu.memref_squeeze %dma_wait3A_135 : memref<1x128x128xf32, #tpu.memory_space<vmem>> -> memref<128x128xf32, #tpu.memory_space<vmem>>
      %dma_wait3A_137 = arith.constant 0 : i32
      %dma_wait3A_138 = tpu.memref_slice %arg12[%add3A_104, %dma_wait3A_137] : memref<10112x128xf32, #tpu.memory_space<vmem_shared>> -> memref<128x128xf32, #tpu.memory_space<vmem_shared>>
      %dma_wait3A_139 = arith.constant 0 : i32
      %dma_wait3A_140 = arith.constant 0 : i32
      %dma_wait3A_141 = tpu.memref_slice %arg8[%run_scoped3A_105, %dma_wait3A_139, %dma_wait3A_140] : memref<2x128x128xf32, #tpu.memory_space<vmem>> -> memref<1x128x128xf32, #tpu.memory_space<vmem>>
      %dma_wait3A_142 = tpu.memref_squeeze %dma_wait3A_141 : memref<1x128x128xf32, #tpu.memory_space<vmem>> -> memref<128x128xf32, #tpu.memory_space<vmem>>
      %dma_wait3A_143 = arith.constant 0 : i32
      %dma_wait3A_144 = tpu.memref_slice %arg12[%add3A_104, %dma_wait3A_143] : memref<10112x128xf32, #tpu.memory_space<vmem_shared>> -> memref<128x128xf32, #tpu.memory_space<vmem_shared>>
      tpu.wait_dma2 semaphore(%run_scoped3A_121 : memref<!tpu.dma_semaphore, #tpu.memory_space<semaphore_mem>>) src(%dma_wait3A_144 : memref<128x128xf32, #tpu.memory_space<vmem_shared>>) dst(%dma_wait3A_142 : memref<128x128xf32, #tpu.memory_space<vmem>>)
      tpu.yield
    }) : () -> ()
    %add3A_106 = arith.constant 256 : i32
    %add3A_107 = arith.addi %mul3A_41, %add3A_106 : i32
    %run_scoped3A_108 = arith.constant 0 : i32
    "tpu.region"() ({
      %run_scoped3A_121 = tpu.sem_alloc : memref<!tpu.dma_semaphore, #tpu.memory_space<semaphore_mem>>
      %dma_start3A_122 = arith.constant 0 : i32
      %dma_start3A_123 = arith.constant 0 : i32
      %dma_start3A_124 = tpu.memref_slice %arg8[%run_scoped3A_108, %dma_start3A_122, %dma_start3A_123] : memref<2x128x128xf32, #tpu.memory_space<vmem>> -> memref<1x128x128xf32, #tpu.memory_space<vmem>>
      %dma_start3A_125 = tpu.memref_squeeze %dma_start3A_124 : memref<1x128x128xf32, #tpu.memory_space<vmem>> -> memref<128x128xf32, #tpu.memory_space<vmem>>
      %dma_start3A_126 = arith.constant 0 : i32
      %dma_start3A_127 = tpu.memref_slice %arg5[%arg0, %add3A_107, %dma_start3A_126] : memref<2x10112x128xf32, #tpu.memory_space<hbm>> -> memref<1x128x128xf32, #tpu.memory_space<hbm>>
      %dma_start3A_128 = tpu.memref_squeeze %dma_start3A_127 : memref<1x128x128xf32, #tpu.memory_space<hbm>> -> memref<128x128xf32, #tpu.memory_space<hbm>>
      %dma_start3A_129 = arith.constant 0 : i32
      %dma_start3A_130 = tpu.memref_slice %arg5[%arg0, %add3A_107, %dma_start3A_129] : memref<2x10112x128xf32, #tpu.memory_space<hbm>> -> memref<1x128x128xf32, #tpu.memory_space<hbm>>
      %dma_start3A_131 = tpu.memref_squeeze %dma_start3A_130 : memref<1x128x128xf32, #tpu.memory_space<hbm>> -> memref<128x128xf32, #tpu.memory_space<hbm>>
      %dma_start3A_132 = arith.constant 0 : i32
      %dma_start3A_133 = arith.constant 0 : i32
      %dma_start3A_134 = tpu.memref_slice %arg8[%run_scoped3A_108, %dma_start3A_132, %dma_start3A_133] : memref<2x128x128xf32, #tpu.memory_space<vmem>> -> memref<1x128x128xf32, #tpu.memory_space<vmem>>
      %dma_start3A_135 = tpu.memref_squeeze %dma_start3A_134 : memref<1x128x128xf32, #tpu.memory_space<vmem>> -> memref<128x128xf32, #tpu.memory_space<vmem>>
      tpu.enqueue_dma source(%dma_start3A_135 : memref<128x128xf32, #tpu.memory_space<vmem>>) target(%dma_start3A_131 : memref<128x128xf32, #tpu.memory_space<hbm>>) target_semaphore(%run_scoped3A_121 : memref<!tpu.dma_semaphore, #tpu.memory_space<semaphore_mem>>)
      %dma_wait3A = arith.constant 0 : i32
      %dma_wait3A_136 = arith.constant 0 : i32
      %dma_wait3A_137 = tpu.memref_slice %arg8[%run_scoped3A_108, %dma_wait3A, %dma_wait3A_136] : memref<2x128x128xf32, #tpu.memory_space<vmem>> -> memref<1x128x128xf32, #tpu.memory_space<vmem>>
      %dma_wait3A_138 = tpu.memref_squeeze %dma_wait3A_137 : memref<1x128x128xf32, #tpu.memory_space<vmem>> -> memref<128x128xf32, #tpu.memory_space<vmem>>
      %dma_wait3A_139 = arith.constant 0 : i32
      %dma_wait3A_140 = tpu.memref_slice %arg5[%arg0, %add3A_107, %dma_wait3A_139] : memref<2x10112x128xf32, #tpu.memory_space<hbm>> -> memref<1x128x128xf32, #tpu.memory_space<hbm>>
      %dma_wait3A_141 = tpu.memref_squeeze %dma_wait3A_140 : memref<1x128x128xf32, #tpu.memory_space<hbm>> -> memref<128x128xf32, #tpu.memory_space<hbm>>
      %dma_wait3A_142 = arith.constant 0 : i32
      %dma_wait3A_143 = tpu.memref_slice %arg5[%arg0, %add3A_107, %dma_wait3A_142] : memref<2x10112x128xf32, #tpu.memory_space<hbm>> -> memref<1x128x128xf32, #tpu.memory_space<hbm>>
      %dma_wait3A_144 = tpu.memref_squeeze %dma_wait3A_143 : memref<1x128x128xf32, #tpu.memory_space<hbm>> -> memref<128x128xf32, #tpu.memory_space<hbm>>
      %dma_wait3A_145 = arith.constant 0 : i32
      %dma_wait3A_146 = arith.constant 0 : i32
      %dma_wait3A_147 = tpu.memref_slice %arg8[%run_scoped3A_108, %dma_wait3A_145, %dma_wait3A_146] : memref<2x128x128xf32, #tpu.memory_space<vmem>> -> memref<1x128x128xf32, #tpu.memory_space<vmem>>
      %dma_wait3A_148 = tpu.memref_squeeze %dma_wait3A_147 : memref<1x128x128xf32, #tpu.memory_space<vmem>> -> memref<128x128xf32, #tpu.memory_space<vmem>>
      tpu.wait_dma2 semaphore(%run_scoped3A_121 : memref<!tpu.dma_semaphore, #tpu.memory_space<semaphore_mem>>) src(%dma_wait3A_148 : memref<128x128xf32, #tpu.memory_space<vmem>>) dst(%dma_wait3A_144 : memref<128x128xf32, #tpu.memory_space<hbm>>)
      tpu.yield
    }) : () -> ()
    %add3A_109 = arith.constant 384 : i32
    %add3A_110 = arith.addi %mul3A_41, %add3A_109 : i32
    %run_scoped3A_111 = arith.constant 0 : i32
    "tpu.region"() ({
      %run_scoped3A_121 = tpu.sem_alloc : memref<!tpu.dma_semaphore, #tpu.memory_space<semaphore_mem>>
      %dma_start3A_122 = arith.constant 0 : i32
      %dma_start3A_123 = arith.constant 0 : i32
      %dma_start3A_124 = tpu.memref_slice %arg8[%run_scoped3A_111, %dma_start3A_122, %dma_start3A_123] : memref<2x128x128xf32, #tpu.memory_space<vmem>> -> memref<1x128x128xf32, #tpu.memory_space<vmem>>
      %dma_start3A_125 = tpu.memref_squeeze %dma_start3A_124 : memref<1x128x128xf32, #tpu.memory_space<vmem>> -> memref<128x128xf32, #tpu.memory_space<vmem>>
      %dma_start3A_126 = arith.constant 0 : i32
      %dma_start3A_127 = tpu.memref_slice %arg12[%add3A_110, %dma_start3A_126] : memref<10112x128xf32, #tpu.memory_space<vmem_shared>> -> memref<128x128xf32, #tpu.memory_space<vmem_shared>>
      %dma_start3A_128 = arith.constant 0 : i32
      %dma_start3A_129 = arith.constant 0 : i32
      %dma_start3A_130 = tpu.memref_slice %arg8[%run_scoped3A_111, %dma_start3A_128, %dma_start3A_129] : memref<2x128x128xf32, #tpu.memory_space<vmem>> -> memref<1x128x128xf32, #tpu.memory_space<vmem>>
      %dma_start3A_131 = tpu.memref_squeeze %dma_start3A_130 : memref<1x128x128xf32, #tpu.memory_space<vmem>> -> memref<128x128xf32, #tpu.memory_space<vmem>>
      %dma_start3A_132 = arith.constant 0 : i32
      %dma_start3A_133 = tpu.memref_slice %arg12[%add3A_110, %dma_start3A_132] : memref<10112x128xf32, #tpu.memory_space<vmem_shared>> -> memref<128x128xf32, #tpu.memory_space<vmem_shared>>
      tpu.enqueue_dma source(%dma_start3A_133 : memref<128x128xf32, #tpu.memory_space<vmem_shared>>) target(%dma_start3A_131 : memref<128x128xf32, #tpu.memory_space<vmem>>) target_semaphore(%run_scoped3A_121 : memref<!tpu.dma_semaphore, #tpu.memory_space<semaphore_mem>>)
      %dma_wait3A = arith.constant 0 : i32
      %dma_wait3A_134 = arith.constant 0 : i32
      %dma_wait3A_135 = tpu.memref_slice %arg8[%run_scoped3A_111, %dma_wait3A, %dma_wait3A_134] : memref<2x128x128xf32, #tpu.memory_space<vmem>> -> memref<1x128x128xf32, #tpu.memory_space<vmem>>
      %dma_wait3A_136 = tpu.memref_squeeze %dma_wait3A_135 : memref<1x128x128xf32, #tpu.memory_space<vmem>> -> memref<128x128xf32, #tpu.memory_space<vmem>>
      %dma_wait3A_137 = arith.constant 0 : i32
      %dma_wait3A_138 = tpu.memref_slice %arg12[%add3A_110, %dma_wait3A_137] : memref<10112x128xf32, #tpu.memory_space<vmem_shared>> -> memref<128x128xf32, #tpu.memory_space<vmem_shared>>
      %dma_wait3A_139 = arith.constant 0 : i32
      %dma_wait3A_140 = arith.constant 0 : i32
      %dma_wait3A_141 = tpu.memref_slice %arg8[%run_scoped3A_111, %dma_wait3A_139, %dma_wait3A_140] : memref<2x128x128xf32, #tpu.memory_space<vmem>> -> memref<1x128x128xf32, #tpu.memory_space<vmem>>
      %dma_wait3A_142 = tpu.memref_squeeze %dma_wait3A_141 : memref<1x128x128xf32, #tpu.memory_space<vmem>> -> memref<128x128xf32, #tpu.memory_space<vmem>>
      %dma_wait3A_143 = arith.constant 0 : i32
      %dma_wait3A_144 = tpu.memref_slice %arg12[%add3A_110, %dma_wait3A_143] : memref<10112x128xf32, #tpu.memory_space<vmem_shared>> -> memref<128x128xf32, #tpu.memory_space<vmem_shared>>
      tpu.wait_dma2 semaphore(%run_scoped3A_121 : memref<!tpu.dma_semaphore, #tpu.memory_space<semaphore_mem>>) src(%dma_wait3A_144 : memref<128x128xf32, #tpu.memory_space<vmem_shared>>) dst(%dma_wait3A_142 : memref<128x128xf32, #tpu.memory_space<vmem>>)
      tpu.yield
    }) : () -> ()
    %add3A_112 = arith.constant 384 : i32
    %add3A_113 = arith.addi %mul3A_41, %add3A_112 : i32
    %run_scoped3A_114 = arith.constant 0 : i32
    "tpu.region"() ({
      %run_scoped3A_121 = tpu.sem_alloc : memref<!tpu.dma_semaphore, #tpu.memory_space<semaphore_mem>>
      %dma_start3A_122 = arith.constant 0 : i32
      %dma_start3A_123 = arith.constant 0 : i32
      %dma_start3A_124 = tpu.memref_slice %arg8[%run_scoped3A_114, %dma_start3A_122, %dma_start3A_123] : memref<2x128x128xf32, #tpu.memory_space<vmem>> -> memref<1x128x128xf32, #tpu.memory_space<vmem>>
      %dma_start3A_125 = tpu.memref_squeeze %dma_start3A_124 : memref<1x128x128xf32, #tpu.memory_space<vmem>> -> memref<128x128xf32, #tpu.memory_space<vmem>>
      %dma_start3A_126 = arith.constant 0 : i32
      %dma_start3A_127 = tpu.memref_slice %arg5[%arg0, %add3A_113, %dma_start3A_126] : memref<2x10112x128xf32, #tpu.memory_space<hbm>> -> memref<1x128x128xf32, #tpu.memory_space<hbm>>
      %dma_start3A_128 = tpu.memref_squeeze %dma_start3A_127 : memref<1x128x128xf32, #tpu.memory_space<hbm>> -> memref<128x128xf32, #tpu.memory_space<hbm>>
      %dma_start3A_129 = arith.constant 0 : i32
      %dma_start3A_130 = tpu.memref_slice %arg5[%arg0, %add3A_113, %dma_start3A_129] : memref<2x10112x128xf32, #tpu.memory_space<hbm>> -> memref<1x128x128xf32, #tpu.memory_space<hbm>>
      %dma_start3A_131 = tpu.memref_squeeze %dma_start3A_130 : memref<1x128x128xf32, #tpu.memory_space<hbm>> -> memref<128x128xf32, #tpu.memory_space<hbm>>
      %dma_start3A_132 = arith.constant 0 : i32
      %dma_start3A_133 = arith.constant 0 : i32
      %dma_start3A_134 = tpu.memref_slice %arg8[%run_scoped3A_114, %dma_start3A_132, %dma_start3A_133] : memref<2x128x128xf32, #tpu.memory_space<vmem>> -> memref<1x128x128xf32, #tpu.memory_space<vmem>>
      %dma_start3A_135 = tpu.memref_squeeze %dma_start3A_134 : memref<1x128x128xf32, #tpu.memory_space<vmem>> -> memref<128x128xf32, #tpu.memory_space<vmem>>
      tpu.enqueue_dma source(%dma_start3A_135 : memref<128x128xf32, #tpu.memory_space<vmem>>) target(%dma_start3A_131 : memref<128x128xf32, #tpu.memory_space<hbm>>) target_semaphore(%run_scoped3A_121 : memref<!tpu.dma_semaphore, #tpu.memory_space<semaphore_mem>>)
      %dma_wait3A = arith.constant 0 : i32
      %dma_wait3A_136 = arith.constant 0 : i32
      %dma_wait3A_137 = tpu.memref_slice %arg8[%run_scoped3A_114, %dma_wait3A, %dma_wait3A_136] : memref<2x128x128xf32, #tpu.memory_space<vmem>> -> memref<1x128x128xf32, #tpu.memory_space<vmem>>
      %dma_wait3A_138 = tpu.memref_squeeze %dma_wait3A_137 : memref<1x128x128xf32, #tpu.memory_space<vmem>> -> memref<128x128xf32, #tpu.memory_space<vmem>>
      %dma_wait3A_139 = arith.constant 0 : i32
      %dma_wait3A_140 = tpu.memref_slice %arg5[%arg0, %add3A_113, %dma_wait3A_139] : memref<2x10112x128xf32, #tpu.memory_space<hbm>> -> memref<1x128x128xf32, #tpu.memory_space<hbm>>
      %dma_wait3A_141 = tpu.memref_squeeze %dma_wait3A_140 : memref<1x128x128xf32, #tpu.memory_space<hbm>> -> memref<128x128xf32, #tpu.memory_space<hbm>>
      %dma_wait3A_142 = arith.constant 0 : i32
      %dma_wait3A_143 = tpu.memref_slice %arg5[%arg0, %add3A_113, %dma_wait3A_142] : memref<2x10112x128xf32, #tpu.memory_space<hbm>> -> memref<1x128x128xf32, #tpu.memory_space<hbm>>
      %dma_wait3A_144 = tpu.memref_squeeze %dma_wait3A_143 : memref<1x128x128xf32, #tpu.memory_space<hbm>> -> memref<128x128xf32, #tpu.memory_space<hbm>>
      %dma_wait3A_145 = arith.constant 0 : i32
      %dma_wait3A_146 = arith.constant 0 : i32
      %dma_wait3A_147 = tpu.memref_slice %arg8[%run_scoped3A_114, %dma_wait3A_145, %dma_wait3A_146] : memref<2x128x128xf32, #tpu.memory_space<vmem>> -> memref<1x128x128xf32, #tpu.memory_space<vmem>>
      %dma_wait3A_148 = tpu.memref_squeeze %dma_wait3A_147 : memref<1x128x128xf32, #tpu.memory_space<vmem>> -> memref<128x128xf32, #tpu.memory_space<vmem>>
      tpu.wait_dma2 semaphore(%run_scoped3A_121 : memref<!tpu.dma_semaphore, #tpu.memory_space<semaphore_mem>>) src(%dma_wait3A_148 : memref<128x128xf32, #tpu.memory_space<vmem>>) dst(%dma_wait3A_144 : memref<128x128xf32, #tpu.memory_space<hbm>>)
      tpu.yield
    }) : () -> ()
    %add3A_115 = arith.constant 512 : i32
    %add3A_116 = arith.addi %mul3A_41, %add3A_115 : i32
    %run_scoped3A_117 = arith.constant 0 : i32
    "tpu.region"() ({
      %run_scoped3A_121 = tpu.sem_alloc : memref<!tpu.dma_semaphore, #tpu.memory_space<semaphore_mem>>
      %dma_start3A_122 = arith.constant 0 : i32
      %dma_start3A_123 = arith.constant 0 : i32
      %dma_start3A_124 = tpu.memref_slice %arg8[%run_scoped3A_117, %dma_start3A_122, %dma_start3A_123] : memref<2x128x128xf32, #tpu.memory_space<vmem>> -> memref<1x120x128xf32, #tpu.memory_space<vmem>>
      %dma_start3A_125 = tpu.memref_squeeze %dma_start3A_124 : memref<1x120x128xf32, #tpu.memory_space<vmem>> -> memref<120x128xf32, #tpu.memory_space<vmem>>
      %dma_start3A_126 = arith.constant 0 : i32
      %dma_start3A_127 = tpu.memref_slice %arg12[%add3A_116, %dma_start3A_126] : memref<10112x128xf32, #tpu.memory_space<vmem_shared>> -> memref<120x128xf32, #tpu.memory_space<vmem_shared>>
      %dma_start3A_128 = arith.constant 0 : i32
      %dma_start3A_129 = arith.constant 0 : i32
      %dma_start3A_130 = tpu.memref_slice %arg8[%run_scoped3A_117, %dma_start3A_128, %dma_start3A_129] : memref<2x128x128xf32, #tpu.memory_space<vmem>> -> memref<1x120x128xf32, #tpu.memory_space<vmem>>
      %dma_start3A_131 = tpu.memref_squeeze %dma_start3A_130 : memref<1x120x128xf32, #tpu.memory_space<vmem>> -> memref<120x128xf32, #tpu.memory_space<vmem>>
      %dma_start3A_132 = arith.constant 0 : i32
      %dma_start3A_133 = tpu.memref_slice %arg12[%add3A_116, %dma_start3A_132] : memref<10112x128xf32, #tpu.memory_space<vmem_shared>> -> memref<120x128xf32, #tpu.memory_space<vmem_shared>>
      tpu.enqueue_dma source(%dma_start3A_133 : memref<120x128xf32, #tpu.memory_space<vmem_shared>>) target(%dma_start3A_131 : memref<120x128xf32, #tpu.memory_space<vmem>>) target_semaphore(%run_scoped3A_121 : memref<!tpu.dma_semaphore, #tpu.memory_space<semaphore_mem>>)
      %dma_wait3A = arith.constant 0 : i32
      %dma_wait3A_134 = arith.constant 0 : i32
      %dma_wait3A_135 = tpu.memref_slice %arg8[%run_scoped3A_117, %dma_wait3A, %dma_wait3A_134] : memref<2x128x128xf32, #tpu.memory_space<vmem>> -> memref<1x120x128xf32, #tpu.memory_space<vmem>>
      %dma_wait3A_136 = tpu.memref_squeeze %dma_wait3A_135 : memref<1x120x128xf32, #tpu.memory_space<vmem>> -> memref<120x128xf32, #tpu.memory_space<vmem>>
      %dma_wait3A_137 = arith.constant 0 : i32
      %dma_wait3A_138 = tpu.memref_slice %arg12[%add3A_116, %dma_wait3A_137] : memref<10112x128xf32, #tpu.memory_space<vmem_shared>> -> memref<120x128xf32, #tpu.memory_space<vmem_shared>>
      %dma_wait3A_139 = arith.constant 0 : i32
      %dma_wait3A_140 = arith.constant 0 : i32
      %dma_wait3A_141 = tpu.memref_slice %arg8[%run_scoped3A_117, %dma_wait3A_139, %dma_wait3A_140] : memref<2x128x128xf32, #tpu.memory_space<vmem>> -> memref<1x120x128xf32, #tpu.memory_space<vmem>>
      %dma_wait3A_142 = tpu.memref_squeeze %dma_wait3A_141 : memref<1x120x128xf32, #tpu.memory_space<vmem>> -> memref<120x128xf32, #tpu.memory_space<vmem>>
      %dma_wait3A_143 = arith.constant 0 : i32
      %dma_wait3A_144 = tpu.memref_slice %arg12[%add3A_116, %dma_wait3A_143] : memref<10112x128xf32, #tpu.memory_space<vmem_shared>> -> memref<120x128xf32, #tpu.memory_space<vmem_shared>>
      tpu.wait_dma2 semaphore(%run_scoped3A_121 : memref<!tpu.dma_semaphore, #tpu.memory_space<semaphore_mem>>) src(%dma_wait3A_144 : memref<120x128xf32, #tpu.memory_space<vmem_shared>>) dst(%dma_wait3A_142 : memref<120x128xf32, #tpu.memory_space<vmem>>)
      tpu.yield
    }) : () -> ()
    %add3A_118 = arith.constant 512 : i32
    %add3A_119 = arith.addi %mul3A_41, %add3A_118 : i32
    %run_scoped3A_120 = arith.constant 0 : i32
    "tpu.region"() ({
      %run_scoped3A_121 = tpu.sem_alloc : memref<!tpu.dma_semaphore, #tpu.memory_space<semaphore_mem>>
      %dma_start3A_122 = arith.constant 0 : i32
      %dma_start3A_123 = arith.constant 0 : i32
      %dma_start3A_124 = tpu.memref_slice %arg8[%run_scoped3A_120, %dma_start3A_122, %dma_start3A_123] : memref<2x128x128xf32, #tpu.memory_space<vmem>> -> memref<1x120x128xf32, #tpu.memory_space<vmem>>
      %dma_start3A_125 = tpu.memref_squeeze %dma_start3A_124 : memref<1x120x128xf32, #tpu.memory_space<vmem>> -> memref<120x128xf32, #tpu.memory_space<vmem>>
      %dma_start3A_126 = arith.constant 0 : i32
      %dma_start3A_127 = tpu.memref_slice %arg5[%arg0, %add3A_119, %dma_start3A_126] : memref<2x10112x128xf32, #tpu.memory_space<hbm>> -> memref<1x120x128xf32, #tpu.memory_space<hbm>>
      %dma_start3A_128 = tpu.memref_squeeze %dma_start3A_127 : memref<1x120x128xf32, #tpu.memory_space<hbm>> -> memref<120x128xf32, #tpu.memory_space<hbm>>
      %dma_start3A_129 = arith.constant 0 : i32
      %dma_start3A_130 = tpu.memref_slice %arg5[%arg0, %add3A_119, %dma_start3A_129] : memref<2x10112x128xf32, #tpu.memory_space<hbm>> -> memref<1x120x128xf32, #tpu.memory_space<hbm>>
      %dma_start3A_131 = tpu.memref_squeeze %dma_start3A_130 : memref<1x120x128xf32, #tpu.memory_space<hbm>> -> memref<120x128xf32, #tpu.memory_space<hbm>>
      %dma_start3A_132 = arith.constant 0 : i32
      %dma_start3A_133 = arith.constant 0 : i32
      %dma_start3A_134 = tpu.memref_slice %arg8[%run_scoped3A_120, %dma_start3A_132, %dma_start3A_133] : memref<2x128x128xf32, #tpu.memory_space<vmem>> -> memref<1x120x128xf32, #tpu.memory_space<vmem>>
      %dma_start3A_135 = tpu.memref_squeeze %dma_start3A_134 : memref<1x120x128xf32, #tpu.memory_space<vmem>> -> memref<120x128xf32, #tpu.memory_space<vmem>>
      tpu.enqueue_dma source(%dma_start3A_135 : memref<120x128xf32, #tpu.memory_space<vmem>>) target(%dma_start3A_131 : memref<120x128xf32, #tpu.memory_space<hbm>>) target_semaphore(%run_scoped3A_121 : memref<!tpu.dma_semaphore, #tpu.memory_space<semaphore_mem>>)
      %dma_wait3A = arith.constant 0 : i32
      %dma_wait3A_136 = arith.constant 0 : i32
      %dma_wait3A_137 = tpu.memref_slice %arg8[%run_scoped3A_120, %dma_wait3A, %dma_wait3A_136] : memref<2x128x128xf32, #tpu.memory_space<vmem>> -> memref<1x120x128xf32, #tpu.memory_space<vmem>>
      %dma_wait3A_138 = tpu.memref_squeeze %dma_wait3A_137 : memref<1x120x128xf32, #tpu.memory_space<vmem>> -> memref<120x128xf32, #tpu.memory_space<vmem>>
      %dma_wait3A_139 = arith.constant 0 : i32
      %dma_wait3A_140 = tpu.memref_slice %arg5[%arg0, %add3A_119, %dma_wait3A_139] : memref<2x10112x128xf32, #tpu.memory_space<hbm>> -> memref<1x120x128xf32, #tpu.memory_space<hbm>>
      %dma_wait3A_141 = tpu.memref_squeeze %dma_wait3A_140 : memref<1x120x128xf32, #tpu.memory_space<hbm>> -> memref<120x128xf32, #tpu.memory_space<hbm>>
      %dma_wait3A_142 = arith.constant 0 : i32
      %dma_wait3A_143 = tpu.memref_slice %arg5[%arg0, %add3A_119, %dma_wait3A_142] : memref<2x10112x128xf32, #tpu.memory_space<hbm>> -> memref<1x120x128xf32, #tpu.memory_space<hbm>>
      %dma_wait3A_144 = tpu.memref_squeeze %dma_wait3A_143 : memref<1x120x128xf32, #tpu.memory_space<hbm>> -> memref<120x128xf32, #tpu.memory_space<hbm>>
      %dma_wait3A_145 = arith.constant 0 : i32
      %dma_wait3A_146 = arith.constant 0 : i32
      %dma_wait3A_147 = tpu.memref_slice %arg8[%run_scoped3A_120, %dma_wait3A_145, %dma_wait3A_146] : memref<2x128x128xf32, #tpu.memory_space<vmem>> -> memref<1x120x128xf32, #tpu.memory_space<vmem>>
      %dma_wait3A_148 = tpu.memref_squeeze %dma_wait3A_147 : memref<1x120x128xf32, #tpu.memory_space<vmem>> -> memref<120x128xf32, #tpu.memory_space<vmem>>
      tpu.wait_dma2 semaphore(%run_scoped3A_121 : memref<!tpu.dma_semaphore, #tpu.memory_space<semaphore_mem>>) src(%dma_wait3A_148 : memref<120x128xf32, #tpu.memory_space<vmem>>) dst(%dma_wait3A_144 : memref<120x128xf32, #tpu.memory_space<hbm>>)
      tpu.yield
    }) : () -> ()
    return
  }
}

#map = affine_map<(d0, d1) -> (0, 0)>
#map1 = affine_map<(d0, d1) -> (0, 0, 0)>
module attributes {stable_mosaic.version = 14 : i64} {
  func.func @_agg_kernel(%arg0: i32, %arg1: i32, %arg2: memref<10000x128xf32, #tpu.memory_space<hbm>>, %arg3: memref<2560x128xi32, #tpu.memory_space<hbm>>, %arg4: memref<2560x128xi32, #tpu.memory_space<hbm>>, %arg5: memref<2x10112x128xf32, #tpu.memory_space<hbm>>, %arg6: memref<2x8x128xi32, #tpu.memory_space<vmem>>, %arg7: memref<2x8x128xi32, #tpu.memory_space<vmem>>, %arg8: memref<2x128x128xf32, #tpu.memory_space<vmem>>, %arg9: memref<!tpu.dma_semaphore, #tpu.memory_space<semaphore_mem>>, %arg10: memref<!tpu.dma_semaphore, #tpu.memory_space<semaphore_mem>>, %arg11: memref<!tpu.dma_semaphore, #tpu.memory_space<semaphore_mem>>, %arg12: memref<10112x128xf32, #tpu.memory_space<vmem_shared>>) attributes {dimension_semantics = [#tpu.dimension_semantics<core_parallel>, #tpu.dimension_semantics<subcore_parallel>], iteration_bounds = array<i64: 2, 16>, scalar_prefetch = 0 : i64, scratch_operands = 7 : i64, tpu.core_type = #tpu.core_type<sc_vector_subcore>, window_params = [{transform_indices = #map}, {transform_indices = #map}, {transform_indices = #map}, {transform_indices = #map1}]} {
    %mul3A = arith.constant 16 : i32
    %mul3A_0 = arith.muli %arg0, %mul3A : i32
    %add3A = arith.addi %mul3A_0, %arg1 : i32
    %mul3A_1 = arith.constant 80 : i32
    %mul3A_2 = arith.muli %add3A, %mul3A_1 : i32
    %run_scoped3A = arith.constant 0 : i32
    "tpu.region"() ({
      %run_scoped3A_121 = tpu.sem_alloc : memref<!tpu.dma_semaphore, #tpu.memory_space<semaphore_mem>>
      %dma_start3A_122 = arith.constant 0 : i32
      %dma_start3A_123 = arith.constant 0 : i32
      %dma_start3A_124 = tpu.memref_slice %arg6[%run_scoped3A, %dma_start3A_122, %dma_start3A_123] : memref<2x8x128xi32, #tpu.memory_space<vmem>> -> memref<1x8x128xi32, #tpu.memory_space<vmem>>
      %dma_start3A_125 = tpu.memref_squeeze %dma_start3A_124 : memref<1x8x128xi32, #tpu.memory_space<vmem>> -> memref<8x128xi32, #tpu.memory_space<vmem>>
      %dma_start3A_126 = arith.constant 0 : i32
      %dma_start3A_127 = tpu.memref_slice %arg3[%mul3A_2, %dma_start3A_126] : memref<2560x128xi32, #tpu.memory_space<hbm>> -> memref<8x128xi32, #tpu.memory_space<hbm>>
      %dma_start3A_128 = arith.constant 0 : i32
      %dma_start3A_129 = arith.constant 0 : i32
      %dma_start3A_130 = tpu.memref_slice %arg6[%run_scoped3A, %dma_start3A_128, %dma_start3A_129] : memref<2x8x128xi32, #tpu.memory_space<vmem>> -> memref<1x8x128xi32, #tpu.memory_space<vmem>>
      %dma_start3A_131 = tpu.memref_squeeze %dma_start3A_130 : memref<1x8x128xi32, #tpu.memory_space<vmem>> -> memref<8x128xi32, #tpu.memory_space<vmem>>
      %dma_start3A_132 = arith.constant 0 : i32
      %dma_start3A_133 = tpu.memref_slice %arg3[%mul3A_2, %dma_start3A_132] : memref<2560x128xi32, #tpu.memory_space<hbm>> -> memref<8x128xi32, #tpu.memory_space<hbm>>
      tpu.enqueue_dma source(%dma_start3A_133 : memref<8x128xi32, #tpu.memory_space<hbm>>) target(%dma_start3A_131 : memref<8x128xi32, #tpu.memory_space<vmem>>) target_semaphore(%run_scoped3A_121 : memref<!tpu.dma_semaphore, #tpu.memory_space<semaphore_mem>>)
      %dma_wait3A = arith.constant 0 : i32
      %dma_wait3A_134 = arith.constant 0 : i32
      %dma_wait3A_135 = tpu.memref_slice %arg6[%run_scoped3A, %dma_wait3A, %dma_wait3A_134] : memref<2x8x128xi32, #tpu.memory_space<vmem>> -> memref<1x8x128xi32, #tpu.memory_space<vmem>>
      %dma_wait3A_136 = tpu.memref_squeeze %dma_wait3A_135 : memref<1x8x128xi32, #tpu.memory_space<vmem>> -> memref<8x128xi32, #tpu.memory_space<vmem>>
      %dma_wait3A_137 = arith.constant 0 : i32
      %dma_wait3A_138 = tpu.memref_slice %arg3[%mul3A_2, %dma_wait3A_137] : memref<2560x128xi32, #tpu.memory_space<hbm>> -> memref<8x128xi32, #tpu.memory_space<hbm>>
      %dma_wait3A_139 = arith.constant 0 : i32
      %dma_wait3A_140 = arith.constant 0 : i32
      %dma_wait3A_141 = tpu.memref_slice %arg6[%run_scoped3A, %dma_wait3A_139, %dma_wait3A_140] : memref<2x8x128xi32, #tpu.memory_space<vmem>> -> memref<1x8x128xi32, #tpu.memory_space<vmem>>
      %dma_wait3A_142 = tpu.memref_squeeze %dma_wait3A_141 : memref<1x8x128xi32, #tpu.memory_space<vmem>> -> memref<8x128xi32, #tpu.memory_space<vmem>>
      %dma_wait3A_143 = arith.constant 0 : i32
      %dma_wait3A_144 = tpu.memref_slice %arg3[%mul3A_2, %dma_wait3A_143] : memref<2560x128xi32, #tpu.memory_space<hbm>> -> memref<8x128xi32, #tpu.memory_space<hbm>>
      tpu.wait_dma2 semaphore(%run_scoped3A_121 : memref<!tpu.dma_semaphore, #tpu.memory_space<semaphore_mem>>) src(%dma_wait3A_144 : memref<8x128xi32, #tpu.memory_space<hbm>>) dst(%dma_wait3A_142 : memref<8x128xi32, #tpu.memory_space<vmem>>)
      tpu.yield
    }) : () -> ()
    %run_scoped3A_3 = arith.constant 0 : i32
    "tpu.region"() ({
      %run_scoped3A_121 = tpu.sem_alloc : memref<!tpu.dma_semaphore, #tpu.memory_space<semaphore_mem>>
      %dma_start3A_122 = arith.constant 0 : i32
      %dma_start3A_123 = arith.constant 0 : i32
      %dma_start3A_124 = tpu.memref_slice %arg7[%run_scoped3A_3, %dma_start3A_122, %dma_start3A_123] : memref<2x8x128xi32, #tpu.memory_space<vmem>> -> memref<1x8x128xi32, #tpu.memory_space<vmem>>
      %dma_start3A_125 = tpu.memref_squeeze %dma_start3A_124 : memref<1x8x128xi32, #tpu.memory_space<vmem>> -> memref<8x128xi32, #tpu.memory_space<vmem>>
      %dma_start3A_126 = arith.constant 0 : i32
      %dma_start3A_127 = tpu.memref_slice %arg4[%mul3A_2, %dma_start3A_126] : memref<2560x128xi32, #tpu.memory_space<hbm>> -> memref<8x128xi32, #tpu.memory_space<hbm>>
      %dma_start3A_128 = arith.constant 0 : i32
      %dma_start3A_129 = arith.constant 0 : i32
      %dma_start3A_130 = tpu.memref_slice %arg7[%run_scoped3A_3, %dma_start3A_128, %dma_start3A_129] : memref<2x8x128xi32, #tpu.memory_space<vmem>> -> memref<1x8x128xi32, #tpu.memory_space<vmem>>
      %dma_start3A_131 = tpu.memref_squeeze %dma_start3A_130 : memref<1x8x128xi32, #tpu.memory_space<vmem>> -> memref<8x128xi32, #tpu.memory_space<vmem>>
      %dma_start3A_132 = arith.constant 0 : i32
      %dma_start3A_133 = tpu.memref_slice %arg4[%mul3A_2, %dma_start3A_132] : memref<2560x128xi32, #tpu.memory_space<hbm>> -> memref<8x128xi32, #tpu.memory_space<hbm>>
      tpu.enqueue_dma source(%dma_start3A_133 : memref<8x128xi32, #tpu.memory_space<hbm>>) target(%dma_start3A_131 : memref<8x128xi32, #tpu.memory_space<vmem>>) target_semaphore(%run_scoped3A_121 : memref<!tpu.dma_semaphore, #tpu.memory_space<semaphore_mem>>)
      %dma_wait3A = arith.constant 0 : i32
      %dma_wait3A_134 = arith.constant 0 : i32
      %dma_wait3A_135 = tpu.memref_slice %arg7[%run_scoped3A_3, %dma_wait3A, %dma_wait3A_134] : memref<2x8x128xi32, #tpu.memory_space<vmem>> -> memref<1x8x128xi32, #tpu.memory_space<vmem>>
      %dma_wait3A_136 = tpu.memref_squeeze %dma_wait3A_135 : memref<1x8x128xi32, #tpu.memory_space<vmem>> -> memref<8x128xi32, #tpu.memory_space<vmem>>
      %dma_wait3A_137 = arith.constant 0 : i32
      %dma_wait3A_138 = tpu.memref_slice %arg4[%mul3A_2, %dma_wait3A_137] : memref<2560x128xi32, #tpu.memory_space<hbm>> -> memref<8x128xi32, #tpu.memory_space<hbm>>
      %dma_wait3A_139 = arith.constant 0 : i32
      %dma_wait3A_140 = arith.constant 0 : i32
      %dma_wait3A_141 = tpu.memref_slice %arg7[%run_scoped3A_3, %dma_wait3A_139, %dma_wait3A_140] : memref<2x8x128xi32, #tpu.memory_space<vmem>> -> memref<1x8x128xi32, #tpu.memory_space<vmem>>
      %dma_wait3A_142 = tpu.memref_squeeze %dma_wait3A_141 : memref<1x8x128xi32, #tpu.memory_space<vmem>> -> memref<8x128xi32, #tpu.memory_space<vmem>>
      %dma_wait3A_143 = arith.constant 0 : i32
      %dma_wait3A_144 = tpu.memref_slice %arg4[%mul3A_2, %dma_wait3A_143] : memref<2560x128xi32, #tpu.memory_space<hbm>> -> memref<8x128xi32, #tpu.memory_space<hbm>>
      tpu.wait_dma2 semaphore(%run_scoped3A_121 : memref<!tpu.dma_semaphore, #tpu.memory_space<semaphore_mem>>) src(%dma_wait3A_144 : memref<8x128xi32, #tpu.memory_space<hbm>>) dst(%dma_wait3A_142 : memref<8x128xi32, #tpu.memory_space<vmem>>)
      tpu.yield
    }) : () -> ()
    %add3A_4 = arith.constant 8 : i32
    %add3A_5 = arith.addi %mul3A_2, %add3A_4 : i32
    %dma_start3A = arith.constant 1 : i32
    %dma_start3A_6 = arith.constant 0 : i32
    %dma_start3A_7 = arith.constant 0 : i32
    %dma_start3A_8 = tpu.memref_slice %arg6[%dma_start3A, %dma_start3A_6, %dma_start3A_7] : memref<2x8x128xi32, #tpu.memory_space<vmem>> -> memref<1x8x128xi32, #tpu.memory_space<vmem>>
    %dma_start3A_9 = tpu.memref_squeeze %dma_start3A_8 : memref<1x8x128xi32, #tpu.memory_space<vmem>> -> memref<8x128xi32, #tpu.memory_space<vmem>>
    %dma_start3A_10 = arith.constant 0 : i32
    %dma_start3A_11 = tpu.memref_slice %arg3[%add3A_5, %dma_start3A_10] : memref<2560x128xi32, #tpu.memory_space<hbm>> -> memref<8x128xi32, #tpu.memory_space<hbm>>
    %dma_start3A_12 = arith.constant 0 : i32
    %dma_start3A_13 = arith.constant 0 : i32
    %dma_start3A_14 = tpu.memref_slice %arg6[%dma_start3A, %dma_start3A_12, %dma_start3A_13] : memref<2x8x128xi32, #tpu.memory_space<vmem>> -> memref<1x8x128xi32, #tpu.memory_space<vmem>>
    %dma_start3A_15 = tpu.memref_squeeze %dma_start3A_14 : memref<1x8x128xi32, #tpu.memory_space<vmem>> -> memref<8x128xi32, #tpu.memory_space<vmem>>
    %dma_start3A_16 = arith.constant 0 : i32
    %dma_start3A_17 = tpu.memref_slice %arg3[%add3A_5, %dma_start3A_16] : memref<2560x128xi32, #tpu.memory_space<hbm>> -> memref<8x128xi32, #tpu.memory_space<hbm>>
    tpu.enqueue_dma source(%dma_start3A_17 : memref<8x128xi32, #tpu.memory_space<hbm>>) target(%dma_start3A_15 : memref<8x128xi32, #tpu.memory_space<vmem>>) target_semaphore(%arg11 : memref<!tpu.dma_semaphore, #tpu.memory_space<semaphore_mem>>)
    %add3A_18 = arith.constant 8 : i32
    %add3A_19 = arith.addi %mul3A_2, %add3A_18 : i32
    %dma_start3A_20 = arith.constant 1 : i32
    %dma_start3A_21 = arith.constant 0 : i32
    %dma_start3A_22 = arith.constant 0 : i32
    %dma_start3A_23 = tpu.memref_slice %arg7[%dma_start3A_20, %dma_start3A_21, %dma_start3A_22] : memref<2x8x128xi32, #tpu.memory_space<vmem>> -> memref<1x8x128xi32, #tpu.memory_space<vmem>>
    %dma_start3A_24 = tpu.memref_squeeze %dma_start3A_23 : memref<1x8x128xi32, #tpu.memory_space<vmem>> -> memref<8x128xi32, #tpu.memory_space<vmem>>
    %dma_start3A_25 = arith.constant 0 : i32
    %dma_start3A_26 = tpu.memref_slice %arg4[%add3A_19, %dma_start3A_25] : memref<2560x128xi32, #tpu.memory_space<hbm>> -> memref<8x128xi32, #tpu.memory_space<hbm>>
    %dma_start3A_27 = arith.constant 0 : i32
    %dma_start3A_28 = arith.constant 0 : i32
    %dma_start3A_29 = tpu.memref_slice %arg7[%dma_start3A_20, %dma_start3A_27, %dma_start3A_28] : memref<2x8x128xi32, #tpu.memory_space<vmem>> -> memref<1x8x128xi32, #tpu.memory_space<vmem>>
    %dma_start3A_30 = tpu.memref_squeeze %dma_start3A_29 : memref<1x8x128xi32, #tpu.memory_space<vmem>> -> memref<8x128xi32, #tpu.memory_space<vmem>>
    %dma_start3A_31 = arith.constant 0 : i32
    %dma_start3A_32 = tpu.memref_slice %arg4[%add3A_19, %dma_start3A_31] : memref<2560x128xi32, #tpu.memory_space<hbm>> -> memref<8x128xi32, #tpu.memory_space<hbm>>
    tpu.enqueue_dma source(%dma_start3A_32 : memref<8x128xi32, #tpu.memory_space<hbm>>) target(%dma_start3A_30 : memref<8x128xi32, #tpu.memory_space<vmem>>) target_semaphore(%arg11 : memref<!tpu.dma_semaphore, #tpu.memory_space<semaphore_mem>>)
    %scan3A = arith.constant 0 : i32
    %scan3A_33 = arith.constant 0 : i32
    %scan3A_34 = arith.constant 0 : i32
    %scan3A_35 = arith.constant 128 : i32
    %scan3A_36 = arith.addi %scan3A_34, %scan3A_35 : i32
    %scan3A_37 = arith.constant 1 : i32
    %scan3A_38 = scf.for %scan3A_121 = %scan3A_34 to %scan3A_36 step %scan3A_37 iter_args(%scan3A_122 = %scan3A_33) -> (i32)  : i32 {
      %broadcast_in_dim3A = arith.constant 0.000000e+00 : f32
      %broadcast_in_dim3A_123 = vector.broadcast %broadcast_in_dim3A : f32 to vector<16xf32>
      %swap3A = arith.constant 0 : i32
      %swap3A_124 = arith.constant 0 : i32
      %swap3A_125 = tpu.memref_slice %arg8[%scan3A, %swap3A, %swap3A_124] : memref<2x128x128xf32, #tpu.memory_space<vmem>> -> memref<1x128x128xf32, #tpu.memory_space<vmem>>
      %swap3A_126 = tpu.memref_squeeze %swap3A_125 : memref<1x128x128xf32, #tpu.memory_space<vmem>> -> memref<128x128xf32, #tpu.memory_space<vmem>>
      %swap3A_127 = arith.index_cast %scan3A_121 : i32 to index
      %swap3A_128 = arith.constant 0 : index
      %swap3A_129 = tpu.vector_load %swap3A_126[%swap3A_127, %swap3A_128] {strides = array<i32>} : memref<128x128xf32, #tpu.memory_space<vmem>>, vector<1x16xf32>,
      %swap3A_130 = vector.shape_cast %swap3A_129 : vector<1x16xf32> to vector<16xf32>
      %swap3A_131 = vector.shape_cast %broadcast_in_dim3A_123 : vector<16xf32> to vector<1x16xf32>
      tpu.vector_store %swap3A_126[%swap3A_127, %swap3A_128], %swap3A_131 {strides = array<i32>} : memref<128x128xf32, #tpu.memory_space<vmem>>, vector<1x16xf32>,
      %broadcast_in_dim3A_132 = arith.constant 0.000000e+00 : f32
      %broadcast_in_dim3A_133 = vector.broadcast %broadcast_in_dim3A_132 : f32 to vector<16xf32>
      %swap3A_134 = arith.constant 0 : i32
      %swap3A_135 = arith.constant 0 : i32
      %swap3A_136 = tpu.memref_slice %arg8[%scan3A, %swap3A_134, %swap3A_135] : memref<2x128x128xf32, #tpu.memory_space<vmem>> -> memref<1x128x128xf32, #tpu.memory_space<vmem>>
      %swap3A_137 = tpu.memref_squeeze %swap3A_136 : memref<1x128x128xf32, #tpu.memory_space<vmem>> -> memref<128x128xf32, #tpu.memory_space<vmem>>
      %swap3A_138 = arith.index_cast %scan3A_121 : i32 to index
      %swap3A_139 = arith.constant 16 : index
      %swap3A_140 = tpu.vector_load %swap3A_137[%swap3A_138, %swap3A_139] {strides = array<i32>} : memref<128x128xf32, #tpu.memory_space<vmem>>, vector<1x16xf32>,
      %swap3A_141 = vector.shape_cast %swap3A_140 : vector<1x16xf32> to vector<16xf32>
      %swap3A_142 = vector.shape_cast %broadcast_in_dim3A_133 : vector<16xf32> to vector<1x16xf32>
      tpu.vector_store %swap3A_137[%swap3A_138, %swap3A_139], %swap3A_142 {strides = array<i32>} : memref<128x128xf32, #tpu.memory_space<vmem>>, vector<1x16xf32>,
      %broadcast_in_dim3A_143 = arith.constant 0.000000e+00 : f32
      %broadcast_in_dim3A_144 = vector.broadcast %broadcast_in_dim3A_143 : f32 to vector<16xf32>
      %swap3A_145 = arith.constant 0 : i32
      %swap3A_146 = arith.constant 0 : i32
      %swap3A_147 = tpu.memref_slice %arg8[%scan3A, %swap3A_145, %swap3A_146] : memref<2x128x128xf32, #tpu.memory_space<vmem>> -> memref<1x128x128xf32, #tpu.memory_space<vmem>>
      %swap3A_148 = tpu.memref_squeeze %swap3A_147 : memref<1x128x128xf32, #tpu.memory_space<vmem>> -> memref<128x128xf32, #tpu.memory_space<vmem>>
      %swap3A_149 = arith.index_cast %scan3A_121 : i32 to index
      %swap3A_150 = arith.constant 32 : index
      %swap3A_151 = tpu.vector_load %swap3A_148[%swap3A_149, %swap3A_150] {strides = array<i32>} : memref<128x128xf32, #tpu.memory_space<vmem>>, vector<1x16xf32>,
      %swap3A_152 = vector.shape_cast %swap3A_151 : vector<1x16xf32> to vector<16xf32>
      %swap3A_153 = vector.shape_cast %broadcast_in_dim3A_144 : vector<16xf32> to vector<1x16xf32>
      tpu.vector_store %swap3A_148[%swap3A_149, %swap3A_150], %swap3A_153 {strides = array<i32>} : memref<128x128xf32, #tpu.memory_space<vmem>>, vector<1x16xf32>,
      %broadcast_in_dim3A_154 = arith.constant 0.000000e+00 : f32
      %broadcast_in_dim3A_155 = vector.broadcast %broadcast_in_dim3A_154 : f32 to vector<16xf32>
      %swap3A_156 = arith.constant 0 : i32
      %swap3A_157 = arith.constant 0 : i32
      %swap3A_158 = tpu.memref_slice %arg8[%scan3A, %swap3A_156, %swap3A_157] : memref<2x128x128xf32, #tpu.memory_space<vmem>> -> memref<1x128x128xf32, #tpu.memory_space<vmem>>
      %swap3A_159 = tpu.memref_squeeze %swap3A_158 : memref<1x128x128xf32, #tpu.memory_space<vmem>> -> memref<128x128xf32, #tpu.memory_space<vmem>>
      %swap3A_160 = arith.index_cast %scan3A_121 : i32 to index
      %swap3A_161 = arith.constant 48 : index
      %swap3A_162 = tpu.vector_load %swap3A_159[%swap3A_160, %swap3A_161] {strides = array<i32>} : memref<128x128xf32, #tpu.memory_space<vmem>>, vector<1x16xf32>,
      %swap3A_163 = vector.shape_cast %swap3A_162 : vector<1x16xf32> to vector<16xf32>
      %swap3A_164 = vector.shape_cast %broadcast_in_dim3A_155 : vector<16xf32> to vector<1x16xf32>
      tpu.vector_store %swap3A_159[%swap3A_160, %swap3A_161], %swap3A_164 {strides = array<i32>} : memref<128x128xf32, #tpu.memory_space<vmem>>, vector<1x16xf32>,
      %broadcast_in_dim3A_165 = arith.constant 0.000000e+00 : f32
      %broadcast_in_dim3A_166 = vector.broadcast %broadcast_in_dim3A_165 : f32 to vector<16xf32>
      %swap3A_167 = arith.constant 0 : i32
      %swap3A_168 = arith.constant 0 : i32
      %swap3A_169 = tpu.memref_slice %arg8[%scan3A, %swap3A_167, %swap3A_168] : memref<2x128x128xf32, #tpu.memory_space<vmem>> -> memref<1x128x128xf32, #tpu.memory_space<vmem>>
      %swap3A_170 = tpu.memref_squeeze %swap3A_169 : memref<1x128x128xf32, #tpu.memory_space<vmem>> -> memref<128x128xf32, #tpu.memory_space<vmem>>
      %swap3A_171 = arith.index_cast %scan3A_121 : i32 to index
      %swap3A_172 = arith.constant 64 : index
      %swap3A_173 = tpu.vector_load %swap3A_170[%swap3A_171, %swap3A_172] {strides = array<i32>} : memref<128x128xf32, #tpu.memory_space<vmem>>, vector<1x16xf32>,
      %swap3A_174 = vector.shape_cast %swap3A_173 : vector<1x16xf32> to vector<16xf32>
      %swap3A_175 = vector.shape_cast %broadcast_in_dim3A_166 : vector<16xf32> to vector<1x16xf32>
      tpu.vector_store %swap3A_170[%swap3A_171, %swap3A_172], %swap3A_175 {strides = array<i32>} : memref<128x128xf32, #tpu.memory_space<vmem>>, vector<1x16xf32>,
      %broadcast_in_dim3A_176 = arith.constant 0.000000e+00 : f32
      %broadcast_in_dim3A_177 = vector.broadcast %broadcast_in_dim3A_176 : f32 to vector<16xf32>
      %swap3A_178 = arith.constant 0 : i32
      %swap3A_179 = arith.constant 0 : i32
      %swap3A_180 = tpu.memref_slice %arg8[%scan3A, %swap3A_178, %swap3A_179] : memref<2x128x128xf32, #tpu.memory_space<vmem>> -> memref<1x128x128xf32, #tpu.memory_space<vmem>>
      %swap3A_181 = tpu.memref_squeeze %swap3A_180 : memref<1x128x128xf32, #tpu.memory_space<vmem>> -> memref<128x128xf32, #tpu.memory_space<vmem>>
      %swap3A_182 = arith.index_cast %scan3A_121 : i32 to index
      %swap3A_183 = arith.constant 80 : index
      %swap3A_184 = tpu.vector_load %swap3A_181[%swap3A_182, %swap3A_183] {strides = array<i32>} : memref<128x128xf32, #tpu.memory_space<vmem>>, vector<1x16xf32>,
      %swap3A_185 = vector.shape_cast %swap3A_184 : vector<1x16xf32> to vector<16xf32>
      %swap3A_186 = vector.shape_cast %broadcast_in_dim3A_177 : vector<16xf32> to vector<1x16xf32>
      tpu.vector_store %swap3A_181[%swap3A_182, %swap3A_183], %swap3A_186 {strides = array<i32>} : memref<128x128xf32, #tpu.memory_space<vmem>>, vector<1x16xf32>,
      %broadcast_in_dim3A_187 = arith.constant 0.000000e+00 : f32
      %broadcast_in_dim3A_188 = vector.broadcast %broadcast_in_dim3A_187 : f32 to vector<16xf32>
      %swap3A_189 = arith.constant 0 : i32
      %swap3A_190 = arith.constant 0 : i32
      %swap3A_191 = tpu.memref_slice %arg8[%scan3A, %swap3A_189, %swap3A_190] : memref<2x128x128xf32, #tpu.memory_space<vmem>> -> memref<1x128x128xf32, #tpu.memory_space<vmem>>
      %swap3A_192 = tpu.memref_squeeze %swap3A_191 : memref<1x128x128xf32, #tpu.memory_space<vmem>> -> memref<128x128xf32, #tpu.memory_space<vmem>>
      %swap3A_193 = arith.index_cast %scan3A_121 : i32 to index
      %swap3A_194 = arith.constant 96 : index
      %swap3A_195 = tpu.vector_load %swap3A_192[%swap3A_193, %swap3A_194] {strides = array<i32>} : memref<128x128xf32, #tpu.memory_space<vmem>>, vector<1x16xf32>,
      %swap3A_196 = vector.shape_cast %swap3A_195 : vector<1x16xf32> to vector<16xf32>
      %swap3A_197 = vector.shape_cast %broadcast_in_dim3A_188 : vector<16xf32> to vector<1x16xf32>
      tpu.vector_store %swap3A_192[%swap3A_193, %swap3A_194], %swap3A_197 {strides = array<i32>} : memref<128x128xf32, #tpu.memory_space<vmem>>, vector<1x16xf32>,
      %broadcast_in_dim3A_198 = arith.constant 0.000000e+00 : f32
      %broadcast_in_dim3A_199 = vector.broadcast %broadcast_in_dim3A_198 : f32 to vector<16xf32>
      %swap3A_200 = arith.constant 0 : i32
      %swap3A_201 = arith.constant 0 : i32
      %swap3A_202 = tpu.memref_slice %arg8[%scan3A, %swap3A_200, %swap3A_201] : memref<2x128x128xf32, #tpu.memory_space<vmem>> -> memref<1x128x128xf32, #tpu.memory_space<vmem>>
      %swap3A_203 = tpu.memref_squeeze %swap3A_202 : memref<1x128x128xf32, #tpu.memory_space<vmem>> -> memref<128x128xf32, #tpu.memory_space<vmem>>
      %swap3A_204 = arith.index_cast %scan3A_121 : i32 to index
      %swap3A_205 = arith.constant 112 : index
      %swap3A_206 = tpu.vector_load %swap3A_203[%swap3A_204, %swap3A_205] {strides = array<i32>} : memref<128x128xf32, #tpu.memory_space<vmem>>, vector<1x16xf32>,
      %swap3A_207 = vector.shape_cast %swap3A_206 : vector<1x16xf32> to vector<16xf32>
      %swap3A_208 = vector.shape_cast %broadcast_in_dim3A_199 : vector<16xf32> to vector<1x16xf32>
      tpu.vector_store %swap3A_203[%swap3A_204, %swap3A_205], %swap3A_208 {strides = array<i32>} : memref<128x128xf32, #tpu.memory_space<vmem>>, vector<1x16xf32>,
      %scan3A_209 = arith.constant 0 : i32
      scf.yield %scan3A_209 : i32
    }
    %scan3A_39 = arith.constant 128 : i32
    %mul3A_40 = arith.constant 632 : i32
    %mul3A_41 = arith.muli %arg1, %mul3A_40 : i32
    %add3A_42 = arith.constant 0 : i32
    %add3A_43 = arith.addi %mul3A_41, %add3A_42 : i32
    %run_scoped3A_44 = arith.constant 0 : i32
    "tpu.region"() ({
      %run_scoped3A_121 = tpu.sem_alloc : memref<!tpu.dma_semaphore, #tpu.memory_space<semaphore_mem>>
      %dma_start3A_122 = arith.constant 0 : i32
      %dma_start3A_123 = arith.constant 0 : i32
      %dma_start3A_124 = tpu.memref_slice %arg8[%run_scoped3A_44, %dma_start3A_122, %dma_start3A_123] : memref<2x128x128xf32, #tpu.memory_space<vmem>> -> memref<1x128x128xf32, #tpu.memory_space<vmem>>
      %dma_start3A_125 = tpu.memref_squeeze %dma_start3A_124 : memref<1x128x128xf32, #tpu.memory_space<vmem>> -> memref<128x128xf32, #tpu.memory_space<vmem>>
      %dma_start3A_126 = arith.constant 0 : i32
      %dma_start3A_127 = tpu.memref_slice %arg12[%add3A_43, %dma_start3A_126] : memref<10112x128xf32, #tpu.memory_space<vmem_shared>> -> memref<128x128xf32, #tpu.memory_space<vmem_shared>>
      %dma_start3A_128 = arith.constant 0 : i32
      %dma_start3A_129 = tpu.memref_slice %arg12[%add3A_43, %dma_start3A_128] : memref<10112x128xf32, #tpu.memory_space<vmem_shared>> -> memref<128x128xf32, #tpu.memory_space<vmem_shared>>
      %dma_start3A_130 = arith.constant 0 : i32
      %dma_start3A_131 = arith.constant 0 : i32
      %dma_start3A_132 = tpu.memref_slice %arg8[%run_scoped3A_44, %dma_start3A_130, %dma_start3A_131] : memref<2x128x128xf32, #tpu.memory_space<vmem>> -> memref<1x128x128xf32, #tpu.memory_space<vmem>>
      %dma_start3A_133 = tpu.memref_squeeze %dma_start3A_132 : memref<1x128x128xf32, #tpu.memory_space<vmem>> -> memref<128x128xf32, #tpu.memory_space<vmem>>
      tpu.enqueue_dma source(%dma_start3A_133 : memref<128x128xf32, #tpu.memory_space<vmem>>) target(%dma_start3A_129 : memref<128x128xf32, #tpu.memory_space<vmem_shared>>) target_semaphore(%run_scoped3A_121 : memref<!tpu.dma_semaphore, #tpu.memory_space<semaphore_mem>>)
      %dma_wait3A = arith.constant 0 : i32
      %dma_wait3A_134 = arith.constant 0 : i32
      %dma_wait3A_135 = tpu.memref_slice %arg8[%run_scoped3A_44, %dma_wait3A, %dma_wait3A_134] : memref<2x128x128xf32, #tpu.memory_space<vmem>> -> memref<1x128x128xf32, #tpu.memory_space<vmem>>
      %dma_wait3A_136 = tpu.memref_squeeze %dma_wait3A_135 : memref<1x128x128xf32, #tpu.memory_space<vmem>> -> memref<128x128xf32, #tpu.memory_space<vmem>>
      %dma_wait3A_137 = arith.constant 0 : i32
      %dma_wait3A_138 = tpu.memref_slice %arg12[%add3A_43, %dma_wait3A_137] : memref<10112x128xf32, #tpu.memory_space<vmem_shared>> -> memref<128x128xf32, #tpu.memory_space<vmem_shared>>
      %dma_wait3A_139 = arith.constant 0 : i32
      %dma_wait3A_140 = tpu.memref_slice %arg12[%add3A_43, %dma_wait3A_139] : memref<10112x128xf32, #tpu.memory_space<vmem_shared>> -> memref<128x128xf32, #tpu.memory_space<vmem_shared>>
      %dma_wait3A_141 = arith.constant 0 : i32
      %dma_wait3A_142 = arith.constant 0 : i32
      %dma_wait3A_143 = tpu.memref_slice %arg8[%run_scoped3A_44, %dma_wait3A_141, %dma_wait3A_142] : memref<2x128x128xf32, #tpu.memory_space<vmem>> -> memref<1x128x128xf32, #tpu.memory_space<vmem>>
      %dma_wait3A_144 = tpu.memref_squeeze %dma_wait3A_143 : memref<1x128x128xf32, #tpu.memory_space<vmem>> -> memref<128x128xf32, #tpu.memory_space<vmem>>
      tpu.wait_dma2 semaphore(%run_scoped3A_121 : memref<!tpu.dma_semaphore, #tpu.memory_space<semaphore_mem>>) src(%dma_wait3A_144 : memref<128x128xf32, #tpu.memory_space<vmem>>) dst(%dma_wait3A_140 : memref<128x128xf32, #tpu.memory_space<vmem_shared>>)
      tpu.yield
    }) : () -> ()
    %add3A_45 = arith.constant 128 : i32
    %add3A_46 = arith.addi %mul3A_41, %add3A_45 : i32
    %run_scoped3A_47 = arith.constant 0 : i32
    "tpu.region"() ({
      %run_scoped3A_121 = tpu.sem_alloc : memref<!tpu.dma_semaphore, #tpu.memory_space<semaphore_mem>>
      %dma_start3A_122 = arith.constant 0 : i32
      %dma_start3A_123 = arith.constant 0 : i32
      %dma_start3A_124 = tpu.memref_slice %arg8[%run_scoped3A_47, %dma_start3A_122, %dma_start3A_123] : memref<2x128x128xf32, #tpu.memory_space<vmem>> -> memref<1x128x128xf32, #tpu.memory_space<vmem>>
      %dma_start3A_125 = tpu.memref_squeeze %dma_start3A_124 : memref<1x128x128xf32, #tpu.memory_space<vmem>> -> memref<128x128xf32, #tpu.memory_space<vmem>>
      %dma_start3A_126 = arith.constant 0 : i32
      %dma_start3A_127 = tpu.memref_slice %arg12[%add3A_46, %dma_start3A_126] : memref<10112x128xf32, #tpu.memory_space<vmem_shared>> -> memref<128x128xf32, #tpu.memory_space<vmem_shared>>
      %dma_start3A_128 = arith.constant 0 : i32
      %dma_start3A_129 = tpu.memref_slice %arg12[%add3A_46, %dma_start3A_128] : memref<10112x128xf32, #tpu.memory_space<vmem_shared>> -> memref<128x128xf32, #tpu.memory_space<vmem_shared>>
      %dma_start3A_130 = arith.constant 0 : i32
      %dma_start3A_131 = arith.constant 0 : i32
      %dma_start3A_132 = tpu.memref_slice %arg8[%run_scoped3A_47, %dma_start3A_130, %dma_start3A_131] : memref<2x128x128xf32, #tpu.memory_space<vmem>> -> memref<1x128x128xf32, #tpu.memory_space<vmem>>
      %dma_start3A_133 = tpu.memref_squeeze %dma_start3A_132 : memref<1x128x128xf32, #tpu.memory_space<vmem>> -> memref<128x128xf32, #tpu.memory_space<vmem>>
      tpu.enqueue_dma source(%dma_start3A_133 : memref<128x128xf32, #tpu.memory_space<vmem>>) target(%dma_start3A_129 : memref<128x128xf32, #tpu.memory_space<vmem_shared>>) target_semaphore(%run_scoped3A_121 : memref<!tpu.dma_semaphore, #tpu.memory_space<semaphore_mem>>)
      %dma_wait3A = arith.constant 0 : i32
      %dma_wait3A_134 = arith.constant 0 : i32
      %dma_wait3A_135 = tpu.memref_slice %arg8[%run_scoped3A_47, %dma_wait3A, %dma_wait3A_134] : memref<2x128x128xf32, #tpu.memory_space<vmem>> -> memref<1x128x128xf32, #tpu.memory_space<vmem>>
      %dma_wait3A_136 = tpu.memref_squeeze %dma_wait3A_135 : memref<1x128x128xf32, #tpu.memory_space<vmem>> -> memref<128x128xf32, #tpu.memory_space<vmem>>
      %dma_wait3A_137 = arith.constant 0 : i32
      %dma_wait3A_138 = tpu.memref_slice %arg12[%add3A_46, %dma_wait3A_137] : memref<10112x128xf32, #tpu.memory_space<vmem_shared>> -> memref<128x128xf32, #tpu.memory_space<vmem_shared>>
      %dma_wait3A_139 = arith.constant 0 : i32
      %dma_wait3A_140 = tpu.memref_slice %arg12[%add3A_46, %dma_wait3A_139] : memref<10112x128xf32, #tpu.memory_space<vmem_shared>> -> memref<128x128xf32, #tpu.memory_space<vmem_shared>>
      %dma_wait3A_141 = arith.constant 0 : i32
      %dma_wait3A_142 = arith.constant 0 : i32
      %dma_wait3A_143 = tpu.memref_slice %arg8[%run_scoped3A_47, %dma_wait3A_141, %dma_wait3A_142] : memref<2x128x128xf32, #tpu.memory_space<vmem>> -> memref<1x128x128xf32, #tpu.memory_space<vmem>>
      %dma_wait3A_144 = tpu.memref_squeeze %dma_wait3A_143 : memref<1x128x128xf32, #tpu.memory_space<vmem>> -> memref<128x128xf32, #tpu.memory_space<vmem>>
      tpu.wait_dma2 semaphore(%run_scoped3A_121 : memref<!tpu.dma_semaphore, #tpu.memory_space<semaphore_mem>>) src(%dma_wait3A_144 : memref<128x128xf32, #tpu.memory_space<vmem>>) dst(%dma_wait3A_140 : memref<128x128xf32, #tpu.memory_space<vmem_shared>>)
      tpu.yield
    }) : () -> ()
    %add3A_48 = arith.constant 256 : i32
    %add3A_49 = arith.addi %mul3A_41, %add3A_48 : i32
    %run_scoped3A_50 = arith.constant 0 : i32
    "tpu.region"() ({
      %run_scoped3A_121 = tpu.sem_alloc : memref<!tpu.dma_semaphore, #tpu.memory_space<semaphore_mem>>
      %dma_start3A_122 = arith.constant 0 : i32
      %dma_start3A_123 = arith.constant 0 : i32
      %dma_start3A_124 = tpu.memref_slice %arg8[%run_scoped3A_50, %dma_start3A_122, %dma_start3A_123] : memref<2x128x128xf32, #tpu.memory_space<vmem>> -> memref<1x128x128xf32, #tpu.memory_space<vmem>>
      %dma_start3A_125 = tpu.memref_squeeze %dma_start3A_124 : memref<1x128x128xf32, #tpu.memory_space<vmem>> -> memref<128x128xf32, #tpu.memory_space<vmem>>
      %dma_start3A_126 = arith.constant 0 : i32
      %dma_start3A_127 = tpu.memref_slice %arg12[%add3A_49, %dma_start3A_126] : memref<10112x128xf32, #tpu.memory_space<vmem_shared>> -> memref<128x128xf32, #tpu.memory_space<vmem_shared>>
      %dma_start3A_128 = arith.constant 0 : i32
      %dma_start3A_129 = tpu.memref_slice %arg12[%add3A_49, %dma_start3A_128] : memref<10112x128xf32, #tpu.memory_space<vmem_shared>> -> memref<128x128xf32, #tpu.memory_space<vmem_shared>>
      %dma_start3A_130 = arith.constant 0 : i32
      %dma_start3A_131 = arith.constant 0 : i32
      %dma_start3A_132 = tpu.memref_slice %arg8[%run_scoped3A_50, %dma_start3A_130, %dma_start3A_131] : memref<2x128x128xf32, #tpu.memory_space<vmem>> -> memref<1x128x128xf32, #tpu.memory_space<vmem>>
      %dma_start3A_133 = tpu.memref_squeeze %dma_start3A_132 : memref<1x128x128xf32, #tpu.memory_space<vmem>> -> memref<128x128xf32, #tpu.memory_space<vmem>>
      tpu.enqueue_dma source(%dma_start3A_133 : memref<128x128xf32, #tpu.memory_space<vmem>>) target(%dma_start3A_129 : memref<128x128xf32, #tpu.memory_space<vmem_shared>>) target_semaphore(%run_scoped3A_121 : memref<!tpu.dma_semaphore, #tpu.memory_space<semaphore_mem>>)
      %dma_wait3A = arith.constant 0 : i32
      %dma_wait3A_134 = arith.constant 0 : i32
      %dma_wait3A_135 = tpu.memref_slice %arg8[%run_scoped3A_50, %dma_wait3A, %dma_wait3A_134] : memref<2x128x128xf32, #tpu.memory_space<vmem>> -> memref<1x128x128xf32, #tpu.memory_space<vmem>>
      %dma_wait3A_136 = tpu.memref_squeeze %dma_wait3A_135 : memref<1x128x128xf32, #tpu.memory_space<vmem>> -> memref<128x128xf32, #tpu.memory_space<vmem>>
      %dma_wait3A_137 = arith.constant 0 : i32
      %dma_wait3A_138 = tpu.memref_slice %arg12[%add3A_49, %dma_wait3A_137] : memref<10112x128xf32, #tpu.memory_space<vmem_shared>> -> memref<128x128xf32, #tpu.memory_space<vmem_shared>>
      %dma_wait3A_139 = arith.constant 0 : i32
      %dma_wait3A_140 = tpu.memref_slice %arg12[%add3A_49, %dma_wait3A_139] : memref<10112x128xf32, #tpu.memory_space<vmem_shared>> -> memref<128x128xf32, #tpu.memory_space<vmem_shared>>
      %dma_wait3A_141 = arith.constant 0 : i32
      %dma_wait3A_142 = arith.constant 0 : i32
      %dma_wait3A_143 = tpu.memref_slice %arg8[%run_scoped3A_50, %dma_wait3A_141, %dma_wait3A_142] : memref<2x128x128xf32, #tpu.memory_space<vmem>> -> memref<1x128x128xf32, #tpu.memory_space<vmem>>
      %dma_wait3A_144 = tpu.memref_squeeze %dma_wait3A_143 : memref<1x128x128xf32, #tpu.memory_space<vmem>> -> memref<128x128xf32, #tpu.memory_space<vmem>>
      tpu.wait_dma2 semaphore(%run_scoped3A_121 : memref<!tpu.dma_semaphore, #tpu.memory_space<semaphore_mem>>) src(%dma_wait3A_144 : memref<128x128xf32, #tpu.memory_space<vmem>>) dst(%dma_wait3A_140 : memref<128x128xf32, #tpu.memory_space<vmem_shared>>)
      tpu.yield
    }) : () -> ()
    %add3A_51 = arith.constant 384 : i32
    %add3A_52 = arith.addi %mul3A_41, %add3A_51 : i32
    %run_scoped3A_53 = arith.constant 0 : i32
    "tpu.region"() ({
      %run_scoped3A_121 = tpu.sem_alloc : memref<!tpu.dma_semaphore, #tpu.memory_space<semaphore_mem>>
      %dma_start3A_122 = arith.constant 0 : i32
      %dma_start3A_123 = arith.constant 0 : i32
      %dma_start3A_124 = tpu.memref_slice %arg8[%run_scoped3A_53, %dma_start3A_122, %dma_start3A_123] : memref<2x128x128xf32, #tpu.memory_space<vmem>> -> memref<1x128x128xf32, #tpu.memory_space<vmem>>
      %dma_start3A_125 = tpu.memref_squeeze %dma_start3A_124 : memref<1x128x128xf32, #tpu.memory_space<vmem>> -> memref<128x128xf32, #tpu.memory_space<vmem>>
      %dma_start3A_126 = arith.constant 0 : i32
      %dma_start3A_127 = tpu.memref_slice %arg12[%add3A_52, %dma_start3A_126] : memref<10112x128xf32, #tpu.memory_space<vmem_shared>> -> memref<128x128xf32, #tpu.memory_space<vmem_shared>>
      %dma_start3A_128 = arith.constant 0 : i32
      %dma_start3A_129 = tpu.memref_slice %arg12[%add3A_52, %dma_start3A_128] : memref<10112x128xf32, #tpu.memory_space<vmem_shared>> -> memref<128x128xf32, #tpu.memory_space<vmem_shared>>
      %dma_start3A_130 = arith.constant 0 : i32
      %dma_start3A_131 = arith.constant 0 : i32
      %dma_start3A_132 = tpu.memref_slice %arg8[%run_scoped3A_53, %dma_start3A_130, %dma_start3A_131] : memref<2x128x128xf32, #tpu.memory_space<vmem>> -> memref<1x128x128xf32, #tpu.memory_space<vmem>>
      %dma_start3A_133 = tpu.memref_squeeze %dma_start3A_132 : memref<1x128x128xf32, #tpu.memory_space<vmem>> -> memref<128x128xf32, #tpu.memory_space<vmem>>
      tpu.enqueue_dma source(%dma_start3A_133 : memref<128x128xf32, #tpu.memory_space<vmem>>) target(%dma_start3A_129 : memref<128x128xf32, #tpu.memory_space<vmem_shared>>) target_semaphore(%run_scoped3A_121 : memref<!tpu.dma_semaphore, #tpu.memory_space<semaphore_mem>>)
      %dma_wait3A = arith.constant 0 : i32
      %dma_wait3A_134 = arith.constant 0 : i32
      %dma_wait3A_135 = tpu.memref_slice %arg8[%run_scoped3A_53, %dma_wait3A, %dma_wait3A_134] : memref<2x128x128xf32, #tpu.memory_space<vmem>> -> memref<1x128x128xf32, #tpu.memory_space<vmem>>
      %dma_wait3A_136 = tpu.memref_squeeze %dma_wait3A_135 : memref<1x128x128xf32, #tpu.memory_space<vmem>> -> memref<128x128xf32, #tpu.memory_space<vmem>>
      %dma_wait3A_137 = arith.constant 0 : i32
      %dma_wait3A_138 = tpu.memref_slice %arg12[%add3A_52, %dma_wait3A_137] : memref<10112x128xf32, #tpu.memory_space<vmem_shared>> -> memref<128x128xf32, #tpu.memory_space<vmem_shared>>
      %dma_wait3A_139 = arith.constant 0 : i32
      %dma_wait3A_140 = tpu.memref_slice %arg12[%add3A_52, %dma_wait3A_139] : memref<10112x128xf32, #tpu.memory_space<vmem_shared>> -> memref<128x128xf32, #tpu.memory_space<vmem_shared>>
      %dma_wait3A_141 = arith.constant 0 : i32
      %dma_wait3A_142 = arith.constant 0 : i32
      %dma_wait3A_143 = tpu.memref_slice %arg8[%run_scoped3A_53, %dma_wait3A_141, %dma_wait3A_142] : memref<2x128x128xf32, #tpu.memory_space<vmem>> -> memref<1x128x128xf32, #tpu.memory_space<vmem>>
      %dma_wait3A_144 = tpu.memref_squeeze %dma_wait3A_143 : memref<1x128x128xf32, #tpu.memory_space<vmem>> -> memref<128x128xf32, #tpu.memory_space<vmem>>
      tpu.wait_dma2 semaphore(%run_scoped3A_121 : memref<!tpu.dma_semaphore, #tpu.memory_space<semaphore_mem>>) src(%dma_wait3A_144 : memref<128x128xf32, #tpu.memory_space<vmem>>) dst(%dma_wait3A_140 : memref<128x128xf32, #tpu.memory_space<vmem_shared>>)
      tpu.yield
    }) : () -> ()
    %add3A_54 = arith.constant 512 : i32
    %add3A_55 = arith.addi %mul3A_41, %add3A_54 : i32
    %run_scoped3A_56 = arith.constant 0 : i32
    "tpu.region"() ({
      %run_scoped3A_121 = tpu.sem_alloc : memref<!tpu.dma_semaphore, #tpu.memory_space<semaphore_mem>>
      %dma_start3A_122 = arith.constant 0 : i32
      %dma_start3A_123 = arith.constant 0 : i32
      %dma_start3A_124 = tpu.memref_slice %arg8[%run_scoped3A_56, %dma_start3A_122, %dma_start3A_123] : memref<2x128x128xf32, #tpu.memory_space<vmem>> -> memref<1x120x128xf32, #tpu.memory_space<vmem>>
      %dma_start3A_125 = tpu.memref_squeeze %dma_start3A_124 : memref<1x120x128xf32, #tpu.memory_space<vmem>> -> memref<120x128xf32, #tpu.memory_space<vmem>>
      %dma_start3A_126 = arith.constant 0 : i32
      %dma_start3A_127 = tpu.memref_slice %arg12[%add3A_55, %dma_start3A_126] : memref<10112x128xf32, #tpu.memory_space<vmem_shared>> -> memref<120x128xf32, #tpu.memory_space<vmem_shared>>
      %dma_start3A_128 = arith.constant 0 : i32
      %dma_start3A_129 = tpu.memref_slice %arg12[%add3A_55, %dma_start3A_128] : memref<10112x128xf32, #tpu.memory_space<vmem_shared>> -> memref<120x128xf32, #tpu.memory_space<vmem_shared>>
      %dma_start3A_130 = arith.constant 0 : i32
      %dma_start3A_131 = arith.constant 0 : i32
      %dma_start3A_132 = tpu.memref_slice %arg8[%run_scoped3A_56, %dma_start3A_130, %dma_start3A_131] : memref<2x128x128xf32, #tpu.memory_space<vmem>> -> memref<1x120x128xf32, #tpu.memory_space<vmem>>
      %dma_start3A_133 = tpu.memref_squeeze %dma_start3A_132 : memref<1x120x128xf32, #tpu.memory_space<vmem>> -> memref<120x128xf32, #tpu.memory_space<vmem>>
      tpu.enqueue_dma source(%dma_start3A_133 : memref<120x128xf32, #tpu.memory_space<vmem>>) target(%dma_start3A_129 : memref<120x128xf32, #tpu.memory_space<vmem_shared>>) target_semaphore(%run_scoped3A_121 : memref<!tpu.dma_semaphore, #tpu.memory_space<semaphore_mem>>)
      %dma_wait3A = arith.constant 0 : i32
      %dma_wait3A_134 = arith.constant 0 : i32
      %dma_wait3A_135 = tpu.memref_slice %arg8[%run_scoped3A_56, %dma_wait3A, %dma_wait3A_134] : memref<2x128x128xf32, #tpu.memory_space<vmem>> -> memref<1x120x128xf32, #tpu.memory_space<vmem>>
      %dma_wait3A_136 = tpu.memref_squeeze %dma_wait3A_135 : memref<1x120x128xf32, #tpu.memory_space<vmem>> -> memref<120x128xf32, #tpu.memory_space<vmem>>
      %dma_wait3A_137 = arith.constant 0 : i32
      %dma_wait3A_138 = tpu.memref_slice %arg12[%add3A_55, %dma_wait3A_137] : memref<10112x128xf32, #tpu.memory_space<vmem_shared>> -> memref<120x128xf32, #tpu.memory_space<vmem_shared>>
      %dma_wait3A_139 = arith.constant 0 : i32
      %dma_wait3A_140 = tpu.memref_slice %arg12[%add3A_55, %dma_wait3A_139] : memref<10112x128xf32, #tpu.memory_space<vmem_shared>> -> memref<120x128xf32, #tpu.memory_space<vmem_shared>>
      %dma_wait3A_141 = arith.constant 0 : i32
      %dma_wait3A_142 = arith.constant 0 : i32
      %dma_wait3A_143 = tpu.memref_slice %arg8[%run_scoped3A_56, %dma_wait3A_141, %dma_wait3A_142] : memref<2x128x128xf32, #tpu.memory_space<vmem>> -> memref<1x120x128xf32, #tpu.memory_space<vmem>>
      %dma_wait3A_144 = tpu.memref_squeeze %dma_wait3A_143 : memref<1x120x128xf32, #tpu.memory_space<vmem>> -> memref<120x128xf32, #tpu.memory_space<vmem>>
      tpu.wait_dma2 semaphore(%run_scoped3A_121 : memref<!tpu.dma_semaphore, #tpu.memory_space<semaphore_mem>>) src(%dma_wait3A_144 : memref<120x128xf32, #tpu.memory_space<vmem>>) dst(%dma_wait3A_140 : memref<120x128xf32, #tpu.memory_space<vmem_shared>>)
      tpu.yield
    }) : () -> ()
    %barrier3A = arith.constant 0 : index
    tpu.barrier barrier_id(%barrier3A)
    %dma_start3A_57 = arith.constant 0 : i32
    %dma_start3A_58 = arith.constant 0 : i32
    %dma_start3A_59 = arith.constant 0 : i32
    %dma_start3A_60 = arith.constant 0 : i32
    %dma_start3A_61 = arith.constant 0 : i32
    %dma_start3A_62 = tpu.memref_slice %arg8[%dma_start3A_59, %dma_start3A_60, %dma_start3A_61] : memref<2x128x128xf32, #tpu.memory_space<vmem>> -> memref<1x128x128xf32, #tpu.memory_space<vmem>>
    %dma_start3A_63 = tpu.memref_squeeze %dma_start3A_62 : memref<1x128x128xf32, #tpu.memory_space<vmem>> -> memref<128x128xf32, #tpu.memory_space<vmem>>
    %dma_start3A_64 = arith.constant 0 : i32
    %dma_start3A_65 = tpu.memref_slice %arg6[%dma_start3A_57, %dma_start3A_58, %dma_start3A_64] : memref<2x8x128xi32, #tpu.memory_space<vmem>> -> memref<1x1x128xi32, #tpu.memory_space<vmem>>
    %dma_start3A_66 = tpu.memref_squeeze %dma_start3A_65 : memref<1x1x128xi32, #tpu.memory_space<vmem>> -> memref<128xi32, #tpu.memory_space<vmem>>
    %dma_start3A_67 = arith.constant 0 : i32
    %dma_start3A_68 = arith.constant 0 : i32
    %dma_start3A_69 = tpu.memref_slice %arg2[%dma_start3A_67, %dma_start3A_68] : memref<10000x128xf32, #tpu.memory_space<hbm>> -> memref<10000x128xf32, #tpu.memory_space<hbm>>
    tpu.enqueue_indirect_dma source(%dma_start3A_69 : memref<10000x128xf32, #tpu.memory_space<hbm>>) target(%dma_start3A_63 : memref<128x128xf32, #tpu.memory_space<vmem>>) offsets(%dma_start3A_66 : memref<128xi32, #tpu.memory_space<vmem>>) semaphore(%arg9 : memref<!tpu.dma_semaphore, #tpu.memory_space<semaphore_mem>>)
    %dma_start3A_70 = arith.constant 0 : i32
    %dma_start3A_71 = arith.constant 1 : i32
    %dma_start3A_72 = arith.constant 1 : i32
    %dma_start3A_73 = arith.constant 0 : i32
    %dma_start3A_74 = arith.constant 0 : i32
    %dma_start3A_75 = tpu.memref_slice %arg8[%dma_start3A_72, %dma_start3A_73, %dma_start3A_74] : memref<2x128x128xf32, #tpu.memory_space<vmem>> -> memref<1x128x128xf32, #tpu.memory_space<vmem>>
    %dma_start3A_76 = tpu.memref_squeeze %dma_start3A_75 : memref<1x128x128xf32, #tpu.memory_space<vmem>> -> memref<128x128xf32, #tpu.memory_space<vmem>>
    %dma_start3A_77 = arith.constant 0 : i32
    %dma_start3A_78 = tpu.memref_slice %arg6[%dma_start3A_70, %dma_start3A_71, %dma_start3A_77] : memref<2x8x128xi32, #tpu.memory_space<vmem>> -> memref<1x1x128xi32, #tpu.memory_space<vmem>>
    %dma_start3A_79 = tpu.memref_squeeze %dma_start3A_78 : memref<1x1x128xi32, #tpu.memory_space<vmem>> -> memref<128xi32, #tpu.memory_space<vmem>>
    %dma_start3A_80 = arith.constant 0 : i32
    %dma_start3A_81 = arith.constant 0 : i32
    %dma_start3A_82 = tpu.memref_slice %arg2[%dma_start3A_80, %dma_start3A_81] : memref<10000x128xf32, #tpu.memory_space<hbm>> -> memref<10000x128xf32, #tpu.memory_space<hbm>>
    tpu.enqueue_indirect_dma source(%dma_start3A_82 : memref<10000x128xf32, #tpu.memory_space<hbm>>) target(%dma_start3A_76 : memref<128x128xf32, #tpu.memory_space<vmem>>) offsets(%dma_start3A_79 : memref<128xi32, #tpu.memory_space<vmem>>) semaphore(%arg9 : memref<!tpu.dma_semaphore, #tpu.memory_space<semaphore_mem>>)
    %scan3A_83 = arith.constant 0 : i32
    %scan3A_84 = arith.constant 0 : i32
    %scan3A_85 = arith.constant 10 : i32
    %scan3A_86 = arith.addi %scan3A_84, %scan3A_85 : i32
    %scan3A_87 = arith.constant 1 : i32
    %scan3A_88 = scf.for %scan3A_121 = %scan3A_84 to %scan3A_86 step %scan3A_87 iter_args(%scan3A_122 = %scan3A_83) -> (i32)  : i32 {
      %jit3A = arith.constant 2 : i32
      %eq3A = arith.constant 0 : i32
      %eq3A_123 = arith.cmpi eq, %jit3A, %eq3A : i32
      %jit3A_124 = arith.constant 1 : i32
      %select_n3A = arith.select %eq3A_123, %jit3A_124, %jit3A : i32
      %rem3A = arith.remsi %scan3A_121, %select_n3A : i32
      %ne3A = arith.constant 0 : i32
      %ne3A_125 = arith.cmpi ne, %rem3A, %ne3A : i32
      %lt3A = arith.constant 0 : i32
      %lt3A_126 = arith.cmpi slt, %rem3A, %lt3A : i32
      %lt3A_127 = arith.constant 0 : i32
      %lt3A_128 = arith.cmpi slt, %select_n3A, %lt3A_127 : i32
      %ne3A_129 = arith.xori %lt3A_126, %lt3A_128 : i1
      %and3A = arith.andi %ne3A_129, %ne3A_125 : i1
      %add3A_130 = arith.addi %rem3A, %select_n3A : i32
      %select_n3A_131 = arith.select %and3A, %add3A_130, %rem3A : i32
      %sub3A = arith.constant 1 : i32
      %sub3A_132 = arith.subi %sub3A, %select_n3A_131 : i32
      %dma_wait3A = arith.constant 0 : i32
      %dma_wait3A_133 = arith.constant 0 : i32
      %dma_wait3A_134 = arith.constant 0 : i32
      %dma_wait3A_135 = arith.constant 0 : i32
      %dma_wait3A_136 = tpu.memref_slice %arg8[%dma_wait3A_133, %dma_wait3A_134, %dma_wait3A_135] : memref<2x128x128xf32, #tpu.memory_space<vmem>> -> memref<1x128x128xf32, #tpu.memory_space<vmem>>
      %dma_wait3A_137 = tpu.memref_squeeze %dma_wait3A_136 : memref<1x128x128xf32, #tpu.memory_space<vmem>> -> memref<128x128xf32, #tpu.memory_space<vmem>>
      %dma_wait3A_138 = arith.constant 0 : i32
      %dma_wait3A_139 = tpu.memref_slice %arg6[%select_n3A_131, %dma_wait3A, %dma_wait3A_138] : memref<2x8x128xi32, #tpu.memory_space<vmem>> -> memref<1x1x128xi32, #tpu.memory_space<vmem>>
      %dma_wait3A_140 = tpu.memref_squeeze %dma_wait3A_139 : memref<1x1x128xi32, #tpu.memory_space<vmem>> -> memref<128xi32, #tpu.memory_space<vmem>>
      %dma_wait3A_141 = arith.constant 0 : i32
      %dma_wait3A_142 = arith.constant 0 : i32
      %dma_wait3A_143 = tpu.memref_slice %arg2[%dma_wait3A_141, %dma_wait3A_142] : memref<10000x128xf32, #tpu.memory_space<hbm>> -> memref<10000x128xf32, #tpu.memory_space<hbm>>
      tpu.wait_indirect_dma semaphore(%arg9 : memref<!tpu.dma_semaphore, #tpu.memory_space<semaphore_mem>>) src(%dma_wait3A_143 : memref<10000x128xf32, #tpu.memory_space<hbm>>) dst(%dma_wait3A_137 : memref<128x128xf32, #tpu.memory_space<vmem>>)
      %dma_start3A_144 = arith.constant 0 : i32
      %dma_start3A_145 = arith.constant 0 : i32
      %dma_start3A_146 = arith.constant 0 : i32
      %dma_start3A_147 = arith.constant 0 : i32
      %dma_start3A_148 = tpu.memref_slice %arg8[%dma_start3A_144, %dma_start3A_146, %dma_start3A_147] : memref<2x128x128xf32, #tpu.memory_space<vmem>> -> memref<1x128x128xf32, #tpu.memory_space<vmem>>
      %dma_start3A_149 = tpu.memref_squeeze %dma_start3A_148 : memref<1x128x128xf32, #tpu.memory_space<vmem>> -> memref<128x128xf32, #tpu.memory_space<vmem>>
      %dma_start3A_150 = arith.constant 0 : i32
      %dma_start3A_151 = tpu.memref_slice %arg7[%select_n3A_131, %dma_start3A_145, %dma_start3A_150] : memref<2x8x128xi32, #tpu.memory_space<vmem>> -> memref<1x1x128xi32, #tpu.memory_space<vmem>>
      %dma_start3A_152 = tpu.memref_squeeze %dma_start3A_151 : memref<1x1x128xi32, #tpu.memory_space<vmem>> -> memref<128xi32, #tpu.memory_space<vmem>>
      %dma_start3A_153 = arith.constant 0 : i32
      %dma_start3A_154 = arith.constant 0 : i32
      %dma_start3A_155 = tpu.memref_slice %arg12[%dma_start3A_153, %dma_start3A_154] : memref<10112x128xf32, #tpu.memory_space<vmem_shared>> -> memref<10112x128xf32, #tpu.memory_space<vmem_shared>>
      tpu.enqueue_indirect_dma source(%dma_start3A_149 : memref<128x128xf32, #tpu.memory_space<vmem>>) target(%dma_start3A_155 : memref<10112x128xf32, #tpu.memory_space<vmem_shared>>) offsets(%dma_start3A_152 : memref<128xi32, #tpu.memory_space<vmem>>) semaphore(%arg10 : memref<!tpu.dma_semaphore, #tpu.memory_space<semaphore_mem>>) {add = true}
      %dma_wait3A_156 = arith.constant 0 : i32
      %dma_wait3A_157 = arith.constant 0 : i32
      %dma_wait3A_158 = arith.constant 0 : i32
      %dma_wait3A_159 = arith.constant 0 : i32
      %dma_wait3A_160 = tpu.memref_slice %arg8[%dma_wait3A_156, %dma_wait3A_158, %dma_wait3A_159] : memref<2x128x128xf32, #tpu.memory_space<vmem>> -> memref<1x128x128xf32, #tpu.memory_space<vmem>>
      %dma_wait3A_161 = tpu.memref_squeeze %dma_wait3A_160 : memref<1x128x128xf32, #tpu.memory_space<vmem>> -> memref<128x128xf32, #tpu.memory_space<vmem>>
      %dma_wait3A_162 = arith.constant 0 : i32
      %dma_wait3A_163 = tpu.memref_slice %arg7[%select_n3A_131, %dma_wait3A_157, %dma_wait3A_162] : memref<2x8x128xi32, #tpu.memory_space<vmem>> -> memref<1x1x128xi32, #tpu.memory_space<vmem>>
      %dma_wait3A_164 = tpu.memref_squeeze %dma_wait3A_163 : memref<1x1x128xi32, #tpu.memory_space<vmem>> -> memref<128xi32, #tpu.memory_space<vmem>>
      %dma_wait3A_165 = arith.constant 0 : i32
      %dma_wait3A_166 = arith.constant 0 : i32
      %dma_wait3A_167 = tpu.memref_slice %arg12[%dma_wait3A_165, %dma_wait3A_166] : memref<10112x128xf32, #tpu.memory_space<vmem_shared>> -> memref<10112x128xf32, #tpu.memory_space<vmem_shared>>
      tpu.wait_indirect_dma semaphore(%arg10 : memref<!tpu.dma_semaphore, #tpu.memory_space<semaphore_mem>>) src(%dma_wait3A_161 : memref<128x128xf32, #tpu.memory_space<vmem>>) dst(%dma_wait3A_167 : memref<10112x128xf32, #tpu.memory_space<vmem_shared>>)
      %dma_start3A_168 = arith.constant 2 : i32
      %dma_start3A_169 = arith.constant 0 : i32
      %dma_start3A_170 = arith.constant 0 : i32
      %dma_start3A_171 = arith.constant 0 : i32
      %dma_start3A_172 = tpu.memref_slice %arg8[%dma_start3A_169, %dma_start3A_170, %dma_start3A_171] : memref<2x128x128xf32, #tpu.memory_space<vmem>> -> memref<1x128x128xf32, #tpu.memory_space<vmem>>
      %dma_start3A_173 = tpu.memref_squeeze %dma_start3A_172 : memref<1x128x128xf32, #tpu.memory_space<vmem>> -> memref<128x128xf32, #tpu.memory_space<vmem>>
      %dma_start3A_174 = arith.constant 0 : i32
      %dma_start3A_175 = tpu.memref_slice %arg6[%select_n3A_131, %dma_start3A_168, %dma_start3A_174] : memref<2x8x128xi32, #tpu.memory_space<vmem>> -> memref<1x1x128xi32, #tpu.memory_space<vmem>>
      %dma_start3A_176 = tpu.memref_squeeze %dma_start3A_175 : memref<1x1x128xi32, #tpu.memory_space<vmem>> -> memref<128xi32, #tpu.memory_space<vmem>>
      %dma_start3A_177 = arith.constant 0 : i32
      %dma_start3A_178 = arith.constant 0 : i32
      %dma_start3A_179 = tpu.memref_slice %arg2[%dma_start3A_177, %dma_start3A_178] : memref<10000x128xf32, #tpu.memory_space<hbm>> -> memref<10000x128xf32, #tpu.memory_space<hbm>>
      tpu.enqueue_indirect_dma source(%dma_start3A_179 : memref<10000x128xf32, #tpu.memory_space<hbm>>) target(%dma_start3A_173 : memref<128x128xf32, #tpu.memory_space<vmem>>) offsets(%dma_start3A_176 : memref<128xi32, #tpu.memory_space<vmem>>) semaphore(%arg9 : memref<!tpu.dma_semaphore, #tpu.memory_space<semaphore_mem>>)
      %dma_wait3A_180 = arith.constant 1 : i32
      %dma_wait3A_181 = arith.constant 1 : i32
      %dma_wait3A_182 = arith.constant 0 : i32
      %dma_wait3A_183 = arith.constant 0 : i32
      %dma_wait3A_184 = tpu.memref_slice %arg8[%dma_wait3A_181, %dma_wait3A_182, %dma_wait3A_183] : memref<2x128x128xf32, #tpu.memory_space<vmem>> -> memref<1x128x128xf32, #tpu.memory_space<vmem>>
      %dma_wait3A_185 = tpu.memref_squeeze %dma_wait3A_184 : memref<1x128x128xf32, #tpu.memory_space<vmem>> -> memref<128x128xf32, #tpu.memory_space<vmem>>
      %dma_wait3A_186 = arith.constant 0 : i32
      %dma_wait3A_187 = tpu.memref_slice %arg6[%select_n3A_131, %dma_wait3A_180, %dma_wait3A_186] : memref<2x8x128xi32, #tpu.memory_space<vmem>> -> memref<1x1x128xi32, #tpu.memory_space<vmem>>
      %dma_wait3A_188 = tpu.memref_squeeze %dma_wait3A_187 : memref<1x1x128xi32, #tpu.memory_space<vmem>> -> memref<128xi32, #tpu.memory_space<vmem>>
      %dma_wait3A_189 = arith.constant 0 : i32
      %dma_wait3A_190 = arith.constant 0 : i32
      %dma_wait3A_191 = tpu.memref_slice %arg2[%dma_wait3A_189, %dma_wait3A_190] : memref<10000x128xf32, #tpu.memory_space<hbm>> -> memref<10000x128xf32, #tpu.memory_space<hbm>>
      tpu.wait_indirect_dma semaphore(%arg9 : memref<!tpu.dma_semaphore, #tpu.memory_space<semaphore_mem>>) src(%dma_wait3A_191 : memref<10000x128xf32, #tpu.memory_space<hbm>>) dst(%dma_wait3A_185 : memref<128x128xf32, #tpu.memory_space<vmem>>)
      %dma_start3A_192 = arith.constant 1 : i32
      %dma_start3A_193 = arith.constant 1 : i32
      %dma_start3A_194 = arith.constant 0 : i32
      %dma_start3A_195 = arith.constant 0 : i32
      %dma_start3A_196 = tpu.memref_slice %arg8[%dma_start3A_192, %dma_start3A_194, %dma_start3A_195] : memref<2x128x128xf32, #tpu.memory_space<vmem>> -> memref<1x128x128xf32, #tpu.memory_space<vmem>>
      %dma_start3A_197 = tpu.memref_squeeze %dma_start3A_196 : memref<1x128x128xf32, #tpu.memory_space<vmem>> -> memref<128x128xf32, #tpu.memory_space<vmem>>
      %dma_start3A_198 = arith.constant 0 : i32
      %dma_start3A_199 = tpu.memref_slice %arg7[%select_n3A_131, %dma_start3A_193, %dma_start3A_198] : memref<2x8x128xi32, #tpu.memory_space<vmem>> -> memref<1x1x128xi32, #tpu.memory_space<vmem>>
      %dma_start3A_200 = tpu.memref_squeeze %dma_start3A_199 : memref<1x1x128xi32, #tpu.memory_space<vmem>> -> memref<128xi32, #tpu.memory_space<vmem>>
      %dma_start3A_201 = arith.constant 0 : i32
      %dma_start3A_202 = arith.constant 0 : i32
      %dma_start3A_203 = tpu.memref_slice %arg12[%dma_start3A_201, %dma_start3A_202] : memref<10112x128xf32, #tpu.memory_space<vmem_shared>> -> memref<10112x128xf32, #tpu.memory_space<vmem_shared>>
      tpu.enqueue_indirect_dma source(%dma_start3A_197 : memref<128x128xf32, #tpu.memory_space<vmem>>) target(%dma_start3A_203 : memref<10112x128xf32, #tpu.memory_space<vmem_shared>>) offsets(%dma_start3A_200 : memref<128xi32, #tpu.memory_space<vmem>>) semaphore(%arg10 : memref<!tpu.dma_semaphore, #tpu.memory_space<semaphore_mem>>) {add = true}
      %dma_wait3A_204 = arith.constant 1 : i32
      %dma_wait3A_205 = arith.constant 1 : i32
      %dma_wait3A_206 = arith.constant 0 : i32
      %dma_wait3A_207 = arith.constant 0 : i32
      %dma_wait3A_208 = tpu.memref_slice %arg8[%dma_wait3A_204, %dma_wait3A_206, %dma_wait3A_207] : memref<2x128x128xf32, #tpu.memory_space<vmem>> -> memref<1x128x128xf32, #tpu.memory_space<vmem>>
      %dma_wait3A_209 = tpu.memref_squeeze %dma_wait3A_208 : memref<1x128x128xf32, #tpu.memory_space<vmem>> -> memref<128x128xf32, #tpu.memory_space<vmem>>
      %dma_wait3A_210 = arith.constant 0 : i32
      %dma_wait3A_211 = tpu.memref_slice %arg7[%select_n3A_131, %dma_wait3A_205, %dma_wait3A_210] : memref<2x8x128xi32, #tpu.memory_space<vmem>> -> memref<1x1x128xi32, #tpu.memory_space<vmem>>
      %dma_wait3A_212 = tpu.memref_squeeze %dma_wait3A_211 : memref<1x1x128xi32, #tpu.memory_space<vmem>> -> memref<128xi32, #tpu.memory_space<vmem>>
      %dma_wait3A_213 = arith.constant 0 : i32
      %dma_wait3A_214 = arith.constant 0 : i32
      %dma_wait3A_215 = tpu.memref_slice %arg12[%dma_wait3A_213, %dma_wait3A_214] : memref<10112x128xf32, #tpu.memory_space<vmem_shared>> -> memref<10112x128xf32, #tpu.memory_space<vmem_shared>>
      tpu.wait_indirect_dma semaphore(%arg10 : memref<!tpu.dma_semaphore, #tpu.memory_space<semaphore_mem>>) src(%dma_wait3A_209 : memref<128x128xf32, #tpu.memory_space<vmem>>) dst(%dma_wait3A_215 : memref<10112x128xf32, #tpu.memory_space<vmem_shared>>)
      %dma_start3A_216 = arith.constant 3 : i32
      %dma_start3A_217 = arith.constant 1 : i32
      %dma_start3A_218 = arith.constant 0 : i32
      %dma_start3A_219 = arith.constant 0 : i32
      %dma_start3A_220 = tpu.memref_slice %arg8[%dma_start3A_217, %dma_start3A_218, %dma_start3A_219] : memref<2x128x128xf32, #tpu.memory_space<vmem>> -> memref<1x128x128xf32, #tpu.memory_space<vmem>>
      %dma_start3A_221 = tpu.memref_squeeze %dma_start3A_220 : memref<1x128x128xf32, #tpu.memory_space<vmem>> -> memref<128x128xf32, #tpu.memory_space<vmem>>
      %dma_start3A_222 = arith.constant 0 : i32
      %dma_start3A_223 = tpu.memref_slice %arg6[%select_n3A_131, %dma_start3A_216, %dma_start3A_222] : memref<2x8x128xi32, #tpu.memory_space<vmem>> -> memref<1x1x128xi32, #tpu.memory_space<vmem>>
      %dma_start3A_224 = tpu.memref_squeeze %dma_start3A_223 : memref<1x1x128xi32, #tpu.memory_space<vmem>> -> memref<128xi32, #tpu.memory_space<vmem>>
      %dma_start3A_225 = arith.constant 0 : i32
      %dma_start3A_226 = arith.constant 0 : i32
      %dma_start3A_227 = tpu.memref_slice %arg2[%dma_start3A_225, %dma_start3A_226] : memref<10000x128xf32, #tpu.memory_space<hbm>> -> memref<10000x128xf32, #tpu.memory_space<hbm>>
      tpu.enqueue_indirect_dma source(%dma_start3A_227 : memref<10000x128xf32, #tpu.memory_space<hbm>>) target(%dma_start3A_221 : memref<128x128xf32, #tpu.memory_space<vmem>>) offsets(%dma_start3A_224 : memref<128xi32, #tpu.memory_space<vmem>>) semaphore(%arg9 : memref<!tpu.dma_semaphore, #tpu.memory_space<semaphore_mem>>)
      %dma_wait3A_228 = arith.constant 2 : i32
      %dma_wait3A_229 = arith.constant 0 : i32
      %dma_wait3A_230 = arith.constant 0 : i32
      %dma_wait3A_231 = arith.constant 0 : i32
      %dma_wait3A_232 = tpu.memref_slice %arg8[%dma_wait3A_229, %dma_wait3A_230, %dma_wait3A_231] : memref<2x128x128xf32, #tpu.memory_space<vmem>> -> memref<1x128x128xf32, #tpu.memory_space<vmem>>
      %dma_wait3A_233 = tpu.memref_squeeze %dma_wait3A_232 : memref<1x128x128xf32, #tpu.memory_space<vmem>> -> memref<128x128xf32, #tpu.memory_space<vmem>>
      %dma_wait3A_234 = arith.constant 0 : i32
      %dma_wait3A_235 = tpu.memref_slice %arg6[%select_n3A_131, %dma_wait3A_228, %dma_wait3A_234] : memref<2x8x128xi32, #tpu.memory_space<vmem>> -> memref<1x1x128xi32, #tpu.memory_space<vmem>>
      %dma_wait3A_236 = tpu.memref_squeeze %dma_wait3A_235 : memref<1x1x128xi32, #tpu.memory_space<vmem>> -> memref<128xi32, #tpu.memory_space<vmem>>
      %dma_wait3A_237 = arith.constant 0 : i32
      %dma_wait3A_238 = arith.constant 0 : i32
      %dma_wait3A_239 = tpu.memref_slice %arg2[%dma_wait3A_237, %dma_wait3A_238] : memref<10000x128xf32, #tpu.memory_space<hbm>> -> memref<10000x128xf32, #tpu.memory_space<hbm>>
      tpu.wait_indirect_dma semaphore(%arg9 : memref<!tpu.dma_semaphore, #tpu.memory_space<semaphore_mem>>) src(%dma_wait3A_239 : memref<10000x128xf32, #tpu.memory_space<hbm>>) dst(%dma_wait3A_233 : memref<128x128xf32, #tpu.memory_space<vmem>>)
      %dma_start3A_240 = arith.constant 0 : i32
      %dma_start3A_241 = arith.constant 2 : i32
      %dma_start3A_242 = arith.constant 0 : i32
      %dma_start3A_243 = arith.constant 0 : i32
      %dma_start3A_244 = tpu.memref_slice %arg8[%dma_start3A_240, %dma_start3A_242, %dma_start3A_243] : memref<2x128x128xf32, #tpu.memory_space<vmem>> -> memref<1x128x128xf32, #tpu.memory_space<vmem>>
      %dma_start3A_245 = tpu.memref_squeeze %dma_start3A_244 : memref<1x128x128xf32, #tpu.memory_space<vmem>> -> memref<128x128xf32, #tpu.memory_space<vmem>>
      %dma_start3A_246 = arith.constant 0 : i32
      %dma_start3A_247 = tpu.memref_slice %arg7[%select_n3A_131, %dma_start3A_241, %dma_start3A_246] : memref<2x8x128xi32, #tpu.memory_space<vmem>> -> memref<1x1x128xi32, #tpu.memory_space<vmem>>
      %dma_start3A_248 = tpu.memref_squeeze %dma_start3A_247 : memref<1x1x128xi32, #tpu.memory_space<vmem>> -> memref<128xi32, #tpu.memory_space<vmem>>
      %dma_start3A_249 = arith.constant 0 : i32
      %dma_start3A_250 = arith.constant 0 : i32
      %dma_start3A_251 = tpu.memref_slice %arg12[%dma_start3A_249, %dma_start3A_250] : memref<10112x128xf32, #tpu.memory_space<vmem_shared>> -> memref<10112x128xf32, #tpu.memory_space<vmem_shared>>
      tpu.enqueue_indirect_dma source(%dma_start3A_245 : memref<128x128xf32, #tpu.memory_space<vmem>>) target(%dma_start3A_251 : memref<10112x128xf32, #tpu.memory_space<vmem_shared>>) offsets(%dma_start3A_248 : memref<128xi32, #tpu.memory_space<vmem>>) semaphore(%arg10 : memref<!tpu.dma_semaphore, #tpu.memory_space<semaphore_mem>>) {add = true}
      %dma_wait3A_252 = arith.constant 0 : i32
      %dma_wait3A_253 = arith.constant 2 : i32
      %dma_wait3A_254 = arith.constant 0 : i32
      %dma_wait3A_255 = arith.constant 0 : i32
      %dma_wait3A_256 = tpu.memref_slice %arg8[%dma_wait3A_252, %dma_wait3A_254, %dma_wait3A_255] : memref<2x128x128xf32, #tpu.memory_space<vmem>> -> memref<1x128x128xf32, #tpu.memory_space<vmem>>
      %dma_wait3A_257 = tpu.memref_squeeze %dma_wait3A_256 : memref<1x128x128xf32, #tpu.memory_space<vmem>> -> memref<128x128xf32, #tpu.memory_space<vmem>>
      %dma_wait3A_258 = arith.constant 0 : i32
      %dma_wait3A_259 = tpu.memref_slice %arg7[%select_n3A_131, %dma_wait3A_253, %dma_wait3A_258] : memref<2x8x128xi32, #tpu.memory_space<vmem>> -> memref<1x1x128xi32, #tpu.memory_space<vmem>>
      %dma_wait3A_260 = tpu.memref_squeeze %dma_wait3A_259 : memref<1x1x128xi32, #tpu.memory_space<vmem>> -> memref<128xi32, #tpu.memory_space<vmem>>
      %dma_wait3A_261 = arith.constant 0 : i32
      %dma_wait3A_262 = arith.constant 0 : i32
      %dma_wait3A_263 = tpu.memref_slice %arg12[%dma_wait3A_261, %dma_wait3A_262] : memref<10112x128xf32, #tpu.memory_space<vmem_shared>> -> memref<10112x128xf32, #tpu.memory_space<vmem_shared>>
      tpu.wait_indirect_dma semaphore(%arg10 : memref<!tpu.dma_semaphore, #tpu.memory_space<semaphore_mem>>) src(%dma_wait3A_257 : memref<128x128xf32, #tpu.memory_space<vmem>>) dst(%dma_wait3A_263 : memref<10112x128xf32, #tpu.memory_space<vmem_shared>>)
      %dma_start3A_264 = arith.constant 4 : i32
      %dma_start3A_265 = arith.constant 0 : i32
      %dma_start3A_266 = arith.constant 0 : i32
      %dma_start3A_267 = arith.constant 0 : i32
      %dma_start3A_268 = tpu.memref_slice %arg8[%dma_start3A_265, %dma_start3A_266, %dma_start3A_267] : memref<2x128x128xf32, #tpu.memory_space<vmem>> -> memref<1x128x128xf32, #tpu.memory_space<vmem>>
      %dma_start3A_269 = tpu.memref_squeeze %dma_start3A_268 : memref<1x128x128xf32, #tpu.memory_space<vmem>> -> memref<128x128xf32, #tpu.memory_space<vmem>>
      %dma_start3A_270 = arith.constant 0 : i32
      %dma_start3A_271 = tpu.memref_slice %arg6[%select_n3A_131, %dma_start3A_264, %dma_start3A_270] : memref<2x8x128xi32, #tpu.memory_space<vmem>> -> memref<1x1x128xi32, #tpu.memory_space<vmem>>
      %dma_start3A_272 = tpu.memref_squeeze %dma_start3A_271 : memref<1x1x128xi32, #tpu.memory_space<vmem>> -> memref<128xi32, #tpu.memory_space<vmem>>
      %dma_start3A_273 = arith.constant 0 : i32
      %dma_start3A_274 = arith.constant 0 : i32
      %dma_start3A_275 = tpu.memref_slice %arg2[%dma_start3A_273, %dma_start3A_274] : memref<10000x128xf32, #tpu.memory_space<hbm>> -> memref<10000x128xf32, #tpu.memory_space<hbm>>
      tpu.enqueue_indirect_dma source(%dma_start3A_275 : memref<10000x128xf32, #tpu.memory_space<hbm>>) target(%dma_start3A_269 : memref<128x128xf32, #tpu.memory_space<vmem>>) offsets(%dma_start3A_272 : memref<128xi32, #tpu.memory_space<vmem>>) semaphore(%arg9 : memref<!tpu.dma_semaphore, #tpu.memory_space<semaphore_mem>>)
      %dma_wait3A_276 = arith.constant 3 : i32
      %dma_wait3A_277 = arith.constant 1 : i32
      %dma_wait3A_278 = arith.constant 0 : i32
      %dma_wait3A_279 = arith.constant 0 : i32
      %dma_wait3A_280 = tpu.memref_slice %arg8[%dma_wait3A_277, %dma_wait3A_278, %dma_wait3A_279] : memref<2x128x128xf32, #tpu.memory_space<vmem>> -> memref<1x128x128xf32, #tpu.memory_space<vmem>>
      %dma_wait3A_281 = tpu.memref_squeeze %dma_wait3A_280 : memref<1x128x128xf32, #tpu.memory_space<vmem>> -> memref<128x128xf32, #tpu.memory_space<vmem>>
      %dma_wait3A_282 = arith.constant 0 : i32
      %dma_wait3A_283 = tpu.memref_slice %arg6[%select_n3A_131, %dma_wait3A_276, %dma_wait3A_282] : memref<2x8x128xi32, #tpu.memory_space<vmem>> -> memref<1x1x128xi32, #tpu.memory_space<vmem>>
      %dma_wait3A_284 = tpu.memref_squeeze %dma_wait3A_283 : memref<1x1x128xi32, #tpu.memory_space<vmem>> -> memref<128xi32, #tpu.memory_space<vmem>>
      %dma_wait3A_285 = arith.constant 0 : i32
      %dma_wait3A_286 = arith.constant 0 : i32
      %dma_wait3A_287 = tpu.memref_slice %arg2[%dma_wait3A_285, %dma_wait3A_286] : memref<10000x128xf32, #tpu.memory_space<hbm>> -> memref<10000x128xf32, #tpu.memory_space<hbm>>
      tpu.wait_indirect_dma semaphore(%arg9 : memref<!tpu.dma_semaphore, #tpu.memory_space<semaphore_mem>>) src(%dma_wait3A_287 : memref<10000x128xf32, #tpu.memory_space<hbm>>) dst(%dma_wait3A_281 : memref<128x128xf32, #tpu.memory_space<vmem>>)
      %dma_start3A_288 = arith.constant 1 : i32
      %dma_start3A_289 = arith.constant 3 : i32
      %dma_start3A_290 = arith.constant 0 : i32
      %dma_start3A_291 = arith.constant 0 : i32
      %dma_start3A_292 = tpu.memref_slice %arg8[%dma_start3A_288, %dma_start3A_290, %dma_start3A_291] : memref<2x128x128xf32, #tpu.memory_space<vmem>> -> memref<1x128x128xf32, #tpu.memory_space<vmem>>
      %dma_start3A_293 = tpu.memref_squeeze %dma_start3A_292 : memref<1x128x128xf32, #tpu.memory_space<vmem>> -> memref<128x128xf32, #tpu.memory_space<vmem>>
      %dma_start3A_294 = arith.constant 0 : i32
      %dma_start3A_295 = tpu.memref_slice %arg7[%select_n3A_131, %dma_start3A_289, %dma_start3A_294] : memref<2x8x128xi32, #tpu.memory_space<vmem>> -> memref<1x1x128xi32, #tpu.memory_space<vmem>>
      %dma_start3A_296 = tpu.memref_squeeze %dma_start3A_295 : memref<1x1x128xi32, #tpu.memory_space<vmem>> -> memref<128xi32, #tpu.memory_space<vmem>>
      %dma_start3A_297 = arith.constant 0 : i32
      %dma_start3A_298 = arith.constant 0 : i32
      %dma_start3A_299 = tpu.memref_slice %arg12[%dma_start3A_297, %dma_start3A_298] : memref<10112x128xf32, #tpu.memory_space<vmem_shared>> -> memref<10112x128xf32, #tpu.memory_space<vmem_shared>>
      tpu.enqueue_indirect_dma source(%dma_start3A_293 : memref<128x128xf32, #tpu.memory_space<vmem>>) target(%dma_start3A_299 : memref<10112x128xf32, #tpu.memory_space<vmem_shared>>) offsets(%dma_start3A_296 : memref<128xi32, #tpu.memory_space<vmem>>) semaphore(%arg10 : memref<!tpu.dma_semaphore, #tpu.memory_space<semaphore_mem>>) {add = true}
      %dma_wait3A_300 = arith.constant 1 : i32
      %dma_wait3A_301 = arith.constant 3 : i32
      %dma_wait3A_302 = arith.constant 0 : i32
      %dma_wait3A_303 = arith.constant 0 : i32
      %dma_wait3A_304 = tpu.memref_slice %arg8[%dma_wait3A_300, %dma_wait3A_302, %dma_wait3A_303] : memref<2x128x128xf32, #tpu.memory_space<vmem>> -> memref<1x128x128xf32, #tpu.memory_space<vmem>>
      %dma_wait3A_305 = tpu.memref_squeeze %dma_wait3A_304 : memref<1x128x128xf32, #tpu.memory_space<vmem>> -> memref<128x128xf32, #tpu.memory_space<vmem>>
      %dma_wait3A_306 = arith.constant 0 : i32
      %dma_wait3A_307 = tpu.memref_slice %arg7[%select_n3A_131, %dma_wait3A_301, %dma_wait3A_306] : memref<2x8x128xi32, #tpu.memory_space<vmem>> -> memref<1x1x128xi32, #tpu.memory_space<vmem>>
      %dma_wait3A_308 = tpu.memref_squeeze %dma_wait3A_307 : memref<1x1x128xi32, #tpu.memory_space<vmem>> -> memref<128xi32, #tpu.memory_space<vmem>>
      %dma_wait3A_309 = arith.constant 0 : i32
      %dma_wait3A_310 = arith.constant 0 : i32
      %dma_wait3A_311 = tpu.memref_slice %arg12[%dma_wait3A_309, %dma_wait3A_310] : memref<10112x128xf32, #tpu.memory_space<vmem_shared>> -> memref<10112x128xf32, #tpu.memory_space<vmem_shared>>
      tpu.wait_indirect_dma semaphore(%arg10 : memref<!tpu.dma_semaphore, #tpu.memory_space<semaphore_mem>>) src(%dma_wait3A_305 : memref<128x128xf32, #tpu.memory_space<vmem>>) dst(%dma_wait3A_311 : memref<10112x128xf32, #tpu.memory_space<vmem_shared>>)
      %dma_start3A_312 = arith.constant 5 : i32
      %dma_start3A_313 = arith.constant 1 : i32
      %dma_start3A_314 = arith.constant 0 : i32
      %dma_start3A_315 = arith.constant 0 : i32
      %dma_start3A_316 = tpu.memref_slice %arg8[%dma_start3A_313, %dma_start3A_314, %dma_start3A_315] : memref<2x128x128xf32, #tpu.memory_space<vmem>> -> memref<1x128x128xf32, #tpu.memory_space<vmem>>
      %dma_start3A_317 = tpu.memref_squeeze %dma_start3A_316 : memref<1x128x128xf32, #tpu.memory_space<vmem>> -> memref<128x128xf32, #tpu.memory_space<vmem>>
      %dma_start3A_318 = arith.constant 0 : i32
      %dma_start3A_319 = tpu.memref_slice %arg6[%select_n3A_131, %dma_start3A_312, %dma_start3A_318] : memref<2x8x128xi32, #tpu.memory_space<vmem>> -> memref<1x1x128xi32, #tpu.memory_space<vmem>>
      %dma_start3A_320 = tpu.memref_squeeze %dma_start3A_319 : memref<1x1x128xi32, #tpu.memory_space<vmem>> -> memref<128xi32, #tpu.memory_space<vmem>>
      %dma_start3A_321 = arith.constant 0 : i32
      %dma_start3A_322 = arith.constant 0 : i32
      %dma_start3A_323 = tpu.memref_slice %arg2[%dma_start3A_321, %dma_start3A_322] : memref<10000x128xf32, #tpu.memory_space<hbm>> -> memref<10000x128xf32, #tpu.memory_space<hbm>>
      tpu.enqueue_indirect_dma source(%dma_start3A_323 : memref<10000x128xf32, #tpu.memory_space<hbm>>) target(%dma_start3A_317 : memref<128x128xf32, #tpu.memory_space<vmem>>) offsets(%dma_start3A_320 : memref<128xi32, #tpu.memory_space<vmem>>) semaphore(%arg9 : memref<!tpu.dma_semaphore, #tpu.memory_space<semaphore_mem>>)
      %dma_wait3A_324 = arith.constant 4 : i32
      %dma_wait3A_325 = arith.constant 0 : i32
      %dma_wait3A_326 = arith.constant 0 : i32
      %dma_wait3A_327 = arith.constant 0 : i32
      %dma_wait3A_328 = tpu.memref_slice %arg8[%dma_wait3A_325, %dma_wait3A_326, %dma_wait3A_327] : memref<2x128x128xf32, #tpu.memory_space<vmem>> -> memref<1x128x128xf32, #tpu.memory_space<vmem>>
      %dma_wait3A_329 = tpu.memref_squeeze %dma_wait3A_328 : memref<1x128x128xf32, #tpu.memory_space<vmem>> -> memref<128x128xf32, #tpu.memory_space<vmem>>
      %dma_wait3A_330 = arith.constant 0 : i32
      %dma_wait3A_331 = tpu.memref_slice %arg6[%select_n3A_131, %dma_wait3A_324, %dma_wait3A_330] : memref<2x8x128xi32, #tpu.memory_space<vmem>> -> memref<1x1x128xi32, #tpu.memory_space<vmem>>
      %dma_wait3A_332 = tpu.memref_squeeze %dma_wait3A_331 : memref<1x1x128xi32, #tpu.memory_space<vmem>> -> memref<128xi32, #tpu.memory_space<vmem>>
      %dma_wait3A_333 = arith.constant 0 : i32
      %dma_wait3A_334 = arith.constant 0 : i32
      %dma_wait3A_335 = tpu.memref_slice %arg2[%dma_wait3A_333, %dma_wait3A_334] : memref<10000x128xf32, #tpu.memory_space<hbm>> -> memref<10000x128xf32, #tpu.memory_space<hbm>>
      tpu.wait_indirect_dma semaphore(%arg9 : memref<!tpu.dma_semaphore, #tpu.memory_space<semaphore_mem>>) src(%dma_wait3A_335 : memref<10000x128xf32, #tpu.memory_space<hbm>>) dst(%dma_wait3A_329 : memref<128x128xf32, #tpu.memory_space<vmem>>)
      %dma_start3A_336 = arith.constant 0 : i32
      %dma_start3A_337 = arith.constant 4 : i32
      %dma_start3A_338 = arith.constant 0 : i32
      %dma_start3A_339 = arith.constant 0 : i32
      %dma_start3A_340 = tpu.memref_slice %arg8[%dma_start3A_336, %dma_start3A_338, %dma_start3A_339] : memref<2x128x128xf32, #tpu.memory_space<vmem>> -> memref<1x128x128xf32, #tpu.memory_space<vmem>>
      %dma_start3A_341 = tpu.memref_squeeze %dma_start3A_340 : memref<1x128x128xf32, #tpu.memory_space<vmem>> -> memref<128x128xf32, #tpu.memory_space<vmem>>
      %dma_start3A_342 = arith.constant 0 : i32
      %dma_start3A_343 = tpu.memref_slice %arg7[%select_n3A_131, %dma_start3A_337, %dma_start3A_342] : memref<2x8x128xi32, #tpu.memory_space<vmem>> -> memref<1x1x128xi32, #tpu.memory_space<vmem>>
      %dma_start3A_344 = tpu.memref_squeeze %dma_start3A_343 : memref<1x1x128xi32, #tpu.memory_space<vmem>> -> memref<128xi32, #tpu.memory_space<vmem>>
      %dma_start3A_345 = arith.constant 0 : i32
      %dma_start3A_346 = arith.constant 0 : i32
      %dma_start3A_347 = tpu.memref_slice %arg12[%dma_start3A_345, %dma_start3A_346] : memref<10112x128xf32, #tpu.memory_space<vmem_shared>> -> memref<10112x128xf32, #tpu.memory_space<vmem_shared>>
      tpu.enqueue_indirect_dma source(%dma_start3A_341 : memref<128x128xf32, #tpu.memory_space<vmem>>) target(%dma_start3A_347 : memref<10112x128xf32, #tpu.memory_space<vmem_shared>>) offsets(%dma_start3A_344 : memref<128xi32, #tpu.memory_space<vmem>>) semaphore(%arg10 : memref<!tpu.dma_semaphore, #tpu.memory_space<semaphore_mem>>) {add = true}
      %dma_wait3A_348 = arith.constant 0 : i32
      %dma_wait3A_349 = arith.constant 4 : i32
      %dma_wait3A_350 = arith.constant 0 : i32
      %dma_wait3A_351 = arith.constant 0 : i32
      %dma_wait3A_352 = tpu.memref_slice %arg8[%dma_wait3A_348, %dma_wait3A_350, %dma_wait3A_351] : memref<2x128x128xf32, #tpu.memory_space<vmem>> -> memref<1x128x128xf32, #tpu.memory_space<vmem>>
      %dma_wait3A_353 = tpu.memref_squeeze %dma_wait3A_352 : memref<1x128x128xf32, #tpu.memory_space<vmem>> -> memref<128x128xf32, #tpu.memory_space<vmem>>
      %dma_wait3A_354 = arith.constant 0 : i32
      %dma_wait3A_355 = tpu.memref_slice %arg7[%select_n3A_131, %dma_wait3A_349, %dma_wait3A_354] : memref<2x8x128xi32, #tpu.memory_space<vmem>> -> memref<1x1x128xi32, #tpu.memory_space<vmem>>
      %dma_wait3A_356 = tpu.memref_squeeze %dma_wait3A_355 : memref<1x1x128xi32, #tpu.memory_space<vmem>> -> memref<128xi32, #tpu.memory_space<vmem>>
      %dma_wait3A_357 = arith.constant 0 : i32
      %dma_wait3A_358 = arith.constant 0 : i32
      %dma_wait3A_359 = tpu.memref_slice %arg12[%dma_wait3A_357, %dma_wait3A_358] : memref<10112x128xf32, #tpu.memory_space<vmem_shared>> -> memref<10112x128xf32, #tpu.memory_space<vmem_shared>>
      tpu.wait_indirect_dma semaphore(%arg10 : memref<!tpu.dma_semaphore, #tpu.memory_space<semaphore_mem>>) src(%dma_wait3A_353 : memref<128x128xf32, #tpu.memory_space<vmem>>) dst(%dma_wait3A_359 : memref<10112x128xf32, #tpu.memory_space<vmem_shared>>)
      %dma_start3A_360 = arith.constant 6 : i32
      %dma_start3A_361 = arith.constant 0 : i32
      %dma_start3A_362 = arith.constant 0 : i32
      %dma_start3A_363 = arith.constant 0 : i32
      %dma_start3A_364 = tpu.memref_slice %arg8[%dma_start3A_361, %dma_start3A_362, %dma_start3A_363] : memref<2x128x128xf32, #tpu.memory_space<vmem>> -> memref<1x128x128xf32, #tpu.memory_space<vmem>>
      %dma_start3A_365 = tpu.memref_squeeze %dma_start3A_364 : memref<1x128x128xf32, #tpu.memory_space<vmem>> -> memref<128x128xf32, #tpu.memory_space<vmem>>
      %dma_start3A_366 = arith.constant 0 : i32
      %dma_start3A_367 = tpu.memref_slice %arg6[%select_n3A_131, %dma_start3A_360, %dma_start3A_366] : memref<2x8x128xi32, #tpu.memory_space<vmem>> -> memref<1x1x128xi32, #tpu.memory_space<vmem>>
      %dma_start3A_368 = tpu.memref_squeeze %dma_start3A_367 : memref<1x1x128xi32, #tpu.memory_space<vmem>> -> memref<128xi32, #tpu.memory_space<vmem>>
      %dma_start3A_369 = arith.constant 0 : i32
      %dma_start3A_370 = arith.constant 0 : i32
      %dma_start3A_371 = tpu.memref_slice %arg2[%dma_start3A_369, %dma_start3A_370] : memref<10000x128xf32, #tpu.memory_space<hbm>> -> memref<10000x128xf32, #tpu.memory_space<hbm>>
      tpu.enqueue_indirect_dma source(%dma_start3A_371 : memref<10000x128xf32, #tpu.memory_space<hbm>>) target(%dma_start3A_365 : memref<128x128xf32, #tpu.memory_space<vmem>>) offsets(%dma_start3A_368 : memref<128xi32, #tpu.memory_space<vmem>>) semaphore(%arg9 : memref<!tpu.dma_semaphore, #tpu.memory_space<semaphore_mem>>)
      %dma_wait3A_372 = arith.constant 5 : i32
      %dma_wait3A_373 = arith.constant 1 : i32
      %dma_wait3A_374 = arith.constant 0 : i32
      %dma_wait3A_375 = arith.constant 0 : i32
      %dma_wait3A_376 = tpu.memref_slice %arg8[%dma_wait3A_373, %dma_wait3A_374, %dma_wait3A_375] : memref<2x128x128xf32, #tpu.memory_space<vmem>> -> memref<1x128x128xf32, #tpu.memory_space<vmem>>
      %dma_wait3A_377 = tpu.memref_squeeze %dma_wait3A_376 : memref<1x128x128xf32, #tpu.memory_space<vmem>> -> memref<128x128xf32, #tpu.memory_space<vmem>>
      %dma_wait3A_378 = arith.constant 0 : i32
      %dma_wait3A_379 = tpu.memref_slice %arg6[%select_n3A_131, %dma_wait3A_372, %dma_wait3A_378] : memref<2x8x128xi32, #tpu.memory_space<vmem>> -> memref<1x1x128xi32, #tpu.memory_space<vmem>>
      %dma_wait3A_380 = tpu.memref_squeeze %dma_wait3A_379 : memref<1x1x128xi32, #tpu.memory_space<vmem>> -> memref<128xi32, #tpu.memory_space<vmem>>
      %dma_wait3A_381 = arith.constant 0 : i32
      %dma_wait3A_382 = arith.constant 0 : i32
      %dma_wait3A_383 = tpu.memref_slice %arg2[%dma_wait3A_381, %dma_wait3A_382] : memref<10000x128xf32, #tpu.memory_space<hbm>> -> memref<10000x128xf32, #tpu.memory_space<hbm>>
      tpu.wait_indirect_dma semaphore(%arg9 : memref<!tpu.dma_semaphore, #tpu.memory_space<semaphore_mem>>) src(%dma_wait3A_383 : memref<10000x128xf32, #tpu.memory_space<hbm>>) dst(%dma_wait3A_377 : memref<128x128xf32, #tpu.memory_space<vmem>>)
      %dma_start3A_384 = arith.constant 1 : i32
      %dma_start3A_385 = arith.constant 5 : i32
      %dma_start3A_386 = arith.constant 0 : i32
      %dma_start3A_387 = arith.constant 0 : i32
      %dma_start3A_388 = tpu.memref_slice %arg8[%dma_start3A_384, %dma_start3A_386, %dma_start3A_387] : memref<2x128x128xf32, #tpu.memory_space<vmem>> -> memref<1x128x128xf32, #tpu.memory_space<vmem>>
      %dma_start3A_389 = tpu.memref_squeeze %dma_start3A_388 : memref<1x128x128xf32, #tpu.memory_space<vmem>> -> memref<128x128xf32, #tpu.memory_space<vmem>>
      %dma_start3A_390 = arith.constant 0 : i32
      %dma_start3A_391 = tpu.memref_slice %arg7[%select_n3A_131, %dma_start3A_385, %dma_start3A_390] : memref<2x8x128xi32, #tpu.memory_space<vmem>> -> memref<1x1x128xi32, #tpu.memory_space<vmem>>
      %dma_start3A_392 = tpu.memref_squeeze %dma_start3A_391 : memref<1x1x128xi32, #tpu.memory_space<vmem>> -> memref<128xi32, #tpu.memory_space<vmem>>
      %dma_start3A_393 = arith.constant 0 : i32
      %dma_start3A_394 = arith.constant 0 : i32
      %dma_start3A_395 = tpu.memref_slice %arg12[%dma_start3A_393, %dma_start3A_394] : memref<10112x128xf32, #tpu.memory_space<vmem_shared>> -> memref<10112x128xf32, #tpu.memory_space<vmem_shared>>
      tpu.enqueue_indirect_dma source(%dma_start3A_389 : memref<128x128xf32, #tpu.memory_space<vmem>>) target(%dma_start3A_395 : memref<10112x128xf32, #tpu.memory_space<vmem_shared>>) offsets(%dma_start3A_392 : memref<128xi32, #tpu.memory_space<vmem>>) semaphore(%arg10 : memref<!tpu.dma_semaphore, #tpu.memory_space<semaphore_mem>>) {add = true}
      %dma_wait3A_396 = arith.constant 1 : i32
      %dma_wait3A_397 = arith.constant 5 : i32
      %dma_wait3A_398 = arith.constant 0 : i32
      %dma_wait3A_399 = arith.constant 0 : i32
      %dma_wait3A_400 = tpu.memref_slice %arg8[%dma_wait3A_396, %dma_wait3A_398, %dma_wait3A_399] : memref<2x128x128xf32, #tpu.memory_space<vmem>> -> memref<1x128x128xf32, #tpu.memory_space<vmem>>
      %dma_wait3A_401 = tpu.memref_squeeze %dma_wait3A_400 : memref<1x128x128xf32, #tpu.memory_space<vmem>> -> memref<128x128xf32, #tpu.memory_space<vmem>>
      %dma_wait3A_402 = arith.constant 0 : i32
      %dma_wait3A_403 = tpu.memref_slice %arg7[%select_n3A_131, %dma_wait3A_397, %dma_wait3A_402] : memref<2x8x128xi32, #tpu.memory_space<vmem>> -> memref<1x1x128xi32, #tpu.memory_space<vmem>>
      %dma_wait3A_404 = tpu.memref_squeeze %dma_wait3A_403 : memref<1x1x128xi32, #tpu.memory_space<vmem>> -> memref<128xi32, #tpu.memory_space<vmem>>
      %dma_wait3A_405 = arith.constant 0 : i32
      %dma_wait3A_406 = arith.constant 0 : i32
      %dma_wait3A_407 = tpu.memref_slice %arg12[%dma_wait3A_405, %dma_wait3A_406] : memref<10112x128xf32, #tpu.memory_space<vmem_shared>> -> memref<10112x128xf32, #tpu.memory_space<vmem_shared>>
      tpu.wait_indirect_dma semaphore(%arg10 : memref<!tpu.dma_semaphore, #tpu.memory_space<semaphore_mem>>) src(%dma_wait3A_401 : memref<128x128xf32, #tpu.memory_space<vmem>>) dst(%dma_wait3A_407 : memref<10112x128xf32, #tpu.memory_space<vmem_shared>>)
      %dma_start3A_408 = arith.constant 7 : i32
      %dma_start3A_409 = arith.constant 1 : i32
      %dma_start3A_410 = arith.constant 0 : i32
      %dma_start3A_411 = arith.constant 0 : i32
      %dma_start3A_412 = tpu.memref_slice %arg8[%dma_start3A_409, %dma_start3A_410, %dma_start3A_411] : memref<2x128x128xf32, #tpu.memory_space<vmem>> -> memref<1x128x128xf32, #tpu.memory_space<vmem>>
      %dma_start3A_413 = tpu.memref_squeeze %dma_start3A_412 : memref<1x128x128xf32, #tpu.memory_space<vmem>> -> memref<128x128xf32, #tpu.memory_space<vmem>>
      %dma_start3A_414 = arith.constant 0 : i32
      %dma_start3A_415 = tpu.memref_slice %arg6[%select_n3A_131, %dma_start3A_408, %dma_start3A_414] : memref<2x8x128xi32, #tpu.memory_space<vmem>> -> memref<1x1x128xi32, #tpu.memory_space<vmem>>
      %dma_start3A_416 = tpu.memref_squeeze %dma_start3A_415 : memref<1x1x128xi32, #tpu.memory_space<vmem>> -> memref<128xi32, #tpu.memory_space<vmem>>
      %dma_start3A_417 = arith.constant 0 : i32
      %dma_start3A_418 = arith.constant 0 : i32
      %dma_start3A_419 = tpu.memref_slice %arg2[%dma_start3A_417, %dma_start3A_418] : memref<10000x128xf32, #tpu.memory_space<hbm>> -> memref<10000x128xf32, #tpu.memory_space<hbm>>
      tpu.enqueue_indirect_dma source(%dma_start3A_419 : memref<10000x128xf32, #tpu.memory_space<hbm>>) target(%dma_start3A_413 : memref<128x128xf32, #tpu.memory_space<vmem>>) offsets(%dma_start3A_416 : memref<128xi32, #tpu.memory_space<vmem>>) semaphore(%arg9 : memref<!tpu.dma_semaphore, #tpu.memory_space<semaphore_mem>>)
      %dma_wait3A_420 = arith.constant 6 : i32
      %dma_wait3A_421 = arith.constant 0 : i32
      %dma_wait3A_422 = arith.constant 0 : i32
      %dma_wait3A_423 = arith.constant 0 : i32
      %dma_wait3A_424 = tpu.memref_slice %arg8[%dma_wait3A_421, %dma_wait3A_422, %dma_wait3A_423] : memref<2x128x128xf32, #tpu.memory_space<vmem>> -> memref<1x128x128xf32, #tpu.memory_space<vmem>>
      %dma_wait3A_425 = tpu.memref_squeeze %dma_wait3A_424 : memref<1x128x128xf32, #tpu.memory_space<vmem>> -> memref<128x128xf32, #tpu.memory_space<vmem>>
      %dma_wait3A_426 = arith.constant 0 : i32
      %dma_wait3A_427 = tpu.memref_slice %arg6[%select_n3A_131, %dma_wait3A_420, %dma_wait3A_426] : memref<2x8x128xi32, #tpu.memory_space<vmem>> -> memref<1x1x128xi32, #tpu.memory_space<vmem>>
      %dma_wait3A_428 = tpu.memref_squeeze %dma_wait3A_427 : memref<1x1x128xi32, #tpu.memory_space<vmem>> -> memref<128xi32, #tpu.memory_space<vmem>>
      %dma_wait3A_429 = arith.constant 0 : i32
      %dma_wait3A_430 = arith.constant 0 : i32
      %dma_wait3A_431 = tpu.memref_slice %arg2[%dma_wait3A_429, %dma_wait3A_430] : memref<10000x128xf32, #tpu.memory_space<hbm>> -> memref<10000x128xf32, #tpu.memory_space<hbm>>
      tpu.wait_indirect_dma semaphore(%arg9 : memref<!tpu.dma_semaphore, #tpu.memory_space<semaphore_mem>>) src(%dma_wait3A_431 : memref<10000x128xf32, #tpu.memory_space<hbm>>) dst(%dma_wait3A_425 : memref<128x128xf32, #tpu.memory_space<vmem>>)
      %dma_start3A_432 = arith.constant 0 : i32
      %dma_start3A_433 = arith.constant 6 : i32
      %dma_start3A_434 = arith.constant 0 : i32
      %dma_start3A_435 = arith.constant 0 : i32
      %dma_start3A_436 = tpu.memref_slice %arg8[%dma_start3A_432, %dma_start3A_434, %dma_start3A_435] : memref<2x128x128xf32, #tpu.memory_space<vmem>> -> memref<1x128x128xf32, #tpu.memory_space<vmem>>
      %dma_start3A_437 = tpu.memref_squeeze %dma_start3A_436 : memref<1x128x128xf32, #tpu.memory_space<vmem>> -> memref<128x128xf32, #tpu.memory_space<vmem>>
      %dma_start3A_438 = arith.constant 0 : i32
      %dma_start3A_439 = tpu.memref_slice %arg7[%select_n3A_131, %dma_start3A_433, %dma_start3A_438] : memref<2x8x128xi32, #tpu.memory_space<vmem>> -> memref<1x1x128xi32, #tpu.memory_space<vmem>>
      %dma_start3A_440 = tpu.memref_squeeze %dma_start3A_439 : memref<1x1x128xi32, #tpu.memory_space<vmem>> -> memref<128xi32, #tpu.memory_space<vmem>>
      %dma_start3A_441 = arith.constant 0 : i32
      %dma_start3A_442 = arith.constant 0 : i32
      %dma_start3A_443 = tpu.memref_slice %arg12[%dma_start3A_441, %dma_start3A_442] : memref<10112x128xf32, #tpu.memory_space<vmem_shared>> -> memref<10112x128xf32, #tpu.memory_space<vmem_shared>>
      tpu.enqueue_indirect_dma source(%dma_start3A_437 : memref<128x128xf32, #tpu.memory_space<vmem>>) target(%dma_start3A_443 : memref<10112x128xf32, #tpu.memory_space<vmem_shared>>) offsets(%dma_start3A_440 : memref<128xi32, #tpu.memory_space<vmem>>) semaphore(%arg10 : memref<!tpu.dma_semaphore, #tpu.memory_space<semaphore_mem>>) {add = true}
      %dma_wait3A_444 = arith.constant 0 : i32
      %dma_wait3A_445 = arith.constant 6 : i32
      %dma_wait3A_446 = arith.constant 0 : i32
      %dma_wait3A_447 = arith.constant 0 : i32
      %dma_wait3A_448 = tpu.memref_slice %arg8[%dma_wait3A_444, %dma_wait3A_446, %dma_wait3A_447] : memref<2x128x128xf32, #tpu.memory_space<vmem>> -> memref<1x128x128xf32, #tpu.memory_space<vmem>>
      %dma_wait3A_449 = tpu.memref_squeeze %dma_wait3A_448 : memref<1x128x128xf32, #tpu.memory_space<vmem>> -> memref<128x128xf32, #tpu.memory_space<vmem>>
      %dma_wait3A_450 = arith.constant 0 : i32
      %dma_wait3A_451 = tpu.memref_slice %arg7[%select_n3A_131, %dma_wait3A_445, %dma_wait3A_450] : memref<2x8x128xi32, #tpu.memory_space<vmem>> -> memref<1x1x128xi32, #tpu.memory_space<vmem>>
      %dma_wait3A_452 = tpu.memref_squeeze %dma_wait3A_451 : memref<1x1x128xi32, #tpu.memory_space<vmem>> -> memref<128xi32, #tpu.memory_space<vmem>>
      %dma_wait3A_453 = arith.constant 0 : i32
      %dma_wait3A_454 = arith.constant 0 : i32
      %dma_wait3A_455 = tpu.memref_slice %arg12[%dma_wait3A_453, %dma_wait3A_454] : memref<10112x128xf32, #tpu.memory_space<vmem_shared>> -> memref<10112x128xf32, #tpu.memory_space<vmem_shared>>
      tpu.wait_indirect_dma semaphore(%arg10 : memref<!tpu.dma_semaphore, #tpu.memory_space<semaphore_mem>>) src(%dma_wait3A_449 : memref<128x128xf32, #tpu.memory_space<vmem>>) dst(%dma_wait3A_455 : memref<10112x128xf32, #tpu.memory_space<vmem_shared>>)
      %add3A_456 = arith.constant 1 : i32
      %add3A_457 = arith.addi %scan3A_121, %add3A_456 : i32
      %lt3A_458 = arith.constant 10 : i32
      %lt3A_459 = arith.cmpi slt, %add3A_457, %lt3A_458 : i32
      %convert_element_type3A = arith.extui %lt3A_459 : i1 to i32
      %cond3A = arith.constant 0 : i32
      %cond3A_460 = arith.cmpi ne, %convert_element_type3A, %cond3A : i32
      scf.if %cond3A_460 {
        %dma_wait3A_519 = arith.constant 0 : i32
        %dma_wait3A_520 = arith.constant 0 : i32
        %dma_wait3A_521 = tpu.memref_slice %arg6[%sub3A_132, %dma_wait3A_519, %dma_wait3A_520] : memref<2x8x128xi32, #tpu.memory_space<vmem>> -> memref<1x8x128xi32, #tpu.memory_space<vmem>>
        %dma_wait3A_522 = tpu.memref_squeeze %dma_wait3A_521 : memref<1x8x128xi32, #tpu.memory_space<vmem>> -> memref<8x128xi32, #tpu.memory_space<vmem>>
        %dma_wait3A_523 = arith.constant 0 : i32
        %dma_wait3A_524 = tpu.memref_slice %arg3[%mul3A_2, %dma_wait3A_523] : memref<2560x128xi32, #tpu.memory_space<hbm>> -> memref<8x128xi32, #tpu.memory_space<hbm>>
        %dma_wait3A_525 = arith.constant 0 : i32
        %dma_wait3A_526 = arith.constant 0 : i32
        %dma_wait3A_527 = tpu.memref_slice %arg6[%sub3A_132, %dma_wait3A_525, %dma_wait3A_526] : memref<2x8x128xi32, #tpu.memory_space<vmem>> -> memref<1x8x128xi32, #tpu.memory_space<vmem>>
        %dma_wait3A_528 = tpu.memref_squeeze %dma_wait3A_527 : memref<1x8x128xi32, #tpu.memory_space<vmem>> -> memref<8x128xi32, #tpu.memory_space<vmem>>
        %dma_wait3A_529 = arith.constant 0 : i32
        %dma_wait3A_530 = tpu.memref_slice %arg3[%mul3A_2, %dma_wait3A_529] : memref<2560x128xi32, #tpu.memory_space<hbm>> -> memref<8x128xi32, #tpu.memory_space<hbm>>
        tpu.wait_dma2 semaphore(%arg11 : memref<!tpu.dma_semaphore, #tpu.memory_space<semaphore_mem>>) src(%dma_wait3A_530 : memref<8x128xi32, #tpu.memory_space<hbm>>) dst(%dma_wait3A_528 : memref<8x128xi32, #tpu.memory_space<vmem>>)
        %dma_wait3A_531 = arith.constant 0 : i32
        %dma_wait3A_532 = arith.constant 0 : i32
        %dma_wait3A_533 = tpu.memref_slice %arg7[%sub3A_132, %dma_wait3A_531, %dma_wait3A_532] : memref<2x8x128xi32, #tpu.memory_space<vmem>> -> memref<1x8x128xi32, #tpu.memory_space<vmem>>
        %dma_wait3A_534 = tpu.memref_squeeze %dma_wait3A_533 : memref<1x8x128xi32, #tpu.memory_space<vmem>> -> memref<8x128xi32, #tpu.memory_space<vmem>>
        %dma_wait3A_535 = arith.constant 0 : i32
        %dma_wait3A_536 = tpu.memref_slice %arg4[%mul3A_2, %dma_wait3A_535] : memref<2560x128xi32, #tpu.memory_space<hbm>> -> memref<8x128xi32, #tpu.memory_space<hbm>>
        %dma_wait3A_537 = arith.constant 0 : i32
        %dma_wait3A_538 = arith.constant 0 : i32
        %dma_wait3A_539 = tpu.memref_slice %arg7[%sub3A_132, %dma_wait3A_537, %dma_wait3A_538] : memref<2x8x128xi32, #tpu.memory_space<vmem>> -> memref<1x8x128xi32, #tpu.memory_space<vmem>>
        %dma_wait3A_540 = tpu.memref_squeeze %dma_wait3A_539 : memref<1x8x128xi32, #tpu.memory_space<vmem>> -> memref<8x128xi32, #tpu.memory_space<vmem>>
        %dma_wait3A_541 = arith.constant 0 : i32
        %dma_wait3A_542 = tpu.memref_slice %arg4[%mul3A_2, %dma_wait3A_541] : memref<2560x128xi32, #tpu.memory_space<hbm>> -> memref<8x128xi32, #tpu.memory_space<hbm>>
        tpu.wait_dma2 semaphore(%arg11 : memref<!tpu.dma_semaphore, #tpu.memory_space<semaphore_mem>>) src(%dma_wait3A_542 : memref<8x128xi32, #tpu.memory_space<hbm>>) dst(%dma_wait3A_540 : memref<8x128xi32, #tpu.memory_space<vmem>>)
      } else {
      }
      %add3A_461 = arith.constant 1 : i32
      %add3A_462 = arith.addi %scan3A_121, %add3A_461 : i32
      %lt3A_463 = arith.constant 10 : i32
      %lt3A_464 = arith.cmpi slt, %add3A_462, %lt3A_463 : i32
      %convert_element_type3A_465 = arith.extui %lt3A_464 : i1 to i32
      %cond3A_466 = arith.constant 0 : i32
      %cond3A_467 = arith.cmpi ne, %convert_element_type3A_465, %cond3A_466 : i32
      scf.if %cond3A_467 {
        %dma_start3A_519 = arith.constant 0 : i32
        %dma_start3A_520 = arith.constant 0 : i32
        %dma_start3A_521 = arith.constant 0 : i32
        %dma_start3A_522 = arith.constant 0 : i32
        %dma_start3A_523 = tpu.memref_slice %arg8[%dma_start3A_520, %dma_start3A_521, %dma_start3A_522] : memref<2x128x128xf32, #tpu.memory_space<vmem>> -> memref<1x128x128xf32, #tpu.memory_space<vmem>>
        %dma_start3A_524 = tpu.memref_squeeze %dma_start3A_523 : memref<1x128x128xf32, #tpu.memory_space<vmem>> -> memref<128x128xf32, #tpu.memory_space<vmem>>
        %dma_start3A_525 = arith.constant 0 : i32
        %dma_start3A_526 = tpu.memref_slice %arg6[%sub3A_132, %dma_start3A_519, %dma_start3A_525] : memref<2x8x128xi32, #tpu.memory_space<vmem>> -> memref<1x1x128xi32, #tpu.memory_space<vmem>>
        %dma_start3A_527 = tpu.memref_squeeze %dma_start3A_526 : memref<1x1x128xi32, #tpu.memory_space<vmem>> -> memref<128xi32, #tpu.memory_space<vmem>>
        %dma_start3A_528 = arith.constant 0 : i32
        %dma_start3A_529 = arith.constant 0 : i32
        %dma_start3A_530 = tpu.memref_slice %arg2[%dma_start3A_528, %dma_start3A_529] : memref<10000x128xf32, #tpu.memory_space<hbm>> -> memref<10000x128xf32, #tpu.memory_space<hbm>>
        tpu.enqueue_indirect_dma source(%dma_start3A_530 : memref<10000x128xf32, #tpu.memory_space<hbm>>) target(%dma_start3A_524 : memref<128x128xf32, #tpu.memory_space<vmem>>) offsets(%dma_start3A_527 : memref<128xi32, #tpu.memory_space<vmem>>) semaphore(%arg9 : memref<!tpu.dma_semaphore, #tpu.memory_space<semaphore_mem>>)
      } else {
      }
      %dma_wait3A_468 = arith.constant 7 : i32
      %dma_wait3A_469 = arith.constant 1 : i32
      %dma_wait3A_470 = arith.constant 0 : i32
      %dma_wait3A_471 = arith.constant 0 : i32
      %dma_wait3A_472 = tpu.memref_slice %arg8[%dma_wait3A_469, %dma_wait3A_470, %dma_wait3A_471] : memref<2x128x128xf32, #tpu.memory_space<vmem>> -> memref<1x128x128xf32, #tpu.memory_space<vmem>>
      %dma_wait3A_473 = tpu.memref_squeeze %dma_wait3A_472 : memref<1x128x128xf32, #tpu.memory_space<vmem>> -> memref<128x128xf32, #tpu.memory_space<vmem>>
      %dma_wait3A_474 = arith.constant 0 : i32
      %dma_wait3A_475 = tpu.memref_slice %arg6[%select_n3A_131, %dma_wait3A_468, %dma_wait3A_474] : memref<2x8x128xi32, #tpu.memory_space<vmem>> -> memref<1x1x128xi32, #tpu.memory_space<vmem>>
      %dma_wait3A_476 = tpu.memref_squeeze %dma_wait3A_475 : memref<1x1x128xi32, #tpu.memory_space<vmem>> -> memref<128xi32, #tpu.memory_space<vmem>>
      %dma_wait3A_477 = arith.constant 0 : i32
      %dma_wait3A_478 = arith.constant 0 : i32
      %dma_wait3A_479 = tpu.memref_slice %arg2[%dma_wait3A_477, %dma_wait3A_478] : memref<10000x128xf32, #tpu.memory_space<hbm>> -> memref<10000x128xf32, #tpu.memory_space<hbm>>
      tpu.wait_indirect_dma semaphore(%arg9 : memref<!tpu.dma_semaphore, #tpu.memory_space<semaphore_mem>>) src(%dma_wait3A_479 : memref<10000x128xf32, #tpu.memory_space<hbm>>) dst(%dma_wait3A_473 : memref<128x128xf32, #tpu.memory_space<vmem>>)
      %dma_start3A_480 = arith.constant 1 : i32
      %dma_start3A_481 = arith.constant 7 : i32
      %dma_start3A_482 = arith.constant 0 : i32
      %dma_start3A_483 = arith.constant 0 : i32
      %dma_start3A_484 = tpu.memref_slice %arg8[%dma_start3A_480, %dma_start3A_482, %dma_start3A_483] : memref<2x128x128xf32, #tpu.memory_space<vmem>> -> memref<1x128x128xf32, #tpu.memory_space<vmem>>
      %dma_start3A_485 = tpu.memref_squeeze %dma_start3A_484 : memref<1x128x128xf32, #tpu.memory_space<vmem>> -> memref<128x128xf32, #tpu.memory_space<vmem>>
      %dma_start3A_486 = arith.constant 0 : i32
      %dma_start3A_487 = tpu.memref_slice %arg7[%select_n3A_131, %dma_start3A_481, %dma_start3A_486] : memref<2x8x128xi32, #tpu.memory_space<vmem>> -> memref<1x1x128xi32, #tpu.memory_space<vmem>>
      %dma_start3A_488 = tpu.memref_squeeze %dma_start3A_487 : memref<1x1x128xi32, #tpu.memory_space<vmem>> -> memref<128xi32, #tpu.memory_space<vmem>>
      %dma_start3A_489 = arith.constant 0 : i32
      %dma_start3A_490 = arith.constant 0 : i32
      %dma_start3A_491 = tpu.memref_slice %arg12[%dma_start3A_489, %dma_start3A_490] : memref<10112x128xf32, #tpu.memory_space<vmem_shared>> -> memref<10112x128xf32, #tpu.memory_space<vmem_shared>>
      tpu.enqueue_indirect_dma source(%dma_start3A_485 : memref<128x128xf32, #tpu.memory_space<vmem>>) target(%dma_start3A_491 : memref<10112x128xf32, #tpu.memory_space<vmem_shared>>) offsets(%dma_start3A_488 : memref<128xi32, #tpu.memory_space<vmem>>) semaphore(%arg10 : memref<!tpu.dma_semaphore, #tpu.memory_space<semaphore_mem>>) {add = true}
      %dma_wait3A_492 = arith.constant 1 : i32
      %dma_wait3A_493 = arith.constant 7 : i32
      %dma_wait3A_494 = arith.constant 0 : i32
      %dma_wait3A_495 = arith.constant 0 : i32
      %dma_wait3A_496 = tpu.memref_slice %arg8[%dma_wait3A_492, %dma_wait3A_494, %dma_wait3A_495] : memref<2x128x128xf32, #tpu.memory_space<vmem>> -> memref<1x128x128xf32, #tpu.memory_space<vmem>>
      %dma_wait3A_497 = tpu.memref_squeeze %dma_wait3A_496 : memref<1x128x128xf32, #tpu.memory_space<vmem>> -> memref<128x128xf32, #tpu.memory_space<vmem>>
      %dma_wait3A_498 = arith.constant 0 : i32
      %dma_wait3A_499 = tpu.memref_slice %arg7[%select_n3A_131, %dma_wait3A_493, %dma_wait3A_498] : memref<2x8x128xi32, #tpu.memory_space<vmem>> -> memref<1x1x128xi32, #tpu.memory_space<vmem>>
      %dma_wait3A_500 = tpu.memref_squeeze %dma_wait3A_499 : memref<1x1x128xi32, #tpu.memory_space<vmem>> -> memref<128xi32, #tpu.memory_space<vmem>>
      %dma_wait3A_501 = arith.constant 0 : i32
      %dma_wait3A_502 = arith.constant 0 : i32
      %dma_wait3A_503 = tpu.memref_slice %arg12[%dma_wait3A_501, %dma_wait3A_502] : memref<10112x128xf32, #tpu.memory_space<vmem_shared>> -> memref<10112x128xf32, #tpu.memory_space<vmem_shared>>
      tpu.wait_indirect_dma semaphore(%arg10 : memref<!tpu.dma_semaphore, #tpu.memory_space<semaphore_mem>>) src(%dma_wait3A_497 : memref<128x128xf32, #tpu.memory_space<vmem>>) dst(%dma_wait3A_503 : memref<10112x128xf32, #tpu.memory_space<vmem_shared>>)
      %add3A_504 = arith.constant 2 : i32
      %add3A_505 = arith.addi %scan3A_121, %add3A_504 : i32
      %lt3A_506 = arith.constant 10 : i32
      %lt3A_507 = arith.cmpi slt, %add3A_505, %lt3A_506 : i32
      %convert_element_type3A_508 = arith.extui %lt3A_507 : i1 to i32
      %cond3A_509 = arith.constant 0 : i32
      %cond3A_510 = arith.cmpi ne, %convert_element_type3A_508, %cond3A_509 : i32
      scf.if %cond3A_510 {
        %add3A_519 = arith.constant 2 : i32
        %add3A_520 = arith.addi %scan3A_121, %add3A_519 : i32
        %mul3A_521 = arith.constant 8 : i32
        %mul3A_522 = arith.muli %add3A_520, %mul3A_521 : i32
        %add3A_523 = arith.addi %mul3A_2, %mul3A_522 : i32
        %dma_start3A_524 = arith.constant 0 : i32
        %dma_start3A_525 = arith.constant 0 : i32
        %dma_start3A_526 = tpu.memref_slice %arg6[%select_n3A_131, %dma_start3A_524, %dma_start3A_525] : memref<2x8x128xi32, #tpu.memory_space<vmem>> -> memref<1x8x128xi32, #tpu.memory_space<vmem>>
        %dma_start3A_527 = tpu.memref_squeeze %dma_start3A_526 : memref<1x8x128xi32, #tpu.memory_space<vmem>> -> memref<8x128xi32, #tpu.memory_space<vmem>>
        %dma_start3A_528 = arith.constant 0 : i32
        %dma_start3A_529 = tpu.memref_slice %arg3[%add3A_523, %dma_start3A_528] : memref<2560x128xi32, #tpu.memory_space<hbm>> -> memref<8x128xi32, #tpu.memory_space<hbm>>
        %dma_start3A_530 = arith.constant 0 : i32
        %dma_start3A_531 = arith.constant 0 : i32
        %dma_start3A_532 = tpu.memref_slice %arg6[%select_n3A_131, %dma_start3A_530, %dma_start3A_531] : memref<2x8x128xi32, #tpu.memory_space<vmem>> -> memref<1x8x128xi32, #tpu.memory_space<vmem>>
        %dma_start3A_533 = tpu.memref_squeeze %dma_start3A_532 : memref<1x8x128xi32, #tpu.memory_space<vmem>> -> memref<8x128xi32, #tpu.memory_space<vmem>>
        %dma_start3A_534 = arith.constant 0 : i32
        %dma_start3A_535 = tpu.memref_slice %arg3[%add3A_523, %dma_start3A_534] : memref<2560x128xi32, #tpu.memory_space<hbm>> -> memref<8x128xi32, #tpu.memory_space<hbm>>
        tpu.enqueue_dma source(%dma_start3A_535 : memref<8x128xi32, #tpu.memory_space<hbm>>) target(%dma_start3A_533 : memref<8x128xi32, #tpu.memory_space<vmem>>) target_semaphore(%arg11 : memref<!tpu.dma_semaphore, #tpu.memory_space<semaphore_mem>>)
        %dma_start3A_536 = arith.constant 0 : i32
        %dma_start3A_537 = arith.constant 0 : i32
        %dma_start3A_538 = tpu.memref_slice %arg7[%select_n3A_131, %dma_start3A_536, %dma_start3A_537] : memref<2x8x128xi32, #tpu.memory_space<vmem>> -> memref<1x8x128xi32, #tpu.memory_space<vmem>>
        %dma_start3A_539 = tpu.memref_squeeze %dma_start3A_538 : memref<1x8x128xi32, #tpu.memory_space<vmem>> -> memref<8x128xi32, #tpu.memory_space<vmem>>
        %dma_start3A_540 = arith.constant 0 : i32
        %dma_start3A_541 = tpu.memref_slice %arg4[%add3A_523, %dma_start3A_540] : memref<2560x128xi32, #tpu.memory_space<hbm>> -> memref<8x128xi32, #tpu.memory_space<hbm>>
        %dma_start3A_542 = arith.constant 0 : i32
        %dma_start3A_543 = arith.constant 0 : i32
        %dma_start3A_544 = tpu.memref_slice %arg7[%select_n3A_131, %dma_start3A_542, %dma_start3A_543] : memref<2x8x128xi32, #tpu.memory_space<vmem>> -> memref<1x8x128xi32, #tpu.memory_space<vmem>>
        %dma_start3A_545 = tpu.memref_squeeze %dma_start3A_544 : memref<1x8x128xi32, #tpu.memory_space<vmem>> -> memref<8x128xi32, #tpu.memory_space<vmem>>
        %dma_start3A_546 = arith.constant 0 : i32
        %dma_start3A_547 = tpu.memref_slice %arg4[%add3A_523, %dma_start3A_546] : memref<2560x128xi32, #tpu.memory_space<hbm>> -> memref<8x128xi32, #tpu.memory_space<hbm>>
        tpu.enqueue_dma source(%dma_start3A_547 : memref<8x128xi32, #tpu.memory_space<hbm>>) target(%dma_start3A_545 : memref<8x128xi32, #tpu.memory_space<vmem>>) target_semaphore(%arg11 : memref<!tpu.dma_semaphore, #tpu.memory_space<semaphore_mem>>)
      } else {
      }
      %add3A_511 = arith.constant 1 : i32
      %add3A_512 = arith.addi %scan3A_121, %add3A_511 : i32
      %lt3A_513 = arith.constant 10 : i32
      %lt3A_514 = arith.cmpi slt, %add3A_512, %lt3A_513 : i32
      %convert_element_type3A_515 = arith.extui %lt3A_514 : i1 to i32
      %cond3A_516 = arith.constant 0 : i32
      %cond3A_517 = arith.cmpi ne, %convert_element_type3A_515, %cond3A_516 : i32
      scf.if %cond3A_517 {
        %dma_start3A_519 = arith.constant 1 : i32
        %dma_start3A_520 = arith.constant 1 : i32
        %dma_start3A_521 = arith.constant 0 : i32
        %dma_start3A_522 = arith.constant 0 : i32
        %dma_start3A_523 = tpu.memref_slice %arg8[%dma_start3A_520, %dma_start3A_521, %dma_start3A_522] : memref<2x128x128xf32, #tpu.memory_space<vmem>> -> memref<1x128x128xf32, #tpu.memory_space<vmem>>
        %dma_start3A_524 = tpu.memref_squeeze %dma_start3A_523 : memref<1x128x128xf32, #tpu.memory_space<vmem>> -> memref<128x128xf32, #tpu.memory_space<vmem>>
        %dma_start3A_525 = arith.constant 0 : i32
        %dma_start3A_526 = tpu.memref_slice %arg6[%sub3A_132, %dma_start3A_519, %dma_start3A_525] : memref<2x8x128xi32, #tpu.memory_space<vmem>> -> memref<1x1x128xi32, #tpu.memory_space<vmem>>
        %dma_start3A_527 = tpu.memref_squeeze %dma_start3A_526 : memref<1x1x128xi32, #tpu.memory_space<vmem>> -> memref<128xi32, #tpu.memory_space<vmem>>
        %dma_start3A_528 = arith.constant 0 : i32
        %dma_start3A_529 = arith.constant 0 : i32
        %dma_start3A_530 = tpu.memref_slice %arg2[%dma_start3A_528, %dma_start3A_529] : memref<10000x128xf32, #tpu.memory_space<hbm>> -> memref<10000x128xf32, #tpu.memory_space<hbm>>
        tpu.enqueue_indirect_dma source(%dma_start3A_530 : memref<10000x128xf32, #tpu.memory_space<hbm>>) target(%dma_start3A_524 : memref<128x128xf32, #tpu.memory_space<vmem>>) offsets(%dma_start3A_527 : memref<128xi32, #tpu.memory_space<vmem>>) semaphore(%arg9 : memref<!tpu.dma_semaphore, #tpu.memory_space<semaphore_mem>>)
      } else {
      }
      %scan3A_518 = arith.constant 0 : i32
      scf.yield %scan3A_518 : i32
    }
    %scan3A_89 = arith.constant 10 : i32
    %barrier3A_90 = arith.constant 0 : index
    tpu.barrier barrier_id(%barrier3A_90)
    %add3A_91 = arith.constant 0 : i32
    %add3A_92 = arith.addi %mul3A_41, %add3A_91 : i32
    %run_scoped3A_93 = arith.constant 0 : i32
    "tpu.region"() ({
      %run_scoped3A_121 = tpu.sem_alloc : memref<!tpu.dma_semaphore, #tpu.memory_space<semaphore_mem>>
      %dma_start3A_122 = arith.constant 0 : i32
      %dma_start3A_123 = arith.constant 0 : i32
      %dma_start3A_124 = tpu.memref_slice %arg8[%run_scoped3A_93, %dma_start3A_122, %dma_start3A_123] : memref<2x128x128xf32, #tpu.memory_space<vmem>> -> memref<1x128x128xf32, #tpu.memory_space<vmem>>
      %dma_start3A_125 = tpu.memref_squeeze %dma_start3A_124 : memref<1x128x128xf32, #tpu.memory_space<vmem>> -> memref<128x128xf32, #tpu.memory_space<vmem>>
      %dma_start3A_126 = arith.constant 0 : i32
      %dma_start3A_127 = tpu.memref_slice %arg12[%add3A_92, %dma_start3A_126] : memref<10112x128xf32, #tpu.memory_space<vmem_shared>> -> memref<128x128xf32, #tpu.memory_space<vmem_shared>>
      %dma_start3A_128 = arith.constant 0 : i32
      %dma_start3A_129 = arith.constant 0 : i32
      %dma_start3A_130 = tpu.memref_slice %arg8[%run_scoped3A_93, %dma_start3A_128, %dma_start3A_129] : memref<2x128x128xf32, #tpu.memory_space<vmem>> -> memref<1x128x128xf32, #tpu.memory_space<vmem>>
      %dma_start3A_131 = tpu.memref_squeeze %dma_start3A_130 : memref<1x128x128xf32, #tpu.memory_space<vmem>> -> memref<128x128xf32, #tpu.memory_space<vmem>>
      %dma_start3A_132 = arith.constant 0 : i32
      %dma_start3A_133 = tpu.memref_slice %arg12[%add3A_92, %dma_start3A_132] : memref<10112x128xf32, #tpu.memory_space<vmem_shared>> -> memref<128x128xf32, #tpu.memory_space<vmem_shared>>
      tpu.enqueue_dma source(%dma_start3A_133 : memref<128x128xf32, #tpu.memory_space<vmem_shared>>) target(%dma_start3A_131 : memref<128x128xf32, #tpu.memory_space<vmem>>) target_semaphore(%run_scoped3A_121 : memref<!tpu.dma_semaphore, #tpu.memory_space<semaphore_mem>>)
      %dma_wait3A = arith.constant 0 : i32
      %dma_wait3A_134 = arith.constant 0 : i32
      %dma_wait3A_135 = tpu.memref_slice %arg8[%run_scoped3A_93, %dma_wait3A, %dma_wait3A_134] : memref<2x128x128xf32, #tpu.memory_space<vmem>> -> memref<1x128x128xf32, #tpu.memory_space<vmem>>
      %dma_wait3A_136 = tpu.memref_squeeze %dma_wait3A_135 : memref<1x128x128xf32, #tpu.memory_space<vmem>> -> memref<128x128xf32, #tpu.memory_space<vmem>>
      %dma_wait3A_137 = arith.constant 0 : i32
      %dma_wait3A_138 = tpu.memref_slice %arg12[%add3A_92, %dma_wait3A_137] : memref<10112x128xf32, #tpu.memory_space<vmem_shared>> -> memref<128x128xf32, #tpu.memory_space<vmem_shared>>
      %dma_wait3A_139 = arith.constant 0 : i32
      %dma_wait3A_140 = arith.constant 0 : i32
      %dma_wait3A_141 = tpu.memref_slice %arg8[%run_scoped3A_93, %dma_wait3A_139, %dma_wait3A_140] : memref<2x128x128xf32, #tpu.memory_space<vmem>> -> memref<1x128x128xf32, #tpu.memory_space<vmem>>
      %dma_wait3A_142 = tpu.memref_squeeze %dma_wait3A_141 : memref<1x128x128xf32, #tpu.memory_space<vmem>> -> memref<128x128xf32, #tpu.memory_space<vmem>>
      %dma_wait3A_143 = arith.constant 0 : i32
      %dma_wait3A_144 = tpu.memref_slice %arg12[%add3A_92, %dma_wait3A_143] : memref<10112x128xf32, #tpu.memory_space<vmem_shared>> -> memref<128x128xf32, #tpu.memory_space<vmem_shared>>
      tpu.wait_dma2 semaphore(%run_scoped3A_121 : memref<!tpu.dma_semaphore, #tpu.memory_space<semaphore_mem>>) src(%dma_wait3A_144 : memref<128x128xf32, #tpu.memory_space<vmem_shared>>) dst(%dma_wait3A_142 : memref<128x128xf32, #tpu.memory_space<vmem>>)
      tpu.yield
    }) : () -> ()
    %add3A_94 = arith.constant 0 : i32
    %add3A_95 = arith.addi %mul3A_41, %add3A_94 : i32
    %run_scoped3A_96 = arith.constant 0 : i32
    "tpu.region"() ({
      %run_scoped3A_121 = tpu.sem_alloc : memref<!tpu.dma_semaphore, #tpu.memory_space<semaphore_mem>>
      %dma_start3A_122 = arith.constant 0 : i32
      %dma_start3A_123 = arith.constant 0 : i32
      %dma_start3A_124 = tpu.memref_slice %arg8[%run_scoped3A_96, %dma_start3A_122, %dma_start3A_123] : memref<2x128x128xf32, #tpu.memory_space<vmem>> -> memref<1x128x128xf32, #tpu.memory_space<vmem>>
      %dma_start3A_125 = tpu.memref_squeeze %dma_start3A_124 : memref<1x128x128xf32, #tpu.memory_space<vmem>> -> memref<128x128xf32, #tpu.memory_space<vmem>>
      %dma_start3A_126 = arith.constant 0 : i32
      %dma_start3A_127 = tpu.memref_slice %arg5[%arg0, %add3A_95, %dma_start3A_126] : memref<2x10112x128xf32, #tpu.memory_space<hbm>> -> memref<1x128x128xf32, #tpu.memory_space<hbm>>
      %dma_start3A_128 = tpu.memref_squeeze %dma_start3A_127 : memref<1x128x128xf32, #tpu.memory_space<hbm>> -> memref<128x128xf32, #tpu.memory_space<hbm>>
      %dma_start3A_129 = arith.constant 0 : i32
      %dma_start3A_130 = tpu.memref_slice %arg5[%arg0, %add3A_95, %dma_start3A_129] : memref<2x10112x128xf32, #tpu.memory_space<hbm>> -> memref<1x128x128xf32, #tpu.memory_space<hbm>>
      %dma_start3A_131 = tpu.memref_squeeze %dma_start3A_130 : memref<1x128x128xf32, #tpu.memory_space<hbm>> -> memref<128x128xf32, #tpu.memory_space<hbm>>
      %dma_start3A_132 = arith.constant 0 : i32
      %dma_start3A_133 = arith.constant 0 : i32
      %dma_start3A_134 = tpu.memref_slice %arg8[%run_scoped3A_96, %dma_start3A_132, %dma_start3A_133] : memref<2x128x128xf32, #tpu.memory_space<vmem>> -> memref<1x128x128xf32, #tpu.memory_space<vmem>>
      %dma_start3A_135 = tpu.memref_squeeze %dma_start3A_134 : memref<1x128x128xf32, #tpu.memory_space<vmem>> -> memref<128x128xf32, #tpu.memory_space<vmem>>
      tpu.enqueue_dma source(%dma_start3A_135 : memref<128x128xf32, #tpu.memory_space<vmem>>) target(%dma_start3A_131 : memref<128x128xf32, #tpu.memory_space<hbm>>) target_semaphore(%run_scoped3A_121 : memref<!tpu.dma_semaphore, #tpu.memory_space<semaphore_mem>>)
      %dma_wait3A = arith.constant 0 : i32
      %dma_wait3A_136 = arith.constant 0 : i32
      %dma_wait3A_137 = tpu.memref_slice %arg8[%run_scoped3A_96, %dma_wait3A, %dma_wait3A_136] : memref<2x128x128xf32, #tpu.memory_space<vmem>> -> memref<1x128x128xf32, #tpu.memory_space<vmem>>
      %dma_wait3A_138 = tpu.memref_squeeze %dma_wait3A_137 : memref<1x128x128xf32, #tpu.memory_space<vmem>> -> memref<128x128xf32, #tpu.memory_space<vmem>>
      %dma_wait3A_139 = arith.constant 0 : i32
      %dma_wait3A_140 = tpu.memref_slice %arg5[%arg0, %add3A_95, %dma_wait3A_139] : memref<2x10112x128xf32, #tpu.memory_space<hbm>> -> memref<1x128x128xf32, #tpu.memory_space<hbm>>
      %dma_wait3A_141 = tpu.memref_squeeze %dma_wait3A_140 : memref<1x128x128xf32, #tpu.memory_space<hbm>> -> memref<128x128xf32, #tpu.memory_space<hbm>>
      %dma_wait3A_142 = arith.constant 0 : i32
      %dma_wait3A_143 = tpu.memref_slice %arg5[%arg0, %add3A_95, %dma_wait3A_142] : memref<2x10112x128xf32, #tpu.memory_space<hbm>> -> memref<1x128x128xf32, #tpu.memory_space<hbm>>
      %dma_wait3A_144 = tpu.memref_squeeze %dma_wait3A_143 : memref<1x128x128xf32, #tpu.memory_space<hbm>> -> memref<128x128xf32, #tpu.memory_space<hbm>>
      %dma_wait3A_145 = arith.constant 0 : i32
      %dma_wait3A_146 = arith.constant 0 : i32
      %dma_wait3A_147 = tpu.memref_slice %arg8[%run_scoped3A_96, %dma_wait3A_145, %dma_wait3A_146] : memref<2x128x128xf32, #tpu.memory_space<vmem>> -> memref<1x128x128xf32, #tpu.memory_space<vmem>>
      %dma_wait3A_148 = tpu.memref_squeeze %dma_wait3A_147 : memref<1x128x128xf32, #tpu.memory_space<vmem>> -> memref<128x128xf32, #tpu.memory_space<vmem>>
      tpu.wait_dma2 semaphore(%run_scoped3A_121 : memref<!tpu.dma_semaphore, #tpu.memory_space<semaphore_mem>>) src(%dma_wait3A_148 : memref<128x128xf32, #tpu.memory_space<vmem>>) dst(%dma_wait3A_144 : memref<128x128xf32, #tpu.memory_space<hbm>>)
      tpu.yield
    }) : () -> ()
    %add3A_97 = arith.constant 128 : i32
    %add3A_98 = arith.addi %mul3A_41, %add3A_97 : i32
    %run_scoped3A_99 = arith.constant 0 : i32
    "tpu.region"() ({
      %run_scoped3A_121 = tpu.sem_alloc : memref<!tpu.dma_semaphore, #tpu.memory_space<semaphore_mem>>
      %dma_start3A_122 = arith.constant 0 : i32
      %dma_start3A_123 = arith.constant 0 : i32
      %dma_start3A_124 = tpu.memref_slice %arg8[%run_scoped3A_99, %dma_start3A_122, %dma_start3A_123] : memref<2x128x128xf32, #tpu.memory_space<vmem>> -> memref<1x128x128xf32, #tpu.memory_space<vmem>>
      %dma_start3A_125 = tpu.memref_squeeze %dma_start3A_124 : memref<1x128x128xf32, #tpu.memory_space<vmem>> -> memref<128x128xf32, #tpu.memory_space<vmem>>
      %dma_start3A_126 = arith.constant 0 : i32
      %dma_start3A_127 = tpu.memref_slice %arg12[%add3A_98, %dma_start3A_126] : memref<10112x128xf32, #tpu.memory_space<vmem_shared>> -> memref<128x128xf32, #tpu.memory_space<vmem_shared>>
      %dma_start3A_128 = arith.constant 0 : i32
      %dma_start3A_129 = arith.constant 0 : i32
      %dma_start3A_130 = tpu.memref_slice %arg8[%run_scoped3A_99, %dma_start3A_128, %dma_start3A_129] : memref<2x128x128xf32, #tpu.memory_space<vmem>> -> memref<1x128x128xf32, #tpu.memory_space<vmem>>
      %dma_start3A_131 = tpu.memref_squeeze %dma_start3A_130 : memref<1x128x128xf32, #tpu.memory_space<vmem>> -> memref<128x128xf32, #tpu.memory_space<vmem>>
      %dma_start3A_132 = arith.constant 0 : i32
      %dma_start3A_133 = tpu.memref_slice %arg12[%add3A_98, %dma_start3A_132] : memref<10112x128xf32, #tpu.memory_space<vmem_shared>> -> memref<128x128xf32, #tpu.memory_space<vmem_shared>>
      tpu.enqueue_dma source(%dma_start3A_133 : memref<128x128xf32, #tpu.memory_space<vmem_shared>>) target(%dma_start3A_131 : memref<128x128xf32, #tpu.memory_space<vmem>>) target_semaphore(%run_scoped3A_121 : memref<!tpu.dma_semaphore, #tpu.memory_space<semaphore_mem>>)
      %dma_wait3A = arith.constant 0 : i32
      %dma_wait3A_134 = arith.constant 0 : i32
      %dma_wait3A_135 = tpu.memref_slice %arg8[%run_scoped3A_99, %dma_wait3A, %dma_wait3A_134] : memref<2x128x128xf32, #tpu.memory_space<vmem>> -> memref<1x128x128xf32, #tpu.memory_space<vmem>>
      %dma_wait3A_136 = tpu.memref_squeeze %dma_wait3A_135 : memref<1x128x128xf32, #tpu.memory_space<vmem>> -> memref<128x128xf32, #tpu.memory_space<vmem>>
      %dma_wait3A_137 = arith.constant 0 : i32
      %dma_wait3A_138 = tpu.memref_slice %arg12[%add3A_98, %dma_wait3A_137] : memref<10112x128xf32, #tpu.memory_space<vmem_shared>> -> memref<128x128xf32, #tpu.memory_space<vmem_shared>>
      %dma_wait3A_139 = arith.constant 0 : i32
      %dma_wait3A_140 = arith.constant 0 : i32
      %dma_wait3A_141 = tpu.memref_slice %arg8[%run_scoped3A_99, %dma_wait3A_139, %dma_wait3A_140] : memref<2x128x128xf32, #tpu.memory_space<vmem>> -> memref<1x128x128xf32, #tpu.memory_space<vmem>>
      %dma_wait3A_142 = tpu.memref_squeeze %dma_wait3A_141 : memref<1x128x128xf32, #tpu.memory_space<vmem>> -> memref<128x128xf32, #tpu.memory_space<vmem>>
      %dma_wait3A_143 = arith.constant 0 : i32
      %dma_wait3A_144 = tpu.memref_slice %arg12[%add3A_98, %dma_wait3A_143] : memref<10112x128xf32, #tpu.memory_space<vmem_shared>> -> memref<128x128xf32, #tpu.memory_space<vmem_shared>>
      tpu.wait_dma2 semaphore(%run_scoped3A_121 : memref<!tpu.dma_semaphore, #tpu.memory_space<semaphore_mem>>) src(%dma_wait3A_144 : memref<128x128xf32, #tpu.memory_space<vmem_shared>>) dst(%dma_wait3A_142 : memref<128x128xf32, #tpu.memory_space<vmem>>)
      tpu.yield
    }) : () -> ()
    %add3A_100 = arith.constant 128 : i32
    %add3A_101 = arith.addi %mul3A_41, %add3A_100 : i32
    %run_scoped3A_102 = arith.constant 0 : i32
    "tpu.region"() ({
      %run_scoped3A_121 = tpu.sem_alloc : memref<!tpu.dma_semaphore, #tpu.memory_space<semaphore_mem>>
      %dma_start3A_122 = arith.constant 0 : i32
      %dma_start3A_123 = arith.constant 0 : i32
      %dma_start3A_124 = tpu.memref_slice %arg8[%run_scoped3A_102, %dma_start3A_122, %dma_start3A_123] : memref<2x128x128xf32, #tpu.memory_space<vmem>> -> memref<1x128x128xf32, #tpu.memory_space<vmem>>
      %dma_start3A_125 = tpu.memref_squeeze %dma_start3A_124 : memref<1x128x128xf32, #tpu.memory_space<vmem>> -> memref<128x128xf32, #tpu.memory_space<vmem>>
      %dma_start3A_126 = arith.constant 0 : i32
      %dma_start3A_127 = tpu.memref_slice %arg5[%arg0, %add3A_101, %dma_start3A_126] : memref<2x10112x128xf32, #tpu.memory_space<hbm>> -> memref<1x128x128xf32, #tpu.memory_space<hbm>>
      %dma_start3A_128 = tpu.memref_squeeze %dma_start3A_127 : memref<1x128x128xf32, #tpu.memory_space<hbm>> -> memref<128x128xf32, #tpu.memory_space<hbm>>
      %dma_start3A_129 = arith.constant 0 : i32
      %dma_start3A_130 = tpu.memref_slice %arg5[%arg0, %add3A_101, %dma_start3A_129] : memref<2x10112x128xf32, #tpu.memory_space<hbm>> -> memref<1x128x128xf32, #tpu.memory_space<hbm>>
      %dma_start3A_131 = tpu.memref_squeeze %dma_start3A_130 : memref<1x128x128xf32, #tpu.memory_space<hbm>> -> memref<128x128xf32, #tpu.memory_space<hbm>>
      %dma_start3A_132 = arith.constant 0 : i32
      %dma_start3A_133 = arith.constant 0 : i32
      %dma_start3A_134 = tpu.memref_slice %arg8[%run_scoped3A_102, %dma_start3A_132, %dma_start3A_133] : memref<2x128x128xf32, #tpu.memory_space<vmem>> -> memref<1x128x128xf32, #tpu.memory_space<vmem>>
      %dma_start3A_135 = tpu.memref_squeeze %dma_start3A_134 : memref<1x128x128xf32, #tpu.memory_space<vmem>> -> memref<128x128xf32, #tpu.memory_space<vmem>>
      tpu.enqueue_dma source(%dma_start3A_135 : memref<128x128xf32, #tpu.memory_space<vmem>>) target(%dma_start3A_131 : memref<128x128xf32, #tpu.memory_space<hbm>>) target_semaphore(%run_scoped3A_121 : memref<!tpu.dma_semaphore, #tpu.memory_space<semaphore_mem>>)
      %dma_wait3A = arith.constant 0 : i32
      %dma_wait3A_136 = arith.constant 0 : i32
      %dma_wait3A_137 = tpu.memref_slice %arg8[%run_scoped3A_102, %dma_wait3A, %dma_wait3A_136] : memref<2x128x128xf32, #tpu.memory_space<vmem>> -> memref<1x128x128xf32, #tpu.memory_space<vmem>>
      %dma_wait3A_138 = tpu.memref_squeeze %dma_wait3A_137 : memref<1x128x128xf32, #tpu.memory_space<vmem>> -> memref<128x128xf32, #tpu.memory_space<vmem>>
      %dma_wait3A_139 = arith.constant 0 : i32
      %dma_wait3A_140 = tpu.memref_slice %arg5[%arg0, %add3A_101, %dma_wait3A_139] : memref<2x10112x128xf32, #tpu.memory_space<hbm>> -> memref<1x128x128xf32, #tpu.memory_space<hbm>>
      %dma_wait3A_141 = tpu.memref_squeeze %dma_wait3A_140 : memref<1x128x128xf32, #tpu.memory_space<hbm>> -> memref<128x128xf32, #tpu.memory_space<hbm>>
      %dma_wait3A_142 = arith.constant 0 : i32
      %dma_wait3A_143 = tpu.memref_slice %arg5[%arg0, %add3A_101, %dma_wait3A_142] : memref<2x10112x128xf32, #tpu.memory_space<hbm>> -> memref<1x128x128xf32, #tpu.memory_space<hbm>>
      %dma_wait3A_144 = tpu.memref_squeeze %dma_wait3A_143 : memref<1x128x128xf32, #tpu.memory_space<hbm>> -> memref<128x128xf32, #tpu.memory_space<hbm>>
      %dma_wait3A_145 = arith.constant 0 : i32
      %dma_wait3A_146 = arith.constant 0 : i32
      %dma_wait3A_147 = tpu.memref_slice %arg8[%run_scoped3A_102, %dma_wait3A_145, %dma_wait3A_146] : memref<2x128x128xf32, #tpu.memory_space<vmem>> -> memref<1x128x128xf32, #tpu.memory_space<vmem>>
      %dma_wait3A_148 = tpu.memref_squeeze %dma_wait3A_147 : memref<1x128x128xf32, #tpu.memory_space<vmem>> -> memref<128x128xf32, #tpu.memory_space<vmem>>
      tpu.wait_dma2 semaphore(%run_scoped3A_121 : memref<!tpu.dma_semaphore, #tpu.memory_space<semaphore_mem>>) src(%dma_wait3A_148 : memref<128x128xf32, #tpu.memory_space<vmem>>) dst(%dma_wait3A_144 : memref<128x128xf32, #tpu.memory_space<hbm>>)
      tpu.yield
    }) : () -> ()
    %add3A_103 = arith.constant 256 : i32
    %add3A_104 = arith.addi %mul3A_41, %add3A_103 : i32
    %run_scoped3A_105 = arith.constant 0 : i32
    "tpu.region"() ({
      %run_scoped3A_121 = tpu.sem_alloc : memref<!tpu.dma_semaphore, #tpu.memory_space<semaphore_mem>>
      %dma_start3A_122 = arith.constant 0 : i32
      %dma_start3A_123 = arith.constant 0 : i32
      %dma_start3A_124 = tpu.memref_slice %arg8[%run_scoped3A_105, %dma_start3A_122, %dma_start3A_123] : memref<2x128x128xf32, #tpu.memory_space<vmem>> -> memref<1x128x128xf32, #tpu.memory_space<vmem>>
      %dma_start3A_125 = tpu.memref_squeeze %dma_start3A_124 : memref<1x128x128xf32, #tpu.memory_space<vmem>> -> memref<128x128xf32, #tpu.memory_space<vmem>>
      %dma_start3A_126 = arith.constant 0 : i32
      %dma_start3A_127 = tpu.memref_slice %arg12[%add3A_104, %dma_start3A_126] : memref<10112x128xf32, #tpu.memory_space<vmem_shared>> -> memref<128x128xf32, #tpu.memory_space<vmem_shared>>
      %dma_start3A_128 = arith.constant 0 : i32
      %dma_start3A_129 = arith.constant 0 : i32
      %dma_start3A_130 = tpu.memref_slice %arg8[%run_scoped3A_105, %dma_start3A_128, %dma_start3A_129] : memref<2x128x128xf32, #tpu.memory_space<vmem>> -> memref<1x128x128xf32, #tpu.memory_space<vmem>>
      %dma_start3A_131 = tpu.memref_squeeze %dma_start3A_130 : memref<1x128x128xf32, #tpu.memory_space<vmem>> -> memref<128x128xf32, #tpu.memory_space<vmem>>
      %dma_start3A_132 = arith.constant 0 : i32
      %dma_start3A_133 = tpu.memref_slice %arg12[%add3A_104, %dma_start3A_132] : memref<10112x128xf32, #tpu.memory_space<vmem_shared>> -> memref<128x128xf32, #tpu.memory_space<vmem_shared>>
      tpu.enqueue_dma source(%dma_start3A_133 : memref<128x128xf32, #tpu.memory_space<vmem_shared>>) target(%dma_start3A_131 : memref<128x128xf32, #tpu.memory_space<vmem>>) target_semaphore(%run_scoped3A_121 : memref<!tpu.dma_semaphore, #tpu.memory_space<semaphore_mem>>)
      %dma_wait3A = arith.constant 0 : i32
      %dma_wait3A_134 = arith.constant 0 : i32
      %dma_wait3A_135 = tpu.memref_slice %arg8[%run_scoped3A_105, %dma_wait3A, %dma_wait3A_134] : memref<2x128x128xf32, #tpu.memory_space<vmem>> -> memref<1x128x128xf32, #tpu.memory_space<vmem>>
      %dma_wait3A_136 = tpu.memref_squeeze %dma_wait3A_135 : memref<1x128x128xf32, #tpu.memory_space<vmem>> -> memref<128x128xf32, #tpu.memory_space<vmem>>
      %dma_wait3A_137 = arith.constant 0 : i32
      %dma_wait3A_138 = tpu.memref_slice %arg12[%add3A_104, %dma_wait3A_137] : memref<10112x128xf32, #tpu.memory_space<vmem_shared>> -> memref<128x128xf32, #tpu.memory_space<vmem_shared>>
      %dma_wait3A_139 = arith.constant 0 : i32
      %dma_wait3A_140 = arith.constant 0 : i32
      %dma_wait3A_141 = tpu.memref_slice %arg8[%run_scoped3A_105, %dma_wait3A_139, %dma_wait3A_140] : memref<2x128x128xf32, #tpu.memory_space<vmem>> -> memref<1x128x128xf32, #tpu.memory_space<vmem>>
      %dma_wait3A_142 = tpu.memref_squeeze %dma_wait3A_141 : memref<1x128x128xf32, #tpu.memory_space<vmem>> -> memref<128x128xf32, #tpu.memory_space<vmem>>
      %dma_wait3A_143 = arith.constant 0 : i32
      %dma_wait3A_144 = tpu.memref_slice %arg12[%add3A_104, %dma_wait3A_143] : memref<10112x128xf32, #tpu.memory_space<vmem_shared>> -> memref<128x128xf32, #tpu.memory_space<vmem_shared>>
      tpu.wait_dma2 semaphore(%run_scoped3A_121 : memref<!tpu.dma_semaphore, #tpu.memory_space<semaphore_mem>>) src(%dma_wait3A_144 : memref<128x128xf32, #tpu.memory_space<vmem_shared>>) dst(%dma_wait3A_142 : memref<128x128xf32, #tpu.memory_space<vmem>>)
      tpu.yield
    }) : () -> ()
    %add3A_106 = arith.constant 256 : i32
    %add3A_107 = arith.addi %mul3A_41, %add3A_106 : i32
    %run_scoped3A_108 = arith.constant 0 : i32
    "tpu.region"() ({
      %run_scoped3A_121 = tpu.sem_alloc : memref<!tpu.dma_semaphore, #tpu.memory_space<semaphore_mem>>
      %dma_start3A_122 = arith.constant 0 : i32
      %dma_start3A_123 = arith.constant 0 : i32
      %dma_start3A_124 = tpu.memref_slice %arg8[%run_scoped3A_108, %dma_start3A_122, %dma_start3A_123] : memref<2x128x128xf32, #tpu.memory_space<vmem>> -> memref<1x128x128xf32, #tpu.memory_space<vmem>>
      %dma_start3A_125 = tpu.memref_squeeze %dma_start3A_124 : memref<1x128x128xf32, #tpu.memory_space<vmem>> -> memref<128x128xf32, #tpu.memory_space<vmem>>
      %dma_start3A_126 = arith.constant 0 : i32
      %dma_start3A_127 = tpu.memref_slice %arg5[%arg0, %add3A_107, %dma_start3A_126] : memref<2x10112x128xf32, #tpu.memory_space<hbm>> -> memref<1x128x128xf32, #tpu.memory_space<hbm>>
      %dma_start3A_128 = tpu.memref_squeeze %dma_start3A_127 : memref<1x128x128xf32, #tpu.memory_space<hbm>> -> memref<128x128xf32, #tpu.memory_space<hbm>>
      %dma_start3A_129 = arith.constant 0 : i32
      %dma_start3A_130 = tpu.memref_slice %arg5[%arg0, %add3A_107, %dma_start3A_129] : memref<2x10112x128xf32, #tpu.memory_space<hbm>> -> memref<1x128x128xf32, #tpu.memory_space<hbm>>
      %dma_start3A_131 = tpu.memref_squeeze %dma_start3A_130 : memref<1x128x128xf32, #tpu.memory_space<hbm>> -> memref<128x128xf32, #tpu.memory_space<hbm>>
      %dma_start3A_132 = arith.constant 0 : i32
      %dma_start3A_133 = arith.constant 0 : i32
      %dma_start3A_134 = tpu.memref_slice %arg8[%run_scoped3A_108, %dma_start3A_132, %dma_start3A_133] : memref<2x128x128xf32, #tpu.memory_space<vmem>> -> memref<1x128x128xf32, #tpu.memory_space<vmem>>
      %dma_start3A_135 = tpu.memref_squeeze %dma_start3A_134 : memref<1x128x128xf32, #tpu.memory_space<vmem>> -> memref<128x128xf32, #tpu.memory_space<vmem>>
      tpu.enqueue_dma source(%dma_start3A_135 : memref<128x128xf32, #tpu.memory_space<vmem>>) target(%dma_start3A_131 : memref<128x128xf32, #tpu.memory_space<hbm>>) target_semaphore(%run_scoped3A_121 : memref<!tpu.dma_semaphore, #tpu.memory_space<semaphore_mem>>)
      %dma_wait3A = arith.constant 0 : i32
      %dma_wait3A_136 = arith.constant 0 : i32
      %dma_wait3A_137 = tpu.memref_slice %arg8[%run_scoped3A_108, %dma_wait3A, %dma_wait3A_136] : memref<2x128x128xf32, #tpu.memory_space<vmem>> -> memref<1x128x128xf32, #tpu.memory_space<vmem>>
      %dma_wait3A_138 = tpu.memref_squeeze %dma_wait3A_137 : memref<1x128x128xf32, #tpu.memory_space<vmem>> -> memref<128x128xf32, #tpu.memory_space<vmem>>
      %dma_wait3A_139 = arith.constant 0 : i32
      %dma_wait3A_140 = tpu.memref_slice %arg5[%arg0, %add3A_107, %dma_wait3A_139] : memref<2x10112x128xf32, #tpu.memory_space<hbm>> -> memref<1x128x128xf32, #tpu.memory_space<hbm>>
      %dma_wait3A_141 = tpu.memref_squeeze %dma_wait3A_140 : memref<1x128x128xf32, #tpu.memory_space<hbm>> -> memref<128x128xf32, #tpu.memory_space<hbm>>
      %dma_wait3A_142 = arith.constant 0 : i32
      %dma_wait3A_143 = tpu.memref_slice %arg5[%arg0, %add3A_107, %dma_wait3A_142] : memref<2x10112x128xf32, #tpu.memory_space<hbm>> -> memref<1x128x128xf32, #tpu.memory_space<hbm>>
      %dma_wait3A_144 = tpu.memref_squeeze %dma_wait3A_143 : memref<1x128x128xf32, #tpu.memory_space<hbm>> -> memref<128x128xf32, #tpu.memory_space<hbm>>
      %dma_wait3A_145 = arith.constant 0 : i32
      %dma_wait3A_146 = arith.constant 0 : i32
      %dma_wait3A_147 = tpu.memref_slice %arg8[%run_scoped3A_108, %dma_wait3A_145, %dma_wait3A_146] : memref<2x128x128xf32, #tpu.memory_space<vmem>> -> memref<1x128x128xf32, #tpu.memory_space<vmem>>
      %dma_wait3A_148 = tpu.memref_squeeze %dma_wait3A_147 : memref<1x128x128xf32, #tpu.memory_space<vmem>> -> memref<128x128xf32, #tpu.memory_space<vmem>>
      tpu.wait_dma2 semaphore(%run_scoped3A_121 : memref<!tpu.dma_semaphore, #tpu.memory_space<semaphore_mem>>) src(%dma_wait3A_148 : memref<128x128xf32, #tpu.memory_space<vmem>>) dst(%dma_wait3A_144 : memref<128x128xf32, #tpu.memory_space<hbm>>)
      tpu.yield
    }) : () -> ()
    %add3A_109 = arith.constant 384 : i32
    %add3A_110 = arith.addi %mul3A_41, %add3A_109 : i32
    %run_scoped3A_111 = arith.constant 0 : i32
    "tpu.region"() ({
      %run_scoped3A_121 = tpu.sem_alloc : memref<!tpu.dma_semaphore, #tpu.memory_space<semaphore_mem>>
      %dma_start3A_122 = arith.constant 0 : i32
      %dma_start3A_123 = arith.constant 0 : i32
      %dma_start3A_124 = tpu.memref_slice %arg8[%run_scoped3A_111, %dma_start3A_122, %dma_start3A_123] : memref<2x128x128xf32, #tpu.memory_space<vmem>> -> memref<1x128x128xf32, #tpu.memory_space<vmem>>
      %dma_start3A_125 = tpu.memref_squeeze %dma_start3A_124 : memref<1x128x128xf32, #tpu.memory_space<vmem>> -> memref<128x128xf32, #tpu.memory_space<vmem>>
      %dma_start3A_126 = arith.constant 0 : i32
      %dma_start3A_127 = tpu.memref_slice %arg12[%add3A_110, %dma_start3A_126] : memref<10112x128xf32, #tpu.memory_space<vmem_shared>> -> memref<128x128xf32, #tpu.memory_space<vmem_shared>>
      %dma_start3A_128 = arith.constant 0 : i32
      %dma_start3A_129 = arith.constant 0 : i32
      %dma_start3A_130 = tpu.memref_slice %arg8[%run_scoped3A_111, %dma_start3A_128, %dma_start3A_129] : memref<2x128x128xf32, #tpu.memory_space<vmem>> -> memref<1x128x128xf32, #tpu.memory_space<vmem>>
      %dma_start3A_131 = tpu.memref_squeeze %dma_start3A_130 : memref<1x128x128xf32, #tpu.memory_space<vmem>> -> memref<128x128xf32, #tpu.memory_space<vmem>>
      %dma_start3A_132 = arith.constant 0 : i32
      %dma_start3A_133 = tpu.memref_slice %arg12[%add3A_110, %dma_start3A_132] : memref<10112x128xf32, #tpu.memory_space<vmem_shared>> -> memref<128x128xf32, #tpu.memory_space<vmem_shared>>
      tpu.enqueue_dma source(%dma_start3A_133 : memref<128x128xf32, #tpu.memory_space<vmem_shared>>) target(%dma_start3A_131 : memref<128x128xf32, #tpu.memory_space<vmem>>) target_semaphore(%run_scoped3A_121 : memref<!tpu.dma_semaphore, #tpu.memory_space<semaphore_mem>>)
      %dma_wait3A = arith.constant 0 : i32
      %dma_wait3A_134 = arith.constant 0 : i32
      %dma_wait3A_135 = tpu.memref_slice %arg8[%run_scoped3A_111, %dma_wait3A, %dma_wait3A_134] : memref<2x128x128xf32, #tpu.memory_space<vmem>> -> memref<1x128x128xf32, #tpu.memory_space<vmem>>
      %dma_wait3A_136 = tpu.memref_squeeze %dma_wait3A_135 : memref<1x128x128xf32, #tpu.memory_space<vmem>> -> memref<128x128xf32, #tpu.memory_space<vmem>>
      %dma_wait3A_137 = arith.constant 0 : i32
      %dma_wait3A_138 = tpu.memref_slice %arg12[%add3A_110, %dma_wait3A_137] : memref<10112x128xf32, #tpu.memory_space<vmem_shared>> -> memref<128x128xf32, #tpu.memory_space<vmem_shared>>
      %dma_wait3A_139 = arith.constant 0 : i32
      %dma_wait3A_140 = arith.constant 0 : i32
      %dma_wait3A_141 = tpu.memref_slice %arg8[%run_scoped3A_111, %dma_wait3A_139, %dma_wait3A_140] : memref<2x128x128xf32, #tpu.memory_space<vmem>> -> memref<1x128x128xf32, #tpu.memory_space<vmem>>
      %dma_wait3A_142 = tpu.memref_squeeze %dma_wait3A_141 : memref<1x128x128xf32, #tpu.memory_space<vmem>> -> memref<128x128xf32, #tpu.memory_space<vmem>>
      %dma_wait3A_143 = arith.constant 0 : i32
      %dma_wait3A_144 = tpu.memref_slice %arg12[%add3A_110, %dma_wait3A_143] : memref<10112x128xf32, #tpu.memory_space<vmem_shared>> -> memref<128x128xf32, #tpu.memory_space<vmem_shared>>
      tpu.wait_dma2 semaphore(%run_scoped3A_121 : memref<!tpu.dma_semaphore, #tpu.memory_space<semaphore_mem>>) src(%dma_wait3A_144 : memref<128x128xf32, #tpu.memory_space<vmem_shared>>) dst(%dma_wait3A_142 : memref<128x128xf32, #tpu.memory_space<vmem>>)
      tpu.yield
    }) : () -> ()
    %add3A_112 = arith.constant 384 : i32
    %add3A_113 = arith.addi %mul3A_41, %add3A_112 : i32
    %run_scoped3A_114 = arith.constant 0 : i32
    "tpu.region"() ({
      %run_scoped3A_121 = tpu.sem_alloc : memref<!tpu.dma_semaphore, #tpu.memory_space<semaphore_mem>>
      %dma_start3A_122 = arith.constant 0 : i32
      %dma_start3A_123 = arith.constant 0 : i32
      %dma_start3A_124 = tpu.memref_slice %arg8[%run_scoped3A_114, %dma_start3A_122, %dma_start3A_123] : memref<2x128x128xf32, #tpu.memory_space<vmem>> -> memref<1x128x128xf32, #tpu.memory_space<vmem>>
      %dma_start3A_125 = tpu.memref_squeeze %dma_start3A_124 : memref<1x128x128xf32, #tpu.memory_space<vmem>> -> memref<128x128xf32, #tpu.memory_space<vmem>>
      %dma_start3A_126 = arith.constant 0 : i32
      %dma_start3A_127 = tpu.memref_slice %arg5[%arg0, %add3A_113, %dma_start3A_126] : memref<2x10112x128xf32, #tpu.memory_space<hbm>> -> memref<1x128x128xf32, #tpu.memory_space<hbm>>
      %dma_start3A_128 = tpu.memref_squeeze %dma_start3A_127 : memref<1x128x128xf32, #tpu.memory_space<hbm>> -> memref<128x128xf32, #tpu.memory_space<hbm>>
      %dma_start3A_129 = arith.constant 0 : i32
      %dma_start3A_130 = tpu.memref_slice %arg5[%arg0, %add3A_113, %dma_start3A_129] : memref<2x10112x128xf32, #tpu.memory_space<hbm>> -> memref<1x128x128xf32, #tpu.memory_space<hbm>>
      %dma_start3A_131 = tpu.memref_squeeze %dma_start3A_130 : memref<1x128x128xf32, #tpu.memory_space<hbm>> -> memref<128x128xf32, #tpu.memory_space<hbm>>
      %dma_start3A_132 = arith.constant 0 : i32
      %dma_start3A_133 = arith.constant 0 : i32
      %dma_start3A_134 = tpu.memref_slice %arg8[%run_scoped3A_114, %dma_start3A_132, %dma_start3A_133] : memref<2x128x128xf32, #tpu.memory_space<vmem>> -> memref<1x128x128xf32, #tpu.memory_space<vmem>>
      %dma_start3A_135 = tpu.memref_squeeze %dma_start3A_134 : memref<1x128x128xf32, #tpu.memory_space<vmem>> -> memref<128x128xf32, #tpu.memory_space<vmem>>
      tpu.enqueue_dma source(%dma_start3A_135 : memref<128x128xf32, #tpu.memory_space<vmem>>) target(%dma_start3A_131 : memref<128x128xf32, #tpu.memory_space<hbm>>) target_semaphore(%run_scoped3A_121 : memref<!tpu.dma_semaphore, #tpu.memory_space<semaphore_mem>>)
      %dma_wait3A = arith.constant 0 : i32
      %dma_wait3A_136 = arith.constant 0 : i32
      %dma_wait3A_137 = tpu.memref_slice %arg8[%run_scoped3A_114, %dma_wait3A, %dma_wait3A_136] : memref<2x128x128xf32, #tpu.memory_space<vmem>> -> memref<1x128x128xf32, #tpu.memory_space<vmem>>
      %dma_wait3A_138 = tpu.memref_squeeze %dma_wait3A_137 : memref<1x128x128xf32, #tpu.memory_space<vmem>> -> memref<128x128xf32, #tpu.memory_space<vmem>>
      %dma_wait3A_139 = arith.constant 0 : i32
      %dma_wait3A_140 = tpu.memref_slice %arg5[%arg0, %add3A_113, %dma_wait3A_139] : memref<2x10112x128xf32, #tpu.memory_space<hbm>> -> memref<1x128x128xf32, #tpu.memory_space<hbm>>
      %dma_wait3A_141 = tpu.memref_squeeze %dma_wait3A_140 : memref<1x128x128xf32, #tpu.memory_space<hbm>> -> memref<128x128xf32, #tpu.memory_space<hbm>>
      %dma_wait3A_142 = arith.constant 0 : i32
      %dma_wait3A_143 = tpu.memref_slice %arg5[%arg0, %add3A_113, %dma_wait3A_142] : memref<2x10112x128xf32, #tpu.memory_space<hbm>> -> memref<1x128x128xf32, #tpu.memory_space<hbm>>
      %dma_wait3A_144 = tpu.memref_squeeze %dma_wait3A_143 : memref<1x128x128xf32, #tpu.memory_space<hbm>> -> memref<128x128xf32, #tpu.memory_space<hbm>>
      %dma_wait3A_145 = arith.constant 0 : i32
      %dma_wait3A_146 = arith.constant 0 : i32
      %dma_wait3A_147 = tpu.memref_slice %arg8[%run_scoped3A_114, %dma_wait3A_145, %dma_wait3A_146] : memref<2x128x128xf32, #tpu.memory_space<vmem>> -> memref<1x128x128xf32, #tpu.memory_space<vmem>>
      %dma_wait3A_148 = tpu.memref_squeeze %dma_wait3A_147 : memref<1x128x128xf32, #tpu.memory_space<vmem>> -> memref<128x128xf32, #tpu.memory_space<vmem>>
      tpu.wait_dma2 semaphore(%run_scoped3A_121 : memref<!tpu.dma_semaphore, #tpu.memory_space<semaphore_mem>>) src(%dma_wait3A_148 : memref<128x128xf32, #tpu.memory_space<vmem>>) dst(%dma_wait3A_144 : memref<128x128xf32, #tpu.memory_space<hbm>>)
      tpu.yield
    }) : () -> ()
    %add3A_115 = arith.constant 512 : i32
    %add3A_116 = arith.addi %mul3A_41, %add3A_115 : i32
    %run_scoped3A_117 = arith.constant 0 : i32
    "tpu.region"() ({
      %run_scoped3A_121 = tpu.sem_alloc : memref<!tpu.dma_semaphore, #tpu.memory_space<semaphore_mem>>
      %dma_start3A_122 = arith.constant 0 : i32
      %dma_start3A_123 = arith.constant 0 : i32
      %dma_start3A_124 = tpu.memref_slice %arg8[%run_scoped3A_117, %dma_start3A_122, %dma_start3A_123] : memref<2x128x128xf32, #tpu.memory_space<vmem>> -> memref<1x120x128xf32, #tpu.memory_space<vmem>>
      %dma_start3A_125 = tpu.memref_squeeze %dma_start3A_124 : memref<1x120x128xf32, #tpu.memory_space<vmem>> -> memref<120x128xf32, #tpu.memory_space<vmem>>
      %dma_start3A_126 = arith.constant 0 : i32
      %dma_start3A_127 = tpu.memref_slice %arg12[%add3A_116, %dma_start3A_126] : memref<10112x128xf32, #tpu.memory_space<vmem_shared>> -> memref<120x128xf32, #tpu.memory_space<vmem_shared>>
      %dma_start3A_128 = arith.constant 0 : i32
      %dma_start3A_129 = arith.constant 0 : i32
      %dma_start3A_130 = tpu.memref_slice %arg8[%run_scoped3A_117, %dma_start3A_128, %dma_start3A_129] : memref<2x128x128xf32, #tpu.memory_space<vmem>> -> memref<1x120x128xf32, #tpu.memory_space<vmem>>
      %dma_start3A_131 = tpu.memref_squeeze %dma_start3A_130 : memref<1x120x128xf32, #tpu.memory_space<vmem>> -> memref<120x128xf32, #tpu.memory_space<vmem>>
      %dma_start3A_132 = arith.constant 0 : i32
      %dma_start3A_133 = tpu.memref_slice %arg12[%add3A_116, %dma_start3A_132] : memref<10112x128xf32, #tpu.memory_space<vmem_shared>> -> memref<120x128xf32, #tpu.memory_space<vmem_shared>>
      tpu.enqueue_dma source(%dma_start3A_133 : memref<120x128xf32, #tpu.memory_space<vmem_shared>>) target(%dma_start3A_131 : memref<120x128xf32, #tpu.memory_space<vmem>>) target_semaphore(%run_scoped3A_121 : memref<!tpu.dma_semaphore, #tpu.memory_space<semaphore_mem>>)
      %dma_wait3A = arith.constant 0 : i32
      %dma_wait3A_134 = arith.constant 0 : i32
      %dma_wait3A_135 = tpu.memref_slice %arg8[%run_scoped3A_117, %dma_wait3A, %dma_wait3A_134] : memref<2x128x128xf32, #tpu.memory_space<vmem>> -> memref<1x120x128xf32, #tpu.memory_space<vmem>>
      %dma_wait3A_136 = tpu.memref_squeeze %dma_wait3A_135 : memref<1x120x128xf32, #tpu.memory_space<vmem>> -> memref<120x128xf32, #tpu.memory_space<vmem>>
      %dma_wait3A_137 = arith.constant 0 : i32
      %dma_wait3A_138 = tpu.memref_slice %arg12[%add3A_116, %dma_wait3A_137] : memref<10112x128xf32, #tpu.memory_space<vmem_shared>> -> memref<120x128xf32, #tpu.memory_space<vmem_shared>>
      %dma_wait3A_139 = arith.constant 0 : i32
      %dma_wait3A_140 = arith.constant 0 : i32
      %dma_wait3A_141 = tpu.memref_slice %arg8[%run_scoped3A_117, %dma_wait3A_139, %dma_wait3A_140] : memref<2x128x128xf32, #tpu.memory_space<vmem>> -> memref<1x120x128xf32, #tpu.memory_space<vmem>>
      %dma_wait3A_142 = tpu.memref_squeeze %dma_wait3A_141 : memref<1x120x128xf32, #tpu.memory_space<vmem>> -> memref<120x128xf32, #tpu.memory_space<vmem>>
      %dma_wait3A_143 = arith.constant 0 : i32
      %dma_wait3A_144 = tpu.memref_slice %arg12[%add3A_116, %dma_wait3A_143] : memref<10112x128xf32, #tpu.memory_space<vmem_shared>> -> memref<120x128xf32, #tpu.memory_space<vmem_shared>>
      tpu.wait_dma2 semaphore(%run_scoped3A_121 : memref<!tpu.dma_semaphore, #tpu.memory_space<semaphore_mem>>) src(%dma_wait3A_144 : memref<120x128xf32, #tpu.memory_space<vmem_shared>>) dst(%dma_wait3A_142 : memref<120x128xf32, #tpu.memory_space<vmem>>)
      tpu.yield
    }) : () -> ()
    %add3A_118 = arith.constant 512 : i32
    %add3A_119 = arith.addi %mul3A_41, %add3A_118 : i32
    %run_scoped3A_120 = arith.constant 0 : i32
    "tpu.region"() ({
      %run_scoped3A_121 = tpu.sem_alloc : memref<!tpu.dma_semaphore, #tpu.memory_space<semaphore_mem>>
      %dma_start3A_122 = arith.constant 0 : i32
      %dma_start3A_123 = arith.constant 0 : i32
      %dma_start3A_124 = tpu.memref_slice %arg8[%run_scoped3A_120, %dma_start3A_122, %dma_start3A_123] : memref<2x128x128xf32, #tpu.memory_space<vmem>> -> memref<1x120x128xf32, #tpu.memory_space<vmem>>
      %dma_start3A_125 = tpu.memref_squeeze %dma_start3A_124 : memref<1x120x128xf32, #tpu.memory_space<vmem>> -> memref<120x128xf32, #tpu.memory_space<vmem>>
      %dma_start3A_126 = arith.constant 0 : i32
      %dma_start3A_127 = tpu.memref_slice %arg5[%arg0, %add3A_119, %dma_start3A_126] : memref<2x10112x128xf32, #tpu.memory_space<hbm>> -> memref<1x120x128xf32, #tpu.memory_space<hbm>>
      %dma_start3A_128 = tpu.memref_squeeze %dma_start3A_127 : memref<1x120x128xf32, #tpu.memory_space<hbm>> -> memref<120x128xf32, #tpu.memory_space<hbm>>
      %dma_start3A_129 = arith.constant 0 : i32
      %dma_start3A_130 = tpu.memref_slice %arg5[%arg0, %add3A_119, %dma_start3A_129] : memref<2x10112x128xf32, #tpu.memory_space<hbm>> -> memref<1x120x128xf32, #tpu.memory_space<hbm>>
      %dma_start3A_131 = tpu.memref_squeeze %dma_start3A_130 : memref<1x120x128xf32, #tpu.memory_space<hbm>> -> memref<120x128xf32, #tpu.memory_space<hbm>>
      %dma_start3A_132 = arith.constant 0 : i32
      %dma_start3A_133 = arith.constant 0 : i32
      %dma_start3A_134 = tpu.memref_slice %arg8[%run_scoped3A_120, %dma_start3A_132, %dma_start3A_133] : memref<2x128x128xf32, #tpu.memory_space<vmem>> -> memref<1x120x128xf32, #tpu.memory_space<vmem>>
      %dma_start3A_135 = tpu.memref_squeeze %dma_start3A_134 : memref<1x120x128xf32, #tpu.memory_space<vmem>> -> memref<120x128xf32, #tpu.memory_space<vmem>>
      tpu.enqueue_dma source(%dma_start3A_135 : memref<120x128xf32, #tpu.memory_space<vmem>>) target(%dma_start3A_131 : memref<120x128xf32, #tpu.memory_space<hbm>>) target_semaphore(%run_scoped3A_121 : memref<!tpu.dma_semaphore, #tpu.memory_space<semaphore_mem>>)
      %dma_wait3A = arith.constant 0 : i32
      %dma_wait3A_136 = arith.constant 0 : i32
      %dma_wait3A_137 = tpu.memref_slice %arg8[%run_scoped3A_120, %dma_wait3A, %dma_wait3A_136] : memref<2x128x128xf32, #tpu.memory_space<vmem>> -> memref<1x120x128xf32, #tpu.memory_space<vmem>>
      %dma_wait3A_138 = tpu.memref_squeeze %dma_wait3A_137 : memref<1x120x128xf32, #tpu.memory_space<vmem>> -> memref<120x128xf32, #tpu.memory_space<vmem>>
      %dma_wait3A_139 = arith.constant 0 : i32
      %dma_wait3A_140 = tpu.memref_slice %arg5[%arg0, %add3A_119, %dma_wait3A_139] : memref<2x10112x128xf32, #tpu.memory_space<hbm>> -> memref<1x120x128xf32, #tpu.memory_space<hbm>>
      %dma_wait3A_141 = tpu.memref_squeeze %dma_wait3A_140 : memref<1x120x128xf32, #tpu.memory_space<hbm>> -> memref<120x128xf32, #tpu.memory_space<hbm>>
      %dma_wait3A_142 = arith.constant 0 : i32
      %dma_wait3A_143 = tpu.memref_slice %arg5[%arg0, %add3A_119, %dma_wait3A_142] : memref<2x10112x128xf32, #tpu.memory_space<hbm>> -> memref<1x120x128xf32, #tpu.memory_space<hbm>>
      %dma_wait3A_144 = tpu.memref_squeeze %dma_wait3A_143 : memref<1x120x128xf32, #tpu.memory_space<hbm>> -> memref<120x128xf32, #tpu.memory_space<hbm>>
      %dma_wait3A_145 = arith.constant 0 : i32
      %dma_wait3A_146 = arith.constant 0 : i32
      %dma_wait3A_147 = tpu.memref_slice %arg8[%run_scoped3A_120, %dma_wait3A_145, %dma_wait3A_146] : memref<2x128x128xf32, #tpu.memory_space<vmem>> -> memref<1x120x128xf32, #tpu.memory_space<vmem>>
      %dma_wait3A_148 = tpu.memref_squeeze %dma_wait3A_147 : memref<1x120x128xf32, #tpu.memory_space<vmem>> -> memref<120x128xf32, #tpu.memory_space<vmem>>
      tpu.wait_dma2 semaphore(%run_scoped3A_121 : memref<!tpu.dma_semaphore, #tpu.memory_space<semaphore_mem>>) src(%dma_wait3A_148 : memref<120x128xf32, #tpu.memory_space<vmem>>) dst(%dma_wait3A_144 : memref<120x128xf32, #tpu.memory_space<hbm>>)
      tpu.yield
    }) : () -> ()
    return
  }
}

module attributes {stable_mosaic.version = 14 : i64} {
  func.func @_k1_body(%arg0: i32, %arg1: memref<1000x128xf32, #tpu.memory_space<vmem>>, %arg2: memref<128x128xf32, #tpu.memory_space<vmem>>, %arg3: memref<1x128xf32, #tpu.memory_space<vmem>>, %arg4: memref<1000x128xf32, #tpu.memory_space<vmem>>, %arg5: memref<8x128xf32, #tpu.memory_space<vmem>>) attributes {dimension_semantics = [#tpu.dimension_semantics<arbitrary>], iteration_bounds = array<i64: 10>, scalar_prefetch = 0 : i64, scratch_operands = 0 : i64, tpu.core_type = #tpu.core_type<tc>, window_params = [{transform_indices = @transform_0, window_bounds = array<i64: 1000, 128>}, {pipeline_mode = #tpu.pipeline_mode<synchronous>, transform_indices = @transform_1, window_bounds = array<i64: 128, 128>}, {pipeline_mode = #tpu.pipeline_mode<synchronous>, transform_indices = @transform_2, window_bounds = array<i64: 1, 128>}, {transform_indices = @transform_3, window_bounds = array<i64: 1000, 128>}, {pipeline_mode = #tpu.pipeline_mode<synchronous>, transform_indices = @transform_4, window_bounds = array<i64: 8, 128>}]} {
    %get3A = arith.constant 0 : index
    %get3A_0 = arith.constant 0 : index
    %get3A_1 = vector.load %arg1[%get3A, %get3A_0] : memref<1000x128xf32, #tpu.memory_space<vmem>>, vector<1000x128xf32>
    %get3A_2 = arith.constant 0 : index
    %get3A_3 = arith.constant 0 : index
    %get3A_4 = vector.load %arg2[%get3A_2, %get3A_3] : memref<128x128xf32, #tpu.memory_space<vmem>>, vector<128x128xf32>
    %dot_general3A = arith.constant dense<0.000000e+00> : vector<1000x128xf32>
    %dot_general3A_5 = tpu.matmul %get3A_1, %get3A_4, %dot_general3A {dimension_numbers = #tpu.dot_dimension_numbers<[1], [0], [0], [1], [0, 0, 1, 1], [], []>, transpose_lhs_hint = false} : vector<1000x128xf32>, vector<128x128xf32>, vector<1000x128xf32> -> vector<1000x128xf32>
    %get3A_6 = arith.constant 0 : index
    %get3A_7 = arith.constant 0 : index
    %get3A_8 = vector.load %arg3[%get3A_6, %get3A_7] : memref<1x128xf32, #tpu.memory_space<vmem>>, vector<1x128xf32>
    %add3A = vector.broadcast %get3A_8 : vector<1x128xf32> to vector<1000x128xf32>
    %add3A_9 = arith.addf %dot_general3A_5, %add3A : vector<1000x128xf32>
    %max3A = arith.constant 0.000000e+00 : f32
    %max3A_10 = vector.broadcast %max3A : f32 to vector<1000x128xf32>
    %max3A_11 = arith.maximumf %add3A_9, %max3A_10 : vector<1000x128xf32>
    %swap3A = arith.constant 0 : index
    %swap3A_12 = arith.constant 0 : index
    %swap3A_13 = vector.load %arg4[%swap3A, %swap3A_12] : memref<1000x128xf32, #tpu.memory_space<vmem>>, vector<1000x128xf32>
    tpu.vector_store %arg4[%swap3A, %swap3A_12], %max3A_11 {strides = array<i32>} : memref<1000x128xf32, #tpu.memory_space<vmem>>, vector<1000x128xf32>,
    %reduce_sum3A = arith.constant dense<0.000000e+00> : vector<128xf32>
    %reduce_sum3A_14 = vector.multi_reduction <add>, %max3A_11, %reduce_sum3A [0] : vector<1000x128xf32> to vector<128xf32>
    %broadcast_in_dim3A = vector.shape_cast %reduce_sum3A_14 : vector<128xf32> to vector<1x128xf32>
    %mul3A = arith.mulf %max3A_11, %max3A_11 : vector<1000x128xf32>
    %reduce_sum3A_15 = arith.constant dense<0.000000e+00> : vector<128xf32>
    %reduce_sum3A_16 = vector.multi_reduction <add>, %mul3A, %reduce_sum3A_15 [0] : vector<1000x128xf32> to vector<128xf32>
    %broadcast_in_dim3A_17 = vector.shape_cast %reduce_sum3A_16 : vector<128xf32> to vector<1x128xf32>
    %broadcast_in_dim3A_18 = arith.constant 0.000000e+00 : f32
    %broadcast_in_dim3A_19 = vector.broadcast %broadcast_in_dim3A_18 : f32 to vector<6x128xf32>
    %concatenate3A = tpu.concatenate %broadcast_in_dim3A, %broadcast_in_dim3A_17, %broadcast_in_dim3A_19 in 0 : vector<1x128xf32>, vector<1x128xf32>, vector<6x128xf32> -> vector<8x128xf32>
    %eq3A = arith.constant 0 : i32
    %eq3A_20 = arith.cmpi eq, %arg0, %eq3A : i32
    %convert_element_type3A = arith.extui %eq3A_20 : i1 to i32
    %cond3A = arith.constant 0 : i32
    %cond3A_21 = arith.cmpi ne, %convert_element_type3A, %cond3A : i32
    scf.if %cond3A_21 {
      %swap3A_26 = arith.constant 0 : index
      %swap3A_27 = arith.constant 0 : index
      %swap3A_28 = vector.load %arg5[%swap3A_26, %swap3A_27] : memref<8x128xf32, #tpu.memory_space<vmem>>, vector<8x128xf32>
      tpu.vector_store %arg5[%swap3A_26, %swap3A_27], %concatenate3A {strides = array<i32>} : memref<8x128xf32, #tpu.memory_space<vmem>>, vector<8x128xf32>,
    } else {
    }
    %ne3A = arith.constant 0 : i32
    %ne3A_22 = arith.cmpi ne, %arg0, %ne3A : i32
    %convert_element_type3A_23 = arith.extui %ne3A_22 : i1 to i32
    %cond3A_24 = arith.constant 0 : i32
    %cond3A_25 = arith.cmpi ne, %convert_element_type3A_23, %cond3A_24 : i32
    scf.if %cond3A_25 {
      %get3A_26 = arith.constant 0 : index
      %get3A_27 = arith.constant 0 : index
      %get3A_28 = vector.load %arg5[%get3A_26, %get3A_27] : memref<8x128xf32, #tpu.memory_space<vmem>>, vector<8x128xf32>
      %add3A_29 = arith.addf %get3A_28, %concatenate3A : vector<8x128xf32>
      %swap3A_30 = arith.constant 0 : index
      %swap3A_31 = arith.constant 0 : index
      %swap3A_32 = vector.load %arg5[%swap3A_30, %swap3A_31] : memref<8x128xf32, #tpu.memory_space<vmem>>, vector<8x128xf32>
      tpu.vector_store %arg5[%swap3A_30, %swap3A_31], %add3A_29 {strides = array<i32>} : memref<8x128xf32, #tpu.memory_space<vmem>>, vector<8x128xf32>,
    } else {
    }
    return
  }
  func.func @transform_0(%arg0: i32) -> (i32, i32) {
    %c0_i32 = arith.constant 0 : i32
    %c0_i32_0 = arith.constant 0 : i32
    return %arg0, %c0_i32 : i32, i32
  }
  func.func @transform_1(%arg0: i32) -> (i32, i32) {
    %c0_i32 = arith.constant 0 : i32
    %c0_i32_0 = arith.constant 0 : i32
    %c0_i32_1 = arith.constant 0 : i32
    return %c0_i32, %c0_i32_0 : i32, i32
  }
  func.func @transform_2(%arg0: i32) -> (i32, i32) {
    %c0_i32 = arith.constant 0 : i32
    %c0_i32_0 = arith.constant 0 : i32
    %c0_i32_1 = arith.constant 0 : i32
    return %c0_i32, %c0_i32_0 : i32, i32
  }
  func.func @transform_3(%arg0: i32) -> (i32, i32) {
    %c0_i32 = arith.constant 0 : i32
    %c0_i32_0 = arith.constant 0 : i32
    return %arg0, %c0_i32 : i32, i32
  }
  func.func @transform_4(%arg0: i32) -> (i32, i32) {
    %c0_i32 = arith.constant 0 : i32
    %c0_i32_0 = arith.constant 0 : i32
    %c0_i32_1 = arith.constant 0 : i32
    return %c0_i32, %c0_i32_0 : i32, i32
  }
}

module attributes {stable_mosaic.version = 14 : i64} {
  func.func @_k2_body(%arg0: i32, %arg1: memref<1000x128xf32, #tpu.memory_space<vmem>>, %arg2: memref<8x128xf32, #tpu.memory_space<vmem>>, %arg3: memref<1x1000x128xf32, #tpu.memory_space<vmem>>, %arg4: memref<1x1000x128xf32, #tpu.memory_space<vmem>>, %arg5: memref<1x128xf32, #tpu.memory_space<vmem>>, %arg6: memref<1x128xf32, #tpu.memory_space<vmem>>, %arg7: memref<128x128xf32, #tpu.memory_space<vmem>>, %arg8: memref<1000x128xf32, #tpu.memory_space<vmem>>) attributes {dimension_semantics = [#tpu.dimension_semantics<arbitrary>], iteration_bounds = array<i64: 10>, scalar_prefetch = 0 : i64, scratch_operands = 0 : i64, tpu.core_type = #tpu.core_type<tc>, window_params = [{transform_indices = @transform_0, window_bounds = array<i64: 1000, 128>}, {pipeline_mode = #tpu.pipeline_mode<synchronous>, transform_indices = @transform_1, window_bounds = array<i64: 8, 128>}, {transform_indices = @transform_2, window_bounds = array<i64: 1, 1000, 128>}, {transform_indices = @transform_3, window_bounds = array<i64: 1, 1000, 128>}, {pipeline_mode = #tpu.pipeline_mode<synchronous>, transform_indices = @transform_4, window_bounds = array<i64: 1, 128>}, {pipeline_mode = #tpu.pipeline_mode<synchronous>, transform_indices = @transform_5, window_bounds = array<i64: 1, 128>}, {pipeline_mode = #tpu.pipeline_mode<synchronous>, transform_indices = @transform_6, window_bounds = array<i64: 128, 128>}, {transform_indices = @transform_7, window_bounds = array<i64: 1000, 128>}]} {
    %get3A = arith.constant 0 : index
    %get3A_0 = arith.constant 0 : index
    %get3A_1 = vector.load %arg1[%get3A, %get3A_0] : memref<1000x128xf32, #tpu.memory_space<vmem>>, vector<1000x128xf32>
    %get3A_2 = arith.constant 0 : index
    %get3A_3 = arith.constant 0 : index
    %get3A_4 = vector.load %arg2[%get3A_2, %get3A_3] : memref<8x128xf32, #tpu.memory_space<vmem>>, vector<1x128xf32>
    %div3A = arith.constant 1.000000e+04 : f32
    %div3A_5 = vector.broadcast %div3A : f32 to vector<1x128xf32>
    %div3A_6 = arith.divf %get3A_4, %div3A_5 : vector<1x128xf32>
    %get3A_7 = arith.constant 1 : index
    %get3A_8 = arith.constant 0 : index
    %get3A_9 = vector.load %arg2[%get3A_7, %get3A_8] : memref<8x128xf32, #tpu.memory_space<vmem>>, vector<1x128xf32>
    %div3A_10 = arith.constant 1.000000e+04 : f32
    %div3A_11 = vector.broadcast %div3A_10 : f32 to vector<1x128xf32>
    %div3A_12 = arith.divf %get3A_9, %div3A_11 : vector<1x128xf32>
    %mul3A = arith.mulf %div3A_6, %div3A_6 : vector<1x128xf32>
    %sub3A = arith.subf %div3A_12, %mul3A : vector<1x128xf32>
    %add3A = arith.constant 9.99999974E-6 : f32
    %add3A_13 = vector.broadcast %add3A : f32 to vector<1x128xf32>
    %add3A_14 = arith.addf %sub3A, %add3A_13 : vector<1x128xf32>
    %rsqrt3A = math.rsqrt %add3A_14 : vector<1x128xf32>
    %sub3A_15 = vector.broadcast %div3A_6 : vector<1x128xf32> to vector<1000x128xf32>
    %sub3A_16 = arith.subf %get3A_1, %sub3A_15 : vector<1000x128xf32>
    %get3A_17 = arith.constant 0 : index
    %get3A_18 = arith.constant 0 : index
    %get3A_19 = vector.load %arg5[%get3A_17, %get3A_18] : memref<1x128xf32, #tpu.memory_space<vmem>>, vector<1x128xf32>
    %mul3A_20 = arith.mulf %rsqrt3A, %get3A_19 : vector<1x128xf32>
    %mul3A_21 = vector.broadcast %mul3A_20 : vector<1x128xf32> to vector<1000x128xf32>
    %mul3A_22 = arith.mulf %sub3A_16, %mul3A_21 : vector<1000x128xf32>
    %get3A_23 = arith.constant 0 : index
    %get3A_24 = arith.constant 0 : index
    %get3A_25 = vector.load %arg6[%get3A_23, %get3A_24] : memref<1x128xf32, #tpu.memory_space<vmem>>, vector<1x128xf32>
    %add3A_26 = vector.broadcast %get3A_25 : vector<1x128xf32> to vector<1000x128xf32>
    %add3A_27 = arith.addf %mul3A_22, %add3A_26 : vector<1000x128xf32>
    %get3A_28 = arith.constant 0 : index
    %get3A_29 = arith.constant 0 : index
    %get3A_30 = vector.load %arg7[%get3A_28, %get3A_29] : memref<128x128xf32, #tpu.memory_space<vmem>>, vector<128x128xf32>
    %dot_general3A = arith.constant dense<0.000000e+00> : vector<1000x128xf32>
    %dot_general3A_31 = tpu.matmul %add3A_27, %get3A_30, %dot_general3A {dimension_numbers = #tpu.dot_dimension_numbers<[1], [0], [0], [1], [0, 0, 1, 1], [], []>, transpose_lhs_hint = false} : vector<1000x128xf32>, vector<128x128xf32>, vector<1000x128xf32> -> vector<1000x128xf32>
    %get3A_32 = arith.constant 0 : index
    %get3A_33 = arith.constant 0 : index
    %get3A_34 = arith.constant 0 : index
    %get3A_35 = vector.load %arg3[%get3A_32, %get3A_33, %get3A_34] : memref<1x1000x128xf32, #tpu.memory_space<vmem>>, vector<1x1000x1xf32>
    %get3A_36 = vector.shape_cast %get3A_35 : vector<1x1000x1xf32> to vector<1000x1xf32>
    %get3A_37 = arith.constant 0 : index
    %get3A_38 = arith.constant 0 : index
    %get3A_39 = arith.constant 0 : index
    %get3A_40 = vector.load %arg4[%get3A_37, %get3A_38, %get3A_39] : memref<1x1000x128xf32, #tpu.memory_space<vmem>>, vector<1x1000x1xf32>
    %get3A_41 = vector.shape_cast %get3A_40 : vector<1x1000x1xf32> to vector<1000x1xf32>
    %add3A_42 = arith.addf %get3A_36, %get3A_41 : vector<1000x1xf32>
    %add3A_43 = arith.constant 1.000000e+00 : f32
    %add3A_44 = vector.broadcast %add3A_43 : f32 to vector<1000x1xf32>
    %add3A_45 = arith.addf %add3A_42, %add3A_44 : vector<1000x1xf32>
    %rsqrt3A_46 = math.rsqrt %add3A_45 : vector<1000x1xf32>
    %mul3A_47 = vector.broadcast %rsqrt3A_46 : vector<1000x1xf32> to vector<1000x128xf32>
    %mul3A_48 = arith.mulf %dot_general3A_31, %mul3A_47 : vector<1000x128xf32>
    %swap3A = arith.constant 0 : index
    %swap3A_49 = arith.constant 0 : index
    %swap3A_50 = vector.load %arg8[%swap3A, %swap3A_49] : memref<1000x128xf32, #tpu.memory_space<vmem>>, vector<1000x128xf32>
    tpu.vector_store %arg8[%swap3A, %swap3A_49], %mul3A_48 {strides = array<i32>} : memref<1000x128xf32, #tpu.memory_space<vmem>>, vector<1000x128xf32>,
    return
  }
  func.func @transform_0(%arg0: i32) -> (i32, i32) {
    %c0_i32 = arith.constant 0 : i32
    %c0_i32_0 = arith.constant 0 : i32
    return %arg0, %c0_i32 : i32, i32
  }
  func.func @transform_1(%arg0: i32) -> (i32, i32) {
    %c0_i32 = arith.constant 0 : i32
    %c0_i32_0 = arith.constant 0 : i32
    %c0_i32_1 = arith.constant 0 : i32
    return %c0_i32, %c0_i32_0 : i32, i32
  }
  func.func @transform_2(%arg0: i32) -> (i32, i32, i32) {
    %c0_i32 = arith.constant 0 : i32
    %c0_i32_0 = arith.constant 0 : i32
    %c0_i32_1 = arith.constant 0 : i32
    return %c0_i32, %arg0, %c0_i32_0 : i32, i32, i32
  }
  func.func @transform_3(%arg0: i32) -> (i32, i32, i32) {
    %c1_i32 = arith.constant 1 : i32
    %c0_i32 = arith.constant 0 : i32
    %c0_i32_0 = arith.constant 0 : i32
    return %c1_i32, %arg0, %c0_i32 : i32, i32, i32
  }
  func.func @transform_4(%arg0: i32) -> (i32, i32) {
    %c0_i32 = arith.constant 0 : i32
    %c0_i32_0 = arith.constant 0 : i32
    %c0_i32_1 = arith.constant 0 : i32
    return %c0_i32, %c0_i32_0 : i32, i32
  }
  func.func @transform_5(%arg0: i32) -> (i32, i32) {
    %c0_i32 = arith.constant 0 : i32
    %c0_i32_0 = arith.constant 0 : i32
    %c0_i32_1 = arith.constant 0 : i32
    return %c0_i32, %c0_i32_0 : i32, i32
  }
  func.func @transform_6(%arg0: i32) -> (i32, i32) {
    %c0_i32 = arith.constant 0 : i32
    %c0_i32_0 = arith.constant 0 : i32
    %c0_i32_1 = arith.constant 0 : i32
    return %c0_i32, %c0_i32_0 : i32, i32
  }
  func.func @transform_7(%arg0: i32) -> (i32, i32) {
    %c0_i32 = arith.constant 0 : i32
    %c0_i32_0 = arith.constant 0 : i32
    return %arg0, %c0_i32 : i32, i32
  }
}

module attributes {stable_mosaic.version = 14 : i64} {
  func.func @_k3_body(%arg0: i32, %arg1: memref<1x1000x128xf32, #tpu.memory_space<vmem>>, %arg2: memref<1x1000x128xf32, #tpu.memory_space<vmem>>, %arg3: memref<1000x128xf32, #tpu.memory_space<vmem>>, %arg4: memref<1x1000x128xf32, #tpu.memory_space<vmem>>, %arg5: memref<1x1000x128xf32, #tpu.memory_space<vmem>>, %arg6: memref<1x128xf32, #tpu.memory_space<vmem>>, %arg7: memref<1000x128xf32, #tpu.memory_space<vmem>>, %arg8: memref<8x128xf32, #tpu.memory_space<vmem>>) attributes {dimension_semantics = [#tpu.dimension_semantics<arbitrary>], iteration_bounds = array<i64: 10>, scalar_prefetch = 0 : i64, scratch_operands = 0 : i64, tpu.core_type = #tpu.core_type<tc>, window_params = [{transform_indices = @transform_0, window_bounds = array<i64: 1, 1000, 128>}, {transform_indices = @transform_1, window_bounds = array<i64: 1, 1000, 128>}, {transform_indices = @transform_2, window_bounds = array<i64: 1000, 128>}, {transform_indices = @transform_3, window_bounds = array<i64: 1, 1000, 128>}, {transform_indices = @transform_4, window_bounds = array<i64: 1, 1000, 128>}, {pipeline_mode = #tpu.pipeline_mode<synchronous>, transform_indices = @transform_5, window_bounds = array<i64: 1, 128>}, {transform_indices = @transform_6, window_bounds = array<i64: 1000, 128>}, {pipeline_mode = #tpu.pipeline_mode<synchronous>, transform_indices = @transform_7, window_bounds = array<i64: 8, 128>}]} {
    %get3A = arith.constant 0 : index
    %get3A_0 = arith.constant 0 : index
    %get3A_1 = arith.constant 0 : index
    %get3A_2 = vector.load %arg1[%get3A, %get3A_0, %get3A_1] : memref<1x1000x128xf32, #tpu.memory_space<vmem>>, vector<1x1000x128xf32>
    %get3A_3 = vector.shape_cast %get3A_2 : vector<1x1000x128xf32> to vector<1000x128xf32>
    %get3A_4 = arith.constant 0 : index
    %get3A_5 = arith.constant 0 : index
    %get3A_6 = arith.constant 0 : index
    %get3A_7 = vector.load %arg2[%get3A_4, %get3A_5, %get3A_6] : memref<1x1000x128xf32, #tpu.memory_space<vmem>>, vector<1x1000x128xf32>
    %get3A_8 = vector.shape_cast %get3A_7 : vector<1x1000x128xf32> to vector<1000x128xf32>
    %add3A = arith.addf %get3A_3, %get3A_8 : vector<1000x128xf32>
    %get3A_9 = arith.constant 0 : index
    %get3A_10 = arith.constant 0 : index
    %get3A_11 = vector.load %arg3[%get3A_9, %get3A_10] : memref<1000x128xf32, #tpu.memory_space<vmem>>, vector<1000x128xf32>
    %add3A_12 = arith.addf %add3A, %get3A_11 : vector<1000x128xf32>
    %get3A_13 = arith.constant 0 : index
    %get3A_14 = arith.constant 0 : index
    %get3A_15 = arith.constant 0 : index
    %get3A_16 = vector.load %arg4[%get3A_13, %get3A_14, %get3A_15] : memref<1x1000x128xf32, #tpu.memory_space<vmem>>, vector<1x1000x1xf32>
    %get3A_17 = vector.shape_cast %get3A_16 : vector<1x1000x1xf32> to vector<1000x1xf32>
    %get3A_18 = arith.constant 0 : index
    %get3A_19 = arith.constant 0 : index
    %get3A_20 = arith.constant 0 : index
    %get3A_21 = vector.load %arg5[%get3A_18, %get3A_19, %get3A_20] : memref<1x1000x128xf32, #tpu.memory_space<vmem>>, vector<1x1000x1xf32>
    %get3A_22 = vector.shape_cast %get3A_21 : vector<1x1000x1xf32> to vector<1000x1xf32>
    %add3A_23 = arith.addf %get3A_17, %get3A_22 : vector<1000x1xf32>
    %add3A_24 = arith.constant 1.000000e+00 : f32
    %add3A_25 = vector.broadcast %add3A_24 : f32 to vector<1000x1xf32>
    %add3A_26 = arith.addf %add3A_23, %add3A_25 : vector<1000x1xf32>
    %rsqrt3A = math.rsqrt %add3A_26 : vector<1000x1xf32>
    %mul3A = vector.broadcast %rsqrt3A : vector<1000x1xf32> to vector<1000x128xf32>
    %mul3A_27 = arith.mulf %add3A_12, %mul3A : vector<1000x128xf32>
    %get3A_28 = arith.constant 0 : index
    %get3A_29 = arith.constant 0 : index
    %get3A_30 = vector.load %arg6[%get3A_28, %get3A_29] : memref<1x128xf32, #tpu.memory_space<vmem>>, vector<1x128xf32>
    %add3A_31 = vector.broadcast %get3A_30 : vector<1x128xf32> to vector<1000x128xf32>
    %add3A_32 = arith.addf %mul3A_27, %add3A_31 : vector<1000x128xf32>
    %max3A = arith.constant 0.000000e+00 : f32
    %max3A_33 = vector.broadcast %max3A : f32 to vector<1000x128xf32>
    %max3A_34 = arith.maximumf %add3A_32, %max3A_33 : vector<1000x128xf32>
    %swap3A = arith.constant 0 : index
    %swap3A_35 = arith.constant 0 : index
    %swap3A_36 = vector.load %arg7[%swap3A, %swap3A_35] : memref<1000x128xf32, #tpu.memory_space<vmem>>, vector<1000x128xf32>
    tpu.vector_store %arg7[%swap3A, %swap3A_35], %max3A_34 {strides = array<i32>} : memref<1000x128xf32, #tpu.memory_space<vmem>>, vector<1000x128xf32>,
    %reduce_sum3A = arith.constant dense<0.000000e+00> : vector<128xf32>
    %reduce_sum3A_37 = vector.multi_reduction <add>, %max3A_34, %reduce_sum3A [0] : vector<1000x128xf32> to vector<128xf32>
    %broadcast_in_dim3A = vector.shape_cast %reduce_sum3A_37 : vector<128xf32> to vector<1x128xf32>
    %mul3A_38 = arith.mulf %max3A_34, %max3A_34 : vector<1000x128xf32>
    %reduce_sum3A_39 = arith.constant dense<0.000000e+00> : vector<128xf32>
    %reduce_sum3A_40 = vector.multi_reduction <add>, %mul3A_38, %reduce_sum3A_39 [0] : vector<1000x128xf32> to vector<128xf32>
    %broadcast_in_dim3A_41 = vector.shape_cast %reduce_sum3A_40 : vector<128xf32> to vector<1x128xf32>
    %broadcast_in_dim3A_42 = arith.constant 0.000000e+00 : f32
    %broadcast_in_dim3A_43 = vector.broadcast %broadcast_in_dim3A_42 : f32 to vector<6x128xf32>
    %concatenate3A = tpu.concatenate %broadcast_in_dim3A, %broadcast_in_dim3A_41, %broadcast_in_dim3A_43 in 0 : vector<1x128xf32>, vector<1x128xf32>, vector<6x128xf32> -> vector<8x128xf32>
    %eq3A = arith.constant 0 : i32
    %eq3A_44 = arith.cmpi eq, %arg0, %eq3A : i32
    %convert_element_type3A = arith.extui %eq3A_44 : i1 to i32
    %cond3A = arith.constant 0 : i32
    %cond3A_45 = arith.cmpi ne, %convert_element_type3A, %cond3A : i32
    scf.if %cond3A_45 {
      %swap3A_50 = arith.constant 0 : index
      %swap3A_51 = arith.constant 0 : index
      %swap3A_52 = vector.load %arg8[%swap3A_50, %swap3A_51] : memref<8x128xf32, #tpu.memory_space<vmem>>, vector<8x128xf32>
      tpu.vector_store %arg8[%swap3A_50, %swap3A_51], %concatenate3A {strides = array<i32>} : memref<8x128xf32, #tpu.memory_space<vmem>>, vector<8x128xf32>,
    } else {
    }
    %ne3A = arith.constant 0 : i32
    %ne3A_46 = arith.cmpi ne, %arg0, %ne3A : i32
    %convert_element_type3A_47 = arith.extui %ne3A_46 : i1 to i32
    %cond3A_48 = arith.constant 0 : i32
    %cond3A_49 = arith.cmpi ne, %convert_element_type3A_47, %cond3A_48 : i32
    scf.if %cond3A_49 {
      %get3A_50 = arith.constant 0 : index
      %get3A_51 = arith.constant 0 : index
      %get3A_52 = vector.load %arg8[%get3A_50, %get3A_51] : memref<8x128xf32, #tpu.memory_space<vmem>>, vector<8x128xf32>
      %add3A_53 = arith.addf %get3A_52, %concatenate3A : vector<8x128xf32>
      %swap3A_54 = arith.constant 0 : index
      %swap3A_55 = arith.constant 0 : index
      %swap3A_56 = vector.load %arg8[%swap3A_54, %swap3A_55] : memref<8x128xf32, #tpu.memory_space<vmem>>, vector<8x128xf32>
      tpu.vector_store %arg8[%swap3A_54, %swap3A_55], %add3A_53 {strides = array<i32>} : memref<8x128xf32, #tpu.memory_space<vmem>>, vector<8x128xf32>,
    } else {
    }
    return
  }
  func.func @transform_0(%arg0: i32) -> (i32, i32, i32) {
    %c0_i32 = arith.constant 0 : i32
    %c0_i32_0 = arith.constant 0 : i32
    %c0_i32_1 = arith.constant 0 : i32
    return %c0_i32, %arg0, %c0_i32_0 : i32, i32, i32
  }
  func.func @transform_1(%arg0: i32) -> (i32, i32, i32) {
    %c1_i32 = arith.constant 1 : i32
    %c0_i32 = arith.constant 0 : i32
    %c0_i32_0 = arith.constant 0 : i32
    return %c1_i32, %arg0, %c0_i32 : i32, i32, i32
  }
  func.func @transform_2(%arg0: i32) -> (i32, i32) {
    %c0_i32 = arith.constant 0 : i32
    %c0_i32_0 = arith.constant 0 : i32
    return %arg0, %c0_i32 : i32, i32
  }
  func.func @transform_3(%arg0: i32) -> (i32, i32, i32) {
    %c0_i32 = arith.constant 0 : i32
    %c0_i32_0 = arith.constant 0 : i32
    %c0_i32_1 = arith.constant 0 : i32
    return %c0_i32, %arg0, %c0_i32_0 : i32, i32, i32
  }
  func.func @transform_4(%arg0: i32) -> (i32, i32, i32) {
    %c1_i32 = arith.constant 1 : i32
    %c0_i32 = arith.constant 0 : i32
    %c0_i32_0 = arith.constant 0 : i32
    return %c1_i32, %arg0, %c0_i32 : i32, i32, i32
  }
  func.func @transform_5(%arg0: i32) -> (i32, i32) {
    %c0_i32 = arith.constant 0 : i32
    %c0_i32_0 = arith.constant 0 : i32
    %c0_i32_1 = arith.constant 0 : i32
    return %c0_i32, %c0_i32_0 : i32, i32
  }
  func.func @transform_6(%arg0: i32) -> (i32, i32) {
    %c0_i32 = arith.constant 0 : i32
    %c0_i32_0 = arith.constant 0 : i32
    return %arg0, %c0_i32 : i32, i32
  }
  func.func @transform_7(%arg0: i32) -> (i32, i32) {
    %c0_i32 = arith.constant 0 : i32
    %c0_i32_0 = arith.constant 0 : i32
    %c0_i32_1 = arith.constant 0 : i32
    return %c0_i32, %c0_i32_0 : i32, i32
  }
}

module attributes {stable_mosaic.version = 14 : i64} {
  func.func @_k5_body(%arg0: i32, %arg1: memref<1x1000x128xf32, #tpu.memory_space<vmem>>, %arg2: memref<1x1000x128xf32, #tpu.memory_space<vmem>>, %arg3: memref<1000x128xf32, #tpu.memory_space<vmem>>, %arg4: memref<1x1000x128xf32, #tpu.memory_space<vmem>>, %arg5: memref<1x1000x128xf32, #tpu.memory_space<vmem>>, %arg6: memref<1x128xf32, #tpu.memory_space<vmem>>, %arg7: memref<128x128xf32, #tpu.memory_space<vmem>>, %arg8: memref<1x128xf32, #tpu.memory_space<vmem>>, %arg9: memref<1000x128xf32, #tpu.memory_space<vmem>>) attributes {dimension_semantics = [#tpu.dimension_semantics<arbitrary>], iteration_bounds = array<i64: 10>, scalar_prefetch = 0 : i64, scratch_operands = 0 : i64, tpu.core_type = #tpu.core_type<tc>, window_params = [{transform_indices = @transform_0, window_bounds = array<i64: 1, 1000, 128>}, {transform_indices = @transform_1, window_bounds = array<i64: 1, 1000, 128>}, {transform_indices = @transform_2, window_bounds = array<i64: 1000, 128>}, {transform_indices = @transform_3, window_bounds = array<i64: 1, 1000, 128>}, {transform_indices = @transform_4, window_bounds = array<i64: 1, 1000, 128>}, {pipeline_mode = #tpu.pipeline_mode<synchronous>, transform_indices = @transform_5, window_bounds = array<i64: 1, 128>}, {pipeline_mode = #tpu.pipeline_mode<synchronous>, transform_indices = @transform_6, window_bounds = array<i64: 128, 128>}, {pipeline_mode = #tpu.pipeline_mode<synchronous>, transform_indices = @transform_7, window_bounds = array<i64: 1, 128>}, {transform_indices = @transform_8, window_bounds = array<i64: 1000, 128>}]} {
    %get3A = arith.constant 0 : index
    %get3A_0 = arith.constant 0 : index
    %get3A_1 = arith.constant 0 : index
    %get3A_2 = vector.load %arg1[%get3A, %get3A_0, %get3A_1] : memref<1x1000x128xf32, #tpu.memory_space<vmem>>, vector<1x1000x128xf32>
    %get3A_3 = vector.shape_cast %get3A_2 : vector<1x1000x128xf32> to vector<1000x128xf32>
    %get3A_4 = arith.constant 0 : index
    %get3A_5 = arith.constant 0 : index
    %get3A_6 = arith.constant 0 : index
    %get3A_7 = vector.load %arg2[%get3A_4, %get3A_5, %get3A_6] : memref<1x1000x128xf32, #tpu.memory_space<vmem>>, vector<1x1000x128xf32>
    %get3A_8 = vector.shape_cast %get3A_7 : vector<1x1000x128xf32> to vector<1000x128xf32>
    %add3A = arith.addf %get3A_3, %get3A_8 : vector<1000x128xf32>
    %get3A_9 = arith.constant 0 : index
    %get3A_10 = arith.constant 0 : index
    %get3A_11 = vector.load %arg3[%get3A_9, %get3A_10] : memref<1000x128xf32, #tpu.memory_space<vmem>>, vector<1000x128xf32>
    %add3A_12 = arith.addf %add3A, %get3A_11 : vector<1000x128xf32>
    %get3A_13 = arith.constant 0 : index
    %get3A_14 = arith.constant 0 : index
    %get3A_15 = arith.constant 0 : index
    %get3A_16 = vector.load %arg4[%get3A_13, %get3A_14, %get3A_15] : memref<1x1000x128xf32, #tpu.memory_space<vmem>>, vector<1x1000x1xf32>
    %get3A_17 = vector.shape_cast %get3A_16 : vector<1x1000x1xf32> to vector<1000x1xf32>
    %get3A_18 = arith.constant 0 : index
    %get3A_19 = arith.constant 0 : index
    %get3A_20 = arith.constant 0 : index
    %get3A_21 = vector.load %arg5[%get3A_18, %get3A_19, %get3A_20] : memref<1x1000x128xf32, #tpu.memory_space<vmem>>, vector<1x1000x1xf32>
    %get3A_22 = vector.shape_cast %get3A_21 : vector<1x1000x1xf32> to vector<1000x1xf32>
    %add3A_23 = arith.addf %get3A_17, %get3A_22 : vector<1000x1xf32>
    %add3A_24 = arith.constant 1.000000e+00 : f32
    %add3A_25 = vector.broadcast %add3A_24 : f32 to vector<1000x1xf32>
    %add3A_26 = arith.addf %add3A_23, %add3A_25 : vector<1000x1xf32>
    %rsqrt3A = math.rsqrt %add3A_26 : vector<1000x1xf32>
    %mul3A = vector.broadcast %rsqrt3A : vector<1000x1xf32> to vector<1000x128xf32>
    %mul3A_27 = arith.mulf %add3A_12, %mul3A : vector<1000x128xf32>
    %get3A_28 = arith.constant 0 : index
    %get3A_29 = arith.constant 0 : index
    %get3A_30 = vector.load %arg6[%get3A_28, %get3A_29] : memref<1x128xf32, #tpu.memory_space<vmem>>, vector<1x128xf32>
    %add3A_31 = vector.broadcast %get3A_30 : vector<1x128xf32> to vector<1000x128xf32>
    %add3A_32 = arith.addf %mul3A_27, %add3A_31 : vector<1000x128xf32>
    %max3A = arith.constant 0.000000e+00 : f32
    %max3A_33 = vector.broadcast %max3A : f32 to vector<1000x128xf32>
    %max3A_34 = arith.maximumf %add3A_32, %max3A_33 : vector<1000x128xf32>
    %get3A_35 = arith.constant 0 : index
    %get3A_36 = arith.constant 0 : index
    %get3A_37 = vector.load %arg7[%get3A_35, %get3A_36] : memref<128x128xf32, #tpu.memory_space<vmem>>, vector<128x128xf32>
    %dot_general3A = arith.constant dense<0.000000e+00> : vector<1000x128xf32>
    %dot_general3A_38 = tpu.matmul %max3A_34, %get3A_37, %dot_general3A {dimension_numbers = #tpu.dot_dimension_numbers<[1], [0], [0], [1], [0, 0, 1, 1], [], []>, transpose_lhs_hint = false} : vector<1000x128xf32>, vector<128x128xf32>, vector<1000x128xf32> -> vector<1000x128xf32>
    %get3A_39 = arith.constant 0 : index
    %get3A_40 = arith.constant 0 : index
    %get3A_41 = vector.load %arg8[%get3A_39, %get3A_40] : memref<1x128xf32, #tpu.memory_space<vmem>>, vector<1x128xf32>
    %add3A_42 = vector.broadcast %get3A_41 : vector<1x128xf32> to vector<1000x128xf32>
    %add3A_43 = arith.addf %dot_general3A_38, %add3A_42 : vector<1000x128xf32>
    %swap3A = arith.constant 0 : index
    %swap3A_44 = arith.constant 0 : index
    %swap3A_45 = vector.load %arg9[%swap3A, %swap3A_44] : memref<1000x128xf32, #tpu.memory_space<vmem>>, vector<1000x128xf32>
    tpu.vector_store %arg9[%swap3A, %swap3A_44], %add3A_43 {strides = array<i32>} : memref<1000x128xf32, #tpu.memory_space<vmem>>, vector<1000x128xf32>,
    return
  }
  func.func @transform_0(%arg0: i32) -> (i32, i32, i32) {
    %c0_i32 = arith.constant 0 : i32
    %c0_i32_0 = arith.constant 0 : i32
    %c0_i32_1 = arith.constant 0 : i32
    return %c0_i32, %arg0, %c0_i32_0 : i32, i32, i32
  }
  func.func @transform_1(%arg0: i32) -> (i32, i32, i32) {
    %c1_i32 = arith.constant 1 : i32
    %c0_i32 = arith.constant 0 : i32
    %c0_i32_0 = arith.constant 0 : i32
    return %c1_i32, %arg0, %c0_i32 : i32, i32, i32
  }
  func.func @transform_2(%arg0: i32) -> (i32, i32) {
    %c0_i32 = arith.constant 0 : i32
    %c0_i32_0 = arith.constant 0 : i32
    return %arg0, %c0_i32 : i32, i32
  }
  func.func @transform_3(%arg0: i32) -> (i32, i32, i32) {
    %c0_i32 = arith.constant 0 : i32
    %c0_i32_0 = arith.constant 0 : i32
    %c0_i32_1 = arith.constant 0 : i32
    return %c0_i32, %arg0, %c0_i32_0 : i32, i32, i32
  }
  func.func @transform_4(%arg0: i32) -> (i32, i32, i32) {
    %c1_i32 = arith.constant 1 : i32
    %c0_i32 = arith.constant 0 : i32
    %c0_i32_0 = arith.constant 0 : i32
    return %c1_i32, %arg0, %c0_i32 : i32, i32, i32
  }
  func.func @transform_5(%arg0: i32) -> (i32, i32) {
    %c0_i32 = arith.constant 0 : i32
    %c0_i32_0 = arith.constant 0 : i32
    %c0_i32_1 = arith.constant 0 : i32
    return %c0_i32, %c0_i32_0 : i32, i32
  }
  func.func @transform_6(%arg0: i32) -> (i32, i32) {
    %c0_i32 = arith.constant 0 : i32
    %c0_i32_0 = arith.constant 0 : i32
    %c0_i32_1 = arith.constant 0 : i32
    return %c0_i32, %c0_i32_0 : i32, i32
  }
  func.func @transform_7(%arg0: i32) -> (i32, i32) {
    %c0_i32 = arith.constant 0 : i32
    %c0_i32_0 = arith.constant 0 : i32
    %c0_i32_1 = arith.constant 0 : i32
    return %c0_i32, %c0_i32_0 : i32, i32
  }
  func.func @transform_8(%arg0: i32) -> (i32, i32) {
    %c0_i32 = arith.constant 0 : i32
    %c0_i32_0 = arith.constant 0 : i32
    return %arg0, %c0_i32 : i32, i32
  }
}

</mosaic_0001>

<sc_bundles>
// kernel: kernel.10.cloned.1.call-start
scs
__scs_entry_jumppad:
0x0: {  	(pc) =	sbr.rel $0x88, $3  }
0x1: {  	(tag) =	ssettag $0x0;
	lr =	simm.s32 $0x1  }
0x2: {  	[smem:$0x3F97] =	sst lr;
	_ =	strace $0xD0000000  }
0x3: {  	_ = 	snop  }
0x4: {  	_ = 	snop  }
0x5: {  	_ = 	snop  }
0x6: {  	_ = 	snop  }
0x7: {  	_ = 	snop  }
__scs_overlays_trampoline_lowered:
0x8: {  	[smem:$0x3FA6] =	sst s0  }
0x9: {  	[smem:$0x3FA7] =	sst s1  }
0xa: {  	[smem:$0x3FA8] =	sst s2  }
0xb: {  	[smem:$0x3FA9] =	sst s3  }
0xc: {  	[smem:$0x3FAA] =	sst s4  }
0xd: {  	[smem:$0x3FAB] =	sst s5  }
0xe: {  	[smem:$0x3FAC] =	sst s6  }
0xf: {  	[smem:$0x3FAD] =	sst s7  }
0x10: {  	[smem:$0x3FAE] =	sst s8  }
0x11: {  	[smem:$0x3FAF] =	sst s9;
	s0 =	simm.s32 @!p0 $0x0  }
0x12: {  	s1 =	sld [smem:$0x3F95];
	s0 =	simm.s32 @p0 $0x1  }
0x13: {  	[smem:$0x3FB0] =	sst s0;
	s0 =	simm.s32 @!p1 $0x0  }
0x14: {  	s2 =	sld [smem:$0x3F94];
	s0 =	simm.s32 @p1 $0x1  }
0x15: {  	[smem:$0x3FB1] =	sst s0;
	s0 =	simm.s32 @!p2 $0x0  }
0x16: {  	s3 =	sld [smem:$0x3FDB];
	s0 =	simm.s32 @p2 $0x1  }
0x17: {  	s4 =	simm.s32 $0x1BF5;
	[smem:$0x3FB3] =	sst s0  }
0x18: {  	s0 =	sld [smem:$0x3F96];
	_ =	swait.ge [sflag:s4], $0x0  }
0x19: {  	s7 =	sld [smem:$0x3F97]  }
0x1a: {  	s8 =	sadd.s32 $0xFFFFE003, lr  }
0x1b: {  	s9 =	sadd.s32 $0xFFFFFEF7, lr;
	s5 =	simm.s32 $0xFFFFFFFF;
	p2 =	slt.u32 s8, $0xFFFFF086  }
0x1c: {  	p1 =	slt.u32 s9, $0xF7A;
	s5 =	simm.s32 @!p2 $0x0  }
0x1d: {  	s5 =	simm.s32 @p1 $0x1;
	p0 =	seq.s32 s7, s2  }
0x1e: {  	s7 =	smul.u32 @!p0 $0xF7A, s2;
	p2 =	seq.s32 @!p0 s5, $0x0  }
0x1f: {  	s9 =	smul.u32 $0xF7A, s1;
	s8 =	simm.s32 @!p0 $0x1BF5;
	p2 =	por !p2, p0  }
0x20: {  	[sflag:s8] =	ssyncset.s32 @!p0 $0xFFFFF086;
	s6 =	sadd.s32 @!p0 s3, s7;
	s7 =	simm.s32 @!p0 $0x108  }
0x21: {  	s3 =	sadd.s32 s3, s9;
	s6 =	sadd.s32 @!p0 $0x88, s6;
	s7 =	simm.s32 @p2 $0x1082  }
0x22: {  	[simem:s7], [sflag:s8] =	dma.local @!p0 [hbm:s6], $0xF7A  }
0x23: {  	s9 =	sor.u32 $0xD0000000, s2;
	s6 =	simm.s32 $0x108;
	_ =	swait.ge @!p0 [sflag:s8], $0x0  }
0x24: {  	s3 =	sadd.s32 $0x88, s3;
	s6 =	simm.s32 @!p1 $0x1082;
	[sflag:s4] =	ssyncset.s32 $0xFFFFF086  }
0x25: {  	[simem:s6], [sflag:s4] =	dma.local [hbm:s3], $0xF7A  }
0x26: {  	[smem:$0x3F97] =	sst s1;
	(tag) =	ssettag s2;
	_ =	strace s9  }
0x27: {  	s1 =	sld [smem:$0x3FA7]  }
0x28: {  	s2 =	sld [smem:$0x3FA8]  }
0x29: {  	s4 =	sld [smem:$0x3FAA]  }
0x2a: {  	p0 =	seq.s32 s5, $0x0;
	s5 =	sld [smem:$0x3FAB]  }
0x2b: {  	s6 =	sld [smem:$0x3FAC]  }
0x2c: {  	s7 =	sld [smem:$0x3FAD]  }
0x2d: {  	s3 =	simm.s32 $0x108;
	s8 =	sld [smem:$0x3FAE]  }
0x2e: {  	s3 =	simm.s32 @!p0 $0x1082;
	s9 =	sld [smem:$0x3FAF]  }
0x2f: {  	lr =	sadd.s32 s0, s3;
	s0 =	sld [smem:$0x3FA6]  }
0x30: {  	s3 =	sld [smem:$0x3FA9]  }
0x31: {  	[smem:$0x3FB2] =	sst s10  }
0x32: {  	s10 =	sld [smem:$0x3FB0];
	_ =	sdelay $0x3  }
0x33: {  	p0 =	seq.s32 s10, $0x1;
	s10 =	sld [smem:$0x3FB2];
	_ =	sdelay $0x3  }
0x34: {  	[smem:$0x3FB2] =	sst s10  }
0x35: {  	s10 =	sld [smem:$0x3FB1];
	_ =	sdelay $0x3  }
0x36: {  	p1 =	seq.s32 s10, $0x1;
	s10 =	sld [smem:$0x3FB2];
	_ =	sdelay $0x3  }
0x37: {  	[smem:$0x3FB2] =	sst s10  }
0x38: {  	s10 =	sld [smem:$0x3FB3]  }
0x39: {  	_ = 	snop;
	(pc) =	sbr.ind lr, $3  }
0x3a: {  	_ = 	snop  }
0x3b: {  	_ = 	snop  }
0x3c: {  	p2 =	seq.s32 s10, $0x1;
	s10 =	sld [smem:$0x3FB2]  }
0x3d: {  	_ =	shalt  }
0x3e: {  	_ =	shalt  }
0x3f: {  	_ =	shalt  }
0x40: {  	_ =	shalt  }
0x41: {  	_ =	shalt  }
0x42: {  	_ =	shalt  }
0x43: {  	_ =	shalt  }
0x44: {  	_ =	shalt  }
0x45: {  	_ =	shalt  }
0x46: {  	_ =	shalt  }
0x47: {  	_ =	shalt  }
0x48: {  	_ =	shalt  }
0x49: {  	_ =	shalt  }
0x4a: {  	_ =	shalt  }
0x4b: {  	_ =	shalt  }
0x4c: {  	_ =	shalt  }
0x4d: {  	_ =	shalt  }
0x4e: {  	_ =	shalt  }
0x4f: {  	_ =	shalt  }
0x50: {  	_ =	shalt  }
0x51: {  	_ =	shalt  }
0x52: {  	_ =	shalt  }
0x53: {  	_ =	shalt  }
0x54: {  	_ =	shalt  }
0x55: {  	_ =	shalt  }
0x56: {  	_ =	shalt  }
0x57: {  	_ =	shalt  }
0x58: {  	_ =	shalt  }
0x59: {  	_ =	shalt  }
0x5a: {  	_ =	shalt  }
0x5b: {  	_ =	shalt  }
0x5c: {  	_ =	shalt  }
0x5d: {  	_ =	shalt  }
0x5e: {  	_ =	shalt  }
0x5f: {  	_ =	shalt  }
0x60: {  	_ =	shalt  }
0x61: {  	_ =	shalt  }
0x62: {  	_ =	shalt  }
0x63: {  	_ =	shalt  }
0x64: {  	_ =	shalt  }
0x65: {  	_ =	shalt  }
0x66: {  	_ =	shalt  }
0x67: {  	_ =	shalt  }
0x68: {  	_ =	shalt  }
0x69: {  	_ =	shalt  }
0x6a: {  	_ =	shalt  }
0x6b: {  	_ =	shalt  }
0x6c: {  	_ =	shalt  }
0x6d: {  	_ =	shalt  }
0x6e: {  	_ =	shalt  }
0x6f: {  	_ =	shalt  }
0x70: {  	_ =	shalt  }
0x71: {  	_ =	shalt  }
0x72: {  	_ =	shalt  }
0x73: {  	_ =	shalt  }
0x74: {  	_ =	shalt  }
0x75: {  	_ =	shalt  }
0x76: {  	_ =	shalt  }
0x77: {  	_ =	shalt  }
0x78: {  	_ =	shalt  }
0x79: {  	_ =	shalt  }
0x7a: {  	_ =	shalt  }
0x7b: {  	_ =	shalt  }
0x7c: {  	_ =	shalt  }
0x7d: {  	_ =	shalt  }
0x7e: {  	_ =	shalt  }
0x7f: {  	_ =	shalt  }
0x80: {  	_ =	shalt  }
0x81: {  	_ =	shalt  }
0x82: {  	_ =	shalt  }
0x83: {  	_ =	shalt  }
0x84: {  	_ =	shalt  }
0x85: {  	_ =	shalt  }
0x86: {  	_ =	shalt  }
0x87: {  	_ =	shalt  }
.Lfunc_end0:
.L_simem_size_0:
called_computation_lowered:
.L_overlay_start_0:
0x88: {  	s2 =	sld [smem:$0x3FD9]  }
0x89: {  	s3 =	sld [smem:$0x3FFE];
	_ =	sdelay $0x1  }
0x8a: {  	s1 =	srdreg.scid  }
0x8b: {  	s0 =	sand.u32 $0x1, s1  }
0x8c: {  	s17 =	sshll.u32 s0, $0xA;
	s2 =	sadd.s32 s3, s2  }
0x8d: {  	s2 =	sadd.s32 s2, s17  }
0x8e: {  	[smem:$0x3FBE] =	sst s2  }
0x8f: {  	_ = 	snop  }
0x90: {  	s2 =	sld [smem:$0x3FD0];
	(tm) =	ssettm $0x1  }
0x91: {  	s18 =	sld [smem:$0x3FFB];
	_ =	sdelay $0x3  }
0x92: {  	_ =	strace s18  }
0x93: {  	s3 =	sld [smem:$0x3FFC];
	_ =	sdelay $0x3  }
0x94: {  	_ =	strace s3  }
0x95: {  	s3 =	sld [smem:$0x3FFD];
	_ =	sdelay $0x3  }
0x96: {  	_ =	strace s3  }
0x97: {  	_ =	strace $0x8FFFFFFF  }
0x98: {  	s19 =	sld [smem:$0x3FDB];
	_ =	sdelay $0x1  }
0x99: {  	s4 =	simm.s32 $_scs_section_size  }
0x9a: {  	s5 =	simm.s32 $_size__tile_overlayer_lowered;
	s6 =	simm.s32 $_tile_overlayer_lowered  }
0x9b: {  	s22 =	simm.s32 $0x1BFF;
	s21 =	sshll.u32 s6, $0x1;
	s3 =	sadd.s32 s4, s19  }
0x9c: {  	s7 =	simm.s32 $0x0;
	s20 =	sshll.u32 s5, $0x1;
	s5 =	sadd.s32 s21, s3  }
0x9d: {  	[timem:s7], [sflag:s22] =	dma.local [hbm:s5], s20  }
0x9e: {  	_ =	swait.ge [sflag:s22], s20  }
0x9f: {  	s4 =	ssub.s32 $0x0, s20;
	[sflag:s22] =	ssyncset.done $0x0  }
0xa0: {  	[sflag:s22] =	ssyncadd.s32 s4;
	_ =	sdelay $0x1  }
0xa1: {  	s23 =	simm.s32 $0x1B8B  }
0xa2: {  	_ =	swait.ge [sflag:s23], $0x1  }
0xa3: {  	[sflag:s23] =	ssyncset.done $0x0  }
0xa4: {  	s25 =	simm.s32 $0x1B8E;
	s24 =	sld [smem:$0x3FFE];
	[sflag:s23] =	ssyncadd.s32 $0xFFFFFFFF  }
0xa5: {  	s26 =	simm.s32 $execute0_lowered;
	[smem:$0x3FD2] =	sst s25  }
0xa6: {  	s5 =	sshll.u32 s26, $0x1;
	_ =	strace $0x80000046;
	[dreg:$0x1] =	wrdreg $0xFFFFFFFF  }
0xa7: {  	s28 =	simm.s32 $_size_execute0_lowered;
	s3 =	sadd.s32 s3, s5;
	[dreg:$0x0] =	wrdreg $0x0  }
0xa8: {  	s5 =	sshll.u32 s28, $0x1;
	[dreg:$0x2] =	wrdreg s3  }
0xa9: {  	[dreg:$0x3] =	wrdreg s5  }
0xaa: {  	[dreg:$0x4] =	wrdreg $0xC0  }
0xab: {  	_ =	task [dreg:s7], $0x5FFFF  }
0xac: {  	[dreg:$0x1] =	wrdreg $0xFFFFFFFF  }
0xad: {  	[dreg:$0x0] =	wrdreg $0x60  }
0xae: {  	[dreg:$0x2] =	wrdreg s2  }
0xaf: {  	[dreg:$0x3] =	wrdreg s24  }
0xb0: {  	[dreg:$0x4] =	wrdreg $0xA8000  }
0xb1: {  	[dreg:$0x5] =	wrdreg $0x9  }
0xb2: {  	_ =	task.clear_ibuf [dreg:s7], $0x6FFFF;
	_ =	strace $0x90000046  }
0xb3: {  	s29 =	simm.s32 $0x9;
	_ =	strace $0x80000048  }
0xb4: {  	_ =	swait.ge [sflag:s29], $0x1  }
0xb5: {  	[sflag:s29] =	ssyncadd.s32 $0xFFFFFFFF  }
0xb6: {  	_ =	strace $0x90000048  }
0xb7: {  	_ =	sfence  }
0xb8: {  	s30 =	sld [smem:$0x0];
	_ =	sdelay $0x2  }
0xb9: {  	s31 =	sshll.u32 s1, $0xD;
	s1 =	sshrl.u32 s1, $0x2  }
0xba: {  	s3 =	sand.u32 $0x4000, s31;
	s1 =	sadd.s32 s1, s30  }
0xbb: {  	s0 =	sor.u32 s3, s0;
	s1 =	sshll.u32 s1, $0x11  }
0xbc: {  	s0 =	sor.u32 s1, s0  }
0xbd: {  	s0 =	sadd.s32 $0x8F2B, s0  }
0xbe: {  	[sflag:s0] =	ssyncadd.remote.s32 $0x1  }
0xbf: {  	_ =	sfence.sel $0xFFFF  }
0xc0: {  	[dreg:$0x0] =	wrdreg $0xFFFFFFFF;
	(pc) =	sbr.abs _section_cstart, $3  }
0xc1: {  	[dreg:$0x1] =	wrdreg $0xFFFFFFFF  }
0xc2: {  	_ =	task.clear_ibuf [dreg:s7], $0x2FFFF;
	_ =	strace $0x9FFFFFFF  }
0xc3: {  	(tm) =	ssettm $0x7FFFFFFF  }
tec
execute0_lowered:
.L_overlay_start_1:
0x0: {  	(tag) =	ssettag $0x1  }
0x1: {  	s4 =	rddreg [dreg:$0x0]  }
0x2: {  	s5 =	rddreg [dreg:$0x1]  }
0x3: {  	s0 =	srdreg.scid;
	s2 =	rddreg [dreg:$0x2];
	s3 =	simm.s32 $0x0  }
0x4: {  	s18 =	simm.s32 $0x80;
	s19 =	simm.s32 $0x2800;
	s20 =	simm.s32 $0x1  }
0x5: {  	s21 =	simm.s32 $0x0;
	s6 =	sand.u32 $0x1, s0;
	s0 =	stileid.u32  }
0x6: {  	[smem:$0x7FF] =	sst s3;
	s14 =	sadd.s32 $0xEC00, s5;
	s9 =	smul.u32 $0x4F000, s0  }
0x7: {  	s1 =	sshll.u32 s6, $0x4;
	s8 =	ssub.s32 $0x2, s6;
	s11 =	smul.u32 $0x13C00, s0  }
0x8: {  	s16 =	smul.u32 $0x13C000, s6;
	s7 =	sor.u32 s0, s1;
	s1 =	rddreg [dreg:$0x3]  }
0x9: {  	_ =	strace $0x80000047;
	s10 =	sshrl.u32 s8, $0x1;
	s7 =	smul.u32 $0x500, s7  }
0xa: {  	s15 =	ssub.s32 s8, s10;
	s28 =	sshrl.u32 s9, $0x2;
	s29 =	sadd.s32 $0x4000, s11  }
0xb: {  	s12 =	sadd.s32 $0x8000, s11;
	s13 =	sadd.s32 $0xC000, s11;
	s17 =	sadd.s32 $0x10000, s11  }
0xc: {  	s30 =	sadd.s32 s11, s16;
	s5 =	sadd.s32 s28, s2;
	s6 =	sadd.s32 s29, s2  }
0xd: {  	s8 =	sadd.s32 s13, s2;
	s31 =	sadd.s32 s16, s29;
	s9 =	sadd.s32 s17, s2  }
0xe: {  	s10 =	sshrl.u32 s30, $0x3;
	s13 =	sadd.s32 s16, s13;
	s15 =	smax.u32 s15, $0x1  }
0xf: {  	s4 =	sadd.s32 s4, s7;
	s7 =	sadd.s32 s12, s2;
	s11 =	sshrl.u32 s31, $0x3  }
0x10: {  	s10 =	sadd.s32 s14, s10;
	s12 =	sadd.s32 s16, s12;
	s16 =	sadd.s32 s16, s17  }
0x11: {  	s13 =	sshrl.u32 s13, $0x3;
	s17 =	simm.s32 $0x6800;
	s11 =	sadd.s32 s14, s11  }
0x12: {  	s12 =	sshrl.u32 s12, $0x3;
	s16 =	sshrl.u32 s16, $0x3;
	s13 =	sadd.s32 s14, s13  }
0x13: {  	v0 =	vimm.f32 $1.000000000e+00;
	v1 =	vimm.f32 $0.0e+00;
	s12 =	sadd.s32 s14, s12;
	s14 =	sadd.s32 s14, s16;
	s16 =	simm.s32 $0x2  }
.LBB2_1:
0x14: {  	[tilespmem:s3], [sflag:$0x2] =	stream.linear.gather [hbm4b:s4+s3], $0x2800, $0x38;
	[tilespmem:$0x1E400] =	vst v63  }
0x15: {  	_ =	swait.ge [sflag:s16], $0x2800  }
0x16: {  	[sflag:s16] =	ssyncset.done $0x0  }
0x17: {  	s22 =	simm.s32 $0x0;
	s23 =	simm.s32 $0x200;
	[sflag:s16] =	ssyncadd.s32 $0xFFFFD800  }
.LBB2_2:
0x18: {  	p0 =	sne.s32 s23, $0xFE00;
	[tilespmem:s22+$0x6870] =	vst v1  }
0x19: {  	[tilespmem:s22+$0x2800] =	vst v0  }
0x1a: {  	[tilespmem:s22+$0x6800] =	vst v1  }
0x1b: {  	[tilespmem:s22+$0x2810] =	vst v0  }
0x1c: {  	[tilespmem:s22+$0x6810] =	vst v1  }
0x1d: {  	[tilespmem:s22+$0x2820] =	vst v0  }
0x1e: {  	[tilespmem:s22+$0x6820] =	vst v1  }
0x1f: {  	[tilespmem:s22+$0x2830] =	vst v0  }
0x20: {  	[tilespmem:s22+$0x6830] =	vst v1  }
0x21: {  	[tilespmem:s22+$0x2840] =	vst v0  }
0x22: {  	[tilespmem:s22+$0x6840] =	vst v1  }
.Ltmp0:
0x23: {  	[tilespmem:s22+$0x2850] =	vst v0;
	(pc) =	sbr.rel @p0 .LBB2_2-.Ltmp0, $4  }
0x24: {  	[tilespmem:s22+$0x6850] =	vst v1  }
0x25: {  	[tilespmem:s22+$0x2860] =	vst v0  }
0x26: {  	[tilespmem:s22+$0x6860] =	vst v1  }
0x27: {  	[tilespmem:s22+$0x2870] =	vst v0;
	s22 =	sshra.s32 s23, $0x2;
	s23 =	sadd.s32 $0x200, s23  }
0x28: {  	[tilespmem:s22+$0x6870] =	vst v1  }
0x29: {  	[tilespmem:s22+$0x2800] =	vst v0  }
0x2a: {  	[tilespmem:s22+$0x6800] =	vst v1  }
0x2b: {  	[tilespmem:s22+$0x2810] =	vst v0  }
0x2c: {  	[tilespmem:s22+$0x6810] =	vst v1  }
0x2d: {  	[tilespmem:s22+$0x2820] =	vst v0  }
0x2e: {  	[tilespmem:s22+$0x6820] =	vst v1  }
0x2f: {  	[tilespmem:s22+$0x2830] =	vst v0  }
0x30: {  	[tilespmem:s22+$0x6830] =	vst v1  }
0x31: {  	[tilespmem:s22+$0x2840] =	vst v0  }
0x32: {  	[tilespmem:s22+$0x6840] =	vst v1  }
0x33: {  	[tilespmem:s22+$0x2850] =	vst v0  }
0x34: {  	[tilespmem:s22+$0x6850] =	vst v1  }
0x35: {  	[tilespmem:s22+$0x2860] =	vst v0  }
0x36: {  	[tilespmem:s22+$0x6860] =	vst v1  }
0x37: {  	[tilespmem:s22+$0x2870] =	vst v0  }
0x38: {  	[spmem:s5] =	stream.linear.scatter [tilespmem:s17], [sflag:$0x2], $0x4000, $0x38;
	[tilespmem:$0x1E400] =	vst v63  }
0x39: {  	_ =	swait.ge [sflag:s16], $0x4000  }
0x3a: {  	[sflag:s16] =	ssyncset.done $0x0  }
0x3b: {  	[sflag:s16] =	ssyncadd.s32 $0xFFFFC000  }
0x3c: {  	[spmem:s6] =	stream.linear.scatter [tilespmem:s17], [sflag:$0x2], $0x4000, $0x38;
	[tilespmem:$0x1E400] =	vst v63  }
0x3d: {  	_ =	swait.ge [sflag:s16], $0x4000  }
0x3e: {  	[sflag:s16] =	ssyncset.done $0x0  }
0x3f: {  	[sflag:s16] =	ssyncadd.s32 $0xFFFFC000  }
0x40: {  	[spmem:s7] =	stream.linear.scatter [tilespmem:s17], [sflag:$0x2], $0x4000, $0x38;
	[tilespmem:$0x1E400] =	vst v63  }
0x41: {  	_ =	swait.ge [sflag:s16], $0x4000  }
0x42: {  	[sflag:s16] =	ssyncset.done $0x0  }
0x43: {  	[sflag:s16] =	ssyncadd.s32 $0xFFFFC000  }
0x44: {  	[spmem:s8] =	stream.linear.scatter [tilespmem:s17], [sflag:$0x2], $0x4000, $0x38;
	[tilespmem:$0x1E400] =	vst v63  }
0x45: {  	_ =	swait.ge [sflag:s16], $0x4000  }
0x46: {  	[sflag:s16] =	ssyncset.done $0x0  }
0x47: {  	[sflag:s16] =	ssyncadd.s32 $0xFFFFC000  }
0x48: {  	[spmem:s9] =	stream.linear.scatter [tilespmem:s17], [sflag:$0x2], $0x3C00, $0x38;
	[tilespmem:$0x1E400] =	vst v63  }
0x49: {  	_ =	swait.ge [sflag:s16], $0x3C00  }
0x4a: {  	[sflag:s16] =	ssyncset.done $0x0  }
0x4b: {  	[sflag:s16] =	ssyncadd.s32 $0xFFFFC400  }
0x4c: {  	[bflag:$0x0] =	sbarrier.arrive $0xFFFF  }
0x4d: {  	[spmem:s2] =	stream.indirect.scatter.add.f32 [tilespmem:s19], [sflag:$0x1], $0x80, s3, s18, $0xb8;
	[tilespmem:$0x1E400] =	vst v63  }
0x4e: {  	_ = 	snop  }
0x4f: {  	[spmem:s2] =	stream.indirect.scatter.add.f32 [tilespmem:s19], [sflag:$0x1], $0x80, s18, s18, $0xb8;
	[tilespmem:$0x1E400] =	vst v63  }
0x50: {  	s31 =	simm.s32 $0x100  }
0x51: {  	[spmem:s2] =	stream.indirect.scatter.add.f32 [tilespmem:s19], [sflag:$0x1], $0x80, s31, s18, $0xb8;
	[tilespmem:$0x1E400] =	vst v63  }
0x52: {  	_ =	swait.ge [sflag:s20], $0x4000  }
0x53: {  	s22 =	simm.s32 $0x600;
	[sflag:s20] =	ssyncset.done $0x0  }
.LBB2_4:
0x54: {  	s23 =	sshra.s32 s22, $0x2;
	[sflag:s20] =	ssyncadd.s32 $0xFFFFC000;
	p0 =	sne.s32 s22, $0x9E00  }
0x55: {  	[spmem:s2] =	stream.indirect.scatter.add.f32 [tilespmem:s19], [sflag:$0x1], $0x80, s23, s18, $0xb8;
	[tilespmem:$0x1E400] =	vst v63  }
.Ltmp1:
0x56: {  	_ = 	snop;
	(pc) =	sbr.rel @p0 .LBB2_4-.Ltmp1, $4  }
0x57: {  	_ = 	snop  }
0x58: {  	s22 =	sadd.s32 $0x200, s22  }
0x59: {  	_ =	swait.ge [sflag:s20], $0x4000  }
0x5a: {  	[sflag:s20] =	ssyncset.done $0x0  }
0x5b: {  	[sflag:s20] =	ssyncadd.s32 $0xFFFFC000  }
0x5c: {  	_ =	swait.ge [sflag:s20], $0x4000  }
0x5d: {  	[sflag:s20] =	ssyncset.done $0x0  }
0x5e: {  	[sflag:s20] =	ssyncadd.s32 $0xFFFFC000  }
0x5f: {  	_ =	swait.ge [sflag:s20], $0x4000  }
0x60: {  	[sflag:s20] =	ssyncset.done $0x0  }
0x61: {  	[sflag:s20] =	ssyncadd.s32 $0xFFFFC000  }
0x62: {  	[bflag:$0x0] =	sbarrier.arrive $0xFFFF  }
0x63: {  	[tilespmem:s17], [sflag:$0x2] =	stream.linear.gather [spmem:s5], $0x4000, $0x38;
	[tilespmem:$0x1E400] =	vst v63  }
0x64: {  	_ =	swait.ge [sflag:s16], $0x4000  }
0x65: {  	[sflag:s16] =	ssyncset.done $0x0  }
0x66: {  	[sflag:s16] =	ssyncadd.s32 $0xFFFFC000  }
0x67: {  	[hbm4b:s10+s3] =	stream.linear.scatter [tilespmem:s17], [sflag:$0x2], $0x4000, $0x38;
	[tilespmem:$0x1E400] =	vst v63  }
0x68: {  	_ =	swait.ge [sflag:s16], $0x4000  }
0x69: {  	[sflag:s16] =	ssyncset.done $0x0  }
0x6a: {  	[sflag:s16] =	ssyncadd.s32 $0xFFFFC000  }
0x6b: {  	[tilespmem:s17], [sflag:$0x2] =	stream.linear.gather [spmem:s6], $0x4000, $0x38;
	[tilespmem:$0x1E400] =	vst v63  }
0x6c: {  	_ =	swait.ge [sflag:s16], $0x4000  }
0x6d: {  	[sflag:s16] =	ssyncset.done $0x0  }
0x6e: {  	[sflag:s16] =	ssyncadd.s32 $0xFFFFC000  }
0x6f: {  	[hbm4b:s11+s3] =	stream.linear.scatter [tilespmem:s17], [sflag:$0x2], $0x4000, $0x38;
	[tilespmem:$0x1E400] =	vst v63  }
0x70: {  	_ =	swait.ge [sflag:s16], $0x4000  }
0x71: {  	[sflag:s16] =	ssyncset.done $0x0  }
0x72: {  	[sflag:s16] =	ssyncadd.s32 $0xFFFFC000  }
0x73: {  	[tilespmem:s17], [sflag:$0x2] =	stream.linear.gather [spmem:s7], $0x4000, $0x38;
	[tilespmem:$0x1E400] =	vst v63  }
0x74: {  	_ =	swait.ge [sflag:s16], $0x4000  }
0x75: {  	[sflag:s16] =	ssyncset.done $0x0  }
0x76: {  	[sflag:s16] =	ssyncadd.s32 $0xFFFFC000  }
0x77: {  	[hbm4b:s12+s3] =	stream.linear.scatter [tilespmem:s17], [sflag:$0x2], $0x4000, $0x38;
	[tilespmem:$0x1E400] =	vst v63  }
0x78: {  	_ =	swait.ge [sflag:s16], $0x4000  }
0x79: {  	[sflag:s16] =	ssyncset.done $0x0  }
0x7a: {  	[sflag:s16] =	ssyncadd.s32 $0xFFFFC000  }
0x7b: {  	[tilespmem:s17], [sflag:$0x2] =	stream.linear.gather [spmem:s8], $0x4000, $0x38;
	[tilespmem:$0x1E400] =	vst v63  }
0x7c: {  	_ =	swait.ge [sflag:s16], $0x4000  }
0x7d: {  	[sflag:s16] =	ssyncset.done $0x0  }
0x7e: {  	[sflag:s16] =	ssyncadd.s32 $0xFFFFC000  }
0x7f: {  	[hbm4b:s13+s3] =	stream.linear.scatter [tilespmem:s17], [sflag:$0x2], $0x4000, $0x38;
	[tilespmem:$0x1E400] =	vst v63  }
0x80: {  	_ =	swait.ge [sflag:s16], $0x4000  }
0x81: {  	[sflag:s16] =	ssyncset.done $0x0  }
0x82: {  	[sflag:s16] =	ssyncadd.s32 $0xFFFFC000  }
0x83: {  	[tilespmem:s17], [sflag:$0x2] =	stream.linear.gather [spmem:s9], $0x3C00, $0x38;
	[tilespmem:$0x1E400] =	vst v63  }
0x84: {  	s21 =	sadd.s32 $0x1, s21;
	_ =	swait.ge [sflag:s16], $0x3C00  }
0x85: {  	p0 =	sne.s32 s21, s15;
	[sflag:s16] =	ssyncset.done $0x0  }
.Ltmp2:
0x86: {  	[sflag:s16] =	ssyncadd.s32 $0xFFFFC400;
	(pc) =	sbr.rel @p0 .LBB2_1-.Ltmp2, $4  }
0x87: {  	[hbm4b:s14+s3] =	stream.linear.scatter [tilespmem:s17], [sflag:$0x2], $0x3C00, $0x38;
	[tilespmem:$0x1E400] =	vst v63  }
0x88: {  	_ =	swait.ge [sflag:s16], $0x3C00  }
0x89: {  	[sflag:s16] =	ssyncset.done $0x0  }
0x8a: {  	[sflag:s16] =	ssyncadd.s32 $0xFFFFC400  }
0x8b: {  	_ =	sfence.sel $0x180000  }
0x8c: {  	[bflag:$0x0] =	sbarrier.arrive $0xFFFF  }
0x8d: {  	p0 =	sne.s32 s0, $0x0;
	_ =	strace $0x90000047  }
0x8e: {  	s0 =	sadd.s32 @!p0 $0x100000, s1;
	[bflag:$0x2] =	sbarrier.arrive $0xFFFF  }
0x8f: {  	[sflag:s0] =	ssyncadd.tile.s32 @!p0 $0x1;
	_ =	shalt  }
.Lfunc_end2:
_tile_overlayer_lowered:
.L_overlay_start_2:
0x90: {  	(tag) =	ssettag $0x2  }
0x91: {  	s0 =	rddreg [dreg:$0x0];
	s2 =	stileid.u32  }
0x92: {  	s1 =	rddreg [dreg:$0x1];
	p0 =	sne.s32 s2, $0x0  }
0x93: {  	s3 =	rddreg [dreg:$0x2];
	[bflag:$0x3] =	sbarrier.arrive $0xFFFF;
	s2 =	simm.s32 @!p0 $0x1C02  }
0x94: {  	[timem:s3], [sflag:s2] =	dma.local @!p0 [hbm:s0], s1  }
0x95: {  	s0 =	simm.s32 @!p0 $0x2  }
0x96: {  	_ =	swait.ge @!p0 [sflag:s0], s1  }
0x97: {  	s1 =	ssub.s32 @!p0 $0x0, s1;
	[sflag:s0] =	ssyncset.done @!p0 $0x0  }
0x98: {  	[sflag:s0] =	ssyncadd.s32 @!p0 s1  }
0x99: {  	[bflag:$0x3] =	sbarrier.arrive $0xFFFF  }
0x9a: {  	_ =	shalt  }

// kernel: kernel.13.cloned.1.call-start
scs
__scs_entry_jumppad:
0x0: {  	(pc) =	sbr.rel $0x88, $3  }
0x1: {  	(tag) =	ssettag $0x0;
	lr =	simm.s32 $0x1  }
0x2: {  	[smem:$0x3F97] =	sst lr;
	_ =	strace $0xD0000000  }
0x3: {  	_ = 	snop  }
0x4: {  	_ = 	snop  }
0x5: {  	_ = 	snop  }
0x6: {  	_ = 	snop  }
0x7: {  	_ = 	snop  }
__scs_overlays_trampoline_lowered:
0x8: {  	[smem:$0x3FA6] =	sst s0  }
0x9: {  	[smem:$0x3FA7] =	sst s1  }
0xa: {  	[smem:$0x3FA8] =	sst s2  }
0xb: {  	[smem:$0x3FA9] =	sst s3  }
0xc: {  	[smem:$0x3FAA] =	sst s4  }
0xd: {  	[smem:$0x3FAB] =	sst s5  }
0xe: {  	[smem:$0x3FAC] =	sst s6  }
0xf: {  	[smem:$0x3FAD] =	sst s7  }
0x10: {  	[smem:$0x3FAE] =	sst s8  }
0x11: {  	[smem:$0x3FAF] =	sst s9;
	s0 =	simm.s32 @!p0 $0x0  }
0x12: {  	s1 =	sld [smem:$0x3F95];
	s0 =	simm.s32 @p0 $0x1  }
0x13: {  	[smem:$0x3FB0] =	sst s0;
	s0 =	simm.s32 @!p1 $0x0  }
0x14: {  	s2 =	sld [smem:$0x3F94];
	s0 =	simm.s32 @p1 $0x1  }
0x15: {  	[smem:$0x3FB1] =	sst s0;
	s0 =	simm.s32 @!p2 $0x0  }
0x16: {  	s3 =	sld [smem:$0x3FDB];
	s0 =	simm.s32 @p2 $0x1  }
0x17: {  	s4 =	simm.s32 $0x1BF5;
	[smem:$0x3FB3] =	sst s0  }
0x18: {  	s0 =	sld [smem:$0x3F96];
	_ =	swait.ge [sflag:s4], $0x0  }
0x19: {  	s7 =	sld [smem:$0x3F97]  }
0x1a: {  	s8 =	sadd.s32 $0xFFFFE003, lr  }
0x1b: {  	s9 =	sadd.s32 $0xFFFFFEF7, lr;
	s5 =	simm.s32 $0xFFFFFFFF;
	p2 =	slt.u32 s8, $0xFFFFF086  }
0x1c: {  	p1 =	slt.u32 s9, $0xF7A;
	s5 =	simm.s32 @!p2 $0x0  }
0x1d: {  	s5 =	simm.s32 @p1 $0x1;
	p0 =	seq.s32 s7, s2  }
0x1e: {  	s7 =	smul.u32 @!p0 $0xF7A, s2;
	p2 =	seq.s32 @!p0 s5, $0x0  }
0x1f: {  	s9 =	smul.u32 $0xF7A, s1;
	s8 =	simm.s32 @!p0 $0x1BF5;
	p2 =	por !p2, p0  }
0x20: {  	[sflag:s8] =	ssyncset.s32 @!p0 $0xFFFFF086;
	s6 =	sadd.s32 @!p0 s3, s7;
	s7 =	simm.s32 @!p0 $0x108  }
0x21: {  	s3 =	sadd.s32 s3, s9;
	s6 =	sadd.s32 @!p0 $0x88, s6;
	s7 =	simm.s32 @p2 $0x1082  }
0x22: {  	[simem:s7], [sflag:s8] =	dma.local @!p0 [hbm:s6], $0xF7A  }
0x23: {  	s9 =	sor.u32 $0xD0000000, s2;
	s6 =	simm.s32 $0x108;
	_ =	swait.ge @!p0 [sflag:s8], $0x0  }
0x24: {  	s3 =	sadd.s32 $0x88, s3;
	s6 =	simm.s32 @!p1 $0x1082;
	[sflag:s4] =	ssyncset.s32 $0xFFFFF086  }
0x25: {  	[simem:s6], [sflag:s4] =	dma.local [hbm:s3], $0xF7A  }
0x26: {  	[smem:$0x3F97] =	sst s1;
	(tag) =	ssettag s2;
	_ =	strace s9  }
0x27: {  	s1 =	sld [smem:$0x3FA7]  }
0x28: {  	s2 =	sld [smem:$0x3FA8]  }
0x29: {  	s4 =	sld [smem:$0x3FAA]  }
0x2a: {  	p0 =	seq.s32 s5, $0x0;
	s5 =	sld [smem:$0x3FAB]  }
0x2b: {  	s6 =	sld [smem:$0x3FAC]  }
0x2c: {  	s7 =	sld [smem:$0x3FAD]  }
0x2d: {  	s3 =	simm.s32 $0x108;
	s8 =	sld [smem:$0x3FAE]  }
0x2e: {  	s3 =	simm.s32 @!p0 $0x1082;
	s9 =	sld [smem:$0x3FAF]  }
0x2f: {  	lr =	sadd.s32 s0, s3;
	s0 =	sld [smem:$0x3FA6]  }
0x30: {  	s3 =	sld [smem:$0x3FA9]  }
0x31: {  	[smem:$0x3FB2] =	sst s10  }
0x32: {  	s10 =	sld [smem:$0x3FB0];
	_ =	sdelay $0x3  }
0x33: {  	p0 =	seq.s32 s10, $0x1;
	s10 =	sld [smem:$0x3FB2];
	_ =	sdelay $0x3  }
0x34: {  	[smem:$0x3FB2] =	sst s10  }
0x35: {  	s10 =	sld [smem:$0x3FB1];
	_ =	sdelay $0x3  }
0x36: {  	p1 =	seq.s32 s10, $0x1;
	s10 =	sld [smem:$0x3FB2];
	_ =	sdelay $0x3  }
0x37: {  	[smem:$0x3FB2] =	sst s10  }
0x38: {  	s10 =	sld [smem:$0x3FB3]  }
0x39: {  	_ = 	snop;
	(pc) =	sbr.ind lr, $3  }
0x3a: {  	_ = 	snop  }
0x3b: {  	_ = 	snop  }
0x3c: {  	p2 =	seq.s32 s10, $0x1;
	s10 =	sld [smem:$0x3FB2]  }
0x3d: {  	_ =	shalt  }
0x3e: {  	_ =	shalt  }
0x3f: {  	_ =	shalt  }
0x40: {  	_ =	shalt  }
0x41: {  	_ =	shalt  }
0x42: {  	_ =	shalt  }
0x43: {  	_ =	shalt  }
0x44: {  	_ =	shalt  }
0x45: {  	_ =	shalt  }
0x46: {  	_ =	shalt  }
0x47: {  	_ =	shalt  }
0x48: {  	_ =	shalt  }
0x49: {  	_ =	shalt  }
0x4a: {  	_ =	shalt  }
0x4b: {  	_ =	shalt  }
0x4c: {  	_ =	shalt  }
0x4d: {  	_ =	shalt  }
0x4e: {  	_ =	shalt  }
0x4f: {  	_ =	shalt  }
0x50: {  	_ =	shalt  }
0x51: {  	_ =	shalt  }
0x52: {  	_ =	shalt  }
0x53: {  	_ =	shalt  }
0x54: {  	_ =	shalt  }
0x55: {  	_ =	shalt  }
0x56: {  	_ =	shalt  }
0x57: {  	_ =	shalt  }
0x58: {  	_ =	shalt  }
0x59: {  	_ =	shalt  }
0x5a: {  	_ =	shalt  }
0x5b: {  	_ =	shalt  }
0x5c: {  	_ =	shalt  }
0x5d: {  	_ =	shalt  }
0x5e: {  	_ =	shalt  }
0x5f: {  	_ =	shalt  }
0x60: {  	_ =	shalt  }
0x61: {  	_ =	shalt  }
0x62: {  	_ =	shalt  }
0x63: {  	_ =	shalt  }
0x64: {  	_ =	shalt  }
0x65: {  	_ =	shalt  }
0x66: {  	_ =	shalt  }
0x67: {  	_ =	shalt  }
0x68: {  	_ =	shalt  }
0x69: {  	_ =	shalt  }
0x6a: {  	_ =	shalt  }
0x6b: {  	_ =	shalt  }
0x6c: {  	_ =	shalt  }
0x6d: {  	_ =	shalt  }
0x6e: {  	_ =	shalt  }
0x6f: {  	_ =	shalt  }
0x70: {  	_ =	shalt  }
0x71: {  	_ =	shalt  }
0x72: {  	_ =	shalt  }
0x73: {  	_ =	shalt  }
0x74: {  	_ =	shalt  }
0x75: {  	_ =	shalt  }
0x76: {  	_ =	shalt  }
0x77: {  	_ =	shalt  }
0x78: {  	_ =	shalt  }
0x79: {  	_ =	shalt  }
0x7a: {  	_ =	shalt  }
0x7b: {  	_ =	shalt  }
0x7c: {  	_ =	shalt  }
0x7d: {  	_ =	shalt  }
0x7e: {  	_ =	shalt  }
0x7f: {  	_ =	shalt  }
0x80: {  	_ =	shalt  }
0x81: {  	_ =	shalt  }
0x82: {  	_ =	shalt  }
0x83: {  	_ =	shalt  }
0x84: {  	_ =	shalt  }
0x85: {  	_ =	shalt  }
0x86: {  	_ =	shalt  }
0x87: {  	_ =	shalt  }
.Lfunc_end0:
.L_simem_size_0:
called_computation.1_lowered:
.L_overlay_start_0:
0x88: {  	s2 =	sld [smem:$0x3FD9]  }
0x89: {  	s3 =	sld [smem:$0x3FFE];
	_ =	sdelay $0x1  }
0x8a: {  	s1 =	srdreg.scid  }
0x8b: {  	s0 =	sand.u32 $0x1, s1  }
0x8c: {  	s17 =	sshll.u32 s0, $0xA;
	s2 =	sadd.s32 s3, s2  }
0x8d: {  	s2 =	sadd.s32 s2, s17  }
0x8e: {  	[smem:$0x3FBE] =	sst s2  }
0x8f: {  	_ = 	snop  }
0x90: {  	s2 =	sld [smem:$0x3FD0];
	(tm) =	ssettm $0x1  }
0x91: {  	s18 =	sld [smem:$0x3FFB];
	_ =	sdelay $0x3  }
0x92: {  	_ =	strace s18  }
0x93: {  	s3 =	sld [smem:$0x3FFC];
	_ =	sdelay $0x3  }
0x94: {  	_ =	strace s3  }
0x95: {  	s3 =	sld [smem:$0x3FFD];
	_ =	sdelay $0x3  }
0x96: {  	_ =	strace s3  }
0x97: {  	_ =	strace $0x8FFFFFFF  }
0x98: {  	s19 =	sld [smem:$0x3FDB];
	_ =	sdelay $0x1  }
0x99: {  	s4 =	simm.s32 $_scs_section_size  }
0x9a: {  	s5 =	simm.s32 $_size__tile_overlayer_lowered;
	s6 =	simm.s32 $_tile_overlayer_lowered  }
0x9b: {  	s22 =	simm.s32 $0x1BFF;
	s21 =	sshll.u32 s6, $0x1;
	s3 =	sadd.s32 s4, s19  }
0x9c: {  	s7 =	simm.s32 $0x0;
	s20 =	sshll.u32 s5, $0x1;
	s5 =	sadd.s32 s21, s3  }
0x9d: {  	[timem:s7], [sflag:s22] =	dma.local [hbm:s5], s20  }
0x9e: {  	_ =	swait.ge [sflag:s22], s20  }
0x9f: {  	s4 =	ssub.s32 $0x0, s20;
	[sflag:s22] =	ssyncset.done $0x0  }
0xa0: {  	[sflag:s22] =	ssyncadd.s32 s4;
	_ =	sdelay $0x1  }
0xa1: {  	s23 =	simm.s32 $0x1B8B  }
0xa2: {  	_ =	swait.ge [sflag:s23], $0x1  }
0xa3: {  	[sflag:s23] =	ssyncset.done $0x0  }
0xa4: {  	s25 =	simm.s32 $0x1B8E;
	s24 =	sld [smem:$0x3FFE];
	[sflag:s23] =	ssyncadd.s32 $0xFFFFFFFF  }
0xa5: {  	s26 =	simm.s32 $execute0_lowered;
	[smem:$0x3FD2] =	sst s25  }
0xa6: {  	s5 =	sshll.u32 s26, $0x1;
	_ =	strace $0x80000049;
	[dreg:$0x1] =	wrdreg $0xFFFFFFFF  }
0xa7: {  	s28 =	simm.s32 $_size_execute0_lowered;
	s3 =	sadd.s32 s3, s5;
	[dreg:$0x0] =	wrdreg $0x0  }
0xa8: {  	s5 =	sshll.u32 s28, $0x1;
	[dreg:$0x2] =	wrdreg s3  }
0xa9: {  	[dreg:$0x3] =	wrdreg s5  }
0xaa: {  	[dreg:$0x4] =	wrdreg $0xC0  }
0xab: {  	_ =	task [dreg:s7], $0x5FFFF  }
0xac: {  	[dreg:$0x1] =	wrdreg $0xFFFFFFFF  }
0xad: {  	[dreg:$0x0] =	wrdreg $0x60  }
0xae: {  	[dreg:$0x2] =	wrdreg s2  }
0xaf: {  	[dreg:$0x3] =	wrdreg s24  }
0xb0: {  	[dreg:$0x4] =	wrdreg $0x90000  }
0xb1: {  	[dreg:$0x5] =	wrdreg $0x9  }
0xb2: {  	_ =	task.clear_ibuf [dreg:s7], $0x6FFFF;
	_ =	strace $0x90000049  }
0xb3: {  	s29 =	simm.s32 $0x9;
	_ =	strace $0x8000004B  }
0xb4: {  	_ =	swait.ge [sflag:s29], $0x1  }
0xb5: {  	[sflag:s29] =	ssyncadd.s32 $0xFFFFFFFF  }
0xb6: {  	_ =	strace $0x9000004B  }
0xb7: {  	_ =	sfence  }
0xb8: {  	s30 =	sld [smem:$0x0];
	_ =	sdelay $0x2  }
0xb9: {  	s31 =	sshll.u32 s1, $0xD;
	s1 =	sshrl.u32 s1, $0x2  }
0xba: {  	s3 =	sand.u32 $0x4000, s31;
	s1 =	sadd.s32 s1, s30  }
0xbb: {  	s0 =	sor.u32 s3, s0;
	s1 =	sshll.u32 s1, $0x11  }
0xbc: {  	s0 =	sor.u32 s1, s0  }
0xbd: {  	s0 =	sadd.s32 $0x8F2B, s0  }
0xbe: {  	[sflag:s0] =	ssyncadd.remote.s32 $0x1  }
0xbf: {  	_ =	sfence.sel $0xFFFF  }
0xc0: {  	[dreg:$0x0] =	wrdreg $0xFFFFFFFF;
	(pc) =	sbr.abs _section_cstart, $3  }
0xc1: {  	[dreg:$0x1] =	wrdreg $0xFFFFFFFF  }
0xc2: {  	_ =	task.clear_ibuf [dreg:s7], $0x2FFFF;
	_ =	strace $0x9FFFFFFF  }
0xc3: {  	(tm) =	ssettm $0x7FFFFFFF  }
tec
execute0_lowered:
.L_overlay_start_1:
0x0: {  	(tag) =	ssettag $0x1  }
0x1: {  	s1 =	rddreg [dreg:$0x0]  }
0x2: {  	s0 =	rddreg [dreg:$0x1]  }
0x3: {  	s2 =	rddreg [dreg:$0x2];
	s3 =	srdreg.scid  }
0x4: {  	s4 =	simm.s32 $0x0;
	s19 =	stileid.u32;
	s28 =	simm.s32 $0x80  }
0x5: {  	s29 =	simm.s32 $0x5000;
	s30 =	simm.s32 $0x1;
	s31 =	simm.s32 $0x2  }
0x6: {  	s3 =	sand.u32 $0x1, s3;
	[smem:$0x7FF] =	sst s4;
	s20 =	sadd.s32 $0x5DC00, s0  }
0x7: {  	s21 =	sadd.s32 $0x4C00, s0;
	s0 =	sadd.s32 $0x67C00, s0;
	s9 =	smul.u32 $0x4F000, s19  }
0x8: {  	s22 =	smul.u32 $0x13C00, s19;
	s5 =	sshll.u32 s3, $0x4;
	s6 =	ssub.s32 $0x2, s3  }
0x9: {  	_ =	strace $0x8000004A;
	s5 =	sor.u32 s19, s5;
	s7 =	sshrl.u32 s6, $0x1  }
0xa: {  	s9 =	sshrl.u32 s9, $0x2;
	s15 =	sadd.s32 $0x4000, s22;
	s5 =	smul.u32 $0x500, s5  }
0xb: {  	s16 =	sadd.s32 $0x8000, s22;
	s19 =	smul.u32 $0xA, s19;
	s6 =	ssub.s32 s6, s7  }
0xc: {  	s9 =	sadd.s32 s9, s2;
	s10 =	sadd.s32 s15, s2;
	s17 =	sadd.s32 s20, s5  }
0xd: {  	s8 =	sor.u32 $0x80, s5;
	s5 =	sadd.s32 s21, s5;
	[dreg:$0x4] =	wrdreg s17  }
0xe: {  	s11 =	sadd.s32 s16, s2;
	[dreg:$0x5] =	wrdreg s5;
	s18 =	sadd.s32 s20, s8  }
0xf: {  	s23 =	sadd.s32 s21, s8;
	s17 =	smul.u32 $0x13C000, s3;
	[dreg:$0x6] =	wrdreg s18  }
0x10: {  	s5 =	sadd.s32 $0x10000, s22;
	s3 =	smul.u32 $0xA0, s3;
	[dreg:$0x7] =	wrdreg s23  }
0x11: {  	s18 =	sadd.s32 $0xC000, s22;
	s13 =	sadd.s32 s5, s2;
	s12 =	sadd.s32 s22, s17  }
0x12: {  	s15 =	sadd.s32 s17, s15;
	s16 =	sadd.s32 s17, s16;
	s5 =	sadd.s32 s17, s5  }
0x13: {  	s3 =	sadd.s32 s19, s3;
	s19 =	smax.u32 s6, $0x1;
	s22 =	simm.s32 $0x4  }
0x14: {  	s14 =	sshrl.u32 s12, $0x3;
	s12 =	sadd.s32 s18, s2;
	s15 =	sshrl.u32 s15, $0x3  }
0x15: {  	s16 =	sshrl.u32 s16, $0x3;
	s18 =	sadd.s32 s17, s18;
	s5 =	sshrl.u32 s5, $0x3  }
.Ltmp0:
0x16: {  	s3 =	sshll.u32 s3, $0x7;
	s24 =	sadd.s32 s0, s14;
	(pc) =	sbr.rel .LBB2_1-.Ltmp0, $4  }
0x17: {  	s25 =	sadd.s32 s0, s15;
	s16 =	sadd.s32 s0, s16;
	[dreg:$0x8] =	wrdreg s24  }
0x18: {  	s18 =	sshrl.u32 s18, $0x3;
	s26 =	sadd.s32 $0x100, s3;
	[dreg:$0x9] =	wrdreg s25  }
0x19: {  	s17 =	sadd.s32 s0, s18;
	s18 =	sadd.s32 s0, s5;
	s24 =	sadd.s32 s26, s20  }
0x1a: {  	v0 =	vimm.f32 $0.0e+00;
	s23 =	sadd.s32 s26, s21;
	s26 =	simm.s32 $0x1000;
	s0 =	simm.s32 $0x0  }
.LBB2_8:
0x1b: {  	[bflag:$0x0] =	sbarrier.arrive $0xFFFF  }
0x1c: {  	[tilespmem:s26], [sflag:$0x4] =	stream.linear.gather [spmem:s9], $0x4000, $0x38;
	[tilespmem:$0x1CC00] =	vst v63  }
0x1d: {  	_ =	swait.ge [sflag:s22], $0x4000  }
0x1e: {  	[sflag:s22] =	ssyncset.done $0x0  }
0x1f: {  	s3 =	rddreg [dreg:$0x8];
	[sflag:s22] =	ssyncadd.s32 $0xFFFFC000  }
0x20: {  	[hbm4b:s3+s4] =	stream.linear.scatter [tilespmem:s26], [sflag:$0x4], $0x4000, $0x38;
	[tilespmem:$0x1CC00] =	vst v63  }
0x21: {  	_ =	swait.ge [sflag:s22], $0x4000  }
0x22: {  	[sflag:s22] =	ssyncset.done $0x0  }
0x23: {  	[sflag:s22] =	ssyncadd.s32 $0xFFFFC000  }
0x24: {  	[tilespmem:s26], [sflag:$0x4] =	stream.linear.gather [spmem:s10], $0x4000, $0x38;
	[tilespmem:$0x1CC00] =	vst v63  }
0x25: {  	_ =	swait.ge [sflag:s22], $0x4000  }
0x26: {  	[sflag:s22] =	ssyncset.done $0x0  }
0x27: {  	s25 =	rddreg [dreg:$0x9];
	[sflag:s22] =	ssyncadd.s32 $0xFFFFC000  }
0x28: {  	[hbm4b:s25+s4] =	stream.linear.scatter [tilespmem:s26], [sflag:$0x4], $0x4000, $0x38;
	[tilespmem:$0x1CC00] =	vst v63  }
0x29: {  	_ =	swait.ge [sflag:s22], $0x4000  }
0x2a: {  	[sflag:s22] =	ssyncset.done $0x0  }
0x2b: {  	[sflag:s22] =	ssyncadd.s32 $0xFFFFC000  }
0x2c: {  	[tilespmem:s26], [sflag:$0x4] =	stream.linear.gather [spmem:s11], $0x4000, $0x38;
	[tilespmem:$0x1CC00] =	vst v63  }
0x2d: {  	_ =	swait.ge [sflag:s22], $0x4000  }
0x2e: {  	[sflag:s22] =	ssyncset.done $0x0  }
0x2f: {  	[sflag:s22] =	ssyncadd.s32 $0xFFFFC000  }
0x30: {  	[hbm4b:s16+s4] =	stream.linear.scatter [tilespmem:s26], [sflag:$0x4], $0x4000, $0x38;
	[tilespmem:$0x1CC00] =	vst v63  }
0x31: {  	_ =	swait.ge [sflag:s22], $0x4000  }
0x32: {  	[sflag:s22] =	ssyncset.done $0x0  }
0x33: {  	[sflag:s22] =	ssyncadd.s32 $0xFFFFC000  }
0x34: {  	[tilespmem:s26], [sflag:$0x4] =	stream.linear.gather [spmem:s12], $0x4000, $0x38;
	[tilespmem:$0x1CC00] =	vst v63  }
0x35: {  	_ =	swait.ge [sflag:s22], $0x4000  }
0x36: {  	[sflag:s22] =	ssyncset.done $0x0  }
0x37: {  	[sflag:s22] =	ssyncadd.s32 $0xFFFFC000  }
0x38: {  	[hbm4b:s17+s4] =	stream.linear.scatter [tilespmem:s26], [sflag:$0x4], $0x4000, $0x38;
	[tilespmem:$0x1CC00] =	vst v63  }
0x39: {  	_ =	swait.ge [sflag:s22], $0x4000  }
0x3a: {  	[sflag:s22] =	ssyncset.done $0x0  }
0x3b: {  	[sflag:s22] =	ssyncadd.s32 $0xFFFFC000  }
0x3c: {  	[tilespmem:s26], [sflag:$0x4] =	stream.linear.gather [spmem:s13], $0x3C00, $0x38;
	[tilespmem:$0x1CC00] =	vst v63  }
0x3d: {  	s0 =	sadd.s32 $0x1, s0;
	_ =	swait.ge [sflag:s22], $0x3C00  }
0x3e: {  	p0 =	sne.s32 s0, s19;
	[sflag:s22] =	ssyncset.done $0x0  }
.Ltmp1:
0x3f: {  	[sflag:s22] =	ssyncadd.s32 $0xFFFFC400;
	(pc) =	sbr.rel @!p0 .LBB2_9-.Ltmp1, $4  }
0x40: {  	[hbm4b:s18+s4] =	stream.linear.scatter [tilespmem:s26], [sflag:$0x4], $0x3C00, $0x38;
	[tilespmem:$0x1CC00] =	vst v63  }
0x41: {  	_ =	swait.ge [sflag:s22], $0x3C00  }
0x42: {  	[sflag:s22] =	ssyncset.done $0x0  }
0x43: {  	[sflag:s22] =	ssyncadd.s32 $0xFFFFC400  }
.LBB2_1:
0x44: {  	s3 =	rddreg [dreg:$0x4]  }
0x45: {  	[tilespmem:s4], [sflag:$0x4] =	stream.linear.gather [hbm4b:s3+s4], $0x400, $0x38;
	[tilespmem:$0x1CC00] =	vst v63  }
0x46: {  	_ =	swait.ge [sflag:s22], $0x400  }
0x47: {  	[sflag:s22] =	ssyncset.done $0x0  }
0x48: {  	s5 =	simm.s32 $0x800;
	s14 =	rddreg [dreg:$0x5];
	[sflag:s22] =	ssyncadd.s32 $0xFFFFFC00  }
0x49: {  	[tilespmem:s5], [sflag:$0x4] =	stream.linear.gather [hbm4b:s14+s4], $0x400, $0x38;
	[tilespmem:$0x1CC00] =	vst v63  }
0x4a: {  	_ =	swait.ge [sflag:s22], $0x400  }
0x4b: {  	s20 =	simm.s32 $0x400;
	[sflag:s22] =	ssyncset.done $0x0  }
0x4c: {  	s25 =	simm.s32 $0xC00;
	s15 =	rddreg [dreg:$0x6];
	[sflag:s22] =	ssyncadd.s32 $0xFFFFFC00  }
0x4d: {  	[tilespmem:s20], [sflag:$0x3] =	stream.linear.gather [hbm4b:s15+s4], $0x400, $0x38;
	[tilespmem:$0x1CC00] =	vst v63  }
0x4e: {  	s3 =	simm.s32 $0x0;
	s5 =	simm.s32 $0x200;
	s21 =	rddreg [dreg:$0x7]  }
0x4f: {  	[tilespmem:s25], [sflag:$0x3] =	stream.linear.gather [hbm4b:s21+s4], $0x400, $0x38;
	[tilespmem:$0x1CC00] =	vst v63  }
.LBB2_2:
0x50: {  	p0 =	sne.s32 s5, $0xFE00;
	[tilespmem:s3+$0x1070] =	vst v0  }
0x51: {  	[tilespmem:s3+$0x1000] =	vst v0  }
0x52: {  	[tilespmem:s3+$0x1010] =	vst v0  }
.Ltmp2:
0x53: {  	[tilespmem:s3+$0x1020] =	vst v0;
	(pc) =	sbr.rel @p0 .LBB2_2-.Ltmp2, $4  }
0x54: {  	[tilespmem:s3+$0x1030] =	vst v0  }
0x55: {  	[tilespmem:s3+$0x1040] =	vst v0  }
0x56: {  	[tilespmem:s3+$0x1050] =	vst v0  }
0x57: {  	[tilespmem:s3+$0x1060] =	vst v0;
	s3 =	sshra.s32 s5, $0x2;
	s5 =	sadd.s32 $0x200, s5  }
0x58: {  	[tilespmem:s3+$0x1070] =	vst v0  }
0x59: {  	[tilespmem:s3+$0x1000] =	vst v0  }
0x5a: {  	[tilespmem:s3+$0x1010] =	vst v0  }
0x5b: {  	[tilespmem:s3+$0x1020] =	vst v0  }
0x5c: {  	[tilespmem:s3+$0x1030] =	vst v0  }
0x5d: {  	[tilespmem:s3+$0x1040] =	vst v0  }
0x5e: {  	[tilespmem:s3+$0x1050] =	vst v0  }
0x5f: {  	[tilespmem:s3+$0x1060] =	vst v0  }
0x60: {  	[spmem:s9] =	stream.linear.scatter [tilespmem:s26], [sflag:$0x4], $0x4000, $0x38;
	[tilespmem:$0x1CC00] =	vst v63  }
0x61: {  	_ =	swait.ge [sflag:s22], $0x4000  }
0x62: {  	[sflag:s22] =	ssyncset.done $0x0  }
0x63: {  	[sflag:s22] =	ssyncadd.s32 $0xFFFFC000  }
0x64: {  	[spmem:s10] =	stream.linear.scatter [tilespmem:s26], [sflag:$0x4], $0x4000, $0x38;
	[tilespmem:$0x1CC00] =	vst v63  }
0x65: {  	_ =	swait.ge [sflag:s22], $0x4000  }
0x66: {  	[sflag:s22] =	ssyncset.done $0x0  }
0x67: {  	[sflag:s22] =	ssyncadd.s32 $0xFFFFC000  }
0x68: {  	[spmem:s11] =	stream.linear.scatter [tilespmem:s26], [sflag:$0x4], $0x4000, $0x38;
	[tilespmem:$0x1CC00] =	vst v63  }
0x69: {  	_ =	swait.ge [sflag:s22], $0x4000  }
0x6a: {  	[sflag:s22] =	ssyncset.done $0x0  }
0x6b: {  	[sflag:s22] =	ssyncadd.s32 $0xFFFFC000  }
0x6c: {  	[spmem:s12] =	stream.linear.scatter [tilespmem:s26], [sflag:$0x4], $0x4000, $0x38;
	[tilespmem:$0x1CC00] =	vst v63  }
0x6d: {  	_ =	swait.ge [sflag:s22], $0x4000  }
0x6e: {  	[sflag:s22] =	ssyncset.done $0x0  }
0x6f: {  	[sflag:s22] =	ssyncadd.s32 $0xFFFFC000  }
0x70: {  	[spmem:s13] =	stream.linear.scatter [tilespmem:s26], [sflag:$0x4], $0x3C00, $0x38;
	[tilespmem:$0x1CC00] =	vst v63  }
0x71: {  	_ =	swait.ge [sflag:s22], $0x3C00  }
0x72: {  	[sflag:s22] =	ssyncset.done $0x0  }
.Ltmp3:
0x73: {  	[sflag:s22] =	ssyncadd.s32 $0xFFFFC400;
	(pc) =	sbr.rel .LBB2_4-.Ltmp3, $4  }
0x74: {  	s3 =	simm.s32 $0x0;
	[bflag:$0x0] =	sbarrier.arrive $0xFFFF  }
0x75: {  	[tilespmem:s26], [sflag:$0x1] =	stream.indirect.gather [hbm4b:s1+s28], $0x80, s3, s28, $0xb8;
	[tilespmem:$0x1CC00] =	vst v63  }
0x76: {  	s21 =	smov.u32 s23;
	s20 =	smov.u32 s24  }
0x77: {  	[tilespmem:s29], [sflag:$0x1] =	stream.indirect.gather [hbm4b:s1+s28], $0x80, s28, s28, $0xb8;
	[tilespmem:$0x1CC00] =	vst v63  }
.LBB2_5:
0x78: {  	[tilespmem:s25], [sflag:$0x3] =	stream.linear.gather [hbm4b:s20+s4], $0x400, $0x38;
	[tilespmem:$0x1CC00] =	vst v63  }
0x79: {  	_ = 	snop  }
0x7a: {  	[tilespmem:s5], [sflag:$0x3] =	stream.linear.gather [hbm4b:s21+s4], $0x400, $0x38;
	[tilespmem:$0x1CC00] =	vst v63  }
.LBB2_7:
0x7b: {  	s3 =	sadd.s32 $0x1, s3  }
0x7c: {  	p0 =	sne.s32 s3, $0xA  }
.Ltmp4:
0x7d: {  	_ = 	snop;
	(pc) =	sbr.rel @!p0 .LBB2_8-.Ltmp4, $4  }
0x7e: {  	_ = 	snop  }
0x7f: {  	s5 =	sshll.u32 s6, $0xA  }
0x80: {  	s20 =	sadd.s32 $0x80, s20;
	s21 =	sadd.s32 $0x80, s21;
	s5 =	sor.u32 $0x80, s5  }
0x81: {  	[tilespmem:s29], [sflag:$0x1] =	stream.indirect.gather [hbm4b:s1+s28], $0x80, s5, s28, $0xb8;
	[tilespmem:$0x1CC00] =	vst v63  }
.LBB2_4:
0x82: {  	s6 =	sand.u32 $0x1, s3;
	_ =	swait.ge [sflag:s30], $0x4000  }
0x83: {  	[sflag:s30] =	ssyncset.done $0x0;
	s25 =	sshll.u32 s6, $0xA  }
0x84: {  	[sflag:s30] =	ssyncadd.s32 $0xFFFFC000;
	s5 =	sor.u32 $0x800, s25  }
0x85: {  	[spmem:s2] =	stream.indirect.scatter.add.f32 [tilespmem:s26], [sflag:$0x2], $0x80, s5, s28, $0xb8;
	[tilespmem:$0x1CC00] =	vst v63  }
0x86: {  	_ =	swait.ge [sflag:s31], $0x4000  }
0x87: {  	[sflag:s31] =	ssyncset.done $0x0  }
0x88: {  	s7 =	sor.u32 $0x100, s25;
	[sflag:s31] =	ssyncadd.s32 $0xFFFFC000  }
0x89: {  	[tilespmem:s26], [sflag:$0x1] =	stream.indirect.gather [hbm4b:s1+s28], $0x80, s7, s28, $0xb8;
	[tilespmem:$0x1CC00] =	vst v63  }
0x8a: {  	_ =	swait.ge [sflag:s30], $0x4000  }
0x8b: {  	[sflag:s30] =	ssyncset.done $0x0  }
0x8c: {  	s8 =	sor.u32 $0x880, s25;
	[sflag:s30] =	ssyncadd.s32 $0xFFFFC000  }
0x8d: {  	[spmem:s2] =	stream.indirect.scatter.add.f32 [tilespmem:s29], [sflag:$0x2], $0x80, s8, s28, $0xb8;
	[tilespmem:$0x1CC00] =	vst v63  }
0x8e: {  	_ =	swait.ge [sflag:s31], $0x4000  }
0x8f: {  	[sflag:s31] =	ssyncset.done $0x0  }
0x90: {  	s14 =	sor.u32 $0x180, s25;
	[sflag:s31] =	ssyncadd.s32 $0xFFFFC000  }
0x91: {  	[tilespmem:s29], [sflag:$0x1] =	stream.indirect.gather [hbm4b:s1+s28], $0x80, s14, s28, $0xb8;
	[tilespmem:$0x1CC00] =	vst v63  }
0x92: {  	_ =	swait.ge [sflag:s30], $0x4000  }
0x93: {  	[sflag:s30] =	ssyncset.done $0x0  }
0x94: {  	s15 =	sor.u32 $0x900, s25;
	[sflag:s30] =	ssyncadd.s32 $0xFFFFC000  }
0x95: {  	[spmem:s2] =	stream.indirect.scatter.add.f32 [tilespmem:s26], [sflag:$0x2], $0x80, s15, s28, $0xb8;
	[tilespmem:$0x1CC00] =	vst v63  }
0x96: {  	_ =	swait.ge [sflag:s31], $0x4000  }
0x97: {  	[sflag:s31] =	ssyncset.done $0x0  }
0x98: {  	s8 =	sor.u32 $0x200, s25;
	[sflag:s31] =	ssyncadd.s32 $0xFFFFC000  }
0x99: {  	[tilespmem:s26], [sflag:$0x1] =	stream.indirect.gather [hbm4b:s1+s28], $0x80, s8, s28, $0xb8;
	[tilespmem:$0x1CC00] =	vst v63  }
0x9a: {  	_ =	swait.ge [sflag:s30], $0x4000  }
0x9b: {  	[sflag:s30] =	ssyncset.done $0x0  }
0x9c: {  	s14 =	sor.u32 $0x980, s25;
	[sflag:s30] =	ssyncadd.s32 $0xFFFFC000  }
0x9d: {  	[spmem:s2] =	stream.indirect.scatter.add.f32 [tilespmem:s29], [sflag:$0x2], $0x80, s14, s28, $0xb8;
	[tilespmem:$0x1CC00] =	vst v63  }
0x9e: {  	_ =	swait.ge [sflag:s31], $0x4000  }
0x9f: {  	[sflag:s31] =	ssyncset.done $0x0  }
0xa0: {  	s15 =	sor.u32 $0x280, s25;
	[sflag:s31] =	ssyncadd.s32 $0xFFFFC000  }
0xa1: {  	[tilespmem:s29], [sflag:$0x1] =	stream.indirect.gather [hbm4b:s1+s28], $0x80, s15, s28, $0xb8;
	[tilespmem:$0x1CC00] =	vst v63  }
0xa2: {  	_ =	swait.ge [sflag:s30], $0x4000  }
0xa3: {  	[sflag:s30] =	ssyncset.done $0x0  }
0xa4: {  	s8 =	sor.u32 $0xA00, s25;
	[sflag:s30] =	ssyncadd.s32 $0xFFFFC000  }
0xa5: {  	[spmem:s2] =	stream.indirect.scatter.add.f32 [tilespmem:s26], [sflag:$0x2], $0x80, s8, s28, $0xb8;
	[tilespmem:$0x1CC00] =	vst v63  }
0xa6: {  	_ =	swait.ge [sflag:s31], $0x4000  }
0xa7: {  	[sflag:s31] =	ssyncset.done $0x0  }
0xa8: {  	s14 =	sor.u32 $0x300, s25;
	[sflag:s31] =	ssyncadd.s32 $0xFFFFC000  }
0xa9: {  	[tilespmem:s26], [sflag:$0x1] =	stream.indirect.gather [hbm4b:s1+s28], $0x80, s14, s28, $0xb8;
	[tilespmem:$0x1CC00] =	vst v63  }
0xaa: {  	_ =	swait.ge [sflag:s30], $0x4000  }
0xab: {  	[sflag:s30] =	ssyncset.done $0x0  }
0xac: {  	s15 =	sor.u32 $0xA80, s25;
	[sflag:s30] =	ssyncadd.s32 $0xFFFFC000  }
0xad: {  	[spmem:s2] =	stream.indirect.scatter.add.f32 [tilespmem:s29], [sflag:$0x2], $0x80, s15, s28, $0xb8;
	[tilespmem:$0x1CC00] =	vst v63  }
0xae: {  	_ =	swait.ge [sflag:s31], $0x4000  }
0xaf: {  	[sflag:s31] =	ssyncset.done $0x0  }
0xb0: {  	s7 =	sor.u32 $0x380, s25;
	[sflag:s31] =	ssyncadd.s32 $0xFFFFC000  }
0xb1: {  	[tilespmem:s29], [sflag:$0x1] =	stream.indirect.gather [hbm4b:s1+s28], $0x80, s7, s28, $0xb8;
	[tilespmem:$0x1CC00] =	vst v63  }
0xb2: {  	_ =	swait.ge [sflag:s30], $0x4000  }
0xb3: {  	[sflag:s30] =	ssyncset.done $0x0  }
0xb4: {  	s8 =	sor.u32 $0xB00, s25;
	[sflag:s30] =	ssyncadd.s32 $0xFFFFC000  }
0xb5: {  	[spmem:s2] =	stream.indirect.scatter.add.f32 [tilespmem:s26], [sflag:$0x2], $0x80, s8, s28, $0xb8;
	[tilespmem:$0x1CC00] =	vst v63  }
0xb6: {  	_ =	swait.ge [sflag:s31], $0x4000  }
0xb7: {  	p0 =	seq.s32 s3, $0x9;
	[sflag:s31] =	ssyncset.done $0x0  }
0xb8: {  	s8 =	simm.s32 @!p0 $0x3;
	[sflag:s31] =	ssyncadd.s32 $0xFFFFC000  }
0xb9: {  	_ =	swait.ge @!p0 [sflag:s8], $0x400  }
0xba: {  	[sflag:s8] =	ssyncset.done @!p0 $0x0  }
0xbb: {  	[sflag:s8] =	ssyncadd.s32 @!p0 $0xFFFFFC00  }
0xbc: {  	_ =	swait.ge @!p0 [sflag:s8], $0x400  }
0xbd: {  	s6 =	sxor.u32 $0x1, s6;
	s14 =	simm.s32 @!p0 $0x80;
	[sflag:s8] =	ssyncset.done @!p0 $0x0  }
0xbe: {  	s15 =	simm.s32 @!p0 $0x1000;
	[sflag:s8] =	ssyncadd.s32 @!p0 $0xFFFFFC00;
	s8 =	sshll.u32 @!p0 s6, $0xA  }
0xbf: {  	[tilespmem:s15], [sflag:$0x1] =	stream.indirect.gather @!p0 [hbm4b:s1+s14], $0x80, s8, s14, $0xb8;
	[tilespmem:$0x1CC00] =	vst v63  }
0xc0: {  	_ =	swait.ge [sflag:s30], $0x4000  }
0xc1: {  	p1 =	sgt.u32 s3, $0x7;
	[sflag:s30] =	ssyncset.done $0x0  }
.Ltmp5:
0xc2: {  	s7 =	sor.u32 $0x800, s7;
	[sflag:s30] =	ssyncadd.s32 $0xFFFFC000;
	(pc) =	sbr.rel @!p1 .LBB2_5-.Ltmp5, $4  }
0xc3: {  	[spmem:s2] =	stream.indirect.scatter.add.f32 [tilespmem:s29], [sflag:$0x2], $0x80, s7, s28, $0xb8;
	[tilespmem:$0x1CC00] =	vst v63  }
0xc4: {  	_ =	swait.ge [sflag:s31], $0x4000  }
0xc5: {  	[sflag:s31] =	ssyncset.done $0x0  }
0xc6: {  	[sflag:s31] =	ssyncadd.s32 $0xFFFFC000  }
.Ltmp6:
0xc7: {  	(pc) =	sbr.rel @!p0 .LBB2_7-.Ltmp6, $4  }
.Ltmp7:
0xc8: {  	(pc) =	sbr.rel @p0 .LBB2_8-.Ltmp7, $4  }
0xc9: {  	_ = 	snop  }
0xca: {  	_ = 	snop  }
0xcb: {  	_ = 	snop  }
0xcc: {  	_ = 	snop  }
.LBB2_9:
0xcd: {  	_ =	sfence.sel $0x180000  }
0xce: {  	[bflag:$0x0] =	sbarrier.arrive $0xFFFF  }
0xcf: {  	_ =	strace $0x9000004A  }
0xd0: {  	s0 =	stileid.u32;
	[bflag:$0x2] =	sbarrier.arrive $0xFFFF  }
0xd1: {  	p0 =	sne.s32 s0, $0x0;
	s0 =	rddreg [dreg:$0x3]  }
0xd2: {  	s0 =	sadd.s32 @!p0 $0x100000, s0  }
0xd3: {  	[sflag:s0] =	ssyncadd.tile.s32 @!p0 $0x1;
	_ =	shalt  }
.Lfunc_end2:
_tile_overlayer_lowered:
.L_overlay_start_2:
0xd4: {  	(tag) =	ssettag $0x2  }
0xd5: {  	s0 =	rddreg [dreg:$0x0];
	s2 =	stileid.u32  }
0xd6: {  	s1 =	rddreg [dreg:$0x1];
	p0 =	sne.s32 s2, $0x0  }
0xd7: {  	s3 =	rddreg [dreg:$0x2];
	[bflag:$0x3] =	sbarrier.arrive $0xFFFF;
	s2 =	simm.s32 @!p0 $0x1C04  }
0xd8: {  	[timem:s3], [sflag:s2] =	dma.local @!p0 [hbm:s0], s1  }
0xd9: {  	s0 =	simm.s32 @!p0 $0x4  }
0xda: {  	_ =	swait.ge @!p0 [sflag:s0], s1  }
0xdb: {  	s1 =	ssub.s32 @!p0 $0x0, s1;
	[sflag:s0] =	ssyncset.done @!p0 $0x0  }
0xdc: {  	[sflag:s0] =	ssyncadd.s32 @!p0 s1  }
0xdd: {  	[bflag:$0x3] =	sbarrier.arrive $0xFFFF  }
0xde: {  	_ =	shalt  }

// kernel: kernel.16.cloned.1.call-start
scs
__scs_entry_jumppad:
0x0: {  	(pc) =	sbr.rel $0x88, $3  }
0x1: {  	(tag) =	ssettag $0x0;
	lr =	simm.s32 $0x1  }
0x2: {  	[smem:$0x3F97] =	sst lr;
	_ =	strace $0xD0000000  }
0x3: {  	_ = 	snop  }
0x4: {  	_ = 	snop  }
0x5: {  	_ = 	snop  }
0x6: {  	_ = 	snop  }
0x7: {  	_ = 	snop  }
__scs_overlays_trampoline_lowered:
0x8: {  	[smem:$0x3FA6] =	sst s0  }
0x9: {  	[smem:$0x3FA7] =	sst s1  }
0xa: {  	[smem:$0x3FA8] =	sst s2  }
0xb: {  	[smem:$0x3FA9] =	sst s3  }
0xc: {  	[smem:$0x3FAA] =	sst s4  }
0xd: {  	[smem:$0x3FAB] =	sst s5  }
0xe: {  	[smem:$0x3FAC] =	sst s6  }
0xf: {  	[smem:$0x3FAD] =	sst s7  }
0x10: {  	[smem:$0x3FAE] =	sst s8  }
0x11: {  	[smem:$0x3FAF] =	sst s9;
	s0 =	simm.s32 @!p0 $0x0  }
0x12: {  	s1 =	sld [smem:$0x3F95];
	s0 =	simm.s32 @p0 $0x1  }
0x13: {  	[smem:$0x3FB0] =	sst s0;
	s0 =	simm.s32 @!p1 $0x0  }
0x14: {  	s2 =	sld [smem:$0x3F94];
	s0 =	simm.s32 @p1 $0x1  }
0x15: {  	[smem:$0x3FB1] =	sst s0;
	s0 =	simm.s32 @!p2 $0x0  }
0x16: {  	s3 =	sld [smem:$0x3FDB];
	s0 =	simm.s32 @p2 $0x1  }
0x17: {  	s4 =	simm.s32 $0x1BF5;
	[smem:$0x3FB3] =	sst s0  }
0x18: {  	s0 =	sld [smem:$0x3F96];
	_ =	swait.ge [sflag:s4], $0x0  }
0x19: {  	s7 =	sld [smem:$0x3F97]  }
0x1a: {  	s8 =	sadd.s32 $0xFFFFE003, lr  }
0x1b: {  	s9 =	sadd.s32 $0xFFFFFEF7, lr;
	s5 =	simm.s32 $0xFFFFFFFF;
	p2 =	slt.u32 s8, $0xFFFFF086  }
0x1c: {  	p1 =	slt.u32 s9, $0xF7A;
	s5 =	simm.s32 @!p2 $0x0  }
0x1d: {  	s5 =	simm.s32 @p1 $0x1;
	p0 =	seq.s32 s7, s2  }
0x1e: {  	s7 =	smul.u32 @!p0 $0xF7A, s2;
	p2 =	seq.s32 @!p0 s5, $0x0  }
0x1f: {  	s9 =	smul.u32 $0xF7A, s1;
	s8 =	simm.s32 @!p0 $0x1BF5;
	p2 =	por !p2, p0  }
0x20: {  	[sflag:s8] =	ssyncset.s32 @!p0 $0xFFFFF086;
	s6 =	sadd.s32 @!p0 s3, s7;
	s7 =	simm.s32 @!p0 $0x108  }
0x21: {  	s3 =	sadd.s32 s3, s9;
	s6 =	sadd.s32 @!p0 $0x88, s6;
	s7 =	simm.s32 @p2 $0x1082  }
0x22: {  	[simem:s7], [sflag:s8] =	dma.local @!p0 [hbm:s6], $0xF7A  }
0x23: {  	s9 =	sor.u32 $0xD0000000, s2;
	s6 =	simm.s32 $0x108;
	_ =	swait.ge @!p0 [sflag:s8], $0x0  }
0x24: {  	s3 =	sadd.s32 $0x88, s3;
	s6 =	simm.s32 @!p1 $0x1082;
	[sflag:s4] =	ssyncset.s32 $0xFFFFF086  }
0x25: {  	[simem:s6], [sflag:s4] =	dma.local [hbm:s3], $0xF7A  }
0x26: {  	[smem:$0x3F97] =	sst s1;
	(tag) =	ssettag s2;
	_ =	strace s9  }
0x27: {  	s1 =	sld [smem:$0x3FA7]  }
0x28: {  	s2 =	sld [smem:$0x3FA8]  }
0x29: {  	s4 =	sld [smem:$0x3FAA]  }
0x2a: {  	p0 =	seq.s32 s5, $0x0;
	s5 =	sld [smem:$0x3FAB]  }
0x2b: {  	s6 =	sld [smem:$0x3FAC]  }
0x2c: {  	s7 =	sld [smem:$0x3FAD]  }
0x2d: {  	s3 =	simm.s32 $0x108;
	s8 =	sld [smem:$0x3FAE]  }
0x2e: {  	s3 =	simm.s32 @!p0 $0x1082;
	s9 =	sld [smem:$0x3FAF]  }
0x2f: {  	lr =	sadd.s32 s0, s3;
	s0 =	sld [smem:$0x3FA6]  }
0x30: {  	s3 =	sld [smem:$0x3FA9]  }
0x31: {  	[smem:$0x3FB2] =	sst s10  }
0x32: {  	s10 =	sld [smem:$0x3FB0];
	_ =	sdelay $0x3  }
0x33: {  	p0 =	seq.s32 s10, $0x1;
	s10 =	sld [smem:$0x3FB2];
	_ =	sdelay $0x3  }
0x34: {  	[smem:$0x3FB2] =	sst s10  }
0x35: {  	s10 =	sld [smem:$0x3FB1];
	_ =	sdelay $0x3  }
0x36: {  	p1 =	seq.s32 s10, $0x1;
	s10 =	sld [smem:$0x3FB2];
	_ =	sdelay $0x3  }
0x37: {  	[smem:$0x3FB2] =	sst s10  }
0x38: {  	s10 =	sld [smem:$0x3FB3]  }
0x39: {  	_ = 	snop;
	(pc) =	sbr.ind lr, $3  }
0x3a: {  	_ = 	snop  }
0x3b: {  	_ = 	snop  }
0x3c: {  	p2 =	seq.s32 s10, $0x1;
	s10 =	sld [smem:$0x3FB2]  }
0x3d: {  	_ =	shalt  }
0x3e: {  	_ =	shalt  }
0x3f: {  	_ =	shalt  }
0x40: {  	_ =	shalt  }
0x41: {  	_ =	shalt  }
0x42: {  	_ =	shalt  }
0x43: {  	_ =	shalt  }
0x44: {  	_ =	shalt  }
0x45: {  	_ =	shalt  }
0x46: {  	_ =	shalt  }
0x47: {  	_ =	shalt  }
0x48: {  	_ =	shalt  }
0x49: {  	_ =	shalt  }
0x4a: {  	_ =	shalt  }
0x4b: {  	_ =	shalt  }
0x4c: {  	_ =	shalt  }
0x4d: {  	_ =	shalt  }
0x4e: {  	_ =	shalt  }
0x4f: {  	_ =	shalt  }
0x50: {  	_ =	shalt  }
0x51: {  	_ =	shalt  }
0x52: {  	_ =	shalt  }
0x53: {  	_ =	shalt  }
0x54: {  	_ =	shalt  }
0x55: {  	_ =	shalt  }
0x56: {  	_ =	shalt  }
0x57: {  	_ =	shalt  }
0x58: {  	_ =	shalt  }
0x59: {  	_ =	shalt  }
0x5a: {  	_ =	shalt  }
0x5b: {  	_ =	shalt  }
0x5c: {  	_ =	shalt  }
0x5d: {  	_ =	shalt  }
0x5e: {  	_ =	shalt  }
0x5f: {  	_ =	shalt  }
0x60: {  	_ =	shalt  }
0x61: {  	_ =	shalt  }
0x62: {  	_ =	shalt  }
0x63: {  	_ =	shalt  }
0x64: {  	_ =	shalt  }
0x65: {  	_ =	shalt  }
0x66: {  	_ =	shalt  }
0x67: {  	_ =	shalt  }
0x68: {  	_ =	shalt  }
0x69: {  	_ =	shalt  }
0x6a: {  	_ =	shalt  }
0x6b: {  	_ =	shalt  }
0x6c: {  	_ =	shalt  }
0x6d: {  	_ =	shalt  }
0x6e: {  	_ =	shalt  }
0x6f: {  	_ =	shalt  }
0x70: {  	_ =	shalt  }
0x71: {  	_ =	shalt  }
0x72: {  	_ =	shalt  }
0x73: {  	_ =	shalt  }
0x74: {  	_ =	shalt  }
0x75: {  	_ =	shalt  }
0x76: {  	_ =	shalt  }
0x77: {  	_ =	shalt  }
0x78: {  	_ =	shalt  }
0x79: {  	_ =	shalt  }
0x7a: {  	_ =	shalt  }
0x7b: {  	_ =	shalt  }
0x7c: {  	_ =	shalt  }
0x7d: {  	_ =	shalt  }
0x7e: {  	_ =	shalt  }
0x7f: {  	_ =	shalt  }
0x80: {  	_ =	shalt  }
0x81: {  	_ =	shalt  }
0x82: {  	_ =	shalt  }
0x83: {  	_ =	shalt  }
0x84: {  	_ =	shalt  }
0x85: {  	_ =	shalt  }
0x86: {  	_ =	shalt  }
0x87: {  	_ =	shalt  }
.Lfunc_end0:
.L_simem_size_0:
called_computation.2_lowered:
.L_overlay_start_0:
0x88: {  	s2 =	sld [smem:$0x3FD9]  }
0x89: {  	s3 =	sld [smem:$0x3FFE];
	_ =	sdelay $0x1  }
0x8a: {  	s1 =	srdreg.scid  }
0x8b: {  	s0 =	sand.u32 $0x1, s1  }
0x8c: {  	s17 =	sshll.u32 s0, $0xA;
	s2 =	sadd.s32 s3, s2  }
0x8d: {  	s2 =	sadd.s32 s2, s17  }
0x8e: {  	[smem:$0x3FBE] =	sst s2  }
0x8f: {  	_ = 	snop  }
0x90: {  	s2 =	sld [smem:$0x3FD0];
	(tm) =	ssettm $0x1  }
0x91: {  	s18 =	sld [smem:$0x3FFB];
	_ =	sdelay $0x3  }
0x92: {  	_ =	strace s18  }
0x93: {  	s3 =	sld [smem:$0x3FFC];
	_ =	sdelay $0x3  }
0x94: {  	_ =	strace s3  }
0x95: {  	s3 =	sld [smem:$0x3FFD];
	_ =	sdelay $0x3  }
0x96: {  	_ =	strace s3  }
0x97: {  	_ =	strace $0x8FFFFFFF  }
0x98: {  	s19 =	sld [smem:$0x3FDB];
	_ =	sdelay $0x1  }
0x99: {  	s4 =	simm.s32 $_scs_section_size  }
0x9a: {  	s5 =	simm.s32 $_size__tile_overlayer_lowered;
	s6 =	simm.s32 $_tile_overlayer_lowered  }
0x9b: {  	s22 =	simm.s32 $0x1BFF;
	s21 =	sshll.u32 s6, $0x1;
	s3 =	sadd.s32 s4, s19  }
0x9c: {  	s7 =	simm.s32 $0x0;
	s20 =	sshll.u32 s5, $0x1;
	s5 =	sadd.s32 s21, s3  }
0x9d: {  	[timem:s7], [sflag:s22] =	dma.local [hbm:s5], s20  }
0x9e: {  	_ =	swait.ge [sflag:s22], s20  }
0x9f: {  	s4 =	ssub.s32 $0x0, s20;
	[sflag:s22] =	ssyncset.done $0x0  }
0xa0: {  	[sflag:s22] =	ssyncadd.s32 s4;
	_ =	sdelay $0x1  }
0xa1: {  	s23 =	simm.s32 $0x1B8B  }
0xa2: {  	_ =	swait.ge [sflag:s23], $0x1  }
0xa3: {  	[sflag:s23] =	ssyncset.done $0x0  }
0xa4: {  	s25 =	simm.s32 $0x1B8E;
	s24 =	sld [smem:$0x3FFE];
	[sflag:s23] =	ssyncadd.s32 $0xFFFFFFFF  }
0xa5: {  	s26 =	simm.s32 $execute0_lowered;
	[smem:$0x3FD2] =	sst s25  }
0xa6: {  	s5 =	sshll.u32 s26, $0x1;
	_ =	strace $0x8000004C;
	[dreg:$0x1] =	wrdreg $0xFFFFFFFF  }
0xa7: {  	s28 =	simm.s32 $_size_execute0_lowered;
	s3 =	sadd.s32 s3, s5;
	[dreg:$0x0] =	wrdreg $0x0  }
0xa8: {  	s5 =	sshll.u32 s28, $0x1;
	[dreg:$0x2] =	wrdreg s3  }
0xa9: {  	[dreg:$0x3] =	wrdreg s5  }
0xaa: {  	[dreg:$0x4] =	wrdreg $0xC0  }
0xab: {  	_ =	task [dreg:s7], $0x5FFFF  }
0xac: {  	[dreg:$0x1] =	wrdreg $0xFFFFFFFF  }
0xad: {  	[dreg:$0x0] =	wrdreg $0x60  }
0xae: {  	[dreg:$0x2] =	wrdreg s2  }
0xaf: {  	[dreg:$0x3] =	wrdreg s24  }
0xb0: {  	[dreg:$0x4] =	wrdreg $0x90000  }
0xb1: {  	[dreg:$0x5] =	wrdreg $0x9  }
0xb2: {  	_ =	task.clear_ibuf [dreg:s7], $0x6FFFF;
	_ =	strace $0x9000004C  }
0xb3: {  	s29 =	simm.s32 $0x9;
	_ =	strace $0x8000004E  }
0xb4: {  	_ =	swait.ge [sflag:s29], $0x1  }
0xb5: {  	[sflag:s29] =	ssyncadd.s32 $0xFFFFFFFF  }
0xb6: {  	_ =	strace $0x9000004E  }
0xb7: {  	_ =	sfence  }
0xb8: {  	s30 =	sld [smem:$0x0];
	_ =	sdelay $0x2  }
0xb9: {  	s31 =	sshll.u32 s1, $0xD;
	s1 =	sshrl.u32 s1, $0x2  }
0xba: {  	s3 =	sand.u32 $0x4000, s31;
	s1 =	sadd.s32 s1, s30  }
0xbb: {  	s0 =	sor.u32 s3, s0;
	s1 =	sshll.u32 s1, $0x11  }
0xbc: {  	s0 =	sor.u32 s1, s0  }
0xbd: {  	s0 =	sadd.s32 $0x8F2B, s0  }
0xbe: {  	[sflag:s0] =	ssyncadd.remote.s32 $0x1  }
0xbf: {  	_ =	sfence.sel $0xFFFF  }
0xc0: {  	[dreg:$0x0] =	wrdreg $0xFFFFFFFF;
	(pc) =	sbr.abs _section_cstart, $3  }
0xc1: {  	[dreg:$0x1] =	wrdreg $0xFFFFFFFF  }
0xc2: {  	_ =	task.clear_ibuf [dreg:s7], $0x2FFFF;
	_ =	strace $0x9FFFFFFF  }
0xc3: {  	(tm) =	ssettm $0x7FFFFFFF  }
tec
execute0_lowered:
.L_overlay_start_1:
0x0: {  	(tag) =	ssettag $0x1  }
0x1: {  	s1 =	rddreg [dreg:$0x0]  }
0x2: {  	s0 =	rddreg [dreg:$0x1]  }
0x3: {  	s2 =	rddreg [dreg:$0x2];
	s3 =	srdreg.scid  }
0x4: {  	s4 =	simm.s32 $0x0;
	s19 =	stileid.u32;
	s28 =	simm.s32 $0x80  }
0x5: {  	s29 =	simm.s32 $0x5000;
	s30 =	simm.s32 $0x1;
	s31 =	simm.s32 $0x2  }
0x6: {  	s3 =	sand.u32 $0x1, s3;
	[smem:$0x7FF] =	sst s4;
	s20 =	sadd.s32 $0x5DC00, s0  }
0x7: {  	s21 =	sadd.s32 $0x4C00, s0;
	s0 =	sadd.s32 $0x67C00, s0;
	s9 =	smul.u32 $0x4F000, s19  }
0x8: {  	s22 =	smul.u32 $0x13C00, s19;
	s5 =	sshll.u32 s3, $0x4;
	s6 =	ssub.s32 $0x2, s3  }
0x9: {  	_ =	strace $0x8000004D;
	s5 =	sor.u32 s19, s5;
	s7 =	sshrl.u32 s6, $0x1  }
0xa: {  	s9 =	sshrl.u32 s9, $0x2;
	s15 =	sadd.s32 $0x4000, s22;
	s5 =	smul.u32 $0x500, s5  }
0xb: {  	s16 =	sadd.s32 $0x8000, s22;
	s19 =	smul.u32 $0xA, s19;
	s6 =	ssub.s32 s6, s7  }
0xc: {  	s9 =	sadd.s32 s9, s2;
	s10 =	sadd.s32 s15, s2;
	s17 =	sadd.s32 s20, s5  }
0xd: {  	s8 =	sor.u32 $0x80, s5;
	s5 =	sadd.s32 s21, s5;
	[dreg:$0x4] =	wrdreg s17  }
0xe: {  	s11 =	sadd.s32 s16, s2;
	[dreg:$0x5] =	wrdreg s5;
	s18 =	sadd.s32 s20, s8  }
0xf: {  	s23 =	sadd.s32 s21, s8;
	s17 =	smul.u32 $0x13C000, s3;
	[dreg:$0x6] =	wrdreg s18  }
0x10: {  	s5 =	sadd.s32 $0x10000, s22;
	s3 =	smul.u32 $0xA0, s3;
	[dreg:$0x7] =	wrdreg s23  }
0x11: {  	s18 =	sadd.s32 $0xC000, s22;
	s13 =	sadd.s32 s5, s2;
	s12 =	sadd.s32 s22, s17  }
0x12: {  	s15 =	sadd.s32 s17, s15;
	s16 =	sadd.s32 s17, s16;
	s5 =	sadd.s32 s17, s5  }
0x13: {  	s3 =	sadd.s32 s19, s3;
	s19 =	smax.u32 s6, $0x1;
	s22 =	simm.s32 $0x4  }
0x14: {  	s14 =	sshrl.u32 s12, $0x3;
	s12 =	sadd.s32 s18, s2;
	s15 =	sshrl.u32 s15, $0x3  }
0x15: {  	s16 =	sshrl.u32 s16, $0x3;
	s18 =	sadd.s32 s17, s18;
	s5 =	sshrl.u32 s5, $0x3  }
.Ltmp0:
0x16: {  	s3 =	sshll.u32 s3, $0x7;
	s24 =	sadd.s32 s0, s14;
	(pc) =	sbr.rel .LBB2_1-.Ltmp0, $4  }
0x17: {  	s25 =	sadd.s32 s0, s15;
	s16 =	sadd.s32 s0, s16;
	[dreg:$0x8] =	wrdreg s24  }
0x18: {  	s18 =	sshrl.u32 s18, $0x3;
	s26 =	sadd.s32 $0x100, s3;
	[dreg:$0x9] =	wrdreg s25  }
0x19: {  	s17 =	sadd.s32 s0, s18;
	s18 =	sadd.s32 s0, s5;
	s24 =	sadd.s32 s26, s20  }
0x1a: {  	v0 =	vimm.f32 $0.0e+00;
	s23 =	sadd.s32 s26, s21;
	s26 =	simm.s32 $0x1000;
	s0 =	simm.s32 $0x0  }
.LBB2_8:
0x1b: {  	[bflag:$0x0] =	sbarrier.arrive $0xFFFF  }
0x1c: {  	[tilespmem:s26], [sflag:$0x4] =	stream.linear.gather [spmem:s9], $0x4000, $0x38;
	[tilespmem:$0x1CC00] =	vst v63  }
0x1d: {  	_ =	swait.ge [sflag:s22], $0x4000  }
0x1e: {  	[sflag:s22] =	ssyncset.done $0x0  }
0x1f: {  	s3 =	rddreg [dreg:$0x8];
	[sflag:s22] =	ssyncadd.s32 $0xFFFFC000  }
0x20: {  	[hbm4b:s3+s4] =	stream.linear.scatter [tilespmem:s26], [sflag:$0x4], $0x4000, $0x38;
	[tilespmem:$0x1CC00] =	vst v63  }
0x21: {  	_ =	swait.ge [sflag:s22], $0x4000  }
0x22: {  	[sflag:s22] =	ssyncset.done $0x0  }
0x23: {  	[sflag:s22] =	ssyncadd.s32 $0xFFFFC000  }
0x24: {  	[tilespmem:s26], [sflag:$0x4] =	stream.linear.gather [spmem:s10], $0x4000, $0x38;
	[tilespmem:$0x1CC00] =	vst v63  }
0x25: {  	_ =	swait.ge [sflag:s22], $0x4000  }
0x26: {  	[sflag:s22] =	ssyncset.done $0x0  }
0x27: {  	s25 =	rddreg [dreg:$0x9];
	[sflag:s22] =	ssyncadd.s32 $0xFFFFC000  }
0x28: {  	[hbm4b:s25+s4] =	stream.linear.scatter [tilespmem:s26], [sflag:$0x4], $0x4000, $0x38;
	[tilespmem:$0x1CC00] =	vst v63  }
0x29: {  	_ =	swait.ge [sflag:s22], $0x4000  }
0x2a: {  	[sflag:s22] =	ssyncset.done $0x0  }
0x2b: {  	[sflag:s22] =	ssyncadd.s32 $0xFFFFC000  }
0x2c: {  	[tilespmem:s26], [sflag:$0x4] =	stream.linear.gather [spmem:s11], $0x4000, $0x38;
	[tilespmem:$0x1CC00] =	vst v63  }
0x2d: {  	_ =	swait.ge [sflag:s22], $0x4000  }
0x2e: {  	[sflag:s22] =	ssyncset.done $0x0  }
0x2f: {  	[sflag:s22] =	ssyncadd.s32 $0xFFFFC000  }
0x30: {  	[hbm4b:s16+s4] =	stream.linear.scatter [tilespmem:s26], [sflag:$0x4], $0x4000, $0x38;
	[tilespmem:$0x1CC00] =	vst v63  }
0x31: {  	_ =	swait.ge [sflag:s22], $0x4000  }
0x32: {  	[sflag:s22] =	ssyncset.done $0x0  }
0x33: {  	[sflag:s22] =	ssyncadd.s32 $0xFFFFC000  }
0x34: {  	[tilespmem:s26], [sflag:$0x4] =	stream.linear.gather [spmem:s12], $0x4000, $0x38;
	[tilespmem:$0x1CC00] =	vst v63  }
0x35: {  	_ =	swait.ge [sflag:s22], $0x4000  }
0x36: {  	[sflag:s22] =	ssyncset.done $0x0  }
0x37: {  	[sflag:s22] =	ssyncadd.s32 $0xFFFFC000  }
0x38: {  	[hbm4b:s17+s4] =	stream.linear.scatter [tilespmem:s26], [sflag:$0x4], $0x4000, $0x38;
	[tilespmem:$0x1CC00] =	vst v63  }
0x39: {  	_ =	swait.ge [sflag:s22], $0x4000  }
0x3a: {  	[sflag:s22] =	ssyncset.done $0x0  }
0x3b: {  	[sflag:s22] =	ssyncadd.s32 $0xFFFFC000  }
0x3c: {  	[tilespmem:s26], [sflag:$0x4] =	stream.linear.gather [spmem:s13], $0x3C00, $0x38;
	[tilespmem:$0x1CC00] =	vst v63  }
0x3d: {  	s0 =	sadd.s32 $0x1, s0;
	_ =	swait.ge [sflag:s22], $0x3C00  }
0x3e: {  	p0 =	sne.s32 s0, s19;
	[sflag:s22] =	ssyncset.done $0x0  }
.Ltmp1:
0x3f: {  	[sflag:s22] =	ssyncadd.s32 $0xFFFFC400;
	(pc) =	sbr.rel @!p0 .LBB2_9-.Ltmp1, $4  }
0x40: {  	[hbm4b:s18+s4] =	stream.linear.scatter [tilespmem:s26], [sflag:$0x4], $0x3C00, $0x38;
	[tilespmem:$0x1CC00] =	vst v63  }
0x41: {  	_ =	swait.ge [sflag:s22], $0x3C00  }
0x42: {  	[sflag:s22] =	ssyncset.done $0x0  }
0x43: {  	[sflag:s22] =	ssyncadd.s32 $0xFFFFC400  }
.LBB2_1:
0x44: {  	s3 =	rddreg [dreg:$0x4]  }
0x45: {  	[tilespmem:s4], [sflag:$0x4] =	stream.linear.gather [hbm4b:s3+s4], $0x400, $0x38;
	[tilespmem:$0x1CC00] =	vst v63  }
0x46: {  	_ =	swait.ge [sflag:s22], $0x400  }
0x47: {  	[sflag:s22] =	ssyncset.done $0x0  }
0x48: {  	s5 =	simm.s32 $0x800;
	s14 =	rddreg [dreg:$0x5];
	[sflag:s22] =	ssyncadd.s32 $0xFFFFFC00  }
0x49: {  	[tilespmem:s5], [sflag:$0x4] =	stream.linear.gather [hbm4b:s14+s4], $0x400, $0x38;
	[tilespmem:$0x1CC00] =	vst v63  }
0x4a: {  	_ =	swait.ge [sflag:s22], $0x400  }
0x4b: {  	s20 =	simm.s32 $0x400;
	[sflag:s22] =	ssyncset.done $0x0  }
0x4c: {  	s25 =	simm.s32 $0xC00;
	s15 =	rddreg [dreg:$0x6];
	[sflag:s22] =	ssyncadd.s32 $0xFFFFFC00  }
0x4d: {  	[tilespmem:s20], [sflag:$0x3] =	stream.linear.gather [hbm4b:s15+s4], $0x400, $0x38;
	[tilespmem:$0x1CC00] =	vst v63  }
0x4e: {  	s3 =	simm.s32 $0x0;
	s5 =	simm.s32 $0x200;
	s21 =	rddreg [dreg:$0x7]  }
0x4f: {  	[tilespmem:s25], [sflag:$0x3] =	stream.linear.gather [hbm4b:s21+s4], $0x400, $0x38;
	[tilespmem:$0x1CC00] =	vst v63  }
.LBB2_2:
0x50: {  	p0 =	sne.s32 s5, $0xFE00;
	[tilespmem:s3+$0x1070] =	vst v0  }
0x51: {  	[tilespmem:s3+$0x1000] =	vst v0  }
0x52: {  	[tilespmem:s3+$0x1010] =	vst v0  }
.Ltmp2:
0x53: {  	[tilespmem:s3+$0x1020] =	vst v0;
	(pc) =	sbr.rel @p0 .LBB2_2-.Ltmp2, $4  }
0x54: {  	[tilespmem:s3+$0x1030] =	vst v0  }
0x55: {  	[tilespmem:s3+$0x1040] =	vst v0  }
0x56: {  	[tilespmem:s3+$0x1050] =	vst v0  }
0x57: {  	[tilespmem:s3+$0x1060] =	vst v0;
	s3 =	sshra.s32 s5, $0x2;
	s5 =	sadd.s32 $0x200, s5  }
0x58: {  	[tilespmem:s3+$0x1070] =	vst v0  }
0x59: {  	[tilespmem:s3+$0x1000] =	vst v0  }
0x5a: {  	[tilespmem:s3+$0x1010] =	vst v0  }
0x5b: {  	[tilespmem:s3+$0x1020] =	vst v0  }
0x5c: {  	[tilespmem:s3+$0x1030] =	vst v0  }
0x5d: {  	[tilespmem:s3+$0x1040] =	vst v0  }
0x5e: {  	[tilespmem:s3+$0x1050] =	vst v0  }
0x5f: {  	[tilespmem:s3+$0x1060] =	vst v0  }
0x60: {  	[spmem:s9] =	stream.linear.scatter [tilespmem:s26], [sflag:$0x4], $0x4000, $0x38;
	[tilespmem:$0x1CC00] =	vst v63  }
0x61: {  	_ =	swait.ge [sflag:s22], $0x4000  }
0x62: {  	[sflag:s22] =	ssyncset.done $0x0  }
0x63: {  	[sflag:s22] =	ssyncadd.s32 $0xFFFFC000  }
0x64: {  	[spmem:s10] =	stream.linear.scatter [tilespmem:s26], [sflag:$0x4], $0x4000, $0x38;
	[tilespmem:$0x1CC00] =	vst v63  }
0x65: {  	_ =	swait.ge [sflag:s22], $0x4000  }
0x66: {  	[sflag:s22] =	ssyncset.done $0x0  }
0x67: {  	[sflag:s22] =	ssyncadd.s32 $0xFFFFC000  }
0x68: {  	[spmem:s11] =	stream.linear.scatter [tilespmem:s26], [sflag:$0x4], $0x4000, $0x38;
	[tilespmem:$0x1CC00] =	vst v63  }
0x69: {  	_ =	swait.ge [sflag:s22], $0x4000  }
0x6a: {  	[sflag:s22] =	ssyncset.done $0x0  }
0x6b: {  	[sflag:s22] =	ssyncadd.s32 $0xFFFFC000  }
0x6c: {  	[spmem:s12] =	stream.linear.scatter [tilespmem:s26], [sflag:$0x4], $0x4000, $0x38;
	[tilespmem:$0x1CC00] =	vst v63  }
0x6d: {  	_ =	swait.ge [sflag:s22], $0x4000  }
0x6e: {  	[sflag:s22] =	ssyncset.done $0x0  }
0x6f: {  	[sflag:s22] =	ssyncadd.s32 $0xFFFFC000  }
0x70: {  	[spmem:s13] =	stream.linear.scatter [tilespmem:s26], [sflag:$0x4], $0x3C00, $0x38;
	[tilespmem:$0x1CC00] =	vst v63  }
0x71: {  	_ =	swait.ge [sflag:s22], $0x3C00  }
0x72: {  	[sflag:s22] =	ssyncset.done $0x0  }
.Ltmp3:
0x73: {  	[sflag:s22] =	ssyncadd.s32 $0xFFFFC400;
	(pc) =	sbr.rel .LBB2_4-.Ltmp3, $4  }
0x74: {  	s3 =	simm.s32 $0x0;
	[bflag:$0x0] =	sbarrier.arrive $0xFFFF  }
0x75: {  	[tilespmem:s26], [sflag:$0x1] =	stream.indirect.gather [hbm4b:s1+s28], $0x80, s3, s28, $0xb8;
	[tilespmem:$0x1CC00] =	vst v63  }
0x76: {  	s21 =	smov.u32 s23;
	s20 =	smov.u32 s24  }
0x77: {  	[tilespmem:s29], [sflag:$0x1] =	stream.indirect.gather [hbm4b:s1+s28], $0x80, s28, s28, $0xb8;
	[tilespmem:$0x1CC00] =	vst v63  }
.LBB2_5:
0x78: {  	[tilespmem:s25], [sflag:$0x3] =	stream.linear.gather [hbm4b:s20+s4], $0x400, $0x38;
	[tilespmem:$0x1CC00] =	vst v63  }
0x79: {  	_ = 	snop  }
0x7a: {  	[tilespmem:s5], [sflag:$0x3] =	stream.linear.gather [hbm4b:s21+s4], $0x400, $0x38;
	[tilespmem:$0x1CC00] =	vst v63  }
.LBB2_7:
0x7b: {  	s3 =	sadd.s32 $0x1, s3  }
0x7c: {  	p0 =	sne.s32 s3, $0xA  }
.Ltmp4:
0x7d: {  	_ = 	snop;
	(pc) =	sbr.rel @!p0 .LBB2_8-.Ltmp4, $4  }
0x7e: {  	_ = 	snop  }
0x7f: {  	s5 =	sshll.u32 s6, $0xA  }
0x80: {  	s20 =	sadd.s32 $0x80, s20;
	s21 =	sadd.s32 $0x80, s21;
	s5 =	sor.u32 $0x80, s5  }
0x81: {  	[tilespmem:s29], [sflag:$0x1] =	stream.indirect.gather [hbm4b:s1+s28], $0x80, s5, s28, $0xb8;
	[tilespmem:$0x1CC00] =	vst v63  }
.LBB2_4:
0x82: {  	s6 =	sand.u32 $0x1, s3;
	_ =	swait.ge [sflag:s30], $0x4000  }
0x83: {  	[sflag:s30] =	ssyncset.done $0x0;
	s25 =	sshll.u32 s6, $0xA  }
0x84: {  	[sflag:s30] =	ssyncadd.s32 $0xFFFFC000;
	s5 =	sor.u32 $0x800, s25  }
0x85: {  	[spmem:s2] =	stream.indirect.scatter.add.f32 [tilespmem:s26], [sflag:$0x2], $0x80, s5, s28, $0xb8;
	[tilespmem:$0x1CC00] =	vst v63  }
0x86: {  	_ =	swait.ge [sflag:s31], $0x4000  }
0x87: {  	[sflag:s31] =	ssyncset.done $0x0  }
0x88: {  	s7 =	sor.u32 $0x100, s25;
	[sflag:s31] =	ssyncadd.s32 $0xFFFFC000  }
0x89: {  	[tilespmem:s26], [sflag:$0x1] =	stream.indirect.gather [hbm4b:s1+s28], $0x80, s7, s28, $0xb8;
	[tilespmem:$0x1CC00] =	vst v63  }
0x8a: {  	_ =	swait.ge [sflag:s30], $0x4000  }
0x8b: {  	[sflag:s30] =	ssyncset.done $0x0  }
0x8c: {  	s8 =	sor.u32 $0x880, s25;
	[sflag:s30] =	ssyncadd.s32 $0xFFFFC000  }
0x8d: {  	[spmem:s2] =	stream.indirect.scatter.add.f32 [tilespmem:s29], [sflag:$0x2], $0x80, s8, s28, $0xb8;
	[tilespmem:$0x1CC00] =	vst v63  }
0x8e: {  	_ =	swait.ge [sflag:s31], $0x4000  }
0x8f: {  	[sflag:s31] =	ssyncset.done $0x0  }
0x90: {  	s14 =	sor.u32 $0x180, s25;
	[sflag:s31] =	ssyncadd.s32 $0xFFFFC000  }
0x91: {  	[tilespmem:s29], [sflag:$0x1] =	stream.indirect.gather [hbm4b:s1+s28], $0x80, s14, s28, $0xb8;
	[tilespmem:$0x1CC00] =	vst v63  }
0x92: {  	_ =	swait.ge [sflag:s30], $0x4000  }
0x93: {  	[sflag:s30] =	ssyncset.done $0x0  }
0x94: {  	s15 =	sor.u32 $0x900, s25;
	[sflag:s30] =	ssyncadd.s32 $0xFFFFC000  }
0x95: {  	[spmem:s2] =	stream.indirect.scatter.add.f32 [tilespmem:s26], [sflag:$0x2], $0x80, s15, s28, $0xb8;
	[tilespmem:$0x1CC00] =	vst v63  }
0x96: {  	_ =	swait.ge [sflag:s31], $0x4000  }
0x97: {  	[sflag:s31] =	ssyncset.done $0x0  }
0x98: {  	s8 =	sor.u32 $0x200, s25;
	[sflag:s31] =	ssyncadd.s32 $0xFFFFC000  }
0x99: {  	[tilespmem:s26], [sflag:$0x1] =	stream.indirect.gather [hbm4b:s1+s28], $0x80, s8, s28, $0xb8;
	[tilespmem:$0x1CC00] =	vst v63  }
0x9a: {  	_ =	swait.ge [sflag:s30], $0x4000  }
0x9b: {  	[sflag:s30] =	ssyncset.done $0x0  }
0x9c: {  	s14 =	sor.u32 $0x980, s25;
	[sflag:s30] =	ssyncadd.s32 $0xFFFFC000  }
0x9d: {  	[spmem:s2] =	stream.indirect.scatter.add.f32 [tilespmem:s29], [sflag:$0x2], $0x80, s14, s28, $0xb8;
	[tilespmem:$0x1CC00] =	vst v63  }
0x9e: {  	_ =	swait.ge [sflag:s31], $0x4000  }
0x9f: {  	[sflag:s31] =	ssyncset.done $0x0  }
0xa0: {  	s15 =	sor.u32 $0x280, s25;
	[sflag:s31] =	ssyncadd.s32 $0xFFFFC000  }
0xa1: {  	[tilespmem:s29], [sflag:$0x1] =	stream.indirect.gather [hbm4b:s1+s28], $0x80, s15, s28, $0xb8;
	[tilespmem:$0x1CC00] =	vst v63  }
0xa2: {  	_ =	swait.ge [sflag:s30], $0x4000  }
0xa3: {  	[sflag:s30] =	ssyncset.done $0x0  }
0xa4: {  	s8 =	sor.u32 $0xA00, s25;
	[sflag:s30] =	ssyncadd.s32 $0xFFFFC000  }
0xa5: {  	[spmem:s2] =	stream.indirect.scatter.add.f32 [tilespmem:s26], [sflag:$0x2], $0x80, s8, s28, $0xb8;
	[tilespmem:$0x1CC00] =	vst v63  }
0xa6: {  	_ =	swait.ge [sflag:s31], $0x4000  }
0xa7: {  	[sflag:s31] =	ssyncset.done $0x0  }
0xa8: {  	s14 =	sor.u32 $0x300, s25;
	[sflag:s31] =	ssyncadd.s32 $0xFFFFC000  }
0xa9: {  	[tilespmem:s26], [sflag:$0x1] =	stream.indirect.gather [hbm4b:s1+s28], $0x80, s14, s28, $0xb8;
	[tilespmem:$0x1CC00] =	vst v63  }
0xaa: {  	_ =	swait.ge [sflag:s30], $0x4000  }
0xab: {  	[sflag:s30] =	ssyncset.done $0x0  }
0xac: {  	s15 =	sor.u32 $0xA80, s25;
	[sflag:s30] =	ssyncadd.s32 $0xFFFFC000  }
0xad: {  	[spmem:s2] =	stream.indirect.scatter.add.f32 [tilespmem:s29], [sflag:$0x2], $0x80, s15, s28, $0xb8;
	[tilespmem:$0x1CC00] =	vst v63  }
0xae: {  	_ =	swait.ge [sflag:s31], $0x4000  }
0xaf: {  	[sflag:s31] =	ssyncset.done $0x0  }
0xb0: {  	s7 =	sor.u32 $0x380, s25;
	[sflag:s31] =	ssyncadd.s32 $0xFFFFC000  }
0xb1: {  	[tilespmem:s29], [sflag:$0x1] =	stream.indirect.gather [hbm4b:s1+s28], $0x80, s7, s28, $0xb8;
	[tilespmem:$0x1CC00] =	vst v63  }
0xb2: {  	_ =	swait.ge [sflag:s30], $0x4000  }
0xb3: {  	[sflag:s30] =	ssyncset.done $0x0  }
0xb4: {  	s8 =	sor.u32 $0xB00, s25;
	[sflag:s30] =	ssyncadd.s32 $0xFFFFC000  }
0xb5: {  	[spmem:s2] =	stream.indirect.scatter.add.f32 [tilespmem:s26], [sflag:$0x2], $0x80, s8, s28, $0xb8;
	[tilespmem:$0x1CC00] =	vst v63  }
0xb6: {  	_ =	swait.ge [sflag:s31], $0x4000  }
0xb7: {  	p0 =	seq.s32 s3, $0x9;
	[sflag:s31] =	ssyncset.done $0x0  }
0xb8: {  	s8 =	simm.s32 @!p0 $0x3;
	[sflag:s31] =	ssyncadd.s32 $0xFFFFC000  }
0xb9: {  	_ =	swait.ge @!p0 [sflag:s8], $0x400  }
0xba: {  	[sflag:s8] =	ssyncset.done @!p0 $0x0  }
0xbb: {  	[sflag:s8] =	ssyncadd.s32 @!p0 $0xFFFFFC00  }
0xbc: {  	_ =	swait.ge @!p0 [sflag:s8], $0x400  }
0xbd: {  	s6 =	sxor.u32 $0x1, s6;
	s14 =	simm.s32 @!p0 $0x80;
	[sflag:s8] =	ssyncset.done @!p0 $0x0  }
0xbe: {  	s15 =	simm.s32 @!p0 $0x1000;
	[sflag:s8] =	ssyncadd.s32 @!p0 $0xFFFFFC00;
	s8 =	sshll.u32 @!p0 s6, $0xA  }
0xbf: {  	[tilespmem:s15], [sflag:$0x1] =	stream.indirect.gather @!p0 [hbm4b:s1+s14], $0x80, s8, s14, $0xb8;
	[tilespmem:$0x1CC00] =	vst v63  }
0xc0: {  	_ =	swait.ge [sflag:s30], $0x4000  }
0xc1: {  	p1 =	sgt.u32 s3, $0x7;
	[sflag:s30] =	ssyncset.done $0x0  }
.Ltmp5:
0xc2: {  	s7 =	sor.u32 $0x800, s7;
	[sflag:s30] =	ssyncadd.s32 $0xFFFFC000;
	(pc) =	sbr.rel @!p1 .LBB2_5-.Ltmp5, $4  }
0xc3: {  	[spmem:s2] =	stream.indirect.scatter.add.f32 [tilespmem:s29], [sflag:$0x2], $0x80, s7, s28, $0xb8;
	[tilespmem:$0x1CC00] =	vst v63  }
0xc4: {  	_ =	swait.ge [sflag:s31], $0x4000  }
0xc5: {  	[sflag:s31] =	ssyncset.done $0x0  }
0xc6: {  	[sflag:s31] =	ssyncadd.s32 $0xFFFFC000  }
.Ltmp6:
0xc7: {  	(pc) =	sbr.rel @!p0 .LBB2_7-.Ltmp6, $4  }
.Ltmp7:
0xc8: {  	(pc) =	sbr.rel @p0 .LBB2_8-.Ltmp7, $4  }
0xc9: {  	_ = 	snop  }
0xca: {  	_ = 	snop  }
0xcb: {  	_ = 	snop  }
0xcc: {  	_ = 	snop  }
.LBB2_9:
0xcd: {  	_ =	sfence.sel $0x180000  }
0xce: {  	[bflag:$0x0] =	sbarrier.arrive $0xFFFF  }
0xcf: {  	_ =	strace $0x9000004D  }
0xd0: {  	s0 =	stileid.u32;
	[bflag:$0x2] =	sbarrier.arrive $0xFFFF  }
0xd1: {  	p0 =	sne.s32 s0, $0x0;
	s0 =	rddreg [dreg:$0x3]  }
0xd2: {  	s0 =	sadd.s32 @!p0 $0x100000, s0  }
0xd3: {  	[sflag:s0] =	ssyncadd.tile.s32 @!p0 $0x1;
	_ =	shalt  }
.Lfunc_end2:
_tile_overlayer_lowered:
.L_overlay_start_2:
0xd4: {  	(tag) =	ssettag $0x2  }
0xd5: {  	s0 =	rddreg [dreg:$0x0];
	s2 =	stileid.u32  }
0xd6: {  	s1 =	rddreg [dreg:$0x1];
	p0 =	sne.s32 s2, $0x0  }
0xd7: {  	s3 =	rddreg [dreg:$0x2];
	[bflag:$0x3] =	sbarrier.arrive $0xFFFF;
	s2 =	simm.s32 @!p0 $0x1C04  }
0xd8: {  	[timem:s3], [sflag:s2] =	dma.local @!p0 [hbm:s0], s1  }
0xd9: {  	s0 =	simm.s32 @!p0 $0x4  }
0xda: {  	_ =	swait.ge @!p0 [sflag:s0], s1  }
0xdb: {  	s1 =	ssub.s32 @!p0 $0x0, s1;
	[sflag:s0] =	ssyncset.done @!p0 $0x0  }
0xdc: {  	[sflag:s0] =	ssyncadd.s32 @!p0 s1  }
0xdd: {  	[bflag:$0x3] =	sbarrier.arrive $0xFFFF  }
0xde: {  	_ =	shalt  }

</sc_bundles>
